<compile_context>
chip_gen: v7x
topology: tpu7x:2x2x1
jax: 0.10.2.dev20260603
libtpu: 0.0.44.dev20260713+nightly
codegen_flags: <defaults>
</compile_context>

<pallas_src>
import functools

import numpy as np

import jax
import jax.numpy as jnp
from jax import lax
from jax.experimental import pallas as pl
from jax.experimental.pallas import tpu as pltpu
from jax.experimental.pallas import tpu_sc as plsc

_N = 4096
_NB = 64
_NW = 32
_NSC = 3072
_NTC = _N - _NSC
_RPW = _NSC // _NW
_IV = _RPW // 16
_CLAMP_HI = float(np.nextafter(np.float32(16.0), np.float32(0.0)))


def _sc_occupancy(xs, ys):
    mesh = plsc.VectorSubcoreMesh(core_axis_name="c", subcore_axis_name="s")

    @functools.partial(
        pl.kernel,
        out_type=jax.ShapeDtypeStruct((_NSC * _NB,), jnp.float32),
        mesh=mesh,
        scratch_types=[
            pltpu.VMEM((_N,), jnp.float32),
            pltpu.VMEM((_N,), jnp.float32),
            pltpu.VMEM((_RPW * _NB,), jnp.float32),
        ],
        compiler_params=pltpu.CompilerParams(needs_layout_passes=False),
    )
    def occ_kernel(xs_hbm, ys_hbm, occ_hbm, xs_v, ys_v, occ_v):
        cid = lax.axis_index("c")
        sid = lax.axis_index("s")
        wid = sid * 2 + cid
        base = pl.multiple_of(wid * _RPW, 16)

        pltpu.sync_copy(xs_hbm, xs_v)
        pltpu.sync_copy(ys_hbm, ys_v)

        zero16 = jnp.zeros((16,), jnp.float32)

        def zbody(k, carry):
            occ_v[pl.ds(k * 16, 16)] = zero16
            return carry

        lax.fori_loop(0, _RPW * _NB // 16, zbody, 0)

        lane = lax.iota(jnp.int32, 16)
        ones = jnp.ones((16,), jnp.float32)

        cxs, cys, ibs = [], [], []
        for iv in range(_IV):
            i0 = pl.multiple_of(base + iv * 16, 16)
            cxs.append(xs_v[pl.ds(i0, 16)] - 12.0)
            cys.append(ys_v[pl.ds(i0, 16)] - 12.0)
            ibs.append((lane + iv * 16) * _NB - 0x410)

        def jbody(jc, carry):
            j0 = pl.multiple_of(jc * 16, 16)
            xchunk = xs_v[pl.ds(j0, 16)]
            ychunk = ys_v[pl.ds(j0, 16)]
            for jj in range(16):
                xj = jnp.full((16,), xchunk[jj], jnp.float32)
                yj = jnp.full((16,), ychunk[jj], jnp.float32)
                for iv in range(_IV):
                    rx = xj - cxs[iv]
                    ry = yj - cys[iv]
                    rx = jnp.minimum(jnp.maximum(rx, 8.0), _CLAMP_HI)
                    ry = jnp.minimum(jnp.maximum(ry, 8.0), _CLAMP_HI)
                    bxx = plsc.bitcast(rx, jnp.int32)
                    byy = plsc.bitcast(ry, jnp.int32)
                    col = lax.shift_right_logical(bxx, 17) & 0x38
                    idx = (ibs[iv] + col) + lax.shift_right_logical(byy, 20)
                    plsc.addupdate_scatter(occ_v, [idx], ones)
            return carry

        lax.fori_loop(0, _N // 16, jbody, 0)

        pltpu.sync_copy(
            occ_v, occ_hbm.at[pl.ds(pl.multiple_of(base * _NB, 8), _RPW * _NB)]
        )

    return occ_kernel(xs, ys)


def _tc_linear(occ64, w64, b2):

    def mm_kernel(occ_ref, w_ref, b_ref, o_ref):
        o_ref[...] = (
            jnp.dot(occ_ref[...], w_ref[...], preferred_element_type=jnp.float32)
            + b_ref[...]
        )

    return pl.pallas_call(
        mm_kernel,
        grid=(_NSC // 512,),
        in_specs=[
            pl.BlockSpec((512, _NB), lambda i: (i, 0)),
            pl.BlockSpec((_NB, 128), lambda i: (0, 0)),
            pl.BlockSpec((1, 128), lambda i: (0, 0)),
        ],
        out_specs=pl.BlockSpec((512, 128), lambda i: (i, 0)),
        out_shape=jax.ShapeDtypeStruct((_NSC, 128), jnp.float32),
    )(occ64, w64, b2)


def _tc_hist_linear(xcol, ycol, xi2d, yi2d, w36, b2):
    blk0 = _NSC // 128

    def hk(xc_ref, yc_ref, xi_ref, yi_ref, w_ref, b_ref, o_ref):
        cx = xi_ref[0] - 12.0
        cy = yi_ref[0] - 12.0

        def body(jt, accs):
            xj = xc_ref[pl.ds(jt * 8, 8), :]
            yj = yc_ref[pl.ds(jt * 8, 8), :]
            rx = jnp.minimum(jnp.maximum(xj - cx, 8.0), _CLAMP_HI)
            ry = jnp.minimum(jnp.maximum(yj - cy, 8.0), _CLAMP_HI)
            bx = lax.shift_right_logical(
                lax.bitcast_convert_type(rx, jnp.int32), 17) & 0x38
            by = lax.shift_right_logical(
                lax.bitcast_convert_type(ry, jnp.int32), 20)
            col = bx + by
            new = []
            for c in range(36):
                cc = (c // 6) * 8 + (c % 6) + 9 + 0x410
                new.append(accs[c] + jnp.where(col == cc, 1.0, 0.0))
            return tuple(new)

        accs0 = tuple(jnp.zeros((8, 128), jnp.float32) for _ in range(36))
        accs = lax.fori_loop(0, _N // 8, body, accs0)
        occt = jnp.concatenate(
            [jnp.sum(a, axis=0, keepdims=True) for a in accs], axis=0)
        o_ref[...] = lax.dot_general(
            occt, w_ref[...], (((0,), (0,)), ((), ())),
            preferred_element_type=jnp.float32) + b_ref[...]

    return pl.pallas_call(
        hk,
        grid=(_NTC // 128,),
        in_specs=[
            pl.BlockSpec((_N, 1), lambda i: (0, 0)),
            pl.BlockSpec((_N, 1), lambda i: (0, 0)),
            pl.BlockSpec((1, 1, 128), lambda i: (blk0 + i, 0, 0)),
            pl.BlockSpec((1, 1, 128), lambda i: (blk0 + i, 0, 0)),
            pl.BlockSpec((36, 128), lambda i: (0, 0)),
            pl.BlockSpec((1, 128), lambda i: (0, 0)),
        ],
        out_specs=pl.BlockSpec((128, 128), lambda i: (i, 0)),
        out_shape=jax.ShapeDtypeStruct((_NTC, 128), jnp.float32),
    )(xcol, ycol, xi2d, yi2d, w36, b2)


@jax.jit
def kernel(hidden_in, cell_in, obs, W, b):
    del hidden_in, cell_in
    xs = obs[:, 0] * 2.0
    ys = obs[:, 1] * 2.0

    b2 = (b - W[:, 21])[None, :]
    w36 = W.T

    out_tc = _tc_hist_linear(
        xs[:, None], ys[:, None],
        xs.reshape(_N // 128, 1, 128), ys.reshape(_N // 128, 1, 128),
        w36, b2,
    )

    occ64 = _sc_occupancy(xs, ys).reshape(_NSC, _NB)

    c36 = jnp.arange(36, dtype=jnp.int32)
    cols = (c36 // 6) * 8 + (c36 % 6) + 9
    w64 = jnp.zeros((_NB, 128), jnp.float32).at[cols].set(w36)

    out_sc = _tc_linear(occ64, w64, b2)
    return jnp.concatenate([out_sc, out_tc], axis=0)

# --- scband reference (transcript-rebuilt; emitter-appended) ---
"""Pipeline reference for scband-occupancy-pooling-25348896981747 (READ-ONLY COPY).

The authoritative reference and input builder live on the scoring server;
editing this copy changes nothing except your own understanding.
"""

import jax, jax.numpy as jnp
import numpy as np

CELL_SIDE = 0.5
N_GRID = 6
HIDDEN = 128
N_AGENTS = 4096


def setup_inputs(seed: int = 0) -> dict:
    key = jax.random.key(seed)
    k1, k2, k3 = jax.random.split(key, 3)
    obs = jax.random.normal(k1, (N_AGENTS, 2), dtype=jnp.float32)
    hidden_in = jnp.zeros((N_AGENTS, HIDDEN), dtype=jnp.float32)
    cell_in = jnp.zeros((N_AGENTS, HIDDEN), dtype=jnp.float32)
    # Linear(n*n -> hidden_dim) parameters (torch Linear: y = x @ W.T + b)
    W = jax.random.normal(k2, (HIDDEN, N_GRID * N_GRID), dtype=jnp.float32) * (1.0 / np.sqrt(N_GRID * N_GRID))
    b = jax.random.normal(k3, (HIDDEN,), dtype=jnp.float32) * 0.01
    return {"hidden_in": hidden_in, "cell_in": cell_in, "obs": obs, "W": W, "b": b}


def _occupancies(obs):
    # Vectorized, faithful version of the per-agent python loop:
    # for each agent i, count how many OTHER (non-NaN) agents fall in each
    # cell of an n x n grid of side cell_side centered on agent i.
    N = obs.shape[0]
    rel = (obs[None, :, :] - obs[:, None, :]) / CELL_SIDE + N_GRID / 2.0  # [N, N, 2]
    finite = jnp.all(jnp.logical_not(jnp.isnan(obs)), axis=-1)  # [N] other-agent nan mask
    in_range = jnp.all((rel >= 0) & (rel < N_GRID), axis=-1)  # [N, N]
    not_self = jnp.logical_not(jnp.eye(N, dtype=bool))  # one_cold(i, n)
    valid = in_range & not_self & finite[None, :] & finite[:, None]
    oij = jax.lax.stop_gradient(rel).astype(jnp.int32)  # .long() trunc == floor for rel >= 0
    cell = oij[:, :, 0] * N_GRID + oij[:, :, 1]  # oi = oij[:,0]*n + oij[:,1]
    cell_safe = jnp.where(valid, cell, 0)
    w = valid.astype(jnp.float32)  # other_values == ones, unit_dim == 1
    rows = jnp.broadcast_to(jnp.arange(N)[:, None], (N, N))
    occ = jnp.zeros((N, N_GRID * N_GRID), dtype=jnp.float32)
    occ = occ.at[rows.reshape(-1), cell_safe.reshape(-1)].add(w.reshape(-1))
    return occ  # [N, n*n]


def reference(hidden_in, cell_in, obs, W, b):
    # forward(_, __, obs): first two args are unused, matching the torch module
    occ = _occupancies(obs)
    return occ @ W.T + b

if __name__ == "__main__":
    import jax
    _d = setup_inputs()
    print(jax.jit(kernel)(*tuple(_d.values())))

</pallas_src>

<mosaic_0001>
#map = affine_map<(d0, d1) -> (0)>
module attributes {stable_mosaic.version = 14 : i64} {
  func.func @occ_kernel(%arg0: i32, %arg1: i32, %arg2: memref<4096xf32, #tpu.memory_space<hbm>>, %arg3: memref<4096xf32, #tpu.memory_space<hbm>>, %arg4: memref<196608xf32, #tpu.memory_space<hbm>>, %arg5: memref<4096xf32, #tpu.memory_space<vmem>>, %arg6: memref<4096xf32, #tpu.memory_space<vmem>>, %arg7: memref<6144xf32, #tpu.memory_space<vmem>>) attributes {dimension_semantics = [#tpu.dimension_semantics<core_parallel>, #tpu.dimension_semantics<subcore_parallel>], iteration_bounds = array<i64: 2, 16>, scalar_prefetch = 0 : i64, scratch_operands = 3 : i64, tpu.core_type = #tpu.core_type<sc_vector_subcore>, window_params = [{transform_indices = #map}, {transform_indices = #map}, {transform_indices = #map}]} {
    %mul3A = arith.constant 2 : i32
    %mul3A_0 = arith.muli %arg1, %mul3A : i32
    %add3A = arith.addi %mul3A_0, %arg0 : i32
    %mul3A_1 = arith.constant 96 : i32
    %mul3A_2 = arith.muli %add3A, %mul3A_1 : i32
    %multiple_of3A = tpu.assume_multiple %mul3A_2, 16 : i32
    "tpu.region"() ({
      %run_scoped3A = tpu.sem_alloc : memref<!tpu.dma_semaphore, #tpu.memory_space<semaphore_mem>>
      tpu.enqueue_dma source(%arg2 : memref<4096xf32, #tpu.memory_space<hbm>>) target(%arg5 : memref<4096xf32, #tpu.memory_space<vmem>>) target_semaphore(%run_scoped3A : memref<!tpu.dma_semaphore, #tpu.memory_space<semaphore_mem>>)
      tpu.wait_dma2 semaphore(%run_scoped3A : memref<!tpu.dma_semaphore, #tpu.memory_space<semaphore_mem>>) src(%arg2 : memref<4096xf32, #tpu.memory_space<hbm>>) dst(%arg5 : memref<4096xf32, #tpu.memory_space<vmem>>)
      tpu.yield
    }) : () -> ()
    "tpu.region"() ({
      %run_scoped3A = tpu.sem_alloc : memref<!tpu.dma_semaphore, #tpu.memory_space<semaphore_mem>>
      tpu.enqueue_dma source(%arg3 : memref<4096xf32, #tpu.memory_space<hbm>>) target(%arg6 : memref<4096xf32, #tpu.memory_space<vmem>>) target_semaphore(%run_scoped3A : memref<!tpu.dma_semaphore, #tpu.memory_space<semaphore_mem>>)
      tpu.wait_dma2 semaphore(%run_scoped3A : memref<!tpu.dma_semaphore, #tpu.memory_space<semaphore_mem>>) src(%arg3 : memref<4096xf32, #tpu.memory_space<hbm>>) dst(%arg6 : memref<4096xf32, #tpu.memory_space<vmem>>)
      tpu.yield
    }) : () -> ()
    %broadcast_in_dim3A = arith.constant 0.000000e+00 : f32
    %broadcast_in_dim3A_3 = vector.broadcast %broadcast_in_dim3A : f32 to vector<16xf32>
    %scan3A = arith.constant 0 : i32
    %scan3A_4 = arith.constant 0 : i32
    %scan3A_5 = arith.constant 384 : i32
    %scan3A_6 = arith.addi %scan3A_4, %scan3A_5 : i32
    %scan3A_7 = arith.constant 1 : i32
    scf.for %scan3A_150 = %scan3A_4 to %scan3A_6 step %scan3A_7  : i32 {
      %mul3A_151 = arith.constant 16 : i32
      %mul3A_152 = arith.muli %scan3A_150, %mul3A_151 : i32
      %swap3A = arith.index_cast %mul3A_152 : i32 to index
      %swap3A_153 = tpu.vector_load %arg7[%swap3A] {strides = array<i32>} : memref<6144xf32, #tpu.memory_space<vmem>>, vector<16xf32>,
      tpu.vector_store %arg7[%swap3A], %broadcast_in_dim3A_3 {strides = array<i32>} : memref<6144xf32, #tpu.memory_space<vmem>>, vector<16xf32>,
    }
    %scan3A_8 = arith.constant 384 : i32
    %iota3A = tpu.iota {dimensions = array<i32: 0>} : vector<16xi32>
    %broadcast_in_dim3A_9 = arith.constant 1.000000e+00 : f32
    %broadcast_in_dim3A_10 = vector.broadcast %broadcast_in_dim3A_9 : f32 to vector<16xf32>
    %add3A_11 = arith.constant 0 : i32
    %add3A_12 = arith.addi %multiple_of3A, %add3A_11 : i32
    %multiple_of3A_13 = tpu.assume_multiple %add3A_12, 16 : i32
    %get3A = arith.index_cast %multiple_of3A_13 : i32 to index
    %get3A_14 = tpu.vector_load %arg5[%get3A] {strides = array<i32>} : memref<4096xf32, #tpu.memory_space<vmem>>, vector<16xf32>,
    %sub3A = arith.constant 1.200000e+01 : f32
    %sub3A_15 = vector.broadcast %sub3A : f32 to vector<16xf32>
    %sub3A_16 = arith.subf %get3A_14, %sub3A_15 : vector<16xf32>
    %get3A_17 = arith.index_cast %multiple_of3A_13 : i32 to index
    %get3A_18 = tpu.vector_load %arg6[%get3A_17] {strides = array<i32>} : memref<4096xf32, #tpu.memory_space<vmem>>, vector<16xf32>,
    %sub3A_19 = arith.constant 1.200000e+01 : f32
    %sub3A_20 = vector.broadcast %sub3A_19 : f32 to vector<16xf32>
    %sub3A_21 = arith.subf %get3A_18, %sub3A_20 : vector<16xf32>
    %add3A_22 = arith.constant 0 : i32
    %add3A_23 = vector.broadcast %add3A_22 : i32 to vector<16xi32>
    %add3A_24 = arith.addi %iota3A, %add3A_23 : vector<16xi32>
    %mul3A_25 = arith.constant 64 : i32
    %mul3A_26 = vector.broadcast %mul3A_25 : i32 to vector<16xi32>
    %mul3A_27 = arith.muli %add3A_24, %mul3A_26 : vector<16xi32>
    %sub3A_28 = arith.constant 1040 : i32
    %sub3A_29 = vector.broadcast %sub3A_28 : i32 to vector<16xi32>
    %sub3A_30 = arith.subi %mul3A_27, %sub3A_29 : vector<16xi32>
    %add3A_31 = arith.constant 16 : i32
    %add3A_32 = arith.addi %multiple_of3A, %add3A_31 : i32
    %multiple_of3A_33 = tpu.assume_multiple %add3A_32, 16 : i32
    %get3A_34 = arith.index_cast %multiple_of3A_33 : i32 to index
    %get3A_35 = tpu.vector_load %arg5[%get3A_34] {strides = array<i32>} : memref<4096xf32, #tpu.memory_space<vmem>>, vector<16xf32>,
    %sub3A_36 = arith.constant 1.200000e+01 : f32
    %sub3A_37 = vector.broadcast %sub3A_36 : f32 to vector<16xf32>
    %sub3A_38 = arith.subf %get3A_35, %sub3A_37 : vector<16xf32>
    %get3A_39 = arith.index_cast %multiple_of3A_33 : i32 to index
    %get3A_40 = tpu.vector_load %arg6[%get3A_39] {strides = array<i32>} : memref<4096xf32, #tpu.memory_space<vmem>>, vector<16xf32>,
    %sub3A_41 = arith.constant 1.200000e+01 : f32
    %sub3A_42 = vector.broadcast %sub3A_41 : f32 to vector<16xf32>
    %sub3A_43 = arith.subf %get3A_40, %sub3A_42 : vector<16xf32>
    %add3A_44 = arith.constant 16 : i32
    %add3A_45 = vector.broadcast %add3A_44 : i32 to vector<16xi32>
    %add3A_46 = arith.addi %iota3A, %add3A_45 : vector<16xi32>
    %mul3A_47 = arith.constant 64 : i32
    %mul3A_48 = vector.broadcast %mul3A_47 : i32 to vector<16xi32>
    %mul3A_49 = arith.muli %add3A_46, %mul3A_48 : vector<16xi32>
    %sub3A_50 = arith.constant 1040 : i32
    %sub3A_51 = vector.broadcast %sub3A_50 : i32 to vector<16xi32>
    %sub3A_52 = arith.subi %mul3A_49, %sub3A_51 : vector<16xi32>
    %add3A_53 = arith.constant 32 : i32
    %add3A_54 = arith.addi %multiple_of3A, %add3A_53 : i32
    %multiple_of3A_55 = tpu.assume_multiple %add3A_54, 16 : i32
    %get3A_56 = arith.index_cast %multiple_of3A_55 : i32 to index
    %get3A_57 = tpu.vector_load %arg5[%get3A_56] {strides = array<i32>} : memref<4096xf32, #tpu.memory_space<vmem>>, vector<16xf32>,
    %sub3A_58 = arith.constant 1.200000e+01 : f32
    %sub3A_59 = vector.broadcast %sub3A_58 : f32 to vector<16xf32>
    %sub3A_60 = arith.subf %get3A_57, %sub3A_59 : vector<16xf32>
    %get3A_61 = arith.index_cast %multiple_of3A_55 : i32 to index
    %get3A_62 = tpu.vector_load %arg6[%get3A_61] {strides = array<i32>} : memref<4096xf32, #tpu.memory_space<vmem>>, vector<16xf32>,
    %sub3A_63 = arith.constant 1.200000e+01 : f32
    %sub3A_64 = vector.broadcast %sub3A_63 : f32 to vector<16xf32>
    %sub3A_65 = arith.subf %get3A_62, %sub3A_64 : vector<16xf32>
    %add3A_66 = arith.constant 32 : i32
    %add3A_67 = vector.broadcast %add3A_66 : i32 to vector<16xi32>
    %add3A_68 = arith.addi %iota3A, %add3A_67 : vector<16xi32>
    %mul3A_69 = arith.constant 64 : i32
    %mul3A_70 = vector.broadcast %mul3A_69 : i32 to vector<16xi32>
    %mul3A_71 = arith.muli %add3A_68, %mul3A_70 : vector<16xi32>
    %sub3A_72 = arith.constant 1040 : i32
    %sub3A_73 = vector.broadcast %sub3A_72 : i32 to vector<16xi32>
    %sub3A_74 = arith.subi %mul3A_71, %sub3A_73 : vector<16xi32>
    %add3A_75 = arith.constant 48 : i32
    %add3A_76 = arith.addi %multiple_of3A, %add3A_75 : i32
    %multiple_of3A_77 = tpu.assume_multiple %add3A_76, 16 : i32
    %get3A_78 = arith.index_cast %multiple_of3A_77 : i32 to index
    %get3A_79 = tpu.vector_load %arg5[%get3A_78] {strides = array<i32>} : memref<4096xf32, #tpu.memory_space<vmem>>, vector<16xf32>,
    %sub3A_80 = arith.constant 1.200000e+01 : f32
    %sub3A_81 = vector.broadcast %sub3A_80 : f32 to vector<16xf32>
    %sub3A_82 = arith.subf %get3A_79, %sub3A_81 : vector<16xf32>
    %get3A_83 = arith.index_cast %multiple_of3A_77 : i32 to index
    %get3A_84 = tpu.vector_load %arg6[%get3A_83] {strides = array<i32>} : memref<4096xf32, #tpu.memory_space<vmem>>, vector<16xf32>,
    %sub3A_85 = arith.constant 1.200000e+01 : f32
    %sub3A_86 = vector.broadcast %sub3A_85 : f32 to vector<16xf32>
    %sub3A_87 = arith.subf %get3A_84, %sub3A_86 : vector<16xf32>
    %add3A_88 = arith.constant 48 : i32
    %add3A_89 = vector.broadcast %add3A_88 : i32 to vector<16xi32>
    %add3A_90 = arith.addi %iota3A, %add3A_89 : vector<16xi32>
    %mul3A_91 = arith.constant 64 : i32
    %mul3A_92 = vector.broadcast %mul3A_91 : i32 to vector<16xi32>
    %mul3A_93 = arith.muli %add3A_90, %mul3A_92 : vector<16xi32>
    %sub3A_94 = arith.constant 1040 : i32
    %sub3A_95 = vector.broadcast %sub3A_94 : i32 to vector<16xi32>
    %sub3A_96 = arith.subi %mul3A_93, %sub3A_95 : vector<16xi32>
    %add3A_97 = arith.constant 64 : i32
    %add3A_98 = arith.addi %multiple_of3A, %add3A_97 : i32
    %multiple_of3A_99 = tpu.assume_multiple %add3A_98, 16 : i32
    %get3A_100 = arith.index_cast %multiple_of3A_99 : i32 to index
    %get3A_101 = tpu.vector_load %arg5[%get3A_100] {strides = array<i32>} : memref<4096xf32, #tpu.memory_space<vmem>>, vector<16xf32>,
    %sub3A_102 = arith.constant 1.200000e+01 : f32
    %sub3A_103 = vector.broadcast %sub3A_102 : f32 to vector<16xf32>
    %sub3A_104 = arith.subf %get3A_101, %sub3A_103 : vector<16xf32>
    %get3A_105 = arith.index_cast %multiple_of3A_99 : i32 to index
    %get3A_106 = tpu.vector_load %arg6[%get3A_105] {strides = array<i32>} : memref<4096xf32, #tpu.memory_space<vmem>>, vector<16xf32>,
    %sub3A_107 = arith.constant 1.200000e+01 : f32
    %sub3A_108 = vector.broadcast %sub3A_107 : f32 to vector<16xf32>
    %sub3A_109 = arith.subf %get3A_106, %sub3A_108 : vector<16xf32>
    %add3A_110 = arith.constant 64 : i32
    %add3A_111 = vector.broadcast %add3A_110 : i32 to vector<16xi32>
    %add3A_112 = arith.addi %iota3A, %add3A_111 : vector<16xi32>
    %mul3A_113 = arith.constant 64 : i32
    %mul3A_114 = vector.broadcast %mul3A_113 : i32 to vector<16xi32>
    %mul3A_115 = arith.muli %add3A_112, %mul3A_114 : vector<16xi32>
    %sub3A_116 = arith.constant 1040 : i32
    %sub3A_117 = vector.broadcast %sub3A_116 : i32 to vector<16xi32>
    %sub3A_118 = arith.subi %mul3A_115, %sub3A_117 : vector<16xi32>
    %add3A_119 = arith.constant 80 : i32
    %add3A_120 = arith.addi %multiple_of3A, %add3A_119 : i32
    %multiple_of3A_121 = tpu.assume_multiple %add3A_120, 16 : i32
    %get3A_122 = arith.index_cast %multiple_of3A_121 : i32 to index
    %get3A_123 = tpu.vector_load %arg5[%get3A_122] {strides = array<i32>} : memref<4096xf32, #tpu.memory_space<vmem>>, vector<16xf32>,
    %sub3A_124 = arith.constant 1.200000e+01 : f32
    %sub3A_125 = vector.broadcast %sub3A_124 : f32 to vector<16xf32>
    %sub3A_126 = arith.subf %get3A_123, %sub3A_125 : vector<16xf32>
    %get3A_127 = arith.index_cast %multiple_of3A_121 : i32 to index
    %get3A_128 = tpu.vector_load %arg6[%get3A_127] {strides = array<i32>} : memref<4096xf32, #tpu.memory_space<vmem>>, vector<16xf32>,
    %sub3A_129 = arith.constant 1.200000e+01 : f32
    %sub3A_130 = vector.broadcast %sub3A_129 : f32 to vector<16xf32>
    %sub3A_131 = arith.subf %get3A_128, %sub3A_130 : vector<16xf32>
    %add3A_132 = arith.constant 80 : i32
    %add3A_133 = vector.broadcast %add3A_132 : i32 to vector<16xi32>
    %add3A_134 = arith.addi %iota3A, %add3A_133 : vector<16xi32>
    %mul3A_135 = arith.constant 64 : i32
    %mul3A_136 = vector.broadcast %mul3A_135 : i32 to vector<16xi32>
    %mul3A_137 = arith.muli %add3A_134, %mul3A_136 : vector<16xi32>
    %sub3A_138 = arith.constant 1040 : i32
    %sub3A_139 = vector.broadcast %sub3A_138 : i32 to vector<16xi32>
    %sub3A_140 = arith.subi %mul3A_137, %sub3A_139 : vector<16xi32>
    %scan3A_141 = arith.constant 0 : i32
    %scan3A_142 = arith.constant 0 : i32
    %scan3A_143 = arith.constant 256 : i32
    %scan3A_144 = arith.addi %scan3A_142, %scan3A_143 : i32
    %scan3A_145 = arith.constant 1 : i32
    scf.for %scan3A_150 = %scan3A_142 to %scan3A_144 step %scan3A_145  : i32 {
      %mul3A_151 = arith.constant 16 : i32
      %mul3A_152 = arith.muli %scan3A_150, %mul3A_151 : i32
      %multiple_of3A_153 = tpu.assume_multiple %mul3A_152, 16 : i32
      %get3A_154 = arith.index_cast %multiple_of3A_153 : i32 to index
      %get3A_155 = tpu.vector_load %arg5[%get3A_154] {strides = array<i32>} : memref<4096xf32, #tpu.memory_space<vmem>>, vector<16xf32>,
      %get3A_156 = arith.index_cast %multiple_of3A_153 : i32 to index
      %get3A_157 = tpu.vector_load %arg6[%get3A_156] {strides = array<i32>} : memref<4096xf32, #tpu.memory_space<vmem>>, vector<16xf32>,
      %slice3A = vector.extract_strided_slice %get3A_155 {offsets = [0], sizes = [1], strides = [1]} : vector<16xf32> to vector<1xf32>
      %squeeze3A = vector.extract %slice3A[0] : f32 from vector<1xf32>
      %broadcast_in_dim3A_158 = vector.broadcast %squeeze3A : f32 to vector<16xf32>
      %slice3A_159 = vector.extract_strided_slice %get3A_157 {offsets = [0], sizes = [1], strides = [1]} : vector<16xf32> to vector<1xf32>
      %squeeze3A_160 = vector.extract %slice3A_159[0] : f32 from vector<1xf32>
      %broadcast_in_dim3A_161 = vector.broadcast %squeeze3A_160 : f32 to vector<16xf32>
      %sub3A_162 = arith.subf %broadcast_in_dim3A_158, %sub3A_16 : vector<16xf32>
      %sub3A_163 = arith.subf %broadcast_in_dim3A_161, %sub3A_21 : vector<16xf32>
      %max3A = arith.constant 8.000000e+00 : f32
      %max3A_164 = vector.broadcast %max3A : f32 to vector<16xf32>
      %max3A_165 = arith.maximumf %sub3A_162, %max3A_164 : vector<16xf32>
      %min3A = arith.constant 15.999999 : f32
      %min3A_166 = vector.broadcast %min3A : f32 to vector<16xf32>
      %min3A_167 = arith.minimumf %max3A_165, %min3A_166 : vector<16xf32>
      %max3A_168 = arith.constant 8.000000e+00 : f32
      %max3A_169 = vector.broadcast %max3A_168 : f32 to vector<16xf32>
      %max3A_170 = arith.maximumf %sub3A_163, %max3A_169 : vector<16xf32>
      %min3A_171 = arith.constant 15.999999 : f32
      %min3A_172 = vector.broadcast %min3A_171 : f32 to vector<16xf32>
      %min3A_173 = arith.minimumf %max3A_170, %min3A_172 : vector<16xf32>
      %bitcast3A = vector.bitcast %min3A_167 : vector<16xf32> to vector<16xi32>
      %bitcast3A_174 = vector.bitcast %min3A_173 : vector<16xf32> to vector<16xi32>
      %shift_right_logical3A = arith.constant 17 : i32
      %shift_right_logical3A_175 = vector.broadcast %shift_right_logical3A : i32 to vector<16xi32>
      %shift_right_logical3A_176 = arith.shrui %bitcast3A, %shift_right_logical3A_175 : vector<16xi32>
      %and3A = arith.constant 56 : i32
      %and3A_177 = vector.broadcast %and3A : i32 to vector<16xi32>
      %and3A_178 = arith.andi %shift_right_logical3A_176, %and3A_177 : vector<16xi32>
      %add3A_179 = arith.addi %sub3A_30, %and3A_178 : vector<16xi32>
      %shift_right_logical3A_180 = arith.constant 20 : i32
      %shift_right_logical3A_181 = vector.broadcast %shift_right_logical3A_180 : i32 to vector<16xi32>
      %shift_right_logical3A_182 = arith.shrui %bitcast3A_174, %shift_right_logical3A_181 : vector<16xi32>
      %add3A_183 = arith.addi %add3A_179, %shift_right_logical3A_182 : vector<16xi32>
      tpu.vector_store_idx %arg7[%add3A_183], %broadcast_in_dim3A_10 {add = true} : memref<6144xf32, #tpu.memory_space<vmem>>[vector<16xi32>], vector<16xf32>,
      %sub3A_184 = arith.subf %broadcast_in_dim3A_158, %sub3A_38 : vector<16xf32>
      %sub3A_185 = arith.subf %broadcast_in_dim3A_161, %sub3A_43 : vector<16xf32>
      %max3A_186 = arith.constant 8.000000e+00 : f32
      %max3A_187 = vector.broadcast %max3A_186 : f32 to vector<16xf32>
      %max3A_188 = arith.maximumf %sub3A_184, %max3A_187 : vector<16xf32>
      %min3A_189 = arith.constant 15.999999 : f32
      %min3A_190 = vector.broadcast %min3A_189 : f32 to vector<16xf32>
      %min3A_191 = arith.minimumf %max3A_188, %min3A_190 : vector<16xf32>
      %max3A_192 = arith.constant 8.000000e+00 : f32
      %max3A_193 = vector.broadcast %max3A_192 : f32 to vector<16xf32>
      %max3A_194 = arith.maximumf %sub3A_185, %max3A_193 : vector<16xf32>
      %min3A_195 = arith.constant 15.999999 : f32
      %min3A_196 = vector.broadcast %min3A_195 : f32 to vector<16xf32>
      %min3A_197 = arith.minimumf %max3A_194, %min3A_196 : vector<16xf32>
      %bitcast3A_198 = vector.bitcast %min3A_191 : vector<16xf32> to vector<16xi32>
      %bitcast3A_199 = vector.bitcast %min3A_197 : vector<16xf32> to vector<16xi32>
      %shift_right_logical3A_200 = arith.constant 17 : i32
      %shift_right_logical3A_201 = vector.broadcast %shift_right_logical3A_200 : i32 to vector<16xi32>
      %shift_right_logical3A_202 = arith.shrui %bitcast3A_198, %shift_right_logical3A_201 : vector<16xi32>
      %and3A_203 = arith.constant 56 : i32
      %and3A_204 = vector.broadcast %and3A_203 : i32 to vector<16xi32>
      %and3A_205 = arith.andi %shift_right_logical3A_202, %and3A_204 : vector<16xi32>
      %add3A_206 = arith.addi %sub3A_52, %and3A_205 : vector<16xi32>
      %shift_right_logical3A_207 = arith.constant 20 : i32
      %shift_right_logical3A_208 = vector.broadcast %shift_right_logical3A_207 : i32 to vector<16xi32>
      %shift_right_logical3A_209 = arith.shrui %bitcast3A_199, %shift_right_logical3A_208 : vector<16xi32>
      %add3A_210 = arith.addi %add3A_206, %shift_right_logical3A_209 : vector<16xi32>
      tpu.vector_store_idx %arg7[%add3A_210], %broadcast_in_dim3A_10 {add = true} : memref<6144xf32, #tpu.memory_space<vmem>>[vector<16xi32>], vector<16xf32>,
      %sub3A_211 = arith.subf %broadcast_in_dim3A_158, %sub3A_60 : vector<16xf32>
      %sub3A_212 = arith.subf %broadcast_in_dim3A_161, %sub3A_65 : vector<16xf32>
      %max3A_213 = arith.constant 8.000000e+00 : f32
      %max3A_214 = vector.broadcast %max3A_213 : f32 to vector<16xf32>
      %max3A_215 = arith.maximumf %sub3A_211, %max3A_214 : vector<16xf32>
      %min3A_216 = arith.constant 15.999999 : f32
      %min3A_217 = vector.broadcast %min3A_216 : f32 to vector<16xf32>
      %min3A_218 = arith.minimumf %max3A_215, %min3A_217 : vector<16xf32>
      %max3A_219 = arith.constant 8.000000e+00 : f32
      %max3A_220 = vector.broadcast %max3A_219 : f32 to vector<16xf32>
      %max3A_221 = arith.maximumf %sub3A_212, %max3A_220 : vector<16xf32>
      %min3A_222 = arith.constant 15.999999 : f32
      %min3A_223 = vector.broadcast %min3A_222 : f32 to vector<16xf32>
      %min3A_224 = arith.minimumf %max3A_221, %min3A_223 : vector<16xf32>
      %bitcast3A_225 = vector.bitcast %min3A_218 : vector<16xf32> to vector<16xi32>
      %bitcast3A_226 = vector.bitcast %min3A_224 : vector<16xf32> to vector<16xi32>
      %shift_right_logical3A_227 = arith.constant 17 : i32
      %shift_right_logical3A_228 = vector.broadcast %shift_right_logical3A_227 : i32 to vector<16xi32>
      %shift_right_logical3A_229 = arith.shrui %bitcast3A_225, %shift_right_logical3A_228 : vector<16xi32>
      %and3A_230 = arith.constant 56 : i32
      %and3A_231 = vector.broadcast %and3A_230 : i32 to vector<16xi32>
      %and3A_232 = arith.andi %shift_right_logical3A_229, %and3A_231 : vector<16xi32>
      %add3A_233 = arith.addi %sub3A_74, %and3A_232 : vector<16xi32>
      %shift_right_logical3A_234 = arith.constant 20 : i32
      %shift_right_logical3A_235 = vector.broadcast %shift_right_logical3A_234 : i32 to vector<16xi32>
      %shift_right_logical3A_236 = arith.shrui %bitcast3A_226, %shift_right_logical3A_235 : vector<16xi32>
      %add3A_237 = arith.addi %add3A_233, %shift_right_logical3A_236 : vector<16xi32>
      tpu.vector_store_idx %arg7[%add3A_237], %broadcast_in_dim3A_10 {add = true} : memref<6144xf32, #tpu.memory_space<vmem>>[vector<16xi32>], vector<16xf32>,
      %sub3A_238 = arith.subf %broadcast_in_dim3A_158, %sub3A_82 : vector<16xf32>
      %sub3A_239 = arith.subf %broadcast_in_dim3A_161, %sub3A_87 : vector<16xf32>
      %max3A_240 = arith.constant 8.000000e+00 : f32
      %max3A_241 = vector.broadcast %max3A_240 : f32 to vector<16xf32>
      %max3A_242 = arith.maximumf %sub3A_238, %max3A_241 : vector<16xf32>
      %min3A_243 = arith.constant 15.999999 : f32
      %min3A_244 = vector.broadcast %min3A_243 : f32 to vector<16xf32>
      %min3A_245 = arith.minimumf %max3A_242, %min3A_244 : vector<16xf32>
      %max3A_246 = arith.constant 8.000000e+00 : f32
      %max3A_247 = vector.broadcast %max3A_246 : f32 to vector<16xf32>
      %max3A_248 = arith.maximumf %sub3A_239, %max3A_247 : vector<16xf32>
      %min3A_249 = arith.constant 15.999999 : f32
      %min3A_250 = vector.broadcast %min3A_249 : f32 to vector<16xf32>
      %min3A_251 = arith.minimumf %max3A_248, %min3A_250 : vector<16xf32>
      %bitcast3A_252 = vector.bitcast %min3A_245 : vector<16xf32> to vector<16xi32>
      %bitcast3A_253 = vector.bitcast %min3A_251 : vector<16xf32> to vector<16xi32>
      %shift_right_logical3A_254 = arith.constant 17 : i32
      %shift_right_logical3A_255 = vector.broadcast %shift_right_logical3A_254 : i32 to vector<16xi32>
      %shift_right_logical3A_256 = arith.shrui %bitcast3A_252, %shift_right_logical3A_255 : vector<16xi32>
      %and3A_257 = arith.constant 56 : i32
      %and3A_258 = vector.broadcast %and3A_257 : i32 to vector<16xi32>
      %and3A_259 = arith.andi %shift_right_logical3A_256, %and3A_258 : vector<16xi32>
      %add3A_260 = arith.addi %sub3A_96, %and3A_259 : vector<16xi32>
      %shift_right_logical3A_261 = arith.constant 20 : i32
      %shift_right_logical3A_262 = vector.broadcast %shift_right_logical3A_261 : i32 to vector<16xi32>
      %shift_right_logical3A_263 = arith.shrui %bitcast3A_253, %shift_right_logical3A_262 : vector<16xi32>
      %add3A_264 = arith.addi %add3A_260, %shift_right_logical3A_263 : vector<16xi32>
      tpu.vector_store_idx %arg7[%add3A_264], %broadcast_in_dim3A_10 {add = true} : memref<6144xf32, #tpu.memory_space<vmem>>[vector<16xi32>], vector<16xf32>,
      %sub3A_265 = arith.subf %broadcast_in_dim3A_158, %sub3A_104 : vector<16xf32>
      %sub3A_266 = arith.subf %broadcast_in_dim3A_161, %sub3A_109 : vector<16xf32>
      %max3A_267 = arith.constant 8.000000e+00 : f32
      %max3A_268 = vector.broadcast %max3A_267 : f32 to vector<16xf32>
      %max3A_269 = arith.maximumf %sub3A_265, %max3A_268 : vector<16xf32>
      %min3A_270 = arith.constant 15.999999 : f32
      %min3A_271 = vector.broadcast %min3A_270 : f32 to vector<16xf32>
      %min3A_272 = arith.minimumf %max3A_269, %min3A_271 : vector<16xf32>
      %max3A_273 = arith.constant 8.000000e+00 : f32
      %max3A_274 = vector.broadcast %max3A_273 : f32 to vector<16xf32>
      %max3A_275 = arith.maximumf %sub3A_266, %max3A_274 : vector<16xf32>
      %min3A_276 = arith.constant 15.999999 : f32
      %min3A_277 = vector.broadcast %min3A_276 : f32 to vector<16xf32>
      %min3A_278 = arith.minimumf %max3A_275, %min3A_277 : vector<16xf32>
      %bitcast3A_279 = vector.bitcast %min3A_272 : vector<16xf32> to vector<16xi32>
      %bitcast3A_280 = vector.bitcast %min3A_278 : vector<16xf32> to vector<16xi32>
      %shift_right_logical3A_281 = arith.constant 17 : i32
      %shift_right_logical3A_282 = vector.broadcast %shift_right_logical3A_281 : i32 to vector<16xi32>
      %shift_right_logical3A_283 = arith.shrui %bitcast3A_279, %shift_right_logical3A_282 : vector<16xi32>
      %and3A_284 = arith.constant 56 : i32
      %and3A_285 = vector.broadcast %and3A_284 : i32 to vector<16xi32>
      %and3A_286 = arith.andi %shift_right_logical3A_283, %and3A_285 : vector<16xi32>
      %add3A_287 = arith.addi %sub3A_118, %and3A_286 : vector<16xi32>
      %shift_right_logical3A_288 = arith.constant 20 : i32
      %shift_right_logical3A_289 = vector.broadcast %shift_right_logical3A_288 : i32 to vector<16xi32>
      %shift_right_logical3A_290 = arith.shrui %bitcast3A_280, %shift_right_logical3A_289 : vector<16xi32>
      %add3A_291 = arith.addi %add3A_287, %shift_right_logical3A_290 : vector<16xi32>
      tpu.vector_store_idx %arg7[%add3A_291], %broadcast_in_dim3A_10 {add = true} : memref<6144xf32, #tpu.memory_space<vmem>>[vector<16xi32>], vector<16xf32>,
      %sub3A_292 = arith.subf %broadcast_in_dim3A_158, %sub3A_126 : vector<16xf32>
      %sub3A_293 = arith.subf %broadcast_in_dim3A_161, %sub3A_131 : vector<16xf32>
      %max3A_294 = arith.constant 8.000000e+00 : f32
      %max3A_295 = vector.broadcast %max3A_294 : f32 to vector<16xf32>
      %max3A_296 = arith.maximumf %sub3A_292, %max3A_295 : vector<16xf32>
      %min3A_297 = arith.constant 15.999999 : f32
      %min3A_298 = vector.broadcast %min3A_297 : f32 to vector<16xf32>
      %min3A_299 = arith.minimumf %max3A_296, %min3A_298 : vector<16xf32>
      %max3A_300 = arith.constant 8.000000e+00 : f32
      %max3A_301 = vector.broadcast %max3A_300 : f32 to vector<16xf32>
      %max3A_302 = arith.maximumf %sub3A_293, %max3A_301 : vector<16xf32>
      %min3A_303 = arith.constant 15.999999 : f32
      %min3A_304 = vector.broadcast %min3A_303 : f32 to vector<16xf32>
      %min3A_305 = arith.minimumf %max3A_302, %min3A_304 : vector<16xf32>
      %bitcast3A_306 = vector.bitcast %min3A_299 : vector<16xf32> to vector<16xi32>
      %bitcast3A_307 = vector.bitcast %min3A_305 : vector<16xf32> to vector<16xi32>
      %shift_right_logical3A_308 = arith.constant 17 : i32
      %shift_right_logical3A_309 = vector.broadcast %shift_right_logical3A_308 : i32 to vector<16xi32>
      %shift_right_logical3A_310 = arith.shrui %bitcast3A_306, %shift_right_logical3A_309 : vector<16xi32>
      %and3A_311 = arith.constant 56 : i32
      %and3A_312 = vector.broadcast %and3A_311 : i32 to vector<16xi32>
      %and3A_313 = arith.andi %shift_right_logical3A_310, %and3A_312 : vector<16xi32>
      %add3A_314 = arith.addi %sub3A_140, %and3A_313 : vector<16xi32>
      %shift_right_logical3A_315 = arith.constant 20 : i32
      %shift_right_logical3A_316 = vector.broadcast %shift_right_logical3A_315 : i32 to vector<16xi32>
      %shift_right_logical3A_317 = arith.shrui %bitcast3A_307, %shift_right_logical3A_316 : vector<16xi32>
      %add3A_318 = arith.addi %add3A_314, %shift_right_logical3A_317 : vector<16xi32>
      tpu.vector_store_idx %arg7[%add3A_318], %broadcast_in_dim3A_10 {add = true} : memref<6144xf32, #tpu.memory_space<vmem>>[vector<16xi32>], vector<16xf32>,
      %slice3A_319 = vector.extract_strided_slice %get3A_155 {offsets = [1], sizes = [1], strides = [1]} : vector<16xf32> to vector<1xf32>
      %squeeze3A_320 = vector.extract %slice3A_319[0] : f32 from vector<1xf32>
      %broadcast_in_dim3A_321 = vector.broadcast %squeeze3A_320 : f32 to vector<16xf32>
      %slice3A_322 = vector.extract_strided_slice %get3A_157 {offsets = [1], sizes = [1], strides = [1]} : vector<16xf32> to vector<1xf32>
      %squeeze3A_323 = vector.extract %slice3A_322[0] : f32 from vector<1xf32>
      %broadcast_in_dim3A_324 = vector.broadcast %squeeze3A_323 : f32 to vector<16xf32>
      %sub3A_325 = arith.subf %broadcast_in_dim3A_321, %sub3A_16 : vector<16xf32>
      %sub3A_326 = arith.subf %broadcast_in_dim3A_324, %sub3A_21 : vector<16xf32>
      %max3A_327 = arith.constant 8.000000e+00 : f32
      %max3A_328 = vector.broadcast %max3A_327 : f32 to vector<16xf32>
      %max3A_329 = arith.maximumf %sub3A_325, %max3A_328 : vector<16xf32>
      %min3A_330 = arith.constant 15.999999 : f32
      %min3A_331 = vector.broadcast %min3A_330 : f32 to vector<16xf32>
      %min3A_332 = arith.minimumf %max3A_329, %min3A_331 : vector<16xf32>
      %max3A_333 = arith.constant 8.000000e+00 : f32
      %max3A_334 = vector.broadcast %max3A_333 : f32 to vector<16xf32>
      %max3A_335 = arith.maximumf %sub3A_326, %max3A_334 : vector<16xf32>
      %min3A_336 = arith.constant 15.999999 : f32
      %min3A_337 = vector.broadcast %min3A_336 : f32 to vector<16xf32>
      %min3A_338 = arith.minimumf %max3A_335, %min3A_337 : vector<16xf32>
      %bitcast3A_339 = vector.bitcast %min3A_332 : vector<16xf32> to vector<16xi32>
      %bitcast3A_340 = vector.bitcast %min3A_338 : vector<16xf32> to vector<16xi32>
      %shift_right_logical3A_341 = arith.constant 17 : i32
      %shift_right_logical3A_342 = vector.broadcast %shift_right_logical3A_341 : i32 to vector<16xi32>
      %shift_right_logical3A_343 = arith.shrui %bitcast3A_339, %shift_right_logical3A_342 : vector<16xi32>
      %and3A_344 = arith.constant 56 : i32
      %and3A_345 = vector.broadcast %and3A_344 : i32 to vector<16xi32>
      %and3A_346 = arith.andi %shift_right_logical3A_343, %and3A_345 : vector<16xi32>
      %add3A_347 = arith.addi %sub3A_30, %and3A_346 : vector<16xi32>
      %shift_right_logical3A_348 = arith.constant 20 : i32
      %shift_right_logical3A_349 = vector.broadcast %shift_right_logical3A_348 : i32 to vector<16xi32>
      %shift_right_logical3A_350 = arith.shrui %bitcast3A_340, %shift_right_logical3A_349 : vector<16xi32>
      %add3A_351 = arith.addi %add3A_347, %shift_right_logical3A_350 : vector<16xi32>
      tpu.vector_store_idx %arg7[%add3A_351], %broadcast_in_dim3A_10 {add = true} : memref<6144xf32, #tpu.memory_space<vmem>>[vector<16xi32>], vector<16xf32>,
      %sub3A_352 = arith.subf %broadcast_in_dim3A_321, %sub3A_38 : vector<16xf32>
      %sub3A_353 = arith.subf %broadcast_in_dim3A_324, %sub3A_43 : vector<16xf32>
      %max3A_354 = arith.constant 8.000000e+00 : f32
      %max3A_355 = vector.broadcast %max3A_354 : f32 to vector<16xf32>
      %max3A_356 = arith.maximumf %sub3A_352, %max3A_355 : vector<16xf32>
      %min3A_357 = arith.constant 15.999999 : f32
      %min3A_358 = vector.broadcast %min3A_357 : f32 to vector<16xf32>
      %min3A_359 = arith.minimumf %max3A_356, %min3A_358 : vector<16xf32>
      %max3A_360 = arith.constant 8.000000e+00 : f32
      %max3A_361 = vector.broadcast %max3A_360 : f32 to vector<16xf32>
      %max3A_362 = arith.maximumf %sub3A_353, %max3A_361 : vector<16xf32>
      %min3A_363 = arith.constant 15.999999 : f32
      %min3A_364 = vector.broadcast %min3A_363 : f32 to vector<16xf32>
      %min3A_365 = arith.minimumf %max3A_362, %min3A_364 : vector<16xf32>
      %bitcast3A_366 = vector.bitcast %min3A_359 : vector<16xf32> to vector<16xi32>
      %bitcast3A_367 = vector.bitcast %min3A_365 : vector<16xf32> to vector<16xi32>
      %shift_right_logical3A_368 = arith.constant 17 : i32
      %shift_right_logical3A_369 = vector.broadcast %shift_right_logical3A_368 : i32 to vector<16xi32>
      %shift_right_logical3A_370 = arith.shrui %bitcast3A_366, %shift_right_logical3A_369 : vector<16xi32>
      %and3A_371 = arith.constant 56 : i32
      %and3A_372 = vector.broadcast %and3A_371 : i32 to vector<16xi32>
      %and3A_373 = arith.andi %shift_right_logical3A_370, %and3A_372 : vector<16xi32>
      %add3A_374 = arith.addi %sub3A_52, %and3A_373 : vector<16xi32>
      %shift_right_logical3A_375 = arith.constant 20 : i32
      %shift_right_logical3A_376 = vector.broadcast %shift_right_logical3A_375 : i32 to vector<16xi32>
      %shift_right_logical3A_377 = arith.shrui %bitcast3A_367, %shift_right_logical3A_376 : vector<16xi32>
      %add3A_378 = arith.addi %add3A_374, %shift_right_logical3A_377 : vector<16xi32>
      tpu.vector_store_idx %arg7[%add3A_378], %broadcast_in_dim3A_10 {add = true} : memref<6144xf32, #tpu.memory_space<vmem>>[vector<16xi32>], vector<16xf32>,
      %sub3A_379 = arith.subf %broadcast_in_dim3A_321, %sub3A_60 : vector<16xf32>
      %sub3A_380 = arith.subf %broadcast_in_dim3A_324, %sub3A_65 : vector<16xf32>
      %max3A_381 = arith.constant 8.000000e+00 : f32
      %max3A_382 = vector.broadcast %max3A_381 : f32 to vector<16xf32>
      %max3A_383 = arith.maximumf %sub3A_379, %max3A_382 : vector<16xf32>
      %min3A_384 = arith.constant 15.999999 : f32
      %min3A_385 = vector.broadcast %min3A_384 : f32 to vector<16xf32>
      %min3A_386 = arith.minimumf %max3A_383, %min3A_385 : vector<16xf32>
      %max3A_387 = arith.constant 8.000000e+00 : f32
      %max3A_388 = vector.broadcast %max3A_387 : f32 to vector<16xf32>
      %max3A_389 = arith.maximumf %sub3A_380, %max3A_388 : vector<16xf32>
      %min3A_390 = arith.constant 15.999999 : f32
      %min3A_391 = vector.broadcast %min3A_390 : f32 to vector<16xf32>
      %min3A_392 = arith.minimumf %max3A_389, %min3A_391 : vector<16xf32>
      %bitcast3A_393 = vector.bitcast %min3A_386 : vector<16xf32> to vector<16xi32>
      %bitcast3A_394 = vector.bitcast %min3A_392 : vector<16xf32> to vector<16xi32>
      %shift_right_logical3A_395 = arith.constant 17 : i32
      %shift_right_logical3A_396 = vector.broadcast %shift_right_logical3A_395 : i32 to vector<16xi32>
      %shift_right_logical3A_397 = arith.shrui %bitcast3A_393, %shift_right_logical3A_396 : vector<16xi32>
      %and3A_398 = arith.constant 56 : i32
      %and3A_399 = vector.broadcast %and3A_398 : i32 to vector<16xi32>
      %and3A_400 = arith.andi %shift_right_logical3A_397, %and3A_399 : vector<16xi32>
      %add3A_401 = arith.addi %sub3A_74, %and3A_400 : vector<16xi32>
      %shift_right_logical3A_402 = arith.constant 20 : i32
      %shift_right_logical3A_403 = vector.broadcast %shift_right_logical3A_402 : i32 to vector<16xi32>
      %shift_right_logical3A_404 = arith.shrui %bitcast3A_394, %shift_right_logical3A_403 : vector<16xi32>
      %add3A_405 = arith.addi %add3A_401, %shift_right_logical3A_404 : vector<16xi32>
      tpu.vector_store_idx %arg7[%add3A_405], %broadcast_in_dim3A_10 {add = true} : memref<6144xf32, #tpu.memory_space<vmem>>[vector<16xi32>], vector<16xf32>,
      %sub3A_406 = arith.subf %broadcast_in_dim3A_321, %sub3A_82 : vector<16xf32>
      %sub3A_407 = arith.subf %broadcast_in_dim3A_324, %sub3A_87 : vector<16xf32>
      %max3A_408 = arith.constant 8.000000e+00 : f32
      %max3A_409 = vector.broadcast %max3A_408 : f32 to vector<16xf32>
      %max3A_410 = arith.maximumf %sub3A_406, %max3A_409 : vector<16xf32>
      %min3A_411 = arith.constant 15.999999 : f32
      %min3A_412 = vector.broadcast %min3A_411 : f32 to vector<16xf32>
      %min3A_413 = arith.minimumf %max3A_410, %min3A_412 : vector<16xf32>
      %max3A_414 = arith.constant 8.000000e+00 : f32
      %max3A_415 = vector.broadcast %max3A_414 : f32 to vector<16xf32>
      %max3A_416 = arith.maximumf %sub3A_407, %max3A_415 : vector<16xf32>
      %min3A_417 = arith.constant 15.999999 : f32
      %min3A_418 = vector.broadcast %min3A_417 : f32 to vector<16xf32>
      %min3A_419 = arith.minimumf %max3A_416, %min3A_418 : vector<16xf32>
      %bitcast3A_420 = vector.bitcast %min3A_413 : vector<16xf32> to vector<16xi32>
      %bitcast3A_421 = vector.bitcast %min3A_419 : vector<16xf32> to vector<16xi32>
      %shift_right_logical3A_422 = arith.constant 17 : i32
      %shift_right_logical3A_423 = vector.broadcast %shift_right_logical3A_422 : i32 to vector<16xi32>
      %shift_right_logical3A_424 = arith.shrui %bitcast3A_420, %shift_right_logical3A_423 : vector<16xi32>
      %and3A_425 = arith.constant 56 : i32
      %and3A_426 = vector.broadcast %and3A_425 : i32 to vector<16xi32>
      %and3A_427 = arith.andi %shift_right_logical3A_424, %and3A_426 : vector<16xi32>
      %add3A_428 = arith.addi %sub3A_96, %and3A_427 : vector<16xi32>
      %shift_right_logical3A_429 = arith.constant 20 : i32
      %shift_right_logical3A_430 = vector.broadcast %shift_right_logical3A_429 : i32 to vector<16xi32>
      %shift_right_logical3A_431 = arith.shrui %bitcast3A_421, %shift_right_logical3A_430 : vector<16xi32>
      %add3A_432 = arith.addi %add3A_428, %shift_right_logical3A_431 : vector<16xi32>
      tpu.vector_store_idx %arg7[%add3A_432], %broadcast_in_dim3A_10 {add = true} : memref<6144xf32, #tpu.memory_space<vmem>>[vector<16xi32>], vector<16xf32>,
      %sub3A_433 = arith.subf %broadcast_in_dim3A_321, %sub3A_104 : vector<16xf32>
      %sub3A_434 = arith.subf %broadcast_in_dim3A_324, %sub3A_109 : vector<16xf32>
      %max3A_435 = arith.constant 8.000000e+00 : f32
      %max3A_436 = vector.broadcast %max3A_435 : f32 to vector<16xf32>
      %max3A_437 = arith.maximumf %sub3A_433, %max3A_436 : vector<16xf32>
      %min3A_438 = arith.constant 15.999999 : f32
      %min3A_439 = vector.broadcast %min3A_438 : f32 to vector<16xf32>
      %min3A_440 = arith.minimumf %max3A_437, %min3A_439 : vector<16xf32>
      %max3A_441 = arith.constant 8.000000e+00 : f32
      %max3A_442 = vector.broadcast %max3A_441 : f32 to vector<16xf32>
      %max3A_443 = arith.maximumf %sub3A_434, %max3A_442 : vector<16xf32>
      %min3A_444 = arith.constant 15.999999 : f32
      %min3A_445 = vector.broadcast %min3A_444 : f32 to vector<16xf32>
      %min3A_446 = arith.minimumf %max3A_443, %min3A_445 : vector<16xf32>
      %bitcast3A_447 = vector.bitcast %min3A_440 : vector<16xf32> to vector<16xi32>
      %bitcast3A_448 = vector.bitcast %min3A_446 : vector<16xf32> to vector<16xi32>
      %shift_right_logical3A_449 = arith.constant 17 : i32
      %shift_right_logical3A_450 = vector.broadcast %shift_right_logical3A_449 : i32 to vector<16xi32>
      %shift_right_logical3A_451 = arith.shrui %bitcast3A_447, %shift_right_logical3A_450 : vector<16xi32>
      %and3A_452 = arith.constant 56 : i32
      %and3A_453 = vector.broadcast %and3A_452 : i32 to vector<16xi32>
      %and3A_454 = arith.andi %shift_right_logical3A_451, %and3A_453 : vector<16xi32>
      %add3A_455 = arith.addi %sub3A_118, %and3A_454 : vector<16xi32>
      %shift_right_logical3A_456 = arith.constant 20 : i32
      %shift_right_logical3A_457 = vector.broadcast %shift_right_logical3A_456 : i32 to vector<16xi32>
      %shift_right_logical3A_458 = arith.shrui %bitcast3A_448, %shift_right_logical3A_457 : vector<16xi32>
      %add3A_459 = arith.addi %add3A_455, %shift_right_logical3A_458 : vector<16xi32>
      tpu.vector_store_idx %arg7[%add3A_459], %broadcast_in_dim3A_10 {add = true} : memref<6144xf32, #tpu.memory_space<vmem>>[vector<16xi32>], vector<16xf32>,
      %sub3A_460 = arith.subf %broadcast_in_dim3A_321, %sub3A_126 : vector<16xf32>
      %sub3A_461 = arith.subf %broadcast_in_dim3A_324, %sub3A_131 : vector<16xf32>
      %max3A_462 = arith.constant 8.000000e+00 : f32
      %max3A_463 = vector.broadcast %max3A_462 : f32 to vector<16xf32>
      %max3A_464 = arith.maximumf %sub3A_460, %max3A_463 : vector<16xf32>
      %min3A_465 = arith.constant 15.999999 : f32
      %min3A_466 = vector.broadcast %min3A_465 : f32 to vector<16xf32>
      %min3A_467 = arith.minimumf %max3A_464, %min3A_466 : vector<16xf32>
      %max3A_468 = arith.constant 8.000000e+00 : f32
      %max3A_469 = vector.broadcast %max3A_468 : f32 to vector<16xf32>
      %max3A_470 = arith.maximumf %sub3A_461, %max3A_469 : vector<16xf32>
      %min3A_471 = arith.constant 15.999999 : f32
      %min3A_472 = vector.broadcast %min3A_471 : f32 to vector<16xf32>
      %min3A_473 = arith.minimumf %max3A_470, %min3A_472 : vector<16xf32>
      %bitcast3A_474 = vector.bitcast %min3A_467 : vector<16xf32> to vector<16xi32>
      %bitcast3A_475 = vector.bitcast %min3A_473 : vector<16xf32> to vector<16xi32>
      %shift_right_logical3A_476 = arith.constant 17 : i32
      %shift_right_logical3A_477 = vector.broadcast %shift_right_logical3A_476 : i32 to vector<16xi32>
      %shift_right_logical3A_478 = arith.shrui %bitcast3A_474, %shift_right_logical3A_477 : vector<16xi32>
      %and3A_479 = arith.constant 56 : i32
      %and3A_480 = vector.broadcast %and3A_479 : i32 to vector<16xi32>
      %and3A_481 = arith.andi %shift_right_logical3A_478, %and3A_480 : vector<16xi32>
      %add3A_482 = arith.addi %sub3A_140, %and3A_481 : vector<16xi32>
      %shift_right_logical3A_483 = arith.constant 20 : i32
      %shift_right_logical3A_484 = vector.broadcast %shift_right_logical3A_483 : i32 to vector<16xi32>
      %shift_right_logical3A_485 = arith.shrui %bitcast3A_475, %shift_right_logical3A_484 : vector<16xi32>
      %add3A_486 = arith.addi %add3A_482, %shift_right_logical3A_485 : vector<16xi32>
      tpu.vector_store_idx %arg7[%add3A_486], %broadcast_in_dim3A_10 {add = true} : memref<6144xf32, #tpu.memory_space<vmem>>[vector<16xi32>], vector<16xf32>,
      %slice3A_487 = vector.extract_strided_slice %get3A_155 {offsets = [2], sizes = [1], strides = [1]} : vector<16xf32> to vector<1xf32>
      %squeeze3A_488 = vector.extract %slice3A_487[0] : f32 from vector<1xf32>
      %broadcast_in_dim3A_489 = vector.broadcast %squeeze3A_488 : f32 to vector<16xf32>
      %slice3A_490 = vector.extract_strided_slice %get3A_157 {offsets = [2], sizes = [1], strides = [1]} : vector<16xf32> to vector<1xf32>
      %squeeze3A_491 = vector.extract %slice3A_490[0] : f32 from vector<1xf32>
      %broadcast_in_dim3A_492 = vector.broadcast %squeeze3A_491 : f32 to vector<16xf32>
      %sub3A_493 = arith.subf %broadcast_in_dim3A_489, %sub3A_16 : vector<16xf32>
      %sub3A_494 = arith.subf %broadcast_in_dim3A_492, %sub3A_21 : vector<16xf32>
      %max3A_495 = arith.constant 8.000000e+00 : f32
      %max3A_496 = vector.broadcast %max3A_495 : f32 to vector<16xf32>
      %max3A_497 = arith.maximumf %sub3A_493, %max3A_496 : vector<16xf32>
      %min3A_498 = arith.constant 15.999999 : f32
      %min3A_499 = vector.broadcast %min3A_498 : f32 to vector<16xf32>
      %min3A_500 = arith.minimumf %max3A_497, %min3A_499 : vector<16xf32>
      %max3A_501 = arith.constant 8.000000e+00 : f32
      %max3A_502 = vector.broadcast %max3A_501 : f32 to vector<16xf32>
      %max3A_503 = arith.maximumf %sub3A_494, %max3A_502 : vector<16xf32>
      %min3A_504 = arith.constant 15.999999 : f32
      %min3A_505 = vector.broadcast %min3A_504 : f32 to vector<16xf32>
      %min3A_506 = arith.minimumf %max3A_503, %min3A_505 : vector<16xf32>
      %bitcast3A_507 = vector.bitcast %min3A_500 : vector<16xf32> to vector<16xi32>
      %bitcast3A_508 = vector.bitcast %min3A_506 : vector<16xf32> to vector<16xi32>
      %shift_right_logical3A_509 = arith.constant 17 : i32
      %shift_right_logical3A_510 = vector.broadcast %shift_right_logical3A_509 : i32 to vector<16xi32>
      %shift_right_logical3A_511 = arith.shrui %bitcast3A_507, %shift_right_logical3A_510 : vector<16xi32>
      %and3A_512 = arith.constant 56 : i32
      %and3A_513 = vector.broadcast %and3A_512 : i32 to vector<16xi32>
      %and3A_514 = arith.andi %shift_right_logical3A_511, %and3A_513 : vector<16xi32>
      %add3A_515 = arith.addi %sub3A_30, %and3A_514 : vector<16xi32>
      %shift_right_logical3A_516 = arith.constant 20 : i32
      %shift_right_logical3A_517 = vector.broadcast %shift_right_logical3A_516 : i32 to vector<16xi32>
      %shift_right_logical3A_518 = arith.shrui %bitcast3A_508, %shift_right_logical3A_517 : vector<16xi32>
      %add3A_519 = arith.addi %add3A_515, %shift_right_logical3A_518 : vector<16xi32>
      tpu.vector_store_idx %arg7[%add3A_519], %broadcast_in_dim3A_10 {add = true} : memref<6144xf32, #tpu.memory_space<vmem>>[vector<16xi32>], vector<16xf32>,
      %sub3A_520 = arith.subf %broadcast_in_dim3A_489, %sub3A_38 : vector<16xf32>
      %sub3A_521 = arith.subf %broadcast_in_dim3A_492, %sub3A_43 : vector<16xf32>
      %max3A_522 = arith.constant 8.000000e+00 : f32
      %max3A_523 = vector.broadcast %max3A_522 : f32 to vector<16xf32>
      %max3A_524 = arith.maximumf %sub3A_520, %max3A_523 : vector<16xf32>
      %min3A_525 = arith.constant 15.999999 : f32
      %min3A_526 = vector.broadcast %min3A_525 : f32 to vector<16xf32>
      %min3A_527 = arith.minimumf %max3A_524, %min3A_526 : vector<16xf32>
      %max3A_528 = arith.constant 8.000000e+00 : f32
      %max3A_529 = vector.broadcast %max3A_528 : f32 to vector<16xf32>
      %max3A_530 = arith.maximumf %sub3A_521, %max3A_529 : vector<16xf32>
      %min3A_531 = arith.constant 15.999999 : f32
      %min3A_532 = vector.broadcast %min3A_531 : f32 to vector<16xf32>
      %min3A_533 = arith.minimumf %max3A_530, %min3A_532 : vector<16xf32>
      %bitcast3A_534 = vector.bitcast %min3A_527 : vector<16xf32> to vector<16xi32>
      %bitcast3A_535 = vector.bitcast %min3A_533 : vector<16xf32> to vector<16xi32>
      %shift_right_logical3A_536 = arith.constant 17 : i32
      %shift_right_logical3A_537 = vector.broadcast %shift_right_logical3A_536 : i32 to vector<16xi32>
      %shift_right_logical3A_538 = arith.shrui %bitcast3A_534, %shift_right_logical3A_537 : vector<16xi32>
      %and3A_539 = arith.constant 56 : i32
      %and3A_540 = vector.broadcast %and3A_539 : i32 to vector<16xi32>
      %and3A_541 = arith.andi %shift_right_logical3A_538, %and3A_540 : vector<16xi32>
      %add3A_542 = arith.addi %sub3A_52, %and3A_541 : vector<16xi32>
      %shift_right_logical3A_543 = arith.constant 20 : i32
      %shift_right_logical3A_544 = vector.broadcast %shift_right_logical3A_543 : i32 to vector<16xi32>
      %shift_right_logical3A_545 = arith.shrui %bitcast3A_535, %shift_right_logical3A_544 : vector<16xi32>
      %add3A_546 = arith.addi %add3A_542, %shift_right_logical3A_545 : vector<16xi32>
      tpu.vector_store_idx %arg7[%add3A_546], %broadcast_in_dim3A_10 {add = true} : memref<6144xf32, #tpu.memory_space<vmem>>[vector<16xi32>], vector<16xf32>,
      %sub3A_547 = arith.subf %broadcast_in_dim3A_489, %sub3A_60 : vector<16xf32>
      %sub3A_548 = arith.subf %broadcast_in_dim3A_492, %sub3A_65 : vector<16xf32>
      %max3A_549 = arith.constant 8.000000e+00 : f32
      %max3A_550 = vector.broadcast %max3A_549 : f32 to vector<16xf32>
      %max3A_551 = arith.maximumf %sub3A_547, %max3A_550 : vector<16xf32>
      %min3A_552 = arith.constant 15.999999 : f32
      %min3A_553 = vector.broadcast %min3A_552 : f32 to vector<16xf32>
      %min3A_554 = arith.minimumf %max3A_551, %min3A_553 : vector<16xf32>
      %max3A_555 = arith.constant 8.000000e+00 : f32
      %max3A_556 = vector.broadcast %max3A_555 : f32 to vector<16xf32>
      %max3A_557 = arith.maximumf %sub3A_548, %max3A_556 : vector<16xf32>
      %min3A_558 = arith.constant 15.999999 : f32
      %min3A_559 = vector.broadcast %min3A_558 : f32 to vector<16xf32>
      %min3A_560 = arith.minimumf %max3A_557, %min3A_559 : vector<16xf32>
      %bitcast3A_561 = vector.bitcast %min3A_554 : vector<16xf32> to vector<16xi32>
      %bitcast3A_562 = vector.bitcast %min3A_560 : vector<16xf32> to vector<16xi32>
      %shift_right_logical3A_563 = arith.constant 17 : i32
      %shift_right_logical3A_564 = vector.broadcast %shift_right_logical3A_563 : i32 to vector<16xi32>
      %shift_right_logical3A_565 = arith.shrui %bitcast3A_561, %shift_right_logical3A_564 : vector<16xi32>
      %and3A_566 = arith.constant 56 : i32
      %and3A_567 = vector.broadcast %and3A_566 : i32 to vector<16xi32>
      %and3A_568 = arith.andi %shift_right_logical3A_565, %and3A_567 : vector<16xi32>
      %add3A_569 = arith.addi %sub3A_74, %and3A_568 : vector<16xi32>
      %shift_right_logical3A_570 = arith.constant 20 : i32
      %shift_right_logical3A_571 = vector.broadcast %shift_right_logical3A_570 : i32 to vector<16xi32>
      %shift_right_logical3A_572 = arith.shrui %bitcast3A_562, %shift_right_logical3A_571 : vector<16xi32>
      %add3A_573 = arith.addi %add3A_569, %shift_right_logical3A_572 : vector<16xi32>
      tpu.vector_store_idx %arg7[%add3A_573], %broadcast_in_dim3A_10 {add = true} : memref<6144xf32, #tpu.memory_space<vmem>>[vector<16xi32>], vector<16xf32>,
      %sub3A_574 = arith.subf %broadcast_in_dim3A_489, %sub3A_82 : vector<16xf32>
      %sub3A_575 = arith.subf %broadcast_in_dim3A_492, %sub3A_87 : vector<16xf32>
      %max3A_576 = arith.constant 8.000000e+00 : f32
      %max3A_577 = vector.broadcast %max3A_576 : f32 to vector<16xf32>
      %max3A_578 = arith.maximumf %sub3A_574, %max3A_577 : vector<16xf32>
      %min3A_579 = arith.constant 15.999999 : f32
      %min3A_580 = vector.broadcast %min3A_579 : f32 to vector<16xf32>
      %min3A_581 = arith.minimumf %max3A_578, %min3A_580 : vector<16xf32>
      %max3A_582 = arith.constant 8.000000e+00 : f32
      %max3A_583 = vector.broadcast %max3A_582 : f32 to vector<16xf32>
      %max3A_584 = arith.maximumf %sub3A_575, %max3A_583 : vector<16xf32>
      %min3A_585 = arith.constant 15.999999 : f32
      %min3A_586 = vector.broadcast %min3A_585 : f32 to vector<16xf32>
      %min3A_587 = arith.minimumf %max3A_584, %min3A_586 : vector<16xf32>
      %bitcast3A_588 = vector.bitcast %min3A_581 : vector<16xf32> to vector<16xi32>
      %bitcast3A_589 = vector.bitcast %min3A_587 : vector<16xf32> to vector<16xi32>
      %shift_right_logical3A_590 = arith.constant 17 : i32
      %shift_right_logical3A_591 = vector.broadcast %shift_right_logical3A_590 : i32 to vector<16xi32>
      %shift_right_logical3A_592 = arith.shrui %bitcast3A_588, %shift_right_logical3A_591 : vector<16xi32>
      %and3A_593 = arith.constant 56 : i32
      %and3A_594 = vector.broadcast %and3A_593 : i32 to vector<16xi32>
      %and3A_595 = arith.andi %shift_right_logical3A_592, %and3A_594 : vector<16xi32>
      %add3A_596 = arith.addi %sub3A_96, %and3A_595 : vector<16xi32>
      %shift_right_logical3A_597 = arith.constant 20 : i32
      %shift_right_logical3A_598 = vector.broadcast %shift_right_logical3A_597 : i32 to vector<16xi32>
      %shift_right_logical3A_599 = arith.shrui %bitcast3A_589, %shift_right_logical3A_598 : vector<16xi32>
      %add3A_600 = arith.addi %add3A_596, %shift_right_logical3A_599 : vector<16xi32>
      tpu.vector_store_idx %arg7[%add3A_600], %broadcast_in_dim3A_10 {add = true} : memref<6144xf32, #tpu.memory_space<vmem>>[vector<16xi32>], vector<16xf32>,
      %sub3A_601 = arith.subf %broadcast_in_dim3A_489, %sub3A_104 : vector<16xf32>
      %sub3A_602 = arith.subf %broadcast_in_dim3A_492, %sub3A_109 : vector<16xf32>
      %max3A_603 = arith.constant 8.000000e+00 : f32
      %max3A_604 = vector.broadcast %max3A_603 : f32 to vector<16xf32>
      %max3A_605 = arith.maximumf %sub3A_601, %max3A_604 : vector<16xf32>
      %min3A_606 = arith.constant 15.999999 : f32
      %min3A_607 = vector.broadcast %min3A_606 : f32 to vector<16xf32>
      %min3A_608 = arith.minimumf %max3A_605, %min3A_607 : vector<16xf32>
      %max3A_609 = arith.constant 8.000000e+00 : f32
      %max3A_610 = vector.broadcast %max3A_609 : f32 to vector<16xf32>
      %max3A_611 = arith.maximumf %sub3A_602, %max3A_610 : vector<16xf32>
      %min3A_612 = arith.constant 15.999999 : f32
      %min3A_613 = vector.broadcast %min3A_612 : f32 to vector<16xf32>
      %min3A_614 = arith.minimumf %max3A_611, %min3A_613 : vector<16xf32>
      %bitcast3A_615 = vector.bitcast %min3A_608 : vector<16xf32> to vector<16xi32>
      %bitcast3A_616 = vector.bitcast %min3A_614 : vector<16xf32> to vector<16xi32>
      %shift_right_logical3A_617 = arith.constant 17 : i32
      %shift_right_logical3A_618 = vector.broadcast %shift_right_logical3A_617 : i32 to vector<16xi32>
      %shift_right_logical3A_619 = arith.shrui %bitcast3A_615, %shift_right_logical3A_618 : vector<16xi32>
      %and3A_620 = arith.constant 56 : i32
      %and3A_621 = vector.broadcast %and3A_620 : i32 to vector<16xi32>
      %and3A_622 = arith.andi %shift_right_logical3A_619, %and3A_621 : vector<16xi32>
      %add3A_623 = arith.addi %sub3A_118, %and3A_622 : vector<16xi32>
      %shift_right_logical3A_624 = arith.constant 20 : i32
      %shift_right_logical3A_625 = vector.broadcast %shift_right_logical3A_624 : i32 to vector<16xi32>
      %shift_right_logical3A_626 = arith.shrui %bitcast3A_616, %shift_right_logical3A_625 : vector<16xi32>
      %add3A_627 = arith.addi %add3A_623, %shift_right_logical3A_626 : vector<16xi32>
      tpu.vector_store_idx %arg7[%add3A_627], %broadcast_in_dim3A_10 {add = true} : memref<6144xf32, #tpu.memory_space<vmem>>[vector<16xi32>], vector<16xf32>,
      %sub3A_628 = arith.subf %broadcast_in_dim3A_489, %sub3A_126 : vector<16xf32>
      %sub3A_629 = arith.subf %broadcast_in_dim3A_492, %sub3A_131 : vector<16xf32>
      %max3A_630 = arith.constant 8.000000e+00 : f32
      %max3A_631 = vector.broadcast %max3A_630 : f32 to vector<16xf32>
      %max3A_632 = arith.maximumf %sub3A_628, %max3A_631 : vector<16xf32>
      %min3A_633 = arith.constant 15.999999 : f32
      %min3A_634 = vector.broadcast %min3A_633 : f32 to vector<16xf32>
      %min3A_635 = arith.minimumf %max3A_632, %min3A_634 : vector<16xf32>
      %max3A_636 = arith.constant 8.000000e+00 : f32
      %max3A_637 = vector.broadcast %max3A_636 : f32 to vector<16xf32>
      %max3A_638 = arith.maximumf %sub3A_629, %max3A_637 : vector<16xf32>
      %min3A_639 = arith.constant 15.999999 : f32
      %min3A_640 = vector.broadcast %min3A_639 : f32 to vector<16xf32>
      %min3A_641 = arith.minimumf %max3A_638, %min3A_640 : vector<16xf32>
      %bitcast3A_642 = vector.bitcast %min3A_635 : vector<16xf32> to vector<16xi32>
      %bitcast3A_643 = vector.bitcast %min3A_641 : vector<16xf32> to vector<16xi32>
      %shift_right_logical3A_644 = arith.constant 17 : i32
      %shift_right_logical3A_645 = vector.broadcast %shift_right_logical3A_644 : i32 to vector<16xi32>
      %shift_right_logical3A_646 = arith.shrui %bitcast3A_642, %shift_right_logical3A_645 : vector<16xi32>
      %and3A_647 = arith.constant 56 : i32
      %and3A_648 = vector.broadcast %and3A_647 : i32 to vector<16xi32>
      %and3A_649 = arith.andi %shift_right_logical3A_646, %and3A_648 : vector<16xi32>
      %add3A_650 = arith.addi %sub3A_140, %and3A_649 : vector<16xi32>
      %shift_right_logical3A_651 = arith.constant 20 : i32
      %shift_right_logical3A_652 = vector.broadcast %shift_right_logical3A_651 : i32 to vector<16xi32>
      %shift_right_logical3A_653 = arith.shrui %bitcast3A_643, %shift_right_logical3A_652 : vector<16xi32>
      %add3A_654 = arith.addi %add3A_650, %shift_right_logical3A_653 : vector<16xi32>
      tpu.vector_store_idx %arg7[%add3A_654], %broadcast_in_dim3A_10 {add = true} : memref<6144xf32, #tpu.memory_space<vmem>>[vector<16xi32>], vector<16xf32>,
      %slice3A_655 = vector.extract_strided_slice %get3A_155 {offsets = [3], sizes = [1], strides = [1]} : vector<16xf32> to vector<1xf32>
      %squeeze3A_656 = vector.extract %slice3A_655[0] : f32 from vector<1xf32>
      %broadcast_in_dim3A_657 = vector.broadcast %squeeze3A_656 : f32 to vector<16xf32>
      %slice3A_658 = vector.extract_strided_slice %get3A_157 {offsets = [3], sizes = [1], strides = [1]} : vector<16xf32> to vector<1xf32>
      %squeeze3A_659 = vector.extract %slice3A_658[0] : f32 from vector<1xf32>
      %broadcast_in_dim3A_660 = vector.broadcast %squeeze3A_659 : f32 to vector<16xf32>
      %sub3A_661 = arith.subf %broadcast_in_dim3A_657, %sub3A_16 : vector<16xf32>
      %sub3A_662 = arith.subf %broadcast_in_dim3A_660, %sub3A_21 : vector<16xf32>
      %max3A_663 = arith.constant 8.000000e+00 : f32
      %max3A_664 = vector.broadcast %max3A_663 : f32 to vector<16xf32>
      %max3A_665 = arith.maximumf %sub3A_661, %max3A_664 : vector<16xf32>
      %min3A_666 = arith.constant 15.999999 : f32
      %min3A_667 = vector.broadcast %min3A_666 : f32 to vector<16xf32>
      %min3A_668 = arith.minimumf %max3A_665, %min3A_667 : vector<16xf32>
      %max3A_669 = arith.constant 8.000000e+00 : f32
      %max3A_670 = vector.broadcast %max3A_669 : f32 to vector<16xf32>
      %max3A_671 = arith.maximumf %sub3A_662, %max3A_670 : vector<16xf32>
      %min3A_672 = arith.constant 15.999999 : f32
      %min3A_673 = vector.broadcast %min3A_672 : f32 to vector<16xf32>
      %min3A_674 = arith.minimumf %max3A_671, %min3A_673 : vector<16xf32>
      %bitcast3A_675 = vector.bitcast %min3A_668 : vector<16xf32> to vector<16xi32>
      %bitcast3A_676 = vector.bitcast %min3A_674 : vector<16xf32> to vector<16xi32>
      %shift_right_logical3A_677 = arith.constant 17 : i32
      %shift_right_logical3A_678 = vector.broadcast %shift_right_logical3A_677 : i32 to vector<16xi32>
      %shift_right_logical3A_679 = arith.shrui %bitcast3A_675, %shift_right_logical3A_678 : vector<16xi32>
      %and3A_680 = arith.constant 56 : i32
      %and3A_681 = vector.broadcast %and3A_680 : i32 to vector<16xi32>
      %and3A_682 = arith.andi %shift_right_logical3A_679, %and3A_681 : vector<16xi32>
      %add3A_683 = arith.addi %sub3A_30, %and3A_682 : vector<16xi32>
      %shift_right_logical3A_684 = arith.constant 20 : i32
      %shift_right_logical3A_685 = vector.broadcast %shift_right_logical3A_684 : i32 to vector<16xi32>
      %shift_right_logical3A_686 = arith.shrui %bitcast3A_676, %shift_right_logical3A_685 : vector<16xi32>
      %add3A_687 = arith.addi %add3A_683, %shift_right_logical3A_686 : vector<16xi32>
      tpu.vector_store_idx %arg7[%add3A_687], %broadcast_in_dim3A_10 {add = true} : memref<6144xf32, #tpu.memory_space<vmem>>[vector<16xi32>], vector<16xf32>,
      %sub3A_688 = arith.subf %broadcast_in_dim3A_657, %sub3A_38 : vector<16xf32>
      %sub3A_689 = arith.subf %broadcast_in_dim3A_660, %sub3A_43 : vector<16xf32>
      %max3A_690 = arith.constant 8.000000e+00 : f32
      %max3A_691 = vector.broadcast %max3A_690 : f32 to vector<16xf32>
      %max3A_692 = arith.maximumf %sub3A_688, %max3A_691 : vector<16xf32>
      %min3A_693 = arith.constant 15.999999 : f32
      %min3A_694 = vector.broadcast %min3A_693 : f32 to vector<16xf32>
      %min3A_695 = arith.minimumf %max3A_692, %min3A_694 : vector<16xf32>
      %max3A_696 = arith.constant 8.000000e+00 : f32
      %max3A_697 = vector.broadcast %max3A_696 : f32 to vector<16xf32>
      %max3A_698 = arith.maximumf %sub3A_689, %max3A_697 : vector<16xf32>
      %min3A_699 = arith.constant 15.999999 : f32
      %min3A_700 = vector.broadcast %min3A_699 : f32 to vector<16xf32>
      %min3A_701 = arith.minimumf %max3A_698, %min3A_700 : vector<16xf32>
      %bitcast3A_702 = vector.bitcast %min3A_695 : vector<16xf32> to vector<16xi32>
      %bitcast3A_703 = vector.bitcast %min3A_701 : vector<16xf32> to vector<16xi32>
      %shift_right_logical3A_704 = arith.constant 17 : i32
      %shift_right_logical3A_705 = vector.broadcast %shift_right_logical3A_704 : i32 to vector<16xi32>
      %shift_right_logical3A_706 = arith.shrui %bitcast3A_702, %shift_right_logical3A_705 : vector<16xi32>
      %and3A_707 = arith.constant 56 : i32
      %and3A_708 = vector.broadcast %and3A_707 : i32 to vector<16xi32>
      %and3A_709 = arith.andi %shift_right_logical3A_706, %and3A_708 : vector<16xi32>
      %add3A_710 = arith.addi %sub3A_52, %and3A_709 : vector<16xi32>
      %shift_right_logical3A_711 = arith.constant 20 : i32
      %shift_right_logical3A_712 = vector.broadcast %shift_right_logical3A_711 : i32 to vector<16xi32>
      %shift_right_logical3A_713 = arith.shrui %bitcast3A_703, %shift_right_logical3A_712 : vector<16xi32>
      %add3A_714 = arith.addi %add3A_710, %shift_right_logical3A_713 : vector<16xi32>
      tpu.vector_store_idx %arg7[%add3A_714], %broadcast_in_dim3A_10 {add = true} : memref<6144xf32, #tpu.memory_space<vmem>>[vector<16xi32>], vector<16xf32>,
      %sub3A_715 = arith.subf %broadcast_in_dim3A_657, %sub3A_60 : vector<16xf32>
      %sub3A_716 = arith.subf %broadcast_in_dim3A_660, %sub3A_65 : vector<16xf32>
      %max3A_717 = arith.constant 8.000000e+00 : f32
      %max3A_718 = vector.broadcast %max3A_717 : f32 to vector<16xf32>
      %max3A_719 = arith.maximumf %sub3A_715, %max3A_718 : vector<16xf32>
      %min3A_720 = arith.constant 15.999999 : f32
      %min3A_721 = vector.broadcast %min3A_720 : f32 to vector<16xf32>
      %min3A_722 = arith.minimumf %max3A_719, %min3A_721 : vector<16xf32>
      %max3A_723 = arith.constant 8.000000e+00 : f32
      %max3A_724 = vector.broadcast %max3A_723 : f32 to vector<16xf32>
      %max3A_725 = arith.maximumf %sub3A_716, %max3A_724 : vector<16xf32>
      %min3A_726 = arith.constant 15.999999 : f32
      %min3A_727 = vector.broadcast %min3A_726 : f32 to vector<16xf32>
      %min3A_728 = arith.minimumf %max3A_725, %min3A_727 : vector<16xf32>
      %bitcast3A_729 = vector.bitcast %min3A_722 : vector<16xf32> to vector<16xi32>
      %bitcast3A_730 = vector.bitcast %min3A_728 : vector<16xf32> to vector<16xi32>
      %shift_right_logical3A_731 = arith.constant 17 : i32
      %shift_right_logical3A_732 = vector.broadcast %shift_right_logical3A_731 : i32 to vector<16xi32>
      %shift_right_logical3A_733 = arith.shrui %bitcast3A_729, %shift_right_logical3A_732 : vector<16xi32>
      %and3A_734 = arith.constant 56 : i32
      %and3A_735 = vector.broadcast %and3A_734 : i32 to vector<16xi32>
      %and3A_736 = arith.andi %shift_right_logical3A_733, %and3A_735 : vector<16xi32>
      %add3A_737 = arith.addi %sub3A_74, %and3A_736 : vector<16xi32>
      %shift_right_logical3A_738 = arith.constant 20 : i32
      %shift_right_logical3A_739 = vector.broadcast %shift_right_logical3A_738 : i32 to vector<16xi32>
      %shift_right_logical3A_740 = arith.shrui %bitcast3A_730, %shift_right_logical3A_739 : vector<16xi32>
      %add3A_741 = arith.addi %add3A_737, %shift_right_logical3A_740 : vector<16xi32>
      tpu.vector_store_idx %arg7[%add3A_741], %broadcast_in_dim3A_10 {add = true} : memref<6144xf32, #tpu.memory_space<vmem>>[vector<16xi32>], vector<16xf32>,
      %sub3A_742 = arith.subf %broadcast_in_dim3A_657, %sub3A_82 : vector<16xf32>
      %sub3A_743 = arith.subf %broadcast_in_dim3A_660, %sub3A_87 : vector<16xf32>
      %max3A_744 = arith.constant 8.000000e+00 : f32
      %max3A_745 = vector.broadcast %max3A_744 : f32 to vector<16xf32>
      %max3A_746 = arith.maximumf %sub3A_742, %max3A_745 : vector<16xf32>
      %min3A_747 = arith.constant 15.999999 : f32
      %min3A_748 = vector.broadcast %min3A_747 : f32 to vector<16xf32>
      %min3A_749 = arith.minimumf %max3A_746, %min3A_748 : vector<16xf32>
      %max3A_750 = arith.constant 8.000000e+00 : f32
      %max3A_751 = vector.broadcast %max3A_750 : f32 to vector<16xf32>
      %max3A_752 = arith.maximumf %sub3A_743, %max3A_751 : vector<16xf32>
      %min3A_753 = arith.constant 15.999999 : f32
      %min3A_754 = vector.broadcast %min3A_753 : f32 to vector<16xf32>
      %min3A_755 = arith.minimumf %max3A_752, %min3A_754 : vector<16xf32>
      %bitcast3A_756 = vector.bitcast %min3A_749 : vector<16xf32> to vector<16xi32>
      %bitcast3A_757 = vector.bitcast %min3A_755 : vector<16xf32> to vector<16xi32>
      %shift_right_logical3A_758 = arith.constant 17 : i32
      %shift_right_logical3A_759 = vector.broadcast %shift_right_logical3A_758 : i32 to vector<16xi32>
      %shift_right_logical3A_760 = arith.shrui %bitcast3A_756, %shift_right_logical3A_759 : vector<16xi32>
      %and3A_761 = arith.constant 56 : i32
      %and3A_762 = vector.broadcast %and3A_761 : i32 to vector<16xi32>
      %and3A_763 = arith.andi %shift_right_logical3A_760, %and3A_762 : vector<16xi32>
      %add3A_764 = arith.addi %sub3A_96, %and3A_763 : vector<16xi32>
      %shift_right_logical3A_765 = arith.constant 20 : i32
      %shift_right_logical3A_766 = vector.broadcast %shift_right_logical3A_765 : i32 to vector<16xi32>
      %shift_right_logical3A_767 = arith.shrui %bitcast3A_757, %shift_right_logical3A_766 : vector<16xi32>
      %add3A_768 = arith.addi %add3A_764, %shift_right_logical3A_767 : vector<16xi32>
      tpu.vector_store_idx %arg7[%add3A_768], %broadcast_in_dim3A_10 {add = true} : memref<6144xf32, #tpu.memory_space<vmem>>[vector<16xi32>], vector<16xf32>,
      %sub3A_769 = arith.subf %broadcast_in_dim3A_657, %sub3A_104 : vector<16xf32>
      %sub3A_770 = arith.subf %broadcast_in_dim3A_660, %sub3A_109 : vector<16xf32>
      %max3A_771 = arith.constant 8.000000e+00 : f32
      %max3A_772 = vector.broadcast %max3A_771 : f32 to vector<16xf32>
      %max3A_773 = arith.maximumf %sub3A_769, %max3A_772 : vector<16xf32>
      %min3A_774 = arith.constant 15.999999 : f32
      %min3A_775 = vector.broadcast %min3A_774 : f32 to vector<16xf32>
      %min3A_776 = arith.minimumf %max3A_773, %min3A_775 : vector<16xf32>
      %max3A_777 = arith.constant 8.000000e+00 : f32
      %max3A_778 = vector.broadcast %max3A_777 : f32 to vector<16xf32>
      %max3A_779 = arith.maximumf %sub3A_770, %max3A_778 : vector<16xf32>
      %min3A_780 = arith.constant 15.999999 : f32
      %min3A_781 = vector.broadcast %min3A_780 : f32 to vector<16xf32>
      %min3A_782 = arith.minimumf %max3A_779, %min3A_781 : vector<16xf32>
      %bitcast3A_783 = vector.bitcast %min3A_776 : vector<16xf32> to vector<16xi32>
      %bitcast3A_784 = vector.bitcast %min3A_782 : vector<16xf32> to vector<16xi32>
      %shift_right_logical3A_785 = arith.constant 17 : i32
      %shift_right_logical3A_786 = vector.broadcast %shift_right_logical3A_785 : i32 to vector<16xi32>
      %shift_right_logical3A_787 = arith.shrui %bitcast3A_783, %shift_right_logical3A_786 : vector<16xi32>
      %and3A_788 = arith.constant 56 : i32
      %and3A_789 = vector.broadcast %and3A_788 : i32 to vector<16xi32>
      %and3A_790 = arith.andi %shift_right_logical3A_787, %and3A_789 : vector<16xi32>
      %add3A_791 = arith.addi %sub3A_118, %and3A_790 : vector<16xi32>
      %shift_right_logical3A_792 = arith.constant 20 : i32
      %shift_right_logical3A_793 = vector.broadcast %shift_right_logical3A_792 : i32 to vector<16xi32>
      %shift_right_logical3A_794 = arith.shrui %bitcast3A_784, %shift_right_logical3A_793 : vector<16xi32>
      %add3A_795 = arith.addi %add3A_791, %shift_right_logical3A_794 : vector<16xi32>
      tpu.vector_store_idx %arg7[%add3A_795], %broadcast_in_dim3A_10 {add = true} : memref<6144xf32, #tpu.memory_space<vmem>>[vector<16xi32>], vector<16xf32>,
      %sub3A_796 = arith.subf %broadcast_in_dim3A_657, %sub3A_126 : vector<16xf32>
      %sub3A_797 = arith.subf %broadcast_in_dim3A_660, %sub3A_131 : vector<16xf32>
      %max3A_798 = arith.constant 8.000000e+00 : f32
      %max3A_799 = vector.broadcast %max3A_798 : f32 to vector<16xf32>
      %max3A_800 = arith.maximumf %sub3A_796, %max3A_799 : vector<16xf32>
      %min3A_801 = arith.constant 15.999999 : f32
      %min3A_802 = vector.broadcast %min3A_801 : f32 to vector<16xf32>
      %min3A_803 = arith.minimumf %max3A_800, %min3A_802 : vector<16xf32>
      %max3A_804 = arith.constant 8.000000e+00 : f32
      %max3A_805 = vector.broadcast %max3A_804 : f32 to vector<16xf32>
      %max3A_806 = arith.maximumf %sub3A_797, %max3A_805 : vector<16xf32>
      %min3A_807 = arith.constant 15.999999 : f32
      %min3A_808 = vector.broadcast %min3A_807 : f32 to vector<16xf32>
      %min3A_809 = arith.minimumf %max3A_806, %min3A_808 : vector<16xf32>
      %bitcast3A_810 = vector.bitcast %min3A_803 : vector<16xf32> to vector<16xi32>
      %bitcast3A_811 = vector.bitcast %min3A_809 : vector<16xf32> to vector<16xi32>
      %shift_right_logical3A_812 = arith.constant 17 : i32
      %shift_right_logical3A_813 = vector.broadcast %shift_right_logical3A_812 : i32 to vector<16xi32>
      %shift_right_logical3A_814 = arith.shrui %bitcast3A_810, %shift_right_logical3A_813 : vector<16xi32>
      %and3A_815 = arith.constant 56 : i32
      %and3A_816 = vector.broadcast %and3A_815 : i32 to vector<16xi32>
      %and3A_817 = arith.andi %shift_right_logical3A_814, %and3A_816 : vector<16xi32>
      %add3A_818 = arith.addi %sub3A_140, %and3A_817 : vector<16xi32>
      %shift_right_logical3A_819 = arith.constant 20 : i32
      %shift_right_logical3A_820 = vector.broadcast %shift_right_logical3A_819 : i32 to vector<16xi32>
      %shift_right_logical3A_821 = arith.shrui %bitcast3A_811, %shift_right_logical3A_820 : vector<16xi32>
      %add3A_822 = arith.addi %add3A_818, %shift_right_logical3A_821 : vector<16xi32>
      tpu.vector_store_idx %arg7[%add3A_822], %broadcast_in_dim3A_10 {add = true} : memref<6144xf32, #tpu.memory_space<vmem>>[vector<16xi32>], vector<16xf32>,
      %slice3A_823 = vector.extract_strided_slice %get3A_155 {offsets = [4], sizes = [1], strides = [1]} : vector<16xf32> to vector<1xf32>
      %squeeze3A_824 = vector.extract %slice3A_823[0] : f32 from vector<1xf32>
      %broadcast_in_dim3A_825 = vector.broadcast %squeeze3A_824 : f32 to vector<16xf32>
      %slice3A_826 = vector.extract_strided_slice %get3A_157 {offsets = [4], sizes = [1], strides = [1]} : vector<16xf32> to vector<1xf32>
      %squeeze3A_827 = vector.extract %slice3A_826[0] : f32 from vector<1xf32>
      %broadcast_in_dim3A_828 = vector.broadcast %squeeze3A_827 : f32 to vector<16xf32>
      %sub3A_829 = arith.subf %broadcast_in_dim3A_825, %sub3A_16 : vector<16xf32>
      %sub3A_830 = arith.subf %broadcast_in_dim3A_828, %sub3A_21 : vector<16xf32>
      %max3A_831 = arith.constant 8.000000e+00 : f32
      %max3A_832 = vector.broadcast %max3A_831 : f32 to vector<16xf32>
      %max3A_833 = arith.maximumf %sub3A_829, %max3A_832 : vector<16xf32>
      %min3A_834 = arith.constant 15.999999 : f32
      %min3A_835 = vector.broadcast %min3A_834 : f32 to vector<16xf32>
      %min3A_836 = arith.minimumf %max3A_833, %min3A_835 : vector<16xf32>
      %max3A_837 = arith.constant 8.000000e+00 : f32
      %max3A_838 = vector.broadcast %max3A_837 : f32 to vector<16xf32>
      %max3A_839 = arith.maximumf %sub3A_830, %max3A_838 : vector<16xf32>
      %min3A_840 = arith.constant 15.999999 : f32
      %min3A_841 = vector.broadcast %min3A_840 : f32 to vector<16xf32>
      %min3A_842 = arith.minimumf %max3A_839, %min3A_841 : vector<16xf32>
      %bitcast3A_843 = vector.bitcast %min3A_836 : vector<16xf32> to vector<16xi32>
      %bitcast3A_844 = vector.bitcast %min3A_842 : vector<16xf32> to vector<16xi32>
      %shift_right_logical3A_845 = arith.constant 17 : i32
      %shift_right_logical3A_846 = vector.broadcast %shift_right_logical3A_845 : i32 to vector<16xi32>
      %shift_right_logical3A_847 = arith.shrui %bitcast3A_843, %shift_right_logical3A_846 : vector<16xi32>
      %and3A_848 = arith.constant 56 : i32
      %and3A_849 = vector.broadcast %and3A_848 : i32 to vector<16xi32>
      %and3A_850 = arith.andi %shift_right_logical3A_847, %and3A_849 : vector<16xi32>
      %add3A_851 = arith.addi %sub3A_30, %and3A_850 : vector<16xi32>
      %shift_right_logical3A_852 = arith.constant 20 : i32
      %shift_right_logical3A_853 = vector.broadcast %shift_right_logical3A_852 : i32 to vector<16xi32>
      %shift_right_logical3A_854 = arith.shrui %bitcast3A_844, %shift_right_logical3A_853 : vector<16xi32>
      %add3A_855 = arith.addi %add3A_851, %shift_right_logical3A_854 : vector<16xi32>
      tpu.vector_store_idx %arg7[%add3A_855], %broadcast_in_dim3A_10 {add = true} : memref<6144xf32, #tpu.memory_space<vmem>>[vector<16xi32>], vector<16xf32>,
      %sub3A_856 = arith.subf %broadcast_in_dim3A_825, %sub3A_38 : vector<16xf32>
      %sub3A_857 = arith.subf %broadcast_in_dim3A_828, %sub3A_43 : vector<16xf32>
      %max3A_858 = arith.constant 8.000000e+00 : f32
      %max3A_859 = vector.broadcast %max3A_858 : f32 to vector<16xf32>
      %max3A_860 = arith.maximumf %sub3A_856, %max3A_859 : vector<16xf32>
      %min3A_861 = arith.constant 15.999999 : f32
      %min3A_862 = vector.broadcast %min3A_861 : f32 to vector<16xf32>
      %min3A_863 = arith.minimumf %max3A_860, %min3A_862 : vector<16xf32>
      %max3A_864 = arith.constant 8.000000e+00 : f32
      %max3A_865 = vector.broadcast %max3A_864 : f32 to vector<16xf32>
      %max3A_866 = arith.maximumf %sub3A_857, %max3A_865 : vector<16xf32>
      %min3A_867 = arith.constant 15.999999 : f32
      %min3A_868 = vector.broadcast %min3A_867 : f32 to vector<16xf32>
      %min3A_869 = arith.minimumf %max3A_866, %min3A_868 : vector<16xf32>
      %bitcast3A_870 = vector.bitcast %min3A_863 : vector<16xf32> to vector<16xi32>
      %bitcast3A_871 = vector.bitcast %min3A_869 : vector<16xf32> to vector<16xi32>
      %shift_right_logical3A_872 = arith.constant 17 : i32
      %shift_right_logical3A_873 = vector.broadcast %shift_right_logical3A_872 : i32 to vector<16xi32>
      %shift_right_logical3A_874 = arith.shrui %bitcast3A_870, %shift_right_logical3A_873 : vector<16xi32>
      %and3A_875 = arith.constant 56 : i32
      %and3A_876 = vector.broadcast %and3A_875 : i32 to vector<16xi32>
      %and3A_877 = arith.andi %shift_right_logical3A_874, %and3A_876 : vector<16xi32>
      %add3A_878 = arith.addi %sub3A_52, %and3A_877 : vector<16xi32>
      %shift_right_logical3A_879 = arith.constant 20 : i32
      %shift_right_logical3A_880 = vector.broadcast %shift_right_logical3A_879 : i32 to vector<16xi32>
      %shift_right_logical3A_881 = arith.shrui %bitcast3A_871, %shift_right_logical3A_880 : vector<16xi32>
      %add3A_882 = arith.addi %add3A_878, %shift_right_logical3A_881 : vector<16xi32>
      tpu.vector_store_idx %arg7[%add3A_882], %broadcast_in_dim3A_10 {add = true} : memref<6144xf32, #tpu.memory_space<vmem>>[vector<16xi32>], vector<16xf32>,
      %sub3A_883 = arith.subf %broadcast_in_dim3A_825, %sub3A_60 : vector<16xf32>
      %sub3A_884 = arith.subf %broadcast_in_dim3A_828, %sub3A_65 : vector<16xf32>
      %max3A_885 = arith.constant 8.000000e+00 : f32
      %max3A_886 = vector.broadcast %max3A_885 : f32 to vector<16xf32>
      %max3A_887 = arith.maximumf %sub3A_883, %max3A_886 : vector<16xf32>
      %min3A_888 = arith.constant 15.999999 : f32
      %min3A_889 = vector.broadcast %min3A_888 : f32 to vector<16xf32>
      %min3A_890 = arith.minimumf %max3A_887, %min3A_889 : vector<16xf32>
      %max3A_891 = arith.constant 8.000000e+00 : f32
      %max3A_892 = vector.broadcast %max3A_891 : f32 to vector<16xf32>
      %max3A_893 = arith.maximumf %sub3A_884, %max3A_892 : vector<16xf32>
      %min3A_894 = arith.constant 15.999999 : f32
      %min3A_895 = vector.broadcast %min3A_894 : f32 to vector<16xf32>
      %min3A_896 = arith.minimumf %max3A_893, %min3A_895 : vector<16xf32>
      %bitcast3A_897 = vector.bitcast %min3A_890 : vector<16xf32> to vector<16xi32>
      %bitcast3A_898 = vector.bitcast %min3A_896 : vector<16xf32> to vector<16xi32>
      %shift_right_logical3A_899 = arith.constant 17 : i32
      %shift_right_logical3A_900 = vector.broadcast %shift_right_logical3A_899 : i32 to vector<16xi32>
      %shift_right_logical3A_901 = arith.shrui %bitcast3A_897, %shift_right_logical3A_900 : vector<16xi32>
      %and3A_902 = arith.constant 56 : i32
      %and3A_903 = vector.broadcast %and3A_902 : i32 to vector<16xi32>
      %and3A_904 = arith.andi %shift_right_logical3A_901, %and3A_903 : vector<16xi32>
      %add3A_905 = arith.addi %sub3A_74, %and3A_904 : vector<16xi32>
      %shift_right_logical3A_906 = arith.constant 20 : i32
      %shift_right_logical3A_907 = vector.broadcast %shift_right_logical3A_906 : i32 to vector<16xi32>
      %shift_right_logical3A_908 = arith.shrui %bitcast3A_898, %shift_right_logical3A_907 : vector<16xi32>
      %add3A_909 = arith.addi %add3A_905, %shift_right_logical3A_908 : vector<16xi32>
      tpu.vector_store_idx %arg7[%add3A_909], %broadcast_in_dim3A_10 {add = true} : memref<6144xf32, #tpu.memory_space<vmem>>[vector<16xi32>], vector<16xf32>,
      %sub3A_910 = arith.subf %broadcast_in_dim3A_825, %sub3A_82 : vector<16xf32>
      %sub3A_911 = arith.subf %broadcast_in_dim3A_828, %sub3A_87 : vector<16xf32>
      %max3A_912 = arith.constant 8.000000e+00 : f32
      %max3A_913 = vector.broadcast %max3A_912 : f32 to vector<16xf32>
      %max3A_914 = arith.maximumf %sub3A_910, %max3A_913 : vector<16xf32>
      %min3A_915 = arith.constant 15.999999 : f32
      %min3A_916 = vector.broadcast %min3A_915 : f32 to vector<16xf32>
      %min3A_917 = arith.minimumf %max3A_914, %min3A_916 : vector<16xf32>
      %max3A_918 = arith.constant 8.000000e+00 : f32
      %max3A_919 = vector.broadcast %max3A_918 : f32 to vector<16xf32>
      %max3A_920 = arith.maximumf %sub3A_911, %max3A_919 : vector<16xf32>
      %min3A_921 = arith.constant 15.999999 : f32
      %min3A_922 = vector.broadcast %min3A_921 : f32 to vector<16xf32>
      %min3A_923 = arith.minimumf %max3A_920, %min3A_922 : vector<16xf32>
      %bitcast3A_924 = vector.bitcast %min3A_917 : vector<16xf32> to vector<16xi32>
      %bitcast3A_925 = vector.bitcast %min3A_923 : vector<16xf32> to vector<16xi32>
      %shift_right_logical3A_926 = arith.constant 17 : i32
      %shift_right_logical3A_927 = vector.broadcast %shift_right_logical3A_926 : i32 to vector<16xi32>
      %shift_right_logical3A_928 = arith.shrui %bitcast3A_924, %shift_right_logical3A_927 : vector<16xi32>
      %and3A_929 = arith.constant 56 : i32
      %and3A_930 = vector.broadcast %and3A_929 : i32 to vector<16xi32>
      %and3A_931 = arith.andi %shift_right_logical3A_928, %and3A_930 : vector<16xi32>
      %add3A_932 = arith.addi %sub3A_96, %and3A_931 : vector<16xi32>
      %shift_right_logical3A_933 = arith.constant 20 : i32
      %shift_right_logical3A_934 = vector.broadcast %shift_right_logical3A_933 : i32 to vector<16xi32>
      %shift_right_logical3A_935 = arith.shrui %bitcast3A_925, %shift_right_logical3A_934 : vector<16xi32>
      %add3A_936 = arith.addi %add3A_932, %shift_right_logical3A_935 : vector<16xi32>
      tpu.vector_store_idx %arg7[%add3A_936], %broadcast_in_dim3A_10 {add = true} : memref<6144xf32, #tpu.memory_space<vmem>>[vector<16xi32>], vector<16xf32>,
      %sub3A_937 = arith.subf %broadcast_in_dim3A_825, %sub3A_104 : vector<16xf32>
      %sub3A_938 = arith.subf %broadcast_in_dim3A_828, %sub3A_109 : vector<16xf32>
      %max3A_939 = arith.constant 8.000000e+00 : f32
      %max3A_940 = vector.broadcast %max3A_939 : f32 to vector<16xf32>
      %max3A_941 = arith.maximumf %sub3A_937, %max3A_940 : vector<16xf32>
      %min3A_942 = arith.constant 15.999999 : f32
      %min3A_943 = vector.broadcast %min3A_942 : f32 to vector<16xf32>
      %min3A_944 = arith.minimumf %max3A_941, %min3A_943 : vector<16xf32>
      %max3A_945 = arith.constant 8.000000e+00 : f32
      %max3A_946 = vector.broadcast %max3A_945 : f32 to vector<16xf32>
      %max3A_947 = arith.maximumf %sub3A_938, %max3A_946 : vector<16xf32>
      %min3A_948 = arith.constant 15.999999 : f32
      %min3A_949 = vector.broadcast %min3A_948 : f32 to vector<16xf32>
      %min3A_950 = arith.minimumf %max3A_947, %min3A_949 : vector<16xf32>
      %bitcast3A_951 = vector.bitcast %min3A_944 : vector<16xf32> to vector<16xi32>
      %bitcast3A_952 = vector.bitcast %min3A_950 : vector<16xf32> to vector<16xi32>
      %shift_right_logical3A_953 = arith.constant 17 : i32
      %shift_right_logical3A_954 = vector.broadcast %shift_right_logical3A_953 : i32 to vector<16xi32>
      %shift_right_logical3A_955 = arith.shrui %bitcast3A_951, %shift_right_logical3A_954 : vector<16xi32>
      %and3A_956 = arith.constant 56 : i32
      %and3A_957 = vector.broadcast %and3A_956 : i32 to vector<16xi32>
      %and3A_958 = arith.andi %shift_right_logical3A_955, %and3A_957 : vector<16xi32>
      %add3A_959 = arith.addi %sub3A_118, %and3A_958 : vector<16xi32>
      %shift_right_logical3A_960 = arith.constant 20 : i32
      %shift_right_logical3A_961 = vector.broadcast %shift_right_logical3A_960 : i32 to vector<16xi32>
      %shift_right_logical3A_962 = arith.shrui %bitcast3A_952, %shift_right_logical3A_961 : vector<16xi32>
      %add3A_963 = arith.addi %add3A_959, %shift_right_logical3A_962 : vector<16xi32>
      tpu.vector_store_idx %arg7[%add3A_963], %broadcast_in_dim3A_10 {add = true} : memref<6144xf32, #tpu.memory_space<vmem>>[vector<16xi32>], vector<16xf32>,
      %sub3A_964 = arith.subf %broadcast_in_dim3A_825, %sub3A_126 : vector<16xf32>
      %sub3A_965 = arith.subf %broadcast_in_dim3A_828, %sub3A_131 : vector<16xf32>
      %max3A_966 = arith.constant 8.000000e+00 : f32
      %max3A_967 = vector.broadcast %max3A_966 : f32 to vector<16xf32>
      %max3A_968 = arith.maximumf %sub3A_964, %max3A_967 : vector<16xf32>
      %min3A_969 = arith.constant 15.999999 : f32
      %min3A_970 = vector.broadcast %min3A_969 : f32 to vector<16xf32>
      %min3A_971 = arith.minimumf %max3A_968, %min3A_970 : vector<16xf32>
      %max3A_972 = arith.constant 8.000000e+00 : f32
      %max3A_973 = vector.broadcast %max3A_972 : f32 to vector<16xf32>
      %max3A_974 = arith.maximumf %sub3A_965, %max3A_973 : vector<16xf32>
      %min3A_975 = arith.constant 15.999999 : f32
      %min3A_976 = vector.broadcast %min3A_975 : f32 to vector<16xf32>
      %min3A_977 = arith.minimumf %max3A_974, %min3A_976 : vector<16xf32>
      %bitcast3A_978 = vector.bitcast %min3A_971 : vector<16xf32> to vector<16xi32>
      %bitcast3A_979 = vector.bitcast %min3A_977 : vector<16xf32> to vector<16xi32>
      %shift_right_logical3A_980 = arith.constant 17 : i32
      %shift_right_logical3A_981 = vector.broadcast %shift_right_logical3A_980 : i32 to vector<16xi32>
      %shift_right_logical3A_982 = arith.shrui %bitcast3A_978, %shift_right_logical3A_981 : vector<16xi32>
      %and3A_983 = arith.constant 56 : i32
      %and3A_984 = vector.broadcast %and3A_983 : i32 to vector<16xi32>
      %and3A_985 = arith.andi %shift_right_logical3A_982, %and3A_984 : vector<16xi32>
      %add3A_986 = arith.addi %sub3A_140, %and3A_985 : vector<16xi32>
      %shift_right_logical3A_987 = arith.constant 20 : i32
      %shift_right_logical3A_988 = vector.broadcast %shift_right_logical3A_987 : i32 to vector<16xi32>
      %shift_right_logical3A_989 = arith.shrui %bitcast3A_979, %shift_right_logical3A_988 : vector<16xi32>
      %add3A_990 = arith.addi %add3A_986, %shift_right_logical3A_989 : vector<16xi32>
      tpu.vector_store_idx %arg7[%add3A_990], %broadcast_in_dim3A_10 {add = true} : memref<6144xf32, #tpu.memory_space<vmem>>[vector<16xi32>], vector<16xf32>,
      %slice3A_991 = vector.extract_strided_slice %get3A_155 {offsets = [5], sizes = [1], strides = [1]} : vector<16xf32> to vector<1xf32>
      %squeeze3A_992 = vector.extract %slice3A_991[0] : f32 from vector<1xf32>
      %broadcast_in_dim3A_993 = vector.broadcast %squeeze3A_992 : f32 to vector<16xf32>
      %slice3A_994 = vector.extract_strided_slice %get3A_157 {offsets = [5], sizes = [1], strides = [1]} : vector<16xf32> to vector<1xf32>
      %squeeze3A_995 = vector.extract %slice3A_994[0] : f32 from vector<1xf32>
      %broadcast_in_dim3A_996 = vector.broadcast %squeeze3A_995 : f32 to vector<16xf32>
      %sub3A_997 = arith.subf %broadcast_in_dim3A_993, %sub3A_16 : vector<16xf32>
      %sub3A_998 = arith.subf %broadcast_in_dim3A_996, %sub3A_21 : vector<16xf32>
      %max3A_999 = arith.constant 8.000000e+00 : f32
      %max3A_1000 = vector.broadcast %max3A_999 : f32 to vector<16xf32>
      %max3A_1001 = arith.maximumf %sub3A_997, %max3A_1000 : vector<16xf32>
      %min3A_1002 = arith.constant 15.999999 : f32
      %min3A_1003 = vector.broadcast %min3A_1002 : f32 to vector<16xf32>
      %min3A_1004 = arith.minimumf %max3A_1001, %min3A_1003 : vector<16xf32>
      %max3A_1005 = arith.constant 8.000000e+00 : f32
      %max3A_1006 = vector.broadcast %max3A_1005 : f32 to vector<16xf32>
      %max3A_1007 = arith.maximumf %sub3A_998, %max3A_1006 : vector<16xf32>
      %min3A_1008 = arith.constant 15.999999 : f32
      %min3A_1009 = vector.broadcast %min3A_1008 : f32 to vector<16xf32>
      %min3A_1010 = arith.minimumf %max3A_1007, %min3A_1009 : vector<16xf32>
      %bitcast3A_1011 = vector.bitcast %min3A_1004 : vector<16xf32> to vector<16xi32>
      %bitcast3A_1012 = vector.bitcast %min3A_1010 : vector<16xf32> to vector<16xi32>
      %shift_right_logical3A_1013 = arith.constant 17 : i32
      %shift_right_logical3A_1014 = vector.broadcast %shift_right_logical3A_1013 : i32 to vector<16xi32>
      %shift_right_logical3A_1015 = arith.shrui %bitcast3A_1011, %shift_right_logical3A_1014 : vector<16xi32>
      %and3A_1016 = arith.constant 56 : i32
      %and3A_1017 = vector.broadcast %and3A_1016 : i32 to vector<16xi32>
      %and3A_1018 = arith.andi %shift_right_logical3A_1015, %and3A_1017 : vector<16xi32>
      %add3A_1019 = arith.addi %sub3A_30, %and3A_1018 : vector<16xi32>
      %shift_right_logical3A_1020 = arith.constant 20 : i32
      %shift_right_logical3A_1021 = vector.broadcast %shift_right_logical3A_1020 : i32 to vector<16xi32>
      %shift_right_logical3A_1022 = arith.shrui %bitcast3A_1012, %shift_right_logical3A_1021 : vector<16xi32>
      %add3A_1023 = arith.addi %add3A_1019, %shift_right_logical3A_1022 : vector<16xi32>
      tpu.vector_store_idx %arg7[%add3A_1023], %broadcast_in_dim3A_10 {add = true} : memref<6144xf32, #tpu.memory_space<vmem>>[vector<16xi32>], vector<16xf32>,
      %sub3A_1024 = arith.subf %broadcast_in_dim3A_993, %sub3A_38 : vector<16xf32>
      %sub3A_1025 = arith.subf %broadcast_in_dim3A_996, %sub3A_43 : vector<16xf32>
      %max3A_1026 = arith.constant 8.000000e+00 : f32
      %max3A_1027 = vector.broadcast %max3A_1026 : f32 to vector<16xf32>
      %max3A_1028 = arith.maximumf %sub3A_1024, %max3A_1027 : vector<16xf32>
      %min3A_1029 = arith.constant 15.999999 : f32
      %min3A_1030 = vector.broadcast %min3A_1029 : f32 to vector<16xf32>
      %min3A_1031 = arith.minimumf %max3A_1028, %min3A_1030 : vector<16xf32>
      %max3A_1032 = arith.constant 8.000000e+00 : f32
      %max3A_1033 = vector.broadcast %max3A_1032 : f32 to vector<16xf32>
      %max3A_1034 = arith.maximumf %sub3A_1025, %max3A_1033 : vector<16xf32>
      %min3A_1035 = arith.constant 15.999999 : f32
      %min3A_1036 = vector.broadcast %min3A_1035 : f32 to vector<16xf32>
      %min3A_1037 = arith.minimumf %max3A_1034, %min3A_1036 : vector<16xf32>
      %bitcast3A_1038 = vector.bitcast %min3A_1031 : vector<16xf32> to vector<16xi32>
      %bitcast3A_1039 = vector.bitcast %min3A_1037 : vector<16xf32> to vector<16xi32>
      %shift_right_logical3A_1040 = arith.constant 17 : i32
      %shift_right_logical3A_1041 = vector.broadcast %shift_right_logical3A_1040 : i32 to vector<16xi32>
      %shift_right_logical3A_1042 = arith.shrui %bitcast3A_1038, %shift_right_logical3A_1041 : vector<16xi32>
      %and3A_1043 = arith.constant 56 : i32
      %and3A_1044 = vector.broadcast %and3A_1043 : i32 to vector<16xi32>
      %and3A_1045 = arith.andi %shift_right_logical3A_1042, %and3A_1044 : vector<16xi32>
      %add3A_1046 = arith.addi %sub3A_52, %and3A_1045 : vector<16xi32>
      %shift_right_logical3A_1047 = arith.constant 20 : i32
      %shift_right_logical3A_1048 = vector.broadcast %shift_right_logical3A_1047 : i32 to vector<16xi32>
      %shift_right_logical3A_1049 = arith.shrui %bitcast3A_1039, %shift_right_logical3A_1048 : vector<16xi32>
      %add3A_1050 = arith.addi %add3A_1046, %shift_right_logical3A_1049 : vector<16xi32>
      tpu.vector_store_idx %arg7[%add3A_1050], %broadcast_in_dim3A_10 {add = true} : memref<6144xf32, #tpu.memory_space<vmem>>[vector<16xi32>], vector<16xf32>,
      %sub3A_1051 = arith.subf %broadcast_in_dim3A_993, %sub3A_60 : vector<16xf32>
      %sub3A_1052 = arith.subf %broadcast_in_dim3A_996, %sub3A_65 : vector<16xf32>
      %max3A_1053 = arith.constant 8.000000e+00 : f32
      %max3A_1054 = vector.broadcast %max3A_1053 : f32 to vector<16xf32>
      %max3A_1055 = arith.maximumf %sub3A_1051, %max3A_1054 : vector<16xf32>
      %min3A_1056 = arith.constant 15.999999 : f32
      %min3A_1057 = vector.broadcast %min3A_1056 : f32 to vector<16xf32>
      %min3A_1058 = arith.minimumf %max3A_1055, %min3A_1057 : vector<16xf32>
      %max3A_1059 = arith.constant 8.000000e+00 : f32
      %max3A_1060 = vector.broadcast %max3A_1059 : f32 to vector<16xf32>
      %max3A_1061 = arith.maximumf %sub3A_1052, %max3A_1060 : vector<16xf32>
      %min3A_1062 = arith.constant 15.999999 : f32
      %min3A_1063 = vector.broadcast %min3A_1062 : f32 to vector<16xf32>
      %min3A_1064 = arith.minimumf %max3A_1061, %min3A_1063 : vector<16xf32>
      %bitcast3A_1065 = vector.bitcast %min3A_1058 : vector<16xf32> to vector<16xi32>
      %bitcast3A_1066 = vector.bitcast %min3A_1064 : vector<16xf32> to vector<16xi32>
      %shift_right_logical3A_1067 = arith.constant 17 : i32
      %shift_right_logical3A_1068 = vector.broadcast %shift_right_logical3A_1067 : i32 to vector<16xi32>
      %shift_right_logical3A_1069 = arith.shrui %bitcast3A_1065, %shift_right_logical3A_1068 : vector<16xi32>
      %and3A_1070 = arith.constant 56 : i32
      %and3A_1071 = vector.broadcast %and3A_1070 : i32 to vector<16xi32>
      %and3A_1072 = arith.andi %shift_right_logical3A_1069, %and3A_1071 : vector<16xi32>
      %add3A_1073 = arith.addi %sub3A_74, %and3A_1072 : vector<16xi32>
      %shift_right_logical3A_1074 = arith.constant 20 : i32
      %shift_right_logical3A_1075 = vector.broadcast %shift_right_logical3A_1074 : i32 to vector<16xi32>
      %shift_right_logical3A_1076 = arith.shrui %bitcast3A_1066, %shift_right_logical3A_1075 : vector<16xi32>
      %add3A_1077 = arith.addi %add3A_1073, %shift_right_logical3A_1076 : vector<16xi32>
      tpu.vector_store_idx %arg7[%add3A_1077], %broadcast_in_dim3A_10 {add = true} : memref<6144xf32, #tpu.memory_space<vmem>>[vector<16xi32>], vector<16xf32>,
      %sub3A_1078 = arith.subf %broadcast_in_dim3A_993, %sub3A_82 : vector<16xf32>
      %sub3A_1079 = arith.subf %broadcast_in_dim3A_996, %sub3A_87 : vector<16xf32>
      %max3A_1080 = arith.constant 8.000000e+00 : f32
      %max3A_1081 = vector.broadcast %max3A_1080 : f32 to vector<16xf32>
      %max3A_1082 = arith.maximumf %sub3A_1078, %max3A_1081 : vector<16xf32>
      %min3A_1083 = arith.constant 15.999999 : f32
      %min3A_1084 = vector.broadcast %min3A_1083 : f32 to vector<16xf32>
      %min3A_1085 = arith.minimumf %max3A_1082, %min3A_1084 : vector<16xf32>
      %max3A_1086 = arith.constant 8.000000e+00 : f32
      %max3A_1087 = vector.broadcast %max3A_1086 : f32 to vector<16xf32>
      %max3A_1088 = arith.maximumf %sub3A_1079, %max3A_1087 : vector<16xf32>
      %min3A_1089 = arith.constant 15.999999 : f32
      %min3A_1090 = vector.broadcast %min3A_1089 : f32 to vector<16xf32>
      %min3A_1091 = arith.minimumf %max3A_1088, %min3A_1090 : vector<16xf32>
      %bitcast3A_1092 = vector.bitcast %min3A_1085 : vector<16xf32> to vector<16xi32>
      %bitcast3A_1093 = vector.bitcast %min3A_1091 : vector<16xf32> to vector<16xi32>
      %shift_right_logical3A_1094 = arith.constant 17 : i32
      %shift_right_logical3A_1095 = vector.broadcast %shift_right_logical3A_1094 : i32 to vector<16xi32>
      %shift_right_logical3A_1096 = arith.shrui %bitcast3A_1092, %shift_right_logical3A_1095 : vector<16xi32>
      %and3A_1097 = arith.constant 56 : i32
      %and3A_1098 = vector.broadcast %and3A_1097 : i32 to vector<16xi32>
      %and3A_1099 = arith.andi %shift_right_logical3A_1096, %and3A_1098 : vector<16xi32>
      %add3A_1100 = arith.addi %sub3A_96, %and3A_1099 : vector<16xi32>
      %shift_right_logical3A_1101 = arith.constant 20 : i32
      %shift_right_logical3A_1102 = vector.broadcast %shift_right_logical3A_1101 : i32 to vector<16xi32>
      %shift_right_logical3A_1103 = arith.shrui %bitcast3A_1093, %shift_right_logical3A_1102 : vector<16xi32>
      %add3A_1104 = arith.addi %add3A_1100, %shift_right_logical3A_1103 : vector<16xi32>
      tpu.vector_store_idx %arg7[%add3A_1104], %broadcast_in_dim3A_10 {add = true} : memref<6144xf32, #tpu.memory_space<vmem>>[vector<16xi32>], vector<16xf32>,
      %sub3A_1105 = arith.subf %broadcast_in_dim3A_993, %sub3A_104 : vector<16xf32>
      %sub3A_1106 = arith.subf %broadcast_in_dim3A_996, %sub3A_109 : vector<16xf32>
      %max3A_1107 = arith.constant 8.000000e+00 : f32
      %max3A_1108 = vector.broadcast %max3A_1107 : f32 to vector<16xf32>
      %max3A_1109 = arith.maximumf %sub3A_1105, %max3A_1108 : vector<16xf32>
      %min3A_1110 = arith.constant 15.999999 : f32
      %min3A_1111 = vector.broadcast %min3A_1110 : f32 to vector<16xf32>
      %min3A_1112 = arith.minimumf %max3A_1109, %min3A_1111 : vector<16xf32>
      %max3A_1113 = arith.constant 8.000000e+00 : f32
      %max3A_1114 = vector.broadcast %max3A_1113 : f32 to vector<16xf32>
      %max3A_1115 = arith.maximumf %sub3A_1106, %max3A_1114 : vector<16xf32>
      %min3A_1116 = arith.constant 15.999999 : f32
      %min3A_1117 = vector.broadcast %min3A_1116 : f32 to vector<16xf32>
      %min3A_1118 = arith.minimumf %max3A_1115, %min3A_1117 : vector<16xf32>
      %bitcast3A_1119 = vector.bitcast %min3A_1112 : vector<16xf32> to vector<16xi32>
      %bitcast3A_1120 = vector.bitcast %min3A_1118 : vector<16xf32> to vector<16xi32>
      %shift_right_logical3A_1121 = arith.constant 17 : i32
      %shift_right_logical3A_1122 = vector.broadcast %shift_right_logical3A_1121 : i32 to vector<16xi32>
      %shift_right_logical3A_1123 = arith.shrui %bitcast3A_1119, %shift_right_logical3A_1122 : vector<16xi32>
      %and3A_1124 = arith.constant 56 : i32
      %and3A_1125 = vector.broadcast %and3A_1124 : i32 to vector<16xi32>
      %and3A_1126 = arith.andi %shift_right_logical3A_1123, %and3A_1125 : vector<16xi32>
      %add3A_1127 = arith.addi %sub3A_118, %and3A_1126 : vector<16xi32>
      %shift_right_logical3A_1128 = arith.constant 20 : i32
      %shift_right_logical3A_1129 = vector.broadcast %shift_right_logical3A_1128 : i32 to vector<16xi32>
      %shift_right_logical3A_1130 = arith.shrui %bitcast3A_1120, %shift_right_logical3A_1129 : vector<16xi32>
      %add3A_1131 = arith.addi %add3A_1127, %shift_right_logical3A_1130 : vector<16xi32>
      tpu.vector_store_idx %arg7[%add3A_1131], %broadcast_in_dim3A_10 {add = true} : memref<6144xf32, #tpu.memory_space<vmem>>[vector<16xi32>], vector<16xf32>,
      %sub3A_1132 = arith.subf %broadcast_in_dim3A_993, %sub3A_126 : vector<16xf32>
      %sub3A_1133 = arith.subf %broadcast_in_dim3A_996, %sub3A_131 : vector<16xf32>
      %max3A_1134 = arith.constant 8.000000e+00 : f32
      %max3A_1135 = vector.broadcast %max3A_1134 : f32 to vector<16xf32>
      %max3A_1136 = arith.maximumf %sub3A_1132, %max3A_1135 : vector<16xf32>
      %min3A_1137 = arith.constant 15.999999 : f32
      %min3A_1138 = vector.broadcast %min3A_1137 : f32 to vector<16xf32>
      %min3A_1139 = arith.minimumf %max3A_1136, %min3A_1138 : vector<16xf32>
      %max3A_1140 = arith.constant 8.000000e+00 : f32
      %max3A_1141 = vector.broadcast %max3A_1140 : f32 to vector<16xf32>
      %max3A_1142 = arith.maximumf %sub3A_1133, %max3A_1141 : vector<16xf32>
      %min3A_1143 = arith.constant 15.999999 : f32
      %min3A_1144 = vector.broadcast %min3A_1143 : f32 to vector<16xf32>
      %min3A_1145 = arith.minimumf %max3A_1142, %min3A_1144 : vector<16xf32>
      %bitcast3A_1146 = vector.bitcast %min3A_1139 : vector<16xf32> to vector<16xi32>
      %bitcast3A_1147 = vector.bitcast %min3A_1145 : vector<16xf32> to vector<16xi32>
      %shift_right_logical3A_1148 = arith.constant 17 : i32
      %shift_right_logical3A_1149 = vector.broadcast %shift_right_logical3A_1148 : i32 to vector<16xi32>
      %shift_right_logical3A_1150 = arith.shrui %bitcast3A_1146, %shift_right_logical3A_1149 : vector<16xi32>
      %and3A_1151 = arith.constant 56 : i32
      %and3A_1152 = vector.broadcast %and3A_1151 : i32 to vector<16xi32>
      %and3A_1153 = arith.andi %shift_right_logical3A_1150, %and3A_1152 : vector<16xi32>
      %add3A_1154 = arith.addi %sub3A_140, %and3A_1153 : vector<16xi32>
      %shift_right_logical3A_1155 = arith.constant 20 : i32
      %shift_right_logical3A_1156 = vector.broadcast %shift_right_logical3A_1155 : i32 to vector<16xi32>
      %shift_right_logical3A_1157 = arith.shrui %bitcast3A_1147, %shift_right_logical3A_1156 : vector<16xi32>
      %add3A_1158 = arith.addi %add3A_1154, %shift_right_logical3A_1157 : vector<16xi32>
      tpu.vector_store_idx %arg7[%add3A_1158], %broadcast_in_dim3A_10 {add = true} : memref<6144xf32, #tpu.memory_space<vmem>>[vector<16xi32>], vector<16xf32>,
      %slice3A_1159 = vector.extract_strided_slice %get3A_155 {offsets = [6], sizes = [1], strides = [1]} : vector<16xf32> to vector<1xf32>
      %squeeze3A_1160 = vector.extract %slice3A_1159[0] : f32 from vector<1xf32>
      %broadcast_in_dim3A_1161 = vector.broadcast %squeeze3A_1160 : f32 to vector<16xf32>
      %slice3A_1162 = vector.extract_strided_slice %get3A_157 {offsets = [6], sizes = [1], strides = [1]} : vector<16xf32> to vector<1xf32>
      %squeeze3A_1163 = vector.extract %slice3A_1162[0] : f32 from vector<1xf32>
      %broadcast_in_dim3A_1164 = vector.broadcast %squeeze3A_1163 : f32 to vector<16xf32>
      %sub3A_1165 = arith.subf %broadcast_in_dim3A_1161, %sub3A_16 : vector<16xf32>
      %sub3A_1166 = arith.subf %broadcast_in_dim3A_1164, %sub3A_21 : vector<16xf32>
      %max3A_1167 = arith.constant 8.000000e+00 : f32
      %max3A_1168 = vector.broadcast %max3A_1167 : f32 to vector<16xf32>
      %max3A_1169 = arith.maximumf %sub3A_1165, %max3A_1168 : vector<16xf32>
      %min3A_1170 = arith.constant 15.999999 : f32
      %min3A_1171 = vector.broadcast %min3A_1170 : f32 to vector<16xf32>
      %min3A_1172 = arith.minimumf %max3A_1169, %min3A_1171 : vector<16xf32>
      %max3A_1173 = arith.constant 8.000000e+00 : f32
      %max3A_1174 = vector.broadcast %max3A_1173 : f32 to vector<16xf32>
      %max3A_1175 = arith.maximumf %sub3A_1166, %max3A_1174 : vector<16xf32>
      %min3A_1176 = arith.constant 15.999999 : f32
      %min3A_1177 = vector.broadcast %min3A_1176 : f32 to vector<16xf32>
      %min3A_1178 = arith.minimumf %max3A_1175, %min3A_1177 : vector<16xf32>
      %bitcast3A_1179 = vector.bitcast %min3A_1172 : vector<16xf32> to vector<16xi32>
      %bitcast3A_1180 = vector.bitcast %min3A_1178 : vector<16xf32> to vector<16xi32>
      %shift_right_logical3A_1181 = arith.constant 17 : i32
      %shift_right_logical3A_1182 = vector.broadcast %shift_right_logical3A_1181 : i32 to vector<16xi32>
      %shift_right_logical3A_1183 = arith.shrui %bitcast3A_1179, %shift_right_logical3A_1182 : vector<16xi32>
      %and3A_1184 = arith.constant 56 : i32
      %and3A_1185 = vector.broadcast %and3A_1184 : i32 to vector<16xi32>
      %and3A_1186 = arith.andi %shift_right_logical3A_1183, %and3A_1185 : vector<16xi32>
      %add3A_1187 = arith.addi %sub3A_30, %and3A_1186 : vector<16xi32>
      %shift_right_logical3A_1188 = arith.constant 20 : i32
      %shift_right_logical3A_1189 = vector.broadcast %shift_right_logical3A_1188 : i32 to vector<16xi32>
      %shift_right_logical3A_1190 = arith.shrui %bitcast3A_1180, %shift_right_logical3A_1189 : vector<16xi32>
      %add3A_1191 = arith.addi %add3A_1187, %shift_right_logical3A_1190 : vector<16xi32>
      tpu.vector_store_idx %arg7[%add3A_1191], %broadcast_in_dim3A_10 {add = true} : memref<6144xf32, #tpu.memory_space<vmem>>[vector<16xi32>], vector<16xf32>,
      %sub3A_1192 = arith.subf %broadcast_in_dim3A_1161, %sub3A_38 : vector<16xf32>
      %sub3A_1193 = arith.subf %broadcast_in_dim3A_1164, %sub3A_43 : vector<16xf32>
      %max3A_1194 = arith.constant 8.000000e+00 : f32
      %max3A_1195 = vector.broadcast %max3A_1194 : f32 to vector<16xf32>
      %max3A_1196 = arith.maximumf %sub3A_1192, %max3A_1195 : vector<16xf32>
      %min3A_1197 = arith.constant 15.999999 : f32
      %min3A_1198 = vector.broadcast %min3A_1197 : f32 to vector<16xf32>
      %min3A_1199 = arith.minimumf %max3A_1196, %min3A_1198 : vector<16xf32>
      %max3A_1200 = arith.constant 8.000000e+00 : f32
      %max3A_1201 = vector.broadcast %max3A_1200 : f32 to vector<16xf32>
      %max3A_1202 = arith.maximumf %sub3A_1193, %max3A_1201 : vector<16xf32>
      %min3A_1203 = arith.constant 15.999999 : f32
      %min3A_1204 = vector.broadcast %min3A_1203 : f32 to vector<16xf32>
      %min3A_1205 = arith.minimumf %max3A_1202, %min3A_1204 : vector<16xf32>
      %bitcast3A_1206 = vector.bitcast %min3A_1199 : vector<16xf32> to vector<16xi32>
      %bitcast3A_1207 = vector.bitcast %min3A_1205 : vector<16xf32> to vector<16xi32>
      %shift_right_logical3A_1208 = arith.constant 17 : i32
      %shift_right_logical3A_1209 = vector.broadcast %shift_right_logical3A_1208 : i32 to vector<16xi32>
      %shift_right_logical3A_1210 = arith.shrui %bitcast3A_1206, %shift_right_logical3A_1209 : vector<16xi32>
      %and3A_1211 = arith.constant 56 : i32
      %and3A_1212 = vector.broadcast %and3A_1211 : i32 to vector<16xi32>
      %and3A_1213 = arith.andi %shift_right_logical3A_1210, %and3A_1212 : vector<16xi32>
      %add3A_1214 = arith.addi %sub3A_52, %and3A_1213 : vector<16xi32>
      %shift_right_logical3A_1215 = arith.constant 20 : i32
      %shift_right_logical3A_1216 = vector.broadcast %shift_right_logical3A_1215 : i32 to vector<16xi32>
      %shift_right_logical3A_1217 = arith.shrui %bitcast3A_1207, %shift_right_logical3A_1216 : vector<16xi32>
      %add3A_1218 = arith.addi %add3A_1214, %shift_right_logical3A_1217 : vector<16xi32>
      tpu.vector_store_idx %arg7[%add3A_1218], %broadcast_in_dim3A_10 {add = true} : memref<6144xf32, #tpu.memory_space<vmem>>[vector<16xi32>], vector<16xf32>,
      %sub3A_1219 = arith.subf %broadcast_in_dim3A_1161, %sub3A_60 : vector<16xf32>
      %sub3A_1220 = arith.subf %broadcast_in_dim3A_1164, %sub3A_65 : vector<16xf32>
      %max3A_1221 = arith.constant 8.000000e+00 : f32
      %max3A_1222 = vector.broadcast %max3A_1221 : f32 to vector<16xf32>
      %max3A_1223 = arith.maximumf %sub3A_1219, %max3A_1222 : vector<16xf32>
      %min3A_1224 = arith.constant 15.999999 : f32
      %min3A_1225 = vector.broadcast %min3A_1224 : f32 to vector<16xf32>
      %min3A_1226 = arith.minimumf %max3A_1223, %min3A_1225 : vector<16xf32>
      %max3A_1227 = arith.constant 8.000000e+00 : f32
      %max3A_1228 = vector.broadcast %max3A_1227 : f32 to vector<16xf32>
      %max3A_1229 = arith.maximumf %sub3A_1220, %max3A_1228 : vector<16xf32>
      %min3A_1230 = arith.constant 15.999999 : f32
      %min3A_1231 = vector.broadcast %min3A_1230 : f32 to vector<16xf32>
      %min3A_1232 = arith.minimumf %max3A_1229, %min3A_1231 : vector<16xf32>
      %bitcast3A_1233 = vector.bitcast %min3A_1226 : vector<16xf32> to vector<16xi32>
      %bitcast3A_1234 = vector.bitcast %min3A_1232 : vector<16xf32> to vector<16xi32>
      %shift_right_logical3A_1235 = arith.constant 17 : i32
      %shift_right_logical3A_1236 = vector.broadcast %shift_right_logical3A_1235 : i32 to vector<16xi32>
      %shift_right_logical3A_1237 = arith.shrui %bitcast3A_1233, %shift_right_logical3A_1236 : vector<16xi32>
      %and3A_1238 = arith.constant 56 : i32
      %and3A_1239 = vector.broadcast %and3A_1238 : i32 to vector<16xi32>
      %and3A_1240 = arith.andi %shift_right_logical3A_1237, %and3A_1239 : vector<16xi32>
      %add3A_1241 = arith.addi %sub3A_74, %and3A_1240 : vector<16xi32>
      %shift_right_logical3A_1242 = arith.constant 20 : i32
      %shift_right_logical3A_1243 = vector.broadcast %shift_right_logical3A_1242 : i32 to vector<16xi32>
      %shift_right_logical3A_1244 = arith.shrui %bitcast3A_1234, %shift_right_logical3A_1243 : vector<16xi32>
      %add3A_1245 = arith.addi %add3A_1241, %shift_right_logical3A_1244 : vector<16xi32>
      tpu.vector_store_idx %arg7[%add3A_1245], %broadcast_in_dim3A_10 {add = true} : memref<6144xf32, #tpu.memory_space<vmem>>[vector<16xi32>], vector<16xf32>,
      %sub3A_1246 = arith.subf %broadcast_in_dim3A_1161, %sub3A_82 : vector<16xf32>
      %sub3A_1247 = arith.subf %broadcast_in_dim3A_1164, %sub3A_87 : vector<16xf32>
      %max3A_1248 = arith.constant 8.000000e+00 : f32
      %max3A_1249 = vector.broadcast %max3A_1248 : f32 to vector<16xf32>
      %max3A_1250 = arith.maximumf %sub3A_1246, %max3A_1249 : vector<16xf32>
      %min3A_1251 = arith.constant 15.999999 : f32
      %min3A_1252 = vector.broadcast %min3A_1251 : f32 to vector<16xf32>
      %min3A_1253 = arith.minimumf %max3A_1250, %min3A_1252 : vector<16xf32>
      %max3A_1254 = arith.constant 8.000000e+00 : f32
      %max3A_1255 = vector.broadcast %max3A_1254 : f32 to vector<16xf32>
      %max3A_1256 = arith.maximumf %sub3A_1247, %max3A_1255 : vector<16xf32>
      %min3A_1257 = arith.constant 15.999999 : f32
      %min3A_1258 = vector.broadcast %min3A_1257 : f32 to vector<16xf32>
      %min3A_1259 = arith.minimumf %max3A_1256, %min3A_1258 : vector<16xf32>
      %bitcast3A_1260 = vector.bitcast %min3A_1253 : vector<16xf32> to vector<16xi32>
      %bitcast3A_1261 = vector.bitcast %min3A_1259 : vector<16xf32> to vector<16xi32>
      %shift_right_logical3A_1262 = arith.constant 17 : i32
      %shift_right_logical3A_1263 = vector.broadcast %shift_right_logical3A_1262 : i32 to vector<16xi32>
      %shift_right_logical3A_1264 = arith.shrui %bitcast3A_1260, %shift_right_logical3A_1263 : vector<16xi32>
      %and3A_1265 = arith.constant 56 : i32
      %and3A_1266 = vector.broadcast %and3A_1265 : i32 to vector<16xi32>
      %and3A_1267 = arith.andi %shift_right_logical3A_1264, %and3A_1266 : vector<16xi32>
      %add3A_1268 = arith.addi %sub3A_96, %and3A_1267 : vector<16xi32>
      %shift_right_logical3A_1269 = arith.constant 20 : i32
      %shift_right_logical3A_1270 = vector.broadcast %shift_right_logical3A_1269 : i32 to vector<16xi32>
      %shift_right_logical3A_1271 = arith.shrui %bitcast3A_1261, %shift_right_logical3A_1270 : vector<16xi32>
      %add3A_1272 = arith.addi %add3A_1268, %shift_right_logical3A_1271 : vector<16xi32>
      tpu.vector_store_idx %arg7[%add3A_1272], %broadcast_in_dim3A_10 {add = true} : memref<6144xf32, #tpu.memory_space<vmem>>[vector<16xi32>], vector<16xf32>,
      %sub3A_1273 = arith.subf %broadcast_in_dim3A_1161, %sub3A_104 : vector<16xf32>
      %sub3A_1274 = arith.subf %broadcast_in_dim3A_1164, %sub3A_109 : vector<16xf32>
      %max3A_1275 = arith.constant 8.000000e+00 : f32
      %max3A_1276 = vector.broadcast %max3A_1275 : f32 to vector<16xf32>
      %max3A_1277 = arith.maximumf %sub3A_1273, %max3A_1276 : vector<16xf32>
      %min3A_1278 = arith.constant 15.999999 : f32
      %min3A_1279 = vector.broadcast %min3A_1278 : f32 to vector<16xf32>
      %min3A_1280 = arith.minimumf %max3A_1277, %min3A_1279 : vector<16xf32>
      %max3A_1281 = arith.constant 8.000000e+00 : f32
      %max3A_1282 = vector.broadcast %max3A_1281 : f32 to vector<16xf32>
      %max3A_1283 = arith.maximumf %sub3A_1274, %max3A_1282 : vector<16xf32>
      %min3A_1284 = arith.constant 15.999999 : f32
      %min3A_1285 = vector.broadcast %min3A_1284 : f32 to vector<16xf32>
      %min3A_1286 = arith.minimumf %max3A_1283, %min3A_1285 : vector<16xf32>
      %bitcast3A_1287 = vector.bitcast %min3A_1280 : vector<16xf32> to vector<16xi32>
      %bitcast3A_1288 = vector.bitcast %min3A_1286 : vector<16xf32> to vector<16xi32>
      %shift_right_logical3A_1289 = arith.constant 17 : i32
      %shift_right_logical3A_1290 = vector.broadcast %shift_right_logical3A_1289 : i32 to vector<16xi32>
      %shift_right_logical3A_1291 = arith.shrui %bitcast3A_1287, %shift_right_logical3A_1290 : vector<16xi32>
      %and3A_1292 = arith.constant 56 : i32
      %and3A_1293 = vector.broadcast %and3A_1292 : i32 to vector<16xi32>
      %and3A_1294 = arith.andi %shift_right_logical3A_1291, %and3A_1293 : vector<16xi32>
      %add3A_1295 = arith.addi %sub3A_118, %and3A_1294 : vector<16xi32>
      %shift_right_logical3A_1296 = arith.constant 20 : i32
      %shift_right_logical3A_1297 = vector.broadcast %shift_right_logical3A_1296 : i32 to vector<16xi32>
      %shift_right_logical3A_1298 = arith.shrui %bitcast3A_1288, %shift_right_logical3A_1297 : vector<16xi32>
      %add3A_1299 = arith.addi %add3A_1295, %shift_right_logical3A_1298 : vector<16xi32>
      tpu.vector_store_idx %arg7[%add3A_1299], %broadcast_in_dim3A_10 {add = true} : memref<6144xf32, #tpu.memory_space<vmem>>[vector<16xi32>], vector<16xf32>,
      %sub3A_1300 = arith.subf %broadcast_in_dim3A_1161, %sub3A_126 : vector<16xf32>
      %sub3A_1301 = arith.subf %broadcast_in_dim3A_1164, %sub3A_131 : vector<16xf32>
      %max3A_1302 = arith.constant 8.000000e+00 : f32
      %max3A_1303 = vector.broadcast %max3A_1302 : f32 to vector<16xf32>
      %max3A_1304 = arith.maximumf %sub3A_1300, %max3A_1303 : vector<16xf32>
      %min3A_1305 = arith.constant 15.999999 : f32
      %min3A_1306 = vector.broadcast %min3A_1305 : f32 to vector<16xf32>
      %min3A_1307 = arith.minimumf %max3A_1304, %min3A_1306 : vector<16xf32>
      %max3A_1308 = arith.constant 8.000000e+00 : f32
      %max3A_1309 = vector.broadcast %max3A_1308 : f32 to vector<16xf32>
      %max3A_1310 = arith.maximumf %sub3A_1301, %max3A_1309 : vector<16xf32>
      %min3A_1311 = arith.constant 15.999999 : f32
      %min3A_1312 = vector.broadcast %min3A_1311 : f32 to vector<16xf32>
      %min3A_1313 = arith.minimumf %max3A_1310, %min3A_1312 : vector<16xf32>
      %bitcast3A_1314 = vector.bitcast %min3A_1307 : vector<16xf32> to vector<16xi32>
      %bitcast3A_1315 = vector.bitcast %min3A_1313 : vector<16xf32> to vector<16xi32>
      %shift_right_logical3A_1316 = arith.constant 17 : i32
      %shift_right_logical3A_1317 = vector.broadcast %shift_right_logical3A_1316 : i32 to vector<16xi32>
      %shift_right_logical3A_1318 = arith.shrui %bitcast3A_1314, %shift_right_logical3A_1317 : vector<16xi32>
      %and3A_1319 = arith.constant 56 : i32
      %and3A_1320 = vector.broadcast %and3A_1319 : i32 to vector<16xi32>
      %and3A_1321 = arith.andi %shift_right_logical3A_1318, %and3A_1320 : vector<16xi32>
      %add3A_1322 = arith.addi %sub3A_140, %and3A_1321 : vector<16xi32>
      %shift_right_logical3A_1323 = arith.constant 20 : i32
      %shift_right_logical3A_1324 = vector.broadcast %shift_right_logical3A_1323 : i32 to vector<16xi32>
      %shift_right_logical3A_1325 = arith.shrui %bitcast3A_1315, %shift_right_logical3A_1324 : vector<16xi32>
      %add3A_1326 = arith.addi %add3A_1322, %shift_right_logical3A_1325 : vector<16xi32>
      tpu.vector_store_idx %arg7[%add3A_1326], %broadcast_in_dim3A_10 {add = true} : memref<6144xf32, #tpu.memory_space<vmem>>[vector<16xi32>], vector<16xf32>,
      %slice3A_1327 = vector.extract_strided_slice %get3A_155 {offsets = [7], sizes = [1], strides = [1]} : vector<16xf32> to vector<1xf32>
      %squeeze3A_1328 = vector.extract %slice3A_1327[0] : f32 from vector<1xf32>
      %broadcast_in_dim3A_1329 = vector.broadcast %squeeze3A_1328 : f32 to vector<16xf32>
      %slice3A_1330 = vector.extract_strided_slice %get3A_157 {offsets = [7], sizes = [1], strides = [1]} : vector<16xf32> to vector<1xf32>
      %squeeze3A_1331 = vector.extract %slice3A_1330[0] : f32 from vector<1xf32>
      %broadcast_in_dim3A_1332 = vector.broadcast %squeeze3A_1331 : f32 to vector<16xf32>
      %sub3A_1333 = arith.subf %broadcast_in_dim3A_1329, %sub3A_16 : vector<16xf32>
      %sub3A_1334 = arith.subf %broadcast_in_dim3A_1332, %sub3A_21 : vector<16xf32>
      %max3A_1335 = arith.constant 8.000000e+00 : f32
      %max3A_1336 = vector.broadcast %max3A_1335 : f32 to vector<16xf32>
      %max3A_1337 = arith.maximumf %sub3A_1333, %max3A_1336 : vector<16xf32>
      %min3A_1338 = arith.constant 15.999999 : f32
      %min3A_1339 = vector.broadcast %min3A_1338 : f32 to vector<16xf32>
      %min3A_1340 = arith.minimumf %max3A_1337, %min3A_1339 : vector<16xf32>
      %max3A_1341 = arith.constant 8.000000e+00 : f32
      %max3A_1342 = vector.broadcast %max3A_1341 : f32 to vector<16xf32>
      %max3A_1343 = arith.maximumf %sub3A_1334, %max3A_1342 : vector<16xf32>
      %min3A_1344 = arith.constant 15.999999 : f32
      %min3A_1345 = vector.broadcast %min3A_1344 : f32 to vector<16xf32>
      %min3A_1346 = arith.minimumf %max3A_1343, %min3A_1345 : vector<16xf32>
      %bitcast3A_1347 = vector.bitcast %min3A_1340 : vector<16xf32> to vector<16xi32>
      %bitcast3A_1348 = vector.bitcast %min3A_1346 : vector<16xf32> to vector<16xi32>
      %shift_right_logical3A_1349 = arith.constant 17 : i32
      %shift_right_logical3A_1350 = vector.broadcast %shift_right_logical3A_1349 : i32 to vector<16xi32>
      %shift_right_logical3A_1351 = arith.shrui %bitcast3A_1347, %shift_right_logical3A_1350 : vector<16xi32>
      %and3A_1352 = arith.constant 56 : i32
      %and3A_1353 = vector.broadcast %and3A_1352 : i32 to vector<16xi32>
      %and3A_1354 = arith.andi %shift_right_logical3A_1351, %and3A_1353 : vector<16xi32>
      %add3A_1355 = arith.addi %sub3A_30, %and3A_1354 : vector<16xi32>
      %shift_right_logical3A_1356 = arith.constant 20 : i32
      %shift_right_logical3A_1357 = vector.broadcast %shift_right_logical3A_1356 : i32 to vector<16xi32>
      %shift_right_logical3A_1358 = arith.shrui %bitcast3A_1348, %shift_right_logical3A_1357 : vector<16xi32>
      %add3A_1359 = arith.addi %add3A_1355, %shift_right_logical3A_1358 : vector<16xi32>
      tpu.vector_store_idx %arg7[%add3A_1359], %broadcast_in_dim3A_10 {add = true} : memref<6144xf32, #tpu.memory_space<vmem>>[vector<16xi32>], vector<16xf32>,
      %sub3A_1360 = arith.subf %broadcast_in_dim3A_1329, %sub3A_38 : vector<16xf32>
      %sub3A_1361 = arith.subf %broadcast_in_dim3A_1332, %sub3A_43 : vector<16xf32>
      %max3A_1362 = arith.constant 8.000000e+00 : f32
      %max3A_1363 = vector.broadcast %max3A_1362 : f32 to vector<16xf32>
      %max3A_1364 = arith.maximumf %sub3A_1360, %max3A_1363 : vector<16xf32>
      %min3A_1365 = arith.constant 15.999999 : f32
      %min3A_1366 = vector.broadcast %min3A_1365 : f32 to vector<16xf32>
      %min3A_1367 = arith.minimumf %max3A_1364, %min3A_1366 : vector<16xf32>
      %max3A_1368 = arith.constant 8.000000e+00 : f32
      %max3A_1369 = vector.broadcast %max3A_1368 : f32 to vector<16xf32>
      %max3A_1370 = arith.maximumf %sub3A_1361, %max3A_1369 : vector<16xf32>
      %min3A_1371 = arith.constant 15.999999 : f32
      %min3A_1372 = vector.broadcast %min3A_1371 : f32 to vector<16xf32>
      %min3A_1373 = arith.minimumf %max3A_1370, %min3A_1372 : vector<16xf32>
      %bitcast3A_1374 = vector.bitcast %min3A_1367 : vector<16xf32> to vector<16xi32>
      %bitcast3A_1375 = vector.bitcast %min3A_1373 : vector<16xf32> to vector<16xi32>
      %shift_right_logical3A_1376 = arith.constant 17 : i32
      %shift_right_logical3A_1377 = vector.broadcast %shift_right_logical3A_1376 : i32 to vector<16xi32>
      %shift_right_logical3A_1378 = arith.shrui %bitcast3A_1374, %shift_right_logical3A_1377 : vector<16xi32>
      %and3A_1379 = arith.constant 56 : i32
      %and3A_1380 = vector.broadcast %and3A_1379 : i32 to vector<16xi32>
      %and3A_1381 = arith.andi %shift_right_logical3A_1378, %and3A_1380 : vector<16xi32>
      %add3A_1382 = arith.addi %sub3A_52, %and3A_1381 : vector<16xi32>
      %shift_right_logical3A_1383 = arith.constant 20 : i32
      %shift_right_logical3A_1384 = vector.broadcast %shift_right_logical3A_1383 : i32 to vector<16xi32>
      %shift_right_logical3A_1385 = arith.shrui %bitcast3A_1375, %shift_right_logical3A_1384 : vector<16xi32>
      %add3A_1386 = arith.addi %add3A_1382, %shift_right_logical3A_1385 : vector<16xi32>
      tpu.vector_store_idx %arg7[%add3A_1386], %broadcast_in_dim3A_10 {add = true} : memref<6144xf32, #tpu.memory_space<vmem>>[vector<16xi32>], vector<16xf32>,
      %sub3A_1387 = arith.subf %broadcast_in_dim3A_1329, %sub3A_60 : vector<16xf32>
      %sub3A_1388 = arith.subf %broadcast_in_dim3A_1332, %sub3A_65 : vector<16xf32>
      %max3A_1389 = arith.constant 8.000000e+00 : f32
      %max3A_1390 = vector.broadcast %max3A_1389 : f32 to vector<16xf32>
      %max3A_1391 = arith.maximumf %sub3A_1387, %max3A_1390 : vector<16xf32>
      %min3A_1392 = arith.constant 15.999999 : f32
      %min3A_1393 = vector.broadcast %min3A_1392 : f32 to vector<16xf32>
      %min3A_1394 = arith.minimumf %max3A_1391, %min3A_1393 : vector<16xf32>
      %max3A_1395 = arith.constant 8.000000e+00 : f32
      %max3A_1396 = vector.broadcast %max3A_1395 : f32 to vector<16xf32>
      %max3A_1397 = arith.maximumf %sub3A_1388, %max3A_1396 : vector<16xf32>
      %min3A_1398 = arith.constant 15.999999 : f32
      %min3A_1399 = vector.broadcast %min3A_1398 : f32 to vector<16xf32>
      %min3A_1400 = arith.minimumf %max3A_1397, %min3A_1399 : vector<16xf32>
      %bitcast3A_1401 = vector.bitcast %min3A_1394 : vector<16xf32> to vector<16xi32>
      %bitcast3A_1402 = vector.bitcast %min3A_1400 : vector<16xf32> to vector<16xi32>
      %shift_right_logical3A_1403 = arith.constant 17 : i32
      %shift_right_logical3A_1404 = vector.broadcast %shift_right_logical3A_1403 : i32 to vector<16xi32>
      %shift_right_logical3A_1405 = arith.shrui %bitcast3A_1401, %shift_right_logical3A_1404 : vector<16xi32>
      %and3A_1406 = arith.constant 56 : i32
      %and3A_1407 = vector.broadcast %and3A_1406 : i32 to vector<16xi32>
      %and3A_1408 = arith.andi %shift_right_logical3A_1405, %and3A_1407 : vector<16xi32>
      %add3A_1409 = arith.addi %sub3A_74, %and3A_1408 : vector<16xi32>
      %shift_right_logical3A_1410 = arith.constant 20 : i32
      %shift_right_logical3A_1411 = vector.broadcast %shift_right_logical3A_1410 : i32 to vector<16xi32>
      %shift_right_logical3A_1412 = arith.shrui %bitcast3A_1402, %shift_right_logical3A_1411 : vector<16xi32>
      %add3A_1413 = arith.addi %add3A_1409, %shift_right_logical3A_1412 : vector<16xi32>
      tpu.vector_store_idx %arg7[%add3A_1413], %broadcast_in_dim3A_10 {add = true} : memref<6144xf32, #tpu.memory_space<vmem>>[vector<16xi32>], vector<16xf32>,
      %sub3A_1414 = arith.subf %broadcast_in_dim3A_1329, %sub3A_82 : vector<16xf32>
      %sub3A_1415 = arith.subf %broadcast_in_dim3A_1332, %sub3A_87 : vector<16xf32>
      %max3A_1416 = arith.constant 8.000000e+00 : f32
      %max3A_1417 = vector.broadcast %max3A_1416 : f32 to vector<16xf32>
      %max3A_1418 = arith.maximumf %sub3A_1414, %max3A_1417 : vector<16xf32>
      %min3A_1419 = arith.constant 15.999999 : f32
      %min3A_1420 = vector.broadcast %min3A_1419 : f32 to vector<16xf32>
      %min3A_1421 = arith.minimumf %max3A_1418, %min3A_1420 : vector<16xf32>
      %max3A_1422 = arith.constant 8.000000e+00 : f32
      %max3A_1423 = vector.broadcast %max3A_1422 : f32 to vector<16xf32>
      %max3A_1424 = arith.maximumf %sub3A_1415, %max3A_1423 : vector<16xf32>
      %min3A_1425 = arith.constant 15.999999 : f32
      %min3A_1426 = vector.broadcast %min3A_1425 : f32 to vector<16xf32>
      %min3A_1427 = arith.minimumf %max3A_1424, %min3A_1426 : vector<16xf32>
      %bitcast3A_1428 = vector.bitcast %min3A_1421 : vector<16xf32> to vector<16xi32>
      %bitcast3A_1429 = vector.bitcast %min3A_1427 : vector<16xf32> to vector<16xi32>
      %shift_right_logical3A_1430 = arith.constant 17 : i32
      %shift_right_logical3A_1431 = vector.broadcast %shift_right_logical3A_1430 : i32 to vector<16xi32>
      %shift_right_logical3A_1432 = arith.shrui %bitcast3A_1428, %shift_right_logical3A_1431 : vector<16xi32>
      %and3A_1433 = arith.constant 56 : i32
      %and3A_1434 = vector.broadcast %and3A_1433 : i32 to vector<16xi32>
      %and3A_1435 = arith.andi %shift_right_logical3A_1432, %and3A_1434 : vector<16xi32>
      %add3A_1436 = arith.addi %sub3A_96, %and3A_1435 : vector<16xi32>
      %shift_right_logical3A_1437 = arith.constant 20 : i32
      %shift_right_logical3A_1438 = vector.broadcast %shift_right_logical3A_1437 : i32 to vector<16xi32>
      %shift_right_logical3A_1439 = arith.shrui %bitcast3A_1429, %shift_right_logical3A_1438 : vector<16xi32>
      %add3A_1440 = arith.addi %add3A_1436, %shift_right_logical3A_1439 : vector<16xi32>
      tpu.vector_store_idx %arg7[%add3A_1440], %broadcast_in_dim3A_10 {add = true} : memref<6144xf32, #tpu.memory_space<vmem>>[vector<16xi32>], vector<16xf32>,
      %sub3A_1441 = arith.subf %broadcast_in_dim3A_1329, %sub3A_104 : vector<16xf32>
      %sub3A_1442 = arith.subf %broadcast_in_dim3A_1332, %sub3A_109 : vector<16xf32>
      %max3A_1443 = arith.constant 8.000000e+00 : f32
      %max3A_1444 = vector.broadcast %max3A_1443 : f32 to vector<16xf32>
      %max3A_1445 = arith.maximumf %sub3A_1441, %max3A_1444 : vector<16xf32>
      %min3A_1446 = arith.constant 15.999999 : f32
      %min3A_1447 = vector.broadcast %min3A_1446 : f32 to vector<16xf32>
      %min3A_1448 = arith.minimumf %max3A_1445, %min3A_1447 : vector<16xf32>
      %max3A_1449 = arith.constant 8.000000e+00 : f32
      %max3A_1450 = vector.broadcast %max3A_1449 : f32 to vector<16xf32>
      %max3A_1451 = arith.maximumf %sub3A_1442, %max3A_1450 : vector<16xf32>
      %min3A_1452 = arith.constant 15.999999 : f32
      %min3A_1453 = vector.broadcast %min3A_1452 : f32 to vector<16xf32>
      %min3A_1454 = arith.minimumf %max3A_1451, %min3A_1453 : vector<16xf32>
      %bitcast3A_1455 = vector.bitcast %min3A_1448 : vector<16xf32> to vector<16xi32>
      %bitcast3A_1456 = vector.bitcast %min3A_1454 : vector<16xf32> to vector<16xi32>
      %shift_right_logical3A_1457 = arith.constant 17 : i32
      %shift_right_logical3A_1458 = vector.broadcast %shift_right_logical3A_1457 : i32 to vector<16xi32>
      %shift_right_logical3A_1459 = arith.shrui %bitcast3A_1455, %shift_right_logical3A_1458 : vector<16xi32>
      %and3A_1460 = arith.constant 56 : i32
      %and3A_1461 = vector.broadcast %and3A_1460 : i32 to vector<16xi32>
      %and3A_1462 = arith.andi %shift_right_logical3A_1459, %and3A_1461 : vector<16xi32>
      %add3A_1463 = arith.addi %sub3A_118, %and3A_1462 : vector<16xi32>
      %shift_right_logical3A_1464 = arith.constant 20 : i32
      %shift_right_logical3A_1465 = vector.broadcast %shift_right_logical3A_1464 : i32 to vector<16xi32>
      %shift_right_logical3A_1466 = arith.shrui %bitcast3A_1456, %shift_right_logical3A_1465 : vector<16xi32>
      %add3A_1467 = arith.addi %add3A_1463, %shift_right_logical3A_1466 : vector<16xi32>
      tpu.vector_store_idx %arg7[%add3A_1467], %broadcast_in_dim3A_10 {add = true} : memref<6144xf32, #tpu.memory_space<vmem>>[vector<16xi32>], vector<16xf32>,
      %sub3A_1468 = arith.subf %broadcast_in_dim3A_1329, %sub3A_126 : vector<16xf32>
      %sub3A_1469 = arith.subf %broadcast_in_dim3A_1332, %sub3A_131 : vector<16xf32>
      %max3A_1470 = arith.constant 8.000000e+00 : f32
      %max3A_1471 = vector.broadcast %max3A_1470 : f32 to vector<16xf32>
      %max3A_1472 = arith.maximumf %sub3A_1468, %max3A_1471 : vector<16xf32>
      %min3A_1473 = arith.constant 15.999999 : f32
      %min3A_1474 = vector.broadcast %min3A_1473 : f32 to vector<16xf32>
      %min3A_1475 = arith.minimumf %max3A_1472, %min3A_1474 : vector<16xf32>
      %max3A_1476 = arith.constant 8.000000e+00 : f32
      %max3A_1477 = vector.broadcast %max3A_1476 : f32 to vector<16xf32>
      %max3A_1478 = arith.maximumf %sub3A_1469, %max3A_1477 : vector<16xf32>
      %min3A_1479 = arith.constant 15.999999 : f32
      %min3A_1480 = vector.broadcast %min3A_1479 : f32 to vector<16xf32>
      %min3A_1481 = arith.minimumf %max3A_1478, %min3A_1480 : vector<16xf32>
      %bitcast3A_1482 = vector.bitcast %min3A_1475 : vector<16xf32> to vector<16xi32>
      %bitcast3A_1483 = vector.bitcast %min3A_1481 : vector<16xf32> to vector<16xi32>
      %shift_right_logical3A_1484 = arith.constant 17 : i32
      %shift_right_logical3A_1485 = vector.broadcast %shift_right_logical3A_1484 : i32 to vector<16xi32>
      %shift_right_logical3A_1486 = arith.shrui %bitcast3A_1482, %shift_right_logical3A_1485 : vector<16xi32>
      %and3A_1487 = arith.constant 56 : i32
      %and3A_1488 = vector.broadcast %and3A_1487 : i32 to vector<16xi32>
      %and3A_1489 = arith.andi %shift_right_logical3A_1486, %and3A_1488 : vector<16xi32>
      %add3A_1490 = arith.addi %sub3A_140, %and3A_1489 : vector<16xi32>
      %shift_right_logical3A_1491 = arith.constant 20 : i32
      %shift_right_logical3A_1492 = vector.broadcast %shift_right_logical3A_1491 : i32 to vector<16xi32>
      %shift_right_logical3A_1493 = arith.shrui %bitcast3A_1483, %shift_right_logical3A_1492 : vector<16xi32>
      %add3A_1494 = arith.addi %add3A_1490, %shift_right_logical3A_1493 : vector<16xi32>
      tpu.vector_store_idx %arg7[%add3A_1494], %broadcast_in_dim3A_10 {add = true} : memref<6144xf32, #tpu.memory_space<vmem>>[vector<16xi32>], vector<16xf32>,
      %slice3A_1495 = vector.extract_strided_slice %get3A_155 {offsets = [8], sizes = [1], strides = [1]} : vector<16xf32> to vector<1xf32>
      %squeeze3A_1496 = vector.extract %slice3A_1495[0] : f32 from vector<1xf32>
      %broadcast_in_dim3A_1497 = vector.broadcast %squeeze3A_1496 : f32 to vector<16xf32>
      %slice3A_1498 = vector.extract_strided_slice %get3A_157 {offsets = [8], sizes = [1], strides = [1]} : vector<16xf32> to vector<1xf32>
      %squeeze3A_1499 = vector.extract %slice3A_1498[0] : f32 from vector<1xf32>
      %broadcast_in_dim3A_1500 = vector.broadcast %squeeze3A_1499 : f32 to vector<16xf32>
      %sub3A_1501 = arith.subf %broadcast_in_dim3A_1497, %sub3A_16 : vector<16xf32>
      %sub3A_1502 = arith.subf %broadcast_in_dim3A_1500, %sub3A_21 : vector<16xf32>
      %max3A_1503 = arith.constant 8.000000e+00 : f32
      %max3A_1504 = vector.broadcast %max3A_1503 : f32 to vector<16xf32>
      %max3A_1505 = arith.maximumf %sub3A_1501, %max3A_1504 : vector<16xf32>
      %min3A_1506 = arith.constant 15.999999 : f32
      %min3A_1507 = vector.broadcast %min3A_1506 : f32 to vector<16xf32>
      %min3A_1508 = arith.minimumf %max3A_1505, %min3A_1507 : vector<16xf32>
      %max3A_1509 = arith.constant 8.000000e+00 : f32
      %max3A_1510 = vector.broadcast %max3A_1509 : f32 to vector<16xf32>
      %max3A_1511 = arith.maximumf %sub3A_1502, %max3A_1510 : vector<16xf32>
      %min3A_1512 = arith.constant 15.999999 : f32
      %min3A_1513 = vector.broadcast %min3A_1512 : f32 to vector<16xf32>
      %min3A_1514 = arith.minimumf %max3A_1511, %min3A_1513 : vector<16xf32>
      %bitcast3A_1515 = vector.bitcast %min3A_1508 : vector<16xf32> to vector<16xi32>
      %bitcast3A_1516 = vector.bitcast %min3A_1514 : vector<16xf32> to vector<16xi32>
      %shift_right_logical3A_1517 = arith.constant 17 : i32
      %shift_right_logical3A_1518 = vector.broadcast %shift_right_logical3A_1517 : i32 to vector<16xi32>
      %shift_right_logical3A_1519 = arith.shrui %bitcast3A_1515, %shift_right_logical3A_1518 : vector<16xi32>
      %and3A_1520 = arith.constant 56 : i32
      %and3A_1521 = vector.broadcast %and3A_1520 : i32 to vector<16xi32>
      %and3A_1522 = arith.andi %shift_right_logical3A_1519, %and3A_1521 : vector<16xi32>
      %add3A_1523 = arith.addi %sub3A_30, %and3A_1522 : vector<16xi32>
      %shift_right_logical3A_1524 = arith.constant 20 : i32
      %shift_right_logical3A_1525 = vector.broadcast %shift_right_logical3A_1524 : i32 to vector<16xi32>
      %shift_right_logical3A_1526 = arith.shrui %bitcast3A_1516, %shift_right_logical3A_1525 : vector<16xi32>
      %add3A_1527 = arith.addi %add3A_1523, %shift_right_logical3A_1526 : vector<16xi32>
      tpu.vector_store_idx %arg7[%add3A_1527], %broadcast_in_dim3A_10 {add = true} : memref<6144xf32, #tpu.memory_space<vmem>>[vector<16xi32>], vector<16xf32>,
      %sub3A_1528 = arith.subf %broadcast_in_dim3A_1497, %sub3A_38 : vector<16xf32>
      %sub3A_1529 = arith.subf %broadcast_in_dim3A_1500, %sub3A_43 : vector<16xf32>
      %max3A_1530 = arith.constant 8.000000e+00 : f32
      %max3A_1531 = vector.broadcast %max3A_1530 : f32 to vector<16xf32>
      %max3A_1532 = arith.maximumf %sub3A_1528, %max3A_1531 : vector<16xf32>
      %min3A_1533 = arith.constant 15.999999 : f32
      %min3A_1534 = vector.broadcast %min3A_1533 : f32 to vector<16xf32>
      %min3A_1535 = arith.minimumf %max3A_1532, %min3A_1534 : vector<16xf32>
      %max3A_1536 = arith.constant 8.000000e+00 : f32
      %max3A_1537 = vector.broadcast %max3A_1536 : f32 to vector<16xf32>
      %max3A_1538 = arith.maximumf %sub3A_1529, %max3A_1537 : vector<16xf32>
      %min3A_1539 = arith.constant 15.999999 : f32
      %min3A_1540 = vector.broadcast %min3A_1539 : f32 to vector<16xf32>
      %min3A_1541 = arith.minimumf %max3A_1538, %min3A_1540 : vector<16xf32>
      %bitcast3A_1542 = vector.bitcast %min3A_1535 : vector<16xf32> to vector<16xi32>
      %bitcast3A_1543 = vector.bitcast %min3A_1541 : vector<16xf32> to vector<16xi32>
      %shift_right_logical3A_1544 = arith.constant 17 : i32
      %shift_right_logical3A_1545 = vector.broadcast %shift_right_logical3A_1544 : i32 to vector<16xi32>
      %shift_right_logical3A_1546 = arith.shrui %bitcast3A_1542, %shift_right_logical3A_1545 : vector<16xi32>
      %and3A_1547 = arith.constant 56 : i32
      %and3A_1548 = vector.broadcast %and3A_1547 : i32 to vector<16xi32>
      %and3A_1549 = arith.andi %shift_right_logical3A_1546, %and3A_1548 : vector<16xi32>
      %add3A_1550 = arith.addi %sub3A_52, %and3A_1549 : vector<16xi32>
      %shift_right_logical3A_1551 = arith.constant 20 : i32
      %shift_right_logical3A_1552 = vector.broadcast %shift_right_logical3A_1551 : i32 to vector<16xi32>
      %shift_right_logical3A_1553 = arith.shrui %bitcast3A_1543, %shift_right_logical3A_1552 : vector<16xi32>
      %add3A_1554 = arith.addi %add3A_1550, %shift_right_logical3A_1553 : vector<16xi32>
      tpu.vector_store_idx %arg7[%add3A_1554], %broadcast_in_dim3A_10 {add = true} : memref<6144xf32, #tpu.memory_space<vmem>>[vector<16xi32>], vector<16xf32>,
      %sub3A_1555 = arith.subf %broadcast_in_dim3A_1497, %sub3A_60 : vector<16xf32>
      %sub3A_1556 = arith.subf %broadcast_in_dim3A_1500, %sub3A_65 : vector<16xf32>
      %max3A_1557 = arith.constant 8.000000e+00 : f32
      %max3A_1558 = vector.broadcast %max3A_1557 : f32 to vector<16xf32>
      %max3A_1559 = arith.maximumf %sub3A_1555, %max3A_1558 : vector<16xf32>
      %min3A_1560 = arith.constant 15.999999 : f32
      %min3A_1561 = vector.broadcast %min3A_1560 : f32 to vector<16xf32>
      %min3A_1562 = arith.minimumf %max3A_1559, %min3A_1561 : vector<16xf32>
      %max3A_1563 = arith.constant 8.000000e+00 : f32
      %max3A_1564 = vector.broadcast %max3A_1563 : f32 to vector<16xf32>
      %max3A_1565 = arith.maximumf %sub3A_1556, %max3A_1564 : vector<16xf32>
      %min3A_1566 = arith.constant 15.999999 : f32
      %min3A_1567 = vector.broadcast %min3A_1566 : f32 to vector<16xf32>
      %min3A_1568 = arith.minimumf %max3A_1565, %min3A_1567 : vector<16xf32>
      %bitcast3A_1569 = vector.bitcast %min3A_1562 : vector<16xf32> to vector<16xi32>
      %bitcast3A_1570 = vector.bitcast %min3A_1568 : vector<16xf32> to vector<16xi32>
      %shift_right_logical3A_1571 = arith.constant 17 : i32
      %shift_right_logical3A_1572 = vector.broadcast %shift_right_logical3A_1571 : i32 to vector<16xi32>
      %shift_right_logical3A_1573 = arith.shrui %bitcast3A_1569, %shift_right_logical3A_1572 : vector<16xi32>
      %and3A_1574 = arith.constant 56 : i32
      %and3A_1575 = vector.broadcast %and3A_1574 : i32 to vector<16xi32>
      %and3A_1576 = arith.andi %shift_right_logical3A_1573, %and3A_1575 : vector<16xi32>
      %add3A_1577 = arith.addi %sub3A_74, %and3A_1576 : vector<16xi32>
      %shift_right_logical3A_1578 = arith.constant 20 : i32
      %shift_right_logical3A_1579 = vector.broadcast %shift_right_logical3A_1578 : i32 to vector<16xi32>
      %shift_right_logical3A_1580 = arith.shrui %bitcast3A_1570, %shift_right_logical3A_1579 : vector<16xi32>
      %add3A_1581 = arith.addi %add3A_1577, %shift_right_logical3A_1580 : vector<16xi32>
      tpu.vector_store_idx %arg7[%add3A_1581], %broadcast_in_dim3A_10 {add = true} : memref<6144xf32, #tpu.memory_space<vmem>>[vector<16xi32>], vector<16xf32>,
      %sub3A_1582 = arith.subf %broadcast_in_dim3A_1497, %sub3A_82 : vector<16xf32>
      %sub3A_1583 = arith.subf %broadcast_in_dim3A_1500, %sub3A_87 : vector<16xf32>
      %max3A_1584 = arith.constant 8.000000e+00 : f32
      %max3A_1585 = vector.broadcast %max3A_1584 : f32 to vector<16xf32>
      %max3A_1586 = arith.maximumf %sub3A_1582, %max3A_1585 : vector<16xf32>
      %min3A_1587 = arith.constant 15.999999 : f32
      %min3A_1588 = vector.broadcast %min3A_1587 : f32 to vector<16xf32>
      %min3A_1589 = arith.minimumf %max3A_1586, %min3A_1588 : vector<16xf32>
      %max3A_1590 = arith.constant 8.000000e+00 : f32
      %max3A_1591 = vector.broadcast %max3A_1590 : f32 to vector<16xf32>
      %max3A_1592 = arith.maximumf %sub3A_1583, %max3A_1591 : vector<16xf32>
      %min3A_1593 = arith.constant 15.999999 : f32
      %min3A_1594 = vector.broadcast %min3A_1593 : f32 to vector<16xf32>
      %min3A_1595 = arith.minimumf %max3A_1592, %min3A_1594 : vector<16xf32>
      %bitcast3A_1596 = vector.bitcast %min3A_1589 : vector<16xf32> to vector<16xi32>
      %bitcast3A_1597 = vector.bitcast %min3A_1595 : vector<16xf32> to vector<16xi32>
      %shift_right_logical3A_1598 = arith.constant 17 : i32
      %shift_right_logical3A_1599 = vector.broadcast %shift_right_logical3A_1598 : i32 to vector<16xi32>
      %shift_right_logical3A_1600 = arith.shrui %bitcast3A_1596, %shift_right_logical3A_1599 : vector<16xi32>
      %and3A_1601 = arith.constant 56 : i32
      %and3A_1602 = vector.broadcast %and3A_1601 : i32 to vector<16xi32>
      %and3A_1603 = arith.andi %shift_right_logical3A_1600, %and3A_1602 : vector<16xi32>
      %add3A_1604 = arith.addi %sub3A_96, %and3A_1603 : vector<16xi32>
      %shift_right_logical3A_1605 = arith.constant 20 : i32
      %shift_right_logical3A_1606 = vector.broadcast %shift_right_logical3A_1605 : i32 to vector<16xi32>
      %shift_right_logical3A_1607 = arith.shrui %bitcast3A_1597, %shift_right_logical3A_1606 : vector<16xi32>
      %add3A_1608 = arith.addi %add3A_1604, %shift_right_logical3A_1607 : vector<16xi32>
      tpu.vector_store_idx %arg7[%add3A_1608], %broadcast_in_dim3A_10 {add = true} : memref<6144xf32, #tpu.memory_space<vmem>>[vector<16xi32>], vector<16xf32>,
      %sub3A_1609 = arith.subf %broadcast_in_dim3A_1497, %sub3A_104 : vector<16xf32>
      %sub3A_1610 = arith.subf %broadcast_in_dim3A_1500, %sub3A_109 : vector<16xf32>
      %max3A_1611 = arith.constant 8.000000e+00 : f32
      %max3A_1612 = vector.broadcast %max3A_1611 : f32 to vector<16xf32>
      %max3A_1613 = arith.maximumf %sub3A_1609, %max3A_1612 : vector<16xf32>
      %min3A_1614 = arith.constant 15.999999 : f32
      %min3A_1615 = vector.broadcast %min3A_1614 : f32 to vector<16xf32>
      %min3A_1616 = arith.minimumf %max3A_1613, %min3A_1615 : vector<16xf32>
      %max3A_1617 = arith.constant 8.000000e+00 : f32
      %max3A_1618 = vector.broadcast %max3A_1617 : f32 to vector<16xf32>
      %max3A_1619 = arith.maximumf %sub3A_1610, %max3A_1618 : vector<16xf32>
      %min3A_1620 = arith.constant 15.999999 : f32
      %min3A_1621 = vector.broadcast %min3A_1620 : f32 to vector<16xf32>
      %min3A_1622 = arith.minimumf %max3A_1619, %min3A_1621 : vector<16xf32>
      %bitcast3A_1623 = vector.bitcast %min3A_1616 : vector<16xf32> to vector<16xi32>
      %bitcast3A_1624 = vector.bitcast %min3A_1622 : vector<16xf32> to vector<16xi32>
      %shift_right_logical3A_1625 = arith.constant 17 : i32
      %shift_right_logical3A_1626 = vector.broadcast %shift_right_logical3A_1625 : i32 to vector<16xi32>
      %shift_right_logical3A_1627 = arith.shrui %bitcast3A_1623, %shift_right_logical3A_1626 : vector<16xi32>
      %and3A_1628 = arith.constant 56 : i32
      %and3A_1629 = vector.broadcast %and3A_1628 : i32 to vector<16xi32>
      %and3A_1630 = arith.andi %shift_right_logical3A_1627, %and3A_1629 : vector<16xi32>
      %add3A_1631 = arith.addi %sub3A_118, %and3A_1630 : vector<16xi32>
      %shift_right_logical3A_1632 = arith.constant 20 : i32
      %shift_right_logical3A_1633 = vector.broadcast %shift_right_logical3A_1632 : i32 to vector<16xi32>
      %shift_right_logical3A_1634 = arith.shrui %bitcast3A_1624, %shift_right_logical3A_1633 : vector<16xi32>
      %add3A_1635 = arith.addi %add3A_1631, %shift_right_logical3A_1634 : vector<16xi32>
      tpu.vector_store_idx %arg7[%add3A_1635], %broadcast_in_dim3A_10 {add = true} : memref<6144xf32, #tpu.memory_space<vmem>>[vector<16xi32>], vector<16xf32>,
      %sub3A_1636 = arith.subf %broadcast_in_dim3A_1497, %sub3A_126 : vector<16xf32>
      %sub3A_1637 = arith.subf %broadcast_in_dim3A_1500, %sub3A_131 : vector<16xf32>
      %max3A_1638 = arith.constant 8.000000e+00 : f32
      %max3A_1639 = vector.broadcast %max3A_1638 : f32 to vector<16xf32>
      %max3A_1640 = arith.maximumf %sub3A_1636, %max3A_1639 : vector<16xf32>
      %min3A_1641 = arith.constant 15.999999 : f32
      %min3A_1642 = vector.broadcast %min3A_1641 : f32 to vector<16xf32>
      %min3A_1643 = arith.minimumf %max3A_1640, %min3A_1642 : vector<16xf32>
      %max3A_1644 = arith.constant 8.000000e+00 : f32
      %max3A_1645 = vector.broadcast %max3A_1644 : f32 to vector<16xf32>
      %max3A_1646 = arith.maximumf %sub3A_1637, %max3A_1645 : vector<16xf32>
      %min3A_1647 = arith.constant 15.999999 : f32
      %min3A_1648 = vector.broadcast %min3A_1647 : f32 to vector<16xf32>
      %min3A_1649 = arith.minimumf %max3A_1646, %min3A_1648 : vector<16xf32>
      %bitcast3A_1650 = vector.bitcast %min3A_1643 : vector<16xf32> to vector<16xi32>
      %bitcast3A_1651 = vector.bitcast %min3A_1649 : vector<16xf32> to vector<16xi32>
      %shift_right_logical3A_1652 = arith.constant 17 : i32
      %shift_right_logical3A_1653 = vector.broadcast %shift_right_logical3A_1652 : i32 to vector<16xi32>
      %shift_right_logical3A_1654 = arith.shrui %bitcast3A_1650, %shift_right_logical3A_1653 : vector<16xi32>
      %and3A_1655 = arith.constant 56 : i32
      %and3A_1656 = vector.broadcast %and3A_1655 : i32 to vector<16xi32>
      %and3A_1657 = arith.andi %shift_right_logical3A_1654, %and3A_1656 : vector<16xi32>
      %add3A_1658 = arith.addi %sub3A_140, %and3A_1657 : vector<16xi32>
      %shift_right_logical3A_1659 = arith.constant 20 : i32
      %shift_right_logical3A_1660 = vector.broadcast %shift_right_logical3A_1659 : i32 to vector<16xi32>
      %shift_right_logical3A_1661 = arith.shrui %bitcast3A_1651, %shift_right_logical3A_1660 : vector<16xi32>
      %add3A_1662 = arith.addi %add3A_1658, %shift_right_logical3A_1661 : vector<16xi32>
      tpu.vector_store_idx %arg7[%add3A_1662], %broadcast_in_dim3A_10 {add = true} : memref<6144xf32, #tpu.memory_space<vmem>>[vector<16xi32>], vector<16xf32>,
      %slice3A_1663 = vector.extract_strided_slice %get3A_155 {offsets = [9], sizes = [1], strides = [1]} : vector<16xf32> to vector<1xf32>
      %squeeze3A_1664 = vector.extract %slice3A_1663[0] : f32 from vector<1xf32>
      %broadcast_in_dim3A_1665 = vector.broadcast %squeeze3A_1664 : f32 to vector<16xf32>
      %slice3A_1666 = vector.extract_strided_slice %get3A_157 {offsets = [9], sizes = [1], strides = [1]} : vector<16xf32> to vector<1xf32>
      %squeeze3A_1667 = vector.extract %slice3A_1666[0] : f32 from vector<1xf32>
      %broadcast_in_dim3A_1668 = vector.broadcast %squeeze3A_1667 : f32 to vector<16xf32>
      %sub3A_1669 = arith.subf %broadcast_in_dim3A_1665, %sub3A_16 : vector<16xf32>
      %sub3A_1670 = arith.subf %broadcast_in_dim3A_1668, %sub3A_21 : vector<16xf32>
      %max3A_1671 = arith.constant 8.000000e+00 : f32
      %max3A_1672 = vector.broadcast %max3A_1671 : f32 to vector<16xf32>
      %max3A_1673 = arith.maximumf %sub3A_1669, %max3A_1672 : vector<16xf32>
      %min3A_1674 = arith.constant 15.999999 : f32
      %min3A_1675 = vector.broadcast %min3A_1674 : f32 to vector<16xf32>
      %min3A_1676 = arith.minimumf %max3A_1673, %min3A_1675 : vector<16xf32>
      %max3A_1677 = arith.constant 8.000000e+00 : f32
      %max3A_1678 = vector.broadcast %max3A_1677 : f32 to vector<16xf32>
      %max3A_1679 = arith.maximumf %sub3A_1670, %max3A_1678 : vector<16xf32>
      %min3A_1680 = arith.constant 15.999999 : f32
      %min3A_1681 = vector.broadcast %min3A_1680 : f32 to vector<16xf32>
      %min3A_1682 = arith.minimumf %max3A_1679, %min3A_1681 : vector<16xf32>
      %bitcast3A_1683 = vector.bitcast %min3A_1676 : vector<16xf32> to vector<16xi32>
      %bitcast3A_1684 = vector.bitcast %min3A_1682 : vector<16xf32> to vector<16xi32>
      %shift_right_logical3A_1685 = arith.constant 17 : i32
      %shift_right_logical3A_1686 = vector.broadcast %shift_right_logical3A_1685 : i32 to vector<16xi32>
      %shift_right_logical3A_1687 = arith.shrui %bitcast3A_1683, %shift_right_logical3A_1686 : vector<16xi32>
      %and3A_1688 = arith.constant 56 : i32
      %and3A_1689 = vector.broadcast %and3A_1688 : i32 to vector<16xi32>
      %and3A_1690 = arith.andi %shift_right_logical3A_1687, %and3A_1689 : vector<16xi32>
      %add3A_1691 = arith.addi %sub3A_30, %and3A_1690 : vector<16xi32>
      %shift_right_logical3A_1692 = arith.constant 20 : i32
      %shift_right_logical3A_1693 = vector.broadcast %shift_right_logical3A_1692 : i32 to vector<16xi32>
      %shift_right_logical3A_1694 = arith.shrui %bitcast3A_1684, %shift_right_logical3A_1693 : vector<16xi32>
      %add3A_1695 = arith.addi %add3A_1691, %shift_right_logical3A_1694 : vector<16xi32>
      tpu.vector_store_idx %arg7[%add3A_1695], %broadcast_in_dim3A_10 {add = true} : memref<6144xf32, #tpu.memory_space<vmem>>[vector<16xi32>], vector<16xf32>,
      %sub3A_1696 = arith.subf %broadcast_in_dim3A_1665, %sub3A_38 : vector<16xf32>
      %sub3A_1697 = arith.subf %broadcast_in_dim3A_1668, %sub3A_43 : vector<16xf32>
      %max3A_1698 = arith.constant 8.000000e+00 : f32
      %max3A_1699 = vector.broadcast %max3A_1698 : f32 to vector<16xf32>
      %max3A_1700 = arith.maximumf %sub3A_1696, %max3A_1699 : vector<16xf32>
      %min3A_1701 = arith.constant 15.999999 : f32
      %min3A_1702 = vector.broadcast %min3A_1701 : f32 to vector<16xf32>
      %min3A_1703 = arith.minimumf %max3A_1700, %min3A_1702 : vector<16xf32>
      %max3A_1704 = arith.constant 8.000000e+00 : f32
      %max3A_1705 = vector.broadcast %max3A_1704 : f32 to vector<16xf32>
      %max3A_1706 = arith.maximumf %sub3A_1697, %max3A_1705 : vector<16xf32>
      %min3A_1707 = arith.constant 15.999999 : f32
      %min3A_1708 = vector.broadcast %min3A_1707 : f32 to vector<16xf32>
      %min3A_1709 = arith.minimumf %max3A_1706, %min3A_1708 : vector<16xf32>
      %bitcast3A_1710 = vector.bitcast %min3A_1703 : vector<16xf32> to vector<16xi32>
      %bitcast3A_1711 = vector.bitcast %min3A_1709 : vector<16xf32> to vector<16xi32>
      %shift_right_logical3A_1712 = arith.constant 17 : i32
      %shift_right_logical3A_1713 = vector.broadcast %shift_right_logical3A_1712 : i32 to vector<16xi32>
      %shift_right_logical3A_1714 = arith.shrui %bitcast3A_1710, %shift_right_logical3A_1713 : vector<16xi32>
      %and3A_1715 = arith.constant 56 : i32
      %and3A_1716 = vector.broadcast %and3A_1715 : i32 to vector<16xi32>
      %and3A_1717 = arith.andi %shift_right_logical3A_1714, %and3A_1716 : vector<16xi32>
      %add3A_1718 = arith.addi %sub3A_52, %and3A_1717 : vector<16xi32>
      %shift_right_logical3A_1719 = arith.constant 20 : i32
      %shift_right_logical3A_1720 = vector.broadcast %shift_right_logical3A_1719 : i32 to vector<16xi32>
      %shift_right_logical3A_1721 = arith.shrui %bitcast3A_1711, %shift_right_logical3A_1720 : vector<16xi32>
      %add3A_1722 = arith.addi %add3A_1718, %shift_right_logical3A_1721 : vector<16xi32>
      tpu.vector_store_idx %arg7[%add3A_1722], %broadcast_in_dim3A_10 {add = true} : memref<6144xf32, #tpu.memory_space<vmem>>[vector<16xi32>], vector<16xf32>,
      %sub3A_1723 = arith.subf %broadcast_in_dim3A_1665, %sub3A_60 : vector<16xf32>
      %sub3A_1724 = arith.subf %broadcast_in_dim3A_1668, %sub3A_65 : vector<16xf32>
      %max3A_1725 = arith.constant 8.000000e+00 : f32
      %max3A_1726 = vector.broadcast %max3A_1725 : f32 to vector<16xf32>
      %max3A_1727 = arith.maximumf %sub3A_1723, %max3A_1726 : vector<16xf32>
      %min3A_1728 = arith.constant 15.999999 : f32
      %min3A_1729 = vector.broadcast %min3A_1728 : f32 to vector<16xf32>
      %min3A_1730 = arith.minimumf %max3A_1727, %min3A_1729 : vector<16xf32>
      %max3A_1731 = arith.constant 8.000000e+00 : f32
      %max3A_1732 = vector.broadcast %max3A_1731 : f32 to vector<16xf32>
      %max3A_1733 = arith.maximumf %sub3A_1724, %max3A_1732 : vector<16xf32>
      %min3A_1734 = arith.constant 15.999999 : f32
      %min3A_1735 = vector.broadcast %min3A_1734 : f32 to vector<16xf32>
      %min3A_1736 = arith.minimumf %max3A_1733, %min3A_1735 : vector<16xf32>
      %bitcast3A_1737 = vector.bitcast %min3A_1730 : vector<16xf32> to vector<16xi32>
      %bitcast3A_1738 = vector.bitcast %min3A_1736 : vector<16xf32> to vector<16xi32>
      %shift_right_logical3A_1739 = arith.constant 17 : i32
      %shift_right_logical3A_1740 = vector.broadcast %shift_right_logical3A_1739 : i32 to vector<16xi32>
      %shift_right_logical3A_1741 = arith.shrui %bitcast3A_1737, %shift_right_logical3A_1740 : vector<16xi32>
      %and3A_1742 = arith.constant 56 : i32
      %and3A_1743 = vector.broadcast %and3A_1742 : i32 to vector<16xi32>
      %and3A_1744 = arith.andi %shift_right_logical3A_1741, %and3A_1743 : vector<16xi32>
      %add3A_1745 = arith.addi %sub3A_74, %and3A_1744 : vector<16xi32>
      %shift_right_logical3A_1746 = arith.constant 20 : i32
      %shift_right_logical3A_1747 = vector.broadcast %shift_right_logical3A_1746 : i32 to vector<16xi32>
      %shift_right_logical3A_1748 = arith.shrui %bitcast3A_1738, %shift_right_logical3A_1747 : vector<16xi32>
      %add3A_1749 = arith.addi %add3A_1745, %shift_right_logical3A_1748 : vector<16xi32>
      tpu.vector_store_idx %arg7[%add3A_1749], %broadcast_in_dim3A_10 {add = true} : memref<6144xf32, #tpu.memory_space<vmem>>[vector<16xi32>], vector<16xf32>,
      %sub3A_1750 = arith.subf %broadcast_in_dim3A_1665, %sub3A_82 : vector<16xf32>
      %sub3A_1751 = arith.subf %broadcast_in_dim3A_1668, %sub3A_87 : vector<16xf32>
      %max3A_1752 = arith.constant 8.000000e+00 : f32
      %max3A_1753 = vector.broadcast %max3A_1752 : f32 to vector<16xf32>
      %max3A_1754 = arith.maximumf %sub3A_1750, %max3A_1753 : vector<16xf32>
      %min3A_1755 = arith.constant 15.999999 : f32
      %min3A_1756 = vector.broadcast %min3A_1755 : f32 to vector<16xf32>
      %min3A_1757 = arith.minimumf %max3A_1754, %min3A_1756 : vector<16xf32>
      %max3A_1758 = arith.constant 8.000000e+00 : f32
      %max3A_1759 = vector.broadcast %max3A_1758 : f32 to vector<16xf32>
      %max3A_1760 = arith.maximumf %sub3A_1751, %max3A_1759 : vector<16xf32>
      %min3A_1761 = arith.constant 15.999999 : f32
      %min3A_1762 = vector.broadcast %min3A_1761 : f32 to vector<16xf32>
      %min3A_1763 = arith.minimumf %max3A_1760, %min3A_1762 : vector<16xf32>
      %bitcast3A_1764 = vector.bitcast %min3A_1757 : vector<16xf32> to vector<16xi32>
      %bitcast3A_1765 = vector.bitcast %min3A_1763 : vector<16xf32> to vector<16xi32>
      %shift_right_logical3A_1766 = arith.constant 17 : i32
      %shift_right_logical3A_1767 = vector.broadcast %shift_right_logical3A_1766 : i32 to vector<16xi32>
      %shift_right_logical3A_1768 = arith.shrui %bitcast3A_1764, %shift_right_logical3A_1767 : vector<16xi32>
      %and3A_1769 = arith.constant 56 : i32
      %and3A_1770 = vector.broadcast %and3A_1769 : i32 to vector<16xi32>
      %and3A_1771 = arith.andi %shift_right_logical3A_1768, %and3A_1770 : vector<16xi32>
      %add3A_1772 = arith.addi %sub3A_96, %and3A_1771 : vector<16xi32>
      %shift_right_logical3A_1773 = arith.constant 20 : i32
      %shift_right_logical3A_1774 = vector.broadcast %shift_right_logical3A_1773 : i32 to vector<16xi32>
      %shift_right_logical3A_1775 = arith.shrui %bitcast3A_1765, %shift_right_logical3A_1774 : vector<16xi32>
      %add3A_1776 = arith.addi %add3A_1772, %shift_right_logical3A_1775 : vector<16xi32>
      tpu.vector_store_idx %arg7[%add3A_1776], %broadcast_in_dim3A_10 {add = true} : memref<6144xf32, #tpu.memory_space<vmem>>[vector<16xi32>], vector<16xf32>,
      %sub3A_1777 = arith.subf %broadcast_in_dim3A_1665, %sub3A_104 : vector<16xf32>
      %sub3A_1778 = arith.subf %broadcast_in_dim3A_1668, %sub3A_109 : vector<16xf32>
      %max3A_1779 = arith.constant 8.000000e+00 : f32
      %max3A_1780 = vector.broadcast %max3A_1779 : f32 to vector<16xf32>
      %max3A_1781 = arith.maximumf %sub3A_1777, %max3A_1780 : vector<16xf32>
      %min3A_1782 = arith.constant 15.999999 : f32
      %min3A_1783 = vector.broadcast %min3A_1782 : f32 to vector<16xf32>
      %min3A_1784 = arith.minimumf %max3A_1781, %min3A_1783 : vector<16xf32>
      %max3A_1785 = arith.constant 8.000000e+00 : f32
      %max3A_1786 = vector.broadcast %max3A_1785 : f32 to vector<16xf32>
      %max3A_1787 = arith.maximumf %sub3A_1778, %max3A_1786 : vector<16xf32>
      %min3A_1788 = arith.constant 15.999999 : f32
      %min3A_1789 = vector.broadcast %min3A_1788 : f32 to vector<16xf32>
      %min3A_1790 = arith.minimumf %max3A_1787, %min3A_1789 : vector<16xf32>
      %bitcast3A_1791 = vector.bitcast %min3A_1784 : vector<16xf32> to vector<16xi32>
      %bitcast3A_1792 = vector.bitcast %min3A_1790 : vector<16xf32> to vector<16xi32>
      %shift_right_logical3A_1793 = arith.constant 17 : i32
      %shift_right_logical3A_1794 = vector.broadcast %shift_right_logical3A_1793 : i32 to vector<16xi32>
      %shift_right_logical3A_1795 = arith.shrui %bitcast3A_1791, %shift_right_logical3A_1794 : vector<16xi32>
      %and3A_1796 = arith.constant 56 : i32
      %and3A_1797 = vector.broadcast %and3A_1796 : i32 to vector<16xi32>
      %and3A_1798 = arith.andi %shift_right_logical3A_1795, %and3A_1797 : vector<16xi32>
      %add3A_1799 = arith.addi %sub3A_118, %and3A_1798 : vector<16xi32>
      %shift_right_logical3A_1800 = arith.constant 20 : i32
      %shift_right_logical3A_1801 = vector.broadcast %shift_right_logical3A_1800 : i32 to vector<16xi32>
      %shift_right_logical3A_1802 = arith.shrui %bitcast3A_1792, %shift_right_logical3A_1801 : vector<16xi32>
      %add3A_1803 = arith.addi %add3A_1799, %shift_right_logical3A_1802 : vector<16xi32>
      tpu.vector_store_idx %arg7[%add3A_1803], %broadcast_in_dim3A_10 {add = true} : memref<6144xf32, #tpu.memory_space<vmem>>[vector<16xi32>], vector<16xf32>,
      %sub3A_1804 = arith.subf %broadcast_in_dim3A_1665, %sub3A_126 : vector<16xf32>
      %sub3A_1805 = arith.subf %broadcast_in_dim3A_1668, %sub3A_131 : vector<16xf32>
      %max3A_1806 = arith.constant 8.000000e+00 : f32
      %max3A_1807 = vector.broadcast %max3A_1806 : f32 to vector<16xf32>
      %max3A_1808 = arith.maximumf %sub3A_1804, %max3A_1807 : vector<16xf32>
      %min3A_1809 = arith.constant 15.999999 : f32
      %min3A_1810 = vector.broadcast %min3A_1809 : f32 to vector<16xf32>
      %min3A_1811 = arith.minimumf %max3A_1808, %min3A_1810 : vector<16xf32>
      %max3A_1812 = arith.constant 8.000000e+00 : f32
      %max3A_1813 = vector.broadcast %max3A_1812 : f32 to vector<16xf32>
      %max3A_1814 = arith.maximumf %sub3A_1805, %max3A_1813 : vector<16xf32>
      %min3A_1815 = arith.constant 15.999999 : f32
      %min3A_1816 = vector.broadcast %min3A_1815 : f32 to vector<16xf32>
      %min3A_1817 = arith.minimumf %max3A_1814, %min3A_1816 : vector<16xf32>
      %bitcast3A_1818 = vector.bitcast %min3A_1811 : vector<16xf32> to vector<16xi32>
      %bitcast3A_1819 = vector.bitcast %min3A_1817 : vector<16xf32> to vector<16xi32>
      %shift_right_logical3A_1820 = arith.constant 17 : i32
      %shift_right_logical3A_1821 = vector.broadcast %shift_right_logical3A_1820 : i32 to vector<16xi32>
      %shift_right_logical3A_1822 = arith.shrui %bitcast3A_1818, %shift_right_logical3A_1821 : vector<16xi32>
      %and3A_1823 = arith.constant 56 : i32
      %and3A_1824 = vector.broadcast %and3A_1823 : i32 to vector<16xi32>
      %and3A_1825 = arith.andi %shift_right_logical3A_1822, %and3A_1824 : vector<16xi32>
      %add3A_1826 = arith.addi %sub3A_140, %and3A_1825 : vector<16xi32>
      %shift_right_logical3A_1827 = arith.constant 20 : i32
      %shift_right_logical3A_1828 = vector.broadcast %shift_right_logical3A_1827 : i32 to vector<16xi32>
      %shift_right_logical3A_1829 = arith.shrui %bitcast3A_1819, %shift_right_logical3A_1828 : vector<16xi32>
      %add3A_1830 = arith.addi %add3A_1826, %shift_right_logical3A_1829 : vector<16xi32>
      tpu.vector_store_idx %arg7[%add3A_1830], %broadcast_in_dim3A_10 {add = true} : memref<6144xf32, #tpu.memory_space<vmem>>[vector<16xi32>], vector<16xf32>,
      %slice3A_1831 = vector.extract_strided_slice %get3A_155 {offsets = [10], sizes = [1], strides = [1]} : vector<16xf32> to vector<1xf32>
      %squeeze3A_1832 = vector.extract %slice3A_1831[0] : f32 from vector<1xf32>
      %broadcast_in_dim3A_1833 = vector.broadcast %squeeze3A_1832 : f32 to vector<16xf32>
      %slice3A_1834 = vector.extract_strided_slice %get3A_157 {offsets = [10], sizes = [1], strides = [1]} : vector<16xf32> to vector<1xf32>
      %squeeze3A_1835 = vector.extract %slice3A_1834[0] : f32 from vector<1xf32>
      %broadcast_in_dim3A_1836 = vector.broadcast %squeeze3A_1835 : f32 to vector<16xf32>
      %sub3A_1837 = arith.subf %broadcast_in_dim3A_1833, %sub3A_16 : vector<16xf32>
      %sub3A_1838 = arith.subf %broadcast_in_dim3A_1836, %sub3A_21 : vector<16xf32>
      %max3A_1839 = arith.constant 8.000000e+00 : f32
      %max3A_1840 = vector.broadcast %max3A_1839 : f32 to vector<16xf32>
      %max3A_1841 = arith.maximumf %sub3A_1837, %max3A_1840 : vector<16xf32>
      %min3A_1842 = arith.constant 15.999999 : f32
      %min3A_1843 = vector.broadcast %min3A_1842 : f32 to vector<16xf32>
      %min3A_1844 = arith.minimumf %max3A_1841, %min3A_1843 : vector<16xf32>
      %max3A_1845 = arith.constant 8.000000e+00 : f32
      %max3A_1846 = vector.broadcast %max3A_1845 : f32 to vector<16xf32>
      %max3A_1847 = arith.maximumf %sub3A_1838, %max3A_1846 : vector<16xf32>
      %min3A_1848 = arith.constant 15.999999 : f32
      %min3A_1849 = vector.broadcast %min3A_1848 : f32 to vector<16xf32>
      %min3A_1850 = arith.minimumf %max3A_1847, %min3A_1849 : vector<16xf32>
      %bitcast3A_1851 = vector.bitcast %min3A_1844 : vector<16xf32> to vector<16xi32>
      %bitcast3A_1852 = vector.bitcast %min3A_1850 : vector<16xf32> to vector<16xi32>
      %shift_right_logical3A_1853 = arith.constant 17 : i32
      %shift_right_logical3A_1854 = vector.broadcast %shift_right_logical3A_1853 : i32 to vector<16xi32>
      %shift_right_logical3A_1855 = arith.shrui %bitcast3A_1851, %shift_right_logical3A_1854 : vector<16xi32>
      %and3A_1856 = arith.constant 56 : i32
      %and3A_1857 = vector.broadcast %and3A_1856 : i32 to vector<16xi32>
      %and3A_1858 = arith.andi %shift_right_logical3A_1855, %and3A_1857 : vector<16xi32>
      %add3A_1859 = arith.addi %sub3A_30, %and3A_1858 : vector<16xi32>
      %shift_right_logical3A_1860 = arith.constant 20 : i32
      %shift_right_logical3A_1861 = vector.broadcast %shift_right_logical3A_1860 : i32 to vector<16xi32>
      %shift_right_logical3A_1862 = arith.shrui %bitcast3A_1852, %shift_right_logical3A_1861 : vector<16xi32>
      %add3A_1863 = arith.addi %add3A_1859, %shift_right_logical3A_1862 : vector<16xi32>
      tpu.vector_store_idx %arg7[%add3A_1863], %broadcast_in_dim3A_10 {add = true} : memref<6144xf32, #tpu.memory_space<vmem>>[vector<16xi32>], vector<16xf32>,
      %sub3A_1864 = arith.subf %broadcast_in_dim3A_1833, %sub3A_38 : vector<16xf32>
      %sub3A_1865 = arith.subf %broadcast_in_dim3A_1836, %sub3A_43 : vector<16xf32>
      %max3A_1866 = arith.constant 8.000000e+00 : f32
      %max3A_1867 = vector.broadcast %max3A_1866 : f32 to vector<16xf32>
      %max3A_1868 = arith.maximumf %sub3A_1864, %max3A_1867 : vector<16xf32>
      %min3A_1869 = arith.constant 15.999999 : f32
      %min3A_1870 = vector.broadcast %min3A_1869 : f32 to vector<16xf32>
      %min3A_1871 = arith.minimumf %max3A_1868, %min3A_1870 : vector<16xf32>
      %max3A_1872 = arith.constant 8.000000e+00 : f32
      %max3A_1873 = vector.broadcast %max3A_1872 : f32 to vector<16xf32>
      %max3A_1874 = arith.maximumf %sub3A_1865, %max3A_1873 : vector<16xf32>
      %min3A_1875 = arith.constant 15.999999 : f32
      %min3A_1876 = vector.broadcast %min3A_1875 : f32 to vector<16xf32>
      %min3A_1877 = arith.minimumf %max3A_1874, %min3A_1876 : vector<16xf32>
      %bitcast3A_1878 = vector.bitcast %min3A_1871 : vector<16xf32> to vector<16xi32>
      %bitcast3A_1879 = vector.bitcast %min3A_1877 : vector<16xf32> to vector<16xi32>
      %shift_right_logical3A_1880 = arith.constant 17 : i32
      %shift_right_logical3A_1881 = vector.broadcast %shift_right_logical3A_1880 : i32 to vector<16xi32>
      %shift_right_logical3A_1882 = arith.shrui %bitcast3A_1878, %shift_right_logical3A_1881 : vector<16xi32>
      %and3A_1883 = arith.constant 56 : i32
      %and3A_1884 = vector.broadcast %and3A_1883 : i32 to vector<16xi32>
      %and3A_1885 = arith.andi %shift_right_logical3A_1882, %and3A_1884 : vector<16xi32>
      %add3A_1886 = arith.addi %sub3A_52, %and3A_1885 : vector<16xi32>
      %shift_right_logical3A_1887 = arith.constant 20 : i32
      %shift_right_logical3A_1888 = vector.broadcast %shift_right_logical3A_1887 : i32 to vector<16xi32>
      %shift_right_logical3A_1889 = arith.shrui %bitcast3A_1879, %shift_right_logical3A_1888 : vector<16xi32>
      %add3A_1890 = arith.addi %add3A_1886, %shift_right_logical3A_1889 : vector<16xi32>
      tpu.vector_store_idx %arg7[%add3A_1890], %broadcast_in_dim3A_10 {add = true} : memref<6144xf32, #tpu.memory_space<vmem>>[vector<16xi32>], vector<16xf32>,
      %sub3A_1891 = arith.subf %broadcast_in_dim3A_1833, %sub3A_60 : vector<16xf32>
      %sub3A_1892 = arith.subf %broadcast_in_dim3A_1836, %sub3A_65 : vector<16xf32>
      %max3A_1893 = arith.constant 8.000000e+00 : f32
      %max3A_1894 = vector.broadcast %max3A_1893 : f32 to vector<16xf32>
      %max3A_1895 = arith.maximumf %sub3A_1891, %max3A_1894 : vector<16xf32>
      %min3A_1896 = arith.constant 15.999999 : f32
      %min3A_1897 = vector.broadcast %min3A_1896 : f32 to vector<16xf32>
      %min3A_1898 = arith.minimumf %max3A_1895, %min3A_1897 : vector<16xf32>
      %max3A_1899 = arith.constant 8.000000e+00 : f32
      %max3A_1900 = vector.broadcast %max3A_1899 : f32 to vector<16xf32>
      %max3A_1901 = arith.maximumf %sub3A_1892, %max3A_1900 : vector<16xf32>
      %min3A_1902 = arith.constant 15.999999 : f32
      %min3A_1903 = vector.broadcast %min3A_1902 : f32 to vector<16xf32>
      %min3A_1904 = arith.minimumf %max3A_1901, %min3A_1903 : vector<16xf32>
      %bitcast3A_1905 = vector.bitcast %min3A_1898 : vector<16xf32> to vector<16xi32>
      %bitcast3A_1906 = vector.bitcast %min3A_1904 : vector<16xf32> to vector<16xi32>
      %shift_right_logical3A_1907 = arith.constant 17 : i32
      %shift_right_logical3A_1908 = vector.broadcast %shift_right_logical3A_1907 : i32 to vector<16xi32>
      %shift_right_logical3A_1909 = arith.shrui %bitcast3A_1905, %shift_right_logical3A_1908 : vector<16xi32>
      %and3A_1910 = arith.constant 56 : i32
      %and3A_1911 = vector.broadcast %and3A_1910 : i32 to vector<16xi32>
      %and3A_1912 = arith.andi %shift_right_logical3A_1909, %and3A_1911 : vector<16xi32>
      %add3A_1913 = arith.addi %sub3A_74, %and3A_1912 : vector<16xi32>
      %shift_right_logical3A_1914 = arith.constant 20 : i32
      %shift_right_logical3A_1915 = vector.broadcast %shift_right_logical3A_1914 : i32 to vector<16xi32>
      %shift_right_logical3A_1916 = arith.shrui %bitcast3A_1906, %shift_right_logical3A_1915 : vector<16xi32>
      %add3A_1917 = arith.addi %add3A_1913, %shift_right_logical3A_1916 : vector<16xi32>
      tpu.vector_store_idx %arg7[%add3A_1917], %broadcast_in_dim3A_10 {add = true} : memref<6144xf32, #tpu.memory_space<vmem>>[vector<16xi32>], vector<16xf32>,
      %sub3A_1918 = arith.subf %broadcast_in_dim3A_1833, %sub3A_82 : vector<16xf32>
      %sub3A_1919 = arith.subf %broadcast_in_dim3A_1836, %sub3A_87 : vector<16xf32>
      %max3A_1920 = arith.constant 8.000000e+00 : f32
      %max3A_1921 = vector.broadcast %max3A_1920 : f32 to vector<16xf32>
      %max3A_1922 = arith.maximumf %sub3A_1918, %max3A_1921 : vector<16xf32>
      %min3A_1923 = arith.constant 15.999999 : f32
      %min3A_1924 = vector.broadcast %min3A_1923 : f32 to vector<16xf32>
      %min3A_1925 = arith.minimumf %max3A_1922, %min3A_1924 : vector<16xf32>
      %max3A_1926 = arith.constant 8.000000e+00 : f32
      %max3A_1927 = vector.broadcast %max3A_1926 : f32 to vector<16xf32>
      %max3A_1928 = arith.maximumf %sub3A_1919, %max3A_1927 : vector<16xf32>
      %min3A_1929 = arith.constant 15.999999 : f32
      %min3A_1930 = vector.broadcast %min3A_1929 : f32 to vector<16xf32>
      %min3A_1931 = arith.minimumf %max3A_1928, %min3A_1930 : vector<16xf32>
      %bitcast3A_1932 = vector.bitcast %min3A_1925 : vector<16xf32> to vector<16xi32>
      %bitcast3A_1933 = vector.bitcast %min3A_1931 : vector<16xf32> to vector<16xi32>
      %shift_right_logical3A_1934 = arith.constant 17 : i32
      %shift_right_logical3A_1935 = vector.broadcast %shift_right_logical3A_1934 : i32 to vector<16xi32>
      %shift_right_logical3A_1936 = arith.shrui %bitcast3A_1932, %shift_right_logical3A_1935 : vector<16xi32>
      %and3A_1937 = arith.constant 56 : i32
      %and3A_1938 = vector.broadcast %and3A_1937 : i32 to vector<16xi32>
      %and3A_1939 = arith.andi %shift_right_logical3A_1936, %and3A_1938 : vector<16xi32>
      %add3A_1940 = arith.addi %sub3A_96, %and3A_1939 : vector<16xi32>
      %shift_right_logical3A_1941 = arith.constant 20 : i32
      %shift_right_logical3A_1942 = vector.broadcast %shift_right_logical3A_1941 : i32 to vector<16xi32>
      %shift_right_logical3A_1943 = arith.shrui %bitcast3A_1933, %shift_right_logical3A_1942 : vector<16xi32>
      %add3A_1944 = arith.addi %add3A_1940, %shift_right_logical3A_1943 : vector<16xi32>
      tpu.vector_store_idx %arg7[%add3A_1944], %broadcast_in_dim3A_10 {add = true} : memref<6144xf32, #tpu.memory_space<vmem>>[vector<16xi32>], vector<16xf32>,
      %sub3A_1945 = arith.subf %broadcast_in_dim3A_1833, %sub3A_104 : vector<16xf32>
      %sub3A_1946 = arith.subf %broadcast_in_dim3A_1836, %sub3A_109 : vector<16xf32>
      %max3A_1947 = arith.constant 8.000000e+00 : f32
      %max3A_1948 = vector.broadcast %max3A_1947 : f32 to vector<16xf32>
      %max3A_1949 = arith.maximumf %sub3A_1945, %max3A_1948 : vector<16xf32>
      %min3A_1950 = arith.constant 15.999999 : f32
      %min3A_1951 = vector.broadcast %min3A_1950 : f32 to vector<16xf32>
      %min3A_1952 = arith.minimumf %max3A_1949, %min3A_1951 : vector<16xf32>
      %max3A_1953 = arith.constant 8.000000e+00 : f32
      %max3A_1954 = vector.broadcast %max3A_1953 : f32 to vector<16xf32>
      %max3A_1955 = arith.maximumf %sub3A_1946, %max3A_1954 : vector<16xf32>
      %min3A_1956 = arith.constant 15.999999 : f32
      %min3A_1957 = vector.broadcast %min3A_1956 : f32 to vector<16xf32>
      %min3A_1958 = arith.minimumf %max3A_1955, %min3A_1957 : vector<16xf32>
      %bitcast3A_1959 = vector.bitcast %min3A_1952 : vector<16xf32> to vector<16xi32>
      %bitcast3A_1960 = vector.bitcast %min3A_1958 : vector<16xf32> to vector<16xi32>
      %shift_right_logical3A_1961 = arith.constant 17 : i32
      %shift_right_logical3A_1962 = vector.broadcast %shift_right_logical3A_1961 : i32 to vector<16xi32>
      %shift_right_logical3A_1963 = arith.shrui %bitcast3A_1959, %shift_right_logical3A_1962 : vector<16xi32>
      %and3A_1964 = arith.constant 56 : i32
      %and3A_1965 = vector.broadcast %and3A_1964 : i32 to vector<16xi32>
      %and3A_1966 = arith.andi %shift_right_logical3A_1963, %and3A_1965 : vector<16xi32>
      %add3A_1967 = arith.addi %sub3A_118, %and3A_1966 : vector<16xi32>
      %shift_right_logical3A_1968 = arith.constant 20 : i32
      %shift_right_logical3A_1969 = vector.broadcast %shift_right_logical3A_1968 : i32 to vector<16xi32>
      %shift_right_logical3A_1970 = arith.shrui %bitcast3A_1960, %shift_right_logical3A_1969 : vector<16xi32>
      %add3A_1971 = arith.addi %add3A_1967, %shift_right_logical3A_1970 : vector<16xi32>
      tpu.vector_store_idx %arg7[%add3A_1971], %broadcast_in_dim3A_10 {add = true} : memref<6144xf32, #tpu.memory_space<vmem>>[vector<16xi32>], vector<16xf32>,
      %sub3A_1972 = arith.subf %broadcast_in_dim3A_1833, %sub3A_126 : vector<16xf32>
      %sub3A_1973 = arith.subf %broadcast_in_dim3A_1836, %sub3A_131 : vector<16xf32>
      %max3A_1974 = arith.constant 8.000000e+00 : f32
      %max3A_1975 = vector.broadcast %max3A_1974 : f32 to vector<16xf32>
      %max3A_1976 = arith.maximumf %sub3A_1972, %max3A_1975 : vector<16xf32>
      %min3A_1977 = arith.constant 15.999999 : f32
      %min3A_1978 = vector.broadcast %min3A_1977 : f32 to vector<16xf32>
      %min3A_1979 = arith.minimumf %max3A_1976, %min3A_1978 : vector<16xf32>
      %max3A_1980 = arith.constant 8.000000e+00 : f32
      %max3A_1981 = vector.broadcast %max3A_1980 : f32 to vector<16xf32>
      %max3A_1982 = arith.maximumf %sub3A_1973, %max3A_1981 : vector<16xf32>
      %min3A_1983 = arith.constant 15.999999 : f32
      %min3A_1984 = vector.broadcast %min3A_1983 : f32 to vector<16xf32>
      %min3A_1985 = arith.minimumf %max3A_1982, %min3A_1984 : vector<16xf32>
      %bitcast3A_1986 = vector.bitcast %min3A_1979 : vector<16xf32> to vector<16xi32>
      %bitcast3A_1987 = vector.bitcast %min3A_1985 : vector<16xf32> to vector<16xi32>
      %shift_right_logical3A_1988 = arith.constant 17 : i32
      %shift_right_logical3A_1989 = vector.broadcast %shift_right_logical3A_1988 : i32 to vector<16xi32>
      %shift_right_logical3A_1990 = arith.shrui %bitcast3A_1986, %shift_right_logical3A_1989 : vector<16xi32>
      %and3A_1991 = arith.constant 56 : i32
      %and3A_1992 = vector.broadcast %and3A_1991 : i32 to vector<16xi32>
      %and3A_1993 = arith.andi %shift_right_logical3A_1990, %and3A_1992 : vector<16xi32>
      %add3A_1994 = arith.addi %sub3A_140, %and3A_1993 : vector<16xi32>
      %shift_right_logical3A_1995 = arith.constant 20 : i32
      %shift_right_logical3A_1996 = vector.broadcast %shift_right_logical3A_1995 : i32 to vector<16xi32>
      %shift_right_logical3A_1997 = arith.shrui %bitcast3A_1987, %shift_right_logical3A_1996 : vector<16xi32>
      %add3A_1998 = arith.addi %add3A_1994, %shift_right_logical3A_1997 : vector<16xi32>
      tpu.vector_store_idx %arg7[%add3A_1998], %broadcast_in_dim3A_10 {add = true} : memref<6144xf32, #tpu.memory_space<vmem>>[vector<16xi32>], vector<16xf32>,
      %slice3A_1999 = vector.extract_strided_slice %get3A_155 {offsets = [11], sizes = [1], strides = [1]} : vector<16xf32> to vector<1xf32>
      %squeeze3A_2000 = vector.extract %slice3A_1999[0] : f32 from vector<1xf32>
      %broadcast_in_dim3A_2001 = vector.broadcast %squeeze3A_2000 : f32 to vector<16xf32>
      %slice3A_2002 = vector.extract_strided_slice %get3A_157 {offsets = [11], sizes = [1], strides = [1]} : vector<16xf32> to vector<1xf32>
      %squeeze3A_2003 = vector.extract %slice3A_2002[0] : f32 from vector<1xf32>
      %broadcast_in_dim3A_2004 = vector.broadcast %squeeze3A_2003 : f32 to vector<16xf32>
      %sub3A_2005 = arith.subf %broadcast_in_dim3A_2001, %sub3A_16 : vector<16xf32>
      %sub3A_2006 = arith.subf %broadcast_in_dim3A_2004, %sub3A_21 : vector<16xf32>
      %max3A_2007 = arith.constant 8.000000e+00 : f32
      %max3A_2008 = vector.broadcast %max3A_2007 : f32 to vector<16xf32>
      %max3A_2009 = arith.maximumf %sub3A_2005, %max3A_2008 : vector<16xf32>
      %min3A_2010 = arith.constant 15.999999 : f32
      %min3A_2011 = vector.broadcast %min3A_2010 : f32 to vector<16xf32>
      %min3A_2012 = arith.minimumf %max3A_2009, %min3A_2011 : vector<16xf32>
      %max3A_2013 = arith.constant 8.000000e+00 : f32
      %max3A_2014 = vector.broadcast %max3A_2013 : f32 to vector<16xf32>
      %max3A_2015 = arith.maximumf %sub3A_2006, %max3A_2014 : vector<16xf32>
      %min3A_2016 = arith.constant 15.999999 : f32
      %min3A_2017 = vector.broadcast %min3A_2016 : f32 to vector<16xf32>
      %min3A_2018 = arith.minimumf %max3A_2015, %min3A_2017 : vector<16xf32>
      %bitcast3A_2019 = vector.bitcast %min3A_2012 : vector<16xf32> to vector<16xi32>
      %bitcast3A_2020 = vector.bitcast %min3A_2018 : vector<16xf32> to vector<16xi32>
      %shift_right_logical3A_2021 = arith.constant 17 : i32
      %shift_right_logical3A_2022 = vector.broadcast %shift_right_logical3A_2021 : i32 to vector<16xi32>
      %shift_right_logical3A_2023 = arith.shrui %bitcast3A_2019, %shift_right_logical3A_2022 : vector<16xi32>
      %and3A_2024 = arith.constant 56 : i32
      %and3A_2025 = vector.broadcast %and3A_2024 : i32 to vector<16xi32>
      %and3A_2026 = arith.andi %shift_right_logical3A_2023, %and3A_2025 : vector<16xi32>
      %add3A_2027 = arith.addi %sub3A_30, %and3A_2026 : vector<16xi32>
      %shift_right_logical3A_2028 = arith.constant 20 : i32
      %shift_right_logical3A_2029 = vector.broadcast %shift_right_logical3A_2028 : i32 to vector<16xi32>
      %shift_right_logical3A_2030 = arith.shrui %bitcast3A_2020, %shift_right_logical3A_2029 : vector<16xi32>
      %add3A_2031 = arith.addi %add3A_2027, %shift_right_logical3A_2030 : vector<16xi32>
      tpu.vector_store_idx %arg7[%add3A_2031], %broadcast_in_dim3A_10 {add = true} : memref<6144xf32, #tpu.memory_space<vmem>>[vector<16xi32>], vector<16xf32>,
      %sub3A_2032 = arith.subf %broadcast_in_dim3A_2001, %sub3A_38 : vector<16xf32>
      %sub3A_2033 = arith.subf %broadcast_in_dim3A_2004, %sub3A_43 : vector<16xf32>
      %max3A_2034 = arith.constant 8.000000e+00 : f32
      %max3A_2035 = vector.broadcast %max3A_2034 : f32 to vector<16xf32>
      %max3A_2036 = arith.maximumf %sub3A_2032, %max3A_2035 : vector<16xf32>
      %min3A_2037 = arith.constant 15.999999 : f32
      %min3A_2038 = vector.broadcast %min3A_2037 : f32 to vector<16xf32>
      %min3A_2039 = arith.minimumf %max3A_2036, %min3A_2038 : vector<16xf32>
      %max3A_2040 = arith.constant 8.000000e+00 : f32
      %max3A_2041 = vector.broadcast %max3A_2040 : f32 to vector<16xf32>
      %max3A_2042 = arith.maximumf %sub3A_2033, %max3A_2041 : vector<16xf32>
      %min3A_2043 = arith.constant 15.999999 : f32
      %min3A_2044 = vector.broadcast %min3A_2043 : f32 to vector<16xf32>
      %min3A_2045 = arith.minimumf %max3A_2042, %min3A_2044 : vector<16xf32>
      %bitcast3A_2046 = vector.bitcast %min3A_2039 : vector<16xf32> to vector<16xi32>
      %bitcast3A_2047 = vector.bitcast %min3A_2045 : vector<16xf32> to vector<16xi32>
      %shift_right_logical3A_2048 = arith.constant 17 : i32
      %shift_right_logical3A_2049 = vector.broadcast %shift_right_logical3A_2048 : i32 to vector<16xi32>
      %shift_right_logical3A_2050 = arith.shrui %bitcast3A_2046, %shift_right_logical3A_2049 : vector<16xi32>
      %and3A_2051 = arith.constant 56 : i32
      %and3A_2052 = vector.broadcast %and3A_2051 : i32 to vector<16xi32>
      %and3A_2053 = arith.andi %shift_right_logical3A_2050, %and3A_2052 : vector<16xi32>
      %add3A_2054 = arith.addi %sub3A_52, %and3A_2053 : vector<16xi32>
      %shift_right_logical3A_2055 = arith.constant 20 : i32
      %shift_right_logical3A_2056 = vector.broadcast %shift_right_logical3A_2055 : i32 to vector<16xi32>
      %shift_right_logical3A_2057 = arith.shrui %bitcast3A_2047, %shift_right_logical3A_2056 : vector<16xi32>
      %add3A_2058 = arith.addi %add3A_2054, %shift_right_logical3A_2057 : vector<16xi32>
      tpu.vector_store_idx %arg7[%add3A_2058], %broadcast_in_dim3A_10 {add = true} : memref<6144xf32, #tpu.memory_space<vmem>>[vector<16xi32>], vector<16xf32>,
      %sub3A_2059 = arith.subf %broadcast_in_dim3A_2001, %sub3A_60 : vector<16xf32>
      %sub3A_2060 = arith.subf %broadcast_in_dim3A_2004, %sub3A_65 : vector<16xf32>
      %max3A_2061 = arith.constant 8.000000e+00 : f32
      %max3A_2062 = vector.broadcast %max3A_2061 : f32 to vector<16xf32>
      %max3A_2063 = arith.maximumf %sub3A_2059, %max3A_2062 : vector<16xf32>
      %min3A_2064 = arith.constant 15.999999 : f32
      %min3A_2065 = vector.broadcast %min3A_2064 : f32 to vector<16xf32>
      %min3A_2066 = arith.minimumf %max3A_2063, %min3A_2065 : vector<16xf32>
      %max3A_2067 = arith.constant 8.000000e+00 : f32
      %max3A_2068 = vector.broadcast %max3A_2067 : f32 to vector<16xf32>
      %max3A_2069 = arith.maximumf %sub3A_2060, %max3A_2068 : vector<16xf32>
      %min3A_2070 = arith.constant 15.999999 : f32
      %min3A_2071 = vector.broadcast %min3A_2070 : f32 to vector<16xf32>
      %min3A_2072 = arith.minimumf %max3A_2069, %min3A_2071 : vector<16xf32>
      %bitcast3A_2073 = vector.bitcast %min3A_2066 : vector<16xf32> to vector<16xi32>
      %bitcast3A_2074 = vector.bitcast %min3A_2072 : vector<16xf32> to vector<16xi32>
      %shift_right_logical3A_2075 = arith.constant 17 : i32
      %shift_right_logical3A_2076 = vector.broadcast %shift_right_logical3A_2075 : i32 to vector<16xi32>
      %shift_right_logical3A_2077 = arith.shrui %bitcast3A_2073, %shift_right_logical3A_2076 : vector<16xi32>
      %and3A_2078 = arith.constant 56 : i32
      %and3A_2079 = vector.broadcast %and3A_2078 : i32 to vector<16xi32>
      %and3A_2080 = arith.andi %shift_right_logical3A_2077, %and3A_2079 : vector<16xi32>
      %add3A_2081 = arith.addi %sub3A_74, %and3A_2080 : vector<16xi32>
      %shift_right_logical3A_2082 = arith.constant 20 : i32
      %shift_right_logical3A_2083 = vector.broadcast %shift_right_logical3A_2082 : i32 to vector<16xi32>
      %shift_right_logical3A_2084 = arith.shrui %bitcast3A_2074, %shift_right_logical3A_2083 : vector<16xi32>
      %add3A_2085 = arith.addi %add3A_2081, %shift_right_logical3A_2084 : vector<16xi32>
      tpu.vector_store_idx %arg7[%add3A_2085], %broadcast_in_dim3A_10 {add = true} : memref<6144xf32, #tpu.memory_space<vmem>>[vector<16xi32>], vector<16xf32>,
      %sub3A_2086 = arith.subf %broadcast_in_dim3A_2001, %sub3A_82 : vector<16xf32>
      %sub3A_2087 = arith.subf %broadcast_in_dim3A_2004, %sub3A_87 : vector<16xf32>
      %max3A_2088 = arith.constant 8.000000e+00 : f32
      %max3A_2089 = vector.broadcast %max3A_2088 : f32 to vector<16xf32>
      %max3A_2090 = arith.maximumf %sub3A_2086, %max3A_2089 : vector<16xf32>
      %min3A_2091 = arith.constant 15.999999 : f32
      %min3A_2092 = vector.broadcast %min3A_2091 : f32 to vector<16xf32>
      %min3A_2093 = arith.minimumf %max3A_2090, %min3A_2092 : vector<16xf32>
      %max3A_2094 = arith.constant 8.000000e+00 : f32
      %max3A_2095 = vector.broadcast %max3A_2094 : f32 to vector<16xf32>
      %max3A_2096 = arith.maximumf %sub3A_2087, %max3A_2095 : vector<16xf32>
      %min3A_2097 = arith.constant 15.999999 : f32
      %min3A_2098 = vector.broadcast %min3A_2097 : f32 to vector<16xf32>
      %min3A_2099 = arith.minimumf %max3A_2096, %min3A_2098 : vector<16xf32>
      %bitcast3A_2100 = vector.bitcast %min3A_2093 : vector<16xf32> to vector<16xi32>
      %bitcast3A_2101 = vector.bitcast %min3A_2099 : vector<16xf32> to vector<16xi32>
      %shift_right_logical3A_2102 = arith.constant 17 : i32
      %shift_right_logical3A_2103 = vector.broadcast %shift_right_logical3A_2102 : i32 to vector<16xi32>
      %shift_right_logical3A_2104 = arith.shrui %bitcast3A_2100, %shift_right_logical3A_2103 : vector<16xi32>
      %and3A_2105 = arith.constant 56 : i32
      %and3A_2106 = vector.broadcast %and3A_2105 : i32 to vector<16xi32>
      %and3A_2107 = arith.andi %shift_right_logical3A_2104, %and3A_2106 : vector<16xi32>
      %add3A_2108 = arith.addi %sub3A_96, %and3A_2107 : vector<16xi32>
      %shift_right_logical3A_2109 = arith.constant 20 : i32
      %shift_right_logical3A_2110 = vector.broadcast %shift_right_logical3A_2109 : i32 to vector<16xi32>
      %shift_right_logical3A_2111 = arith.shrui %bitcast3A_2101, %shift_right_logical3A_2110 : vector<16xi32>
      %add3A_2112 = arith.addi %add3A_2108, %shift_right_logical3A_2111 : vector<16xi32>
      tpu.vector_store_idx %arg7[%add3A_2112], %broadcast_in_dim3A_10 {add = true} : memref<6144xf32, #tpu.memory_space<vmem>>[vector<16xi32>], vector<16xf32>,
      %sub3A_2113 = arith.subf %broadcast_in_dim3A_2001, %sub3A_104 : vector<16xf32>
      %sub3A_2114 = arith.subf %broadcast_in_dim3A_2004, %sub3A_109 : vector<16xf32>
      %max3A_2115 = arith.constant 8.000000e+00 : f32
      %max3A_2116 = vector.broadcast %max3A_2115 : f32 to vector<16xf32>
      %max3A_2117 = arith.maximumf %sub3A_2113, %max3A_2116 : vector<16xf32>
      %min3A_2118 = arith.constant 15.999999 : f32
      %min3A_2119 = vector.broadcast %min3A_2118 : f32 to vector<16xf32>
      %min3A_2120 = arith.minimumf %max3A_2117, %min3A_2119 : vector<16xf32>
      %max3A_2121 = arith.constant 8.000000e+00 : f32
      %max3A_2122 = vector.broadcast %max3A_2121 : f32 to vector<16xf32>
      %max3A_2123 = arith.maximumf %sub3A_2114, %max3A_2122 : vector<16xf32>
      %min3A_2124 = arith.constant 15.999999 : f32
      %min3A_2125 = vector.broadcast %min3A_2124 : f32 to vector<16xf32>
      %min3A_2126 = arith.minimumf %max3A_2123, %min3A_2125 : vector<16xf32>
      %bitcast3A_2127 = vector.bitcast %min3A_2120 : vector<16xf32> to vector<16xi32>
      %bitcast3A_2128 = vector.bitcast %min3A_2126 : vector<16xf32> to vector<16xi32>
      %shift_right_logical3A_2129 = arith.constant 17 : i32
      %shift_right_logical3A_2130 = vector.broadcast %shift_right_logical3A_2129 : i32 to vector<16xi32>
      %shift_right_logical3A_2131 = arith.shrui %bitcast3A_2127, %shift_right_logical3A_2130 : vector<16xi32>
      %and3A_2132 = arith.constant 56 : i32
      %and3A_2133 = vector.broadcast %and3A_2132 : i32 to vector<16xi32>
      %and3A_2134 = arith.andi %shift_right_logical3A_2131, %and3A_2133 : vector<16xi32>
      %add3A_2135 = arith.addi %sub3A_118, %and3A_2134 : vector<16xi32>
      %shift_right_logical3A_2136 = arith.constant 20 : i32
      %shift_right_logical3A_2137 = vector.broadcast %shift_right_logical3A_2136 : i32 to vector<16xi32>
      %shift_right_logical3A_2138 = arith.shrui %bitcast3A_2128, %shift_right_logical3A_2137 : vector<16xi32>
      %add3A_2139 = arith.addi %add3A_2135, %shift_right_logical3A_2138 : vector<16xi32>
      tpu.vector_store_idx %arg7[%add3A_2139], %broadcast_in_dim3A_10 {add = true} : memref<6144xf32, #tpu.memory_space<vmem>>[vector<16xi32>], vector<16xf32>,
      %sub3A_2140 = arith.subf %broadcast_in_dim3A_2001, %sub3A_126 : vector<16xf32>
      %sub3A_2141 = arith.subf %broadcast_in_dim3A_2004, %sub3A_131 : vector<16xf32>
      %max3A_2142 = arith.constant 8.000000e+00 : f32
      %max3A_2143 = vector.broadcast %max3A_2142 : f32 to vector<16xf32>
      %max3A_2144 = arith.maximumf %sub3A_2140, %max3A_2143 : vector<16xf32>
      %min3A_2145 = arith.constant 15.999999 : f32
      %min3A_2146 = vector.broadcast %min3A_2145 : f32 to vector<16xf32>
      %min3A_2147 = arith.minimumf %max3A_2144, %min3A_2146 : vector<16xf32>
      %max3A_2148 = arith.constant 8.000000e+00 : f32
      %max3A_2149 = vector.broadcast %max3A_2148 : f32 to vector<16xf32>
      %max3A_2150 = arith.maximumf %sub3A_2141, %max3A_2149 : vector<16xf32>
      %min3A_2151 = arith.constant 15.999999 : f32
      %min3A_2152 = vector.broadcast %min3A_2151 : f32 to vector<16xf32>
      %min3A_2153 = arith.minimumf %max3A_2150, %min3A_2152 : vector<16xf32>
      %bitcast3A_2154 = vector.bitcast %min3A_2147 : vector<16xf32> to vector<16xi32>
      %bitcast3A_2155 = vector.bitcast %min3A_2153 : vector<16xf32> to vector<16xi32>
      %shift_right_logical3A_2156 = arith.constant 17 : i32
      %shift_right_logical3A_2157 = vector.broadcast %shift_right_logical3A_2156 : i32 to vector<16xi32>
      %shift_right_logical3A_2158 = arith.shrui %bitcast3A_2154, %shift_right_logical3A_2157 : vector<16xi32>
      %and3A_2159 = arith.constant 56 : i32
      %and3A_2160 = vector.broadcast %and3A_2159 : i32 to vector<16xi32>
      %and3A_2161 = arith.andi %shift_right_logical3A_2158, %and3A_2160 : vector<16xi32>
      %add3A_2162 = arith.addi %sub3A_140, %and3A_2161 : vector<16xi32>
      %shift_right_logical3A_2163 = arith.constant 20 : i32
      %shift_right_logical3A_2164 = vector.broadcast %shift_right_logical3A_2163 : i32 to vector<16xi32>
      %shift_right_logical3A_2165 = arith.shrui %bitcast3A_2155, %shift_right_logical3A_2164 : vector<16xi32>
      %add3A_2166 = arith.addi %add3A_2162, %shift_right_logical3A_2165 : vector<16xi32>
      tpu.vector_store_idx %arg7[%add3A_2166], %broadcast_in_dim3A_10 {add = true} : memref<6144xf32, #tpu.memory_space<vmem>>[vector<16xi32>], vector<16xf32>,
      %slice3A_2167 = vector.extract_strided_slice %get3A_155 {offsets = [12], sizes = [1], strides = [1]} : vector<16xf32> to vector<1xf32>
      %squeeze3A_2168 = vector.extract %slice3A_2167[0] : f32 from vector<1xf32>
      %broadcast_in_dim3A_2169 = vector.broadcast %squeeze3A_2168 : f32 to vector<16xf32>
      %slice3A_2170 = vector.extract_strided_slice %get3A_157 {offsets = [12], sizes = [1], strides = [1]} : vector<16xf32> to vector<1xf32>
      %squeeze3A_2171 = vector.extract %slice3A_2170[0] : f32 from vector<1xf32>
      %broadcast_in_dim3A_2172 = vector.broadcast %squeeze3A_2171 : f32 to vector<16xf32>
      %sub3A_2173 = arith.subf %broadcast_in_dim3A_2169, %sub3A_16 : vector<16xf32>
      %sub3A_2174 = arith.subf %broadcast_in_dim3A_2172, %sub3A_21 : vector<16xf32>
      %max3A_2175 = arith.constant 8.000000e+00 : f32
      %max3A_2176 = vector.broadcast %max3A_2175 : f32 to vector<16xf32>
      %max3A_2177 = arith.maximumf %sub3A_2173, %max3A_2176 : vector<16xf32>
      %min3A_2178 = arith.constant 15.999999 : f32
      %min3A_2179 = vector.broadcast %min3A_2178 : f32 to vector<16xf32>
      %min3A_2180 = arith.minimumf %max3A_2177, %min3A_2179 : vector<16xf32>
      %max3A_2181 = arith.constant 8.000000e+00 : f32
      %max3A_2182 = vector.broadcast %max3A_2181 : f32 to vector<16xf32>
      %max3A_2183 = arith.maximumf %sub3A_2174, %max3A_2182 : vector<16xf32>
      %min3A_2184 = arith.constant 15.999999 : f32
      %min3A_2185 = vector.broadcast %min3A_2184 : f32 to vector<16xf32>
      %min3A_2186 = arith.minimumf %max3A_2183, %min3A_2185 : vector<16xf32>
      %bitcast3A_2187 = vector.bitcast %min3A_2180 : vector<16xf32> to vector<16xi32>
      %bitcast3A_2188 = vector.bitcast %min3A_2186 : vector<16xf32> to vector<16xi32>
      %shift_right_logical3A_2189 = arith.constant 17 : i32
      %shift_right_logical3A_2190 = vector.broadcast %shift_right_logical3A_2189 : i32 to vector<16xi32>
      %shift_right_logical3A_2191 = arith.shrui %bitcast3A_2187, %shift_right_logical3A_2190 : vector<16xi32>
      %and3A_2192 = arith.constant 56 : i32
      %and3A_2193 = vector.broadcast %and3A_2192 : i32 to vector<16xi32>
      %and3A_2194 = arith.andi %shift_right_logical3A_2191, %and3A_2193 : vector<16xi32>
      %add3A_2195 = arith.addi %sub3A_30, %and3A_2194 : vector<16xi32>
      %shift_right_logical3A_2196 = arith.constant 20 : i32
      %shift_right_logical3A_2197 = vector.broadcast %shift_right_logical3A_2196 : i32 to vector<16xi32>
      %shift_right_logical3A_2198 = arith.shrui %bitcast3A_2188, %shift_right_logical3A_2197 : vector<16xi32>
      %add3A_2199 = arith.addi %add3A_2195, %shift_right_logical3A_2198 : vector<16xi32>
      tpu.vector_store_idx %arg7[%add3A_2199], %broadcast_in_dim3A_10 {add = true} : memref<6144xf32, #tpu.memory_space<vmem>>[vector<16xi32>], vector<16xf32>,
      %sub3A_2200 = arith.subf %broadcast_in_dim3A_2169, %sub3A_38 : vector<16xf32>
      %sub3A_2201 = arith.subf %broadcast_in_dim3A_2172, %sub3A_43 : vector<16xf32>
      %max3A_2202 = arith.constant 8.000000e+00 : f32
      %max3A_2203 = vector.broadcast %max3A_2202 : f32 to vector<16xf32>
      %max3A_2204 = arith.maximumf %sub3A_2200, %max3A_2203 : vector<16xf32>
      %min3A_2205 = arith.constant 15.999999 : f32
      %min3A_2206 = vector.broadcast %min3A_2205 : f32 to vector<16xf32>
      %min3A_2207 = arith.minimumf %max3A_2204, %min3A_2206 : vector<16xf32>
      %max3A_2208 = arith.constant 8.000000e+00 : f32
      %max3A_2209 = vector.broadcast %max3A_2208 : f32 to vector<16xf32>
      %max3A_2210 = arith.maximumf %sub3A_2201, %max3A_2209 : vector<16xf32>
      %min3A_2211 = arith.constant 15.999999 : f32
      %min3A_2212 = vector.broadcast %min3A_2211 : f32 to vector<16xf32>
      %min3A_2213 = arith.minimumf %max3A_2210, %min3A_2212 : vector<16xf32>
      %bitcast3A_2214 = vector.bitcast %min3A_2207 : vector<16xf32> to vector<16xi32>
      %bitcast3A_2215 = vector.bitcast %min3A_2213 : vector<16xf32> to vector<16xi32>
      %shift_right_logical3A_2216 = arith.constant 17 : i32
      %shift_right_logical3A_2217 = vector.broadcast %shift_right_logical3A_2216 : i32 to vector<16xi32>
      %shift_right_logical3A_2218 = arith.shrui %bitcast3A_2214, %shift_right_logical3A_2217 : vector<16xi32>
      %and3A_2219 = arith.constant 56 : i32
      %and3A_2220 = vector.broadcast %and3A_2219 : i32 to vector<16xi32>
      %and3A_2221 = arith.andi %shift_right_logical3A_2218, %and3A_2220 : vector<16xi32>
      %add3A_2222 = arith.addi %sub3A_52, %and3A_2221 : vector<16xi32>
      %shift_right_logical3A_2223 = arith.constant 20 : i32
      %shift_right_logical3A_2224 = vector.broadcast %shift_right_logical3A_2223 : i32 to vector<16xi32>
      %shift_right_logical3A_2225 = arith.shrui %bitcast3A_2215, %shift_right_logical3A_2224 : vector<16xi32>
      %add3A_2226 = arith.addi %add3A_2222, %shift_right_logical3A_2225 : vector<16xi32>
      tpu.vector_store_idx %arg7[%add3A_2226], %broadcast_in_dim3A_10 {add = true} : memref<6144xf32, #tpu.memory_space<vmem>>[vector<16xi32>], vector<16xf32>,
      %sub3A_2227 = arith.subf %broadcast_in_dim3A_2169, %sub3A_60 : vector<16xf32>
      %sub3A_2228 = arith.subf %broadcast_in_dim3A_2172, %sub3A_65 : vector<16xf32>
      %max3A_2229 = arith.constant 8.000000e+00 : f32
      %max3A_2230 = vector.broadcast %max3A_2229 : f32 to vector<16xf32>
      %max3A_2231 = arith.maximumf %sub3A_2227, %max3A_2230 : vector<16xf32>
      %min3A_2232 = arith.constant 15.999999 : f32
      %min3A_2233 = vector.broadcast %min3A_2232 : f32 to vector<16xf32>
      %min3A_2234 = arith.minimumf %max3A_2231, %min3A_2233 : vector<16xf32>
      %max3A_2235 = arith.constant 8.000000e+00 : f32
      %max3A_2236 = vector.broadcast %max3A_2235 : f32 to vector<16xf32>
      %max3A_2237 = arith.maximumf %sub3A_2228, %max3A_2236 : vector<16xf32>
      %min3A_2238 = arith.constant 15.999999 : f32
      %min3A_2239 = vector.broadcast %min3A_2238 : f32 to vector<16xf32>
      %min3A_2240 = arith.minimumf %max3A_2237, %min3A_2239 : vector<16xf32>
      %bitcast3A_2241 = vector.bitcast %min3A_2234 : vector<16xf32> to vector<16xi32>
      %bitcast3A_2242 = vector.bitcast %min3A_2240 : vector<16xf32> to vector<16xi32>
      %shift_right_logical3A_2243 = arith.constant 17 : i32
      %shift_right_logical3A_2244 = vector.broadcast %shift_right_logical3A_2243 : i32 to vector<16xi32>
      %shift_right_logical3A_2245 = arith.shrui %bitcast3A_2241, %shift_right_logical3A_2244 : vector<16xi32>
      %and3A_2246 = arith.constant 56 : i32
      %and3A_2247 = vector.broadcast %and3A_2246 : i32 to vector<16xi32>
      %and3A_2248 = arith.andi %shift_right_logical3A_2245, %and3A_2247 : vector<16xi32>
      %add3A_2249 = arith.addi %sub3A_74, %and3A_2248 : vector<16xi32>
      %shift_right_logical3A_2250 = arith.constant 20 : i32
      %shift_right_logical3A_2251 = vector.broadcast %shift_right_logical3A_2250 : i32 to vector<16xi32>
      %shift_right_logical3A_2252 = arith.shrui %bitcast3A_2242, %shift_right_logical3A_2251 : vector<16xi32>
      %add3A_2253 = arith.addi %add3A_2249, %shift_right_logical3A_2252 : vector<16xi32>
      tpu.vector_store_idx %arg7[%add3A_2253], %broadcast_in_dim3A_10 {add = true} : memref<6144xf32, #tpu.memory_space<vmem>>[vector<16xi32>], vector<16xf32>,
      %sub3A_2254 = arith.subf %broadcast_in_dim3A_2169, %sub3A_82 : vector<16xf32>
      %sub3A_2255 = arith.subf %broadcast_in_dim3A_2172, %sub3A_87 : vector<16xf32>
      %max3A_2256 = arith.constant 8.000000e+00 : f32
      %max3A_2257 = vector.broadcast %max3A_2256 : f32 to vector<16xf32>
      %max3A_2258 = arith.maximumf %sub3A_2254, %max3A_2257 : vector<16xf32>
      %min3A_2259 = arith.constant 15.999999 : f32
      %min3A_2260 = vector.broadcast %min3A_2259 : f32 to vector<16xf32>
      %min3A_2261 = arith.minimumf %max3A_2258, %min3A_2260 : vector<16xf32>
      %max3A_2262 = arith.constant 8.000000e+00 : f32
      %max3A_2263 = vector.broadcast %max3A_2262 : f32 to vector<16xf32>
      %max3A_2264 = arith.maximumf %sub3A_2255, %max3A_2263 : vector<16xf32>
      %min3A_2265 = arith.constant 15.999999 : f32
      %min3A_2266 = vector.broadcast %min3A_2265 : f32 to vector<16xf32>
      %min3A_2267 = arith.minimumf %max3A_2264, %min3A_2266 : vector<16xf32>
      %bitcast3A_2268 = vector.bitcast %min3A_2261 : vector<16xf32> to vector<16xi32>
      %bitcast3A_2269 = vector.bitcast %min3A_2267 : vector<16xf32> to vector<16xi32>
      %shift_right_logical3A_2270 = arith.constant 17 : i32
      %shift_right_logical3A_2271 = vector.broadcast %shift_right_logical3A_2270 : i32 to vector<16xi32>
      %shift_right_logical3A_2272 = arith.shrui %bitcast3A_2268, %shift_right_logical3A_2271 : vector<16xi32>
      %and3A_2273 = arith.constant 56 : i32
      %and3A_2274 = vector.broadcast %and3A_2273 : i32 to vector<16xi32>
      %and3A_2275 = arith.andi %shift_right_logical3A_2272, %and3A_2274 : vector<16xi32>
      %add3A_2276 = arith.addi %sub3A_96, %and3A_2275 : vector<16xi32>
      %shift_right_logical3A_2277 = arith.constant 20 : i32
      %shift_right_logical3A_2278 = vector.broadcast %shift_right_logical3A_2277 : i32 to vector<16xi32>
      %shift_right_logical3A_2279 = arith.shrui %bitcast3A_2269, %shift_right_logical3A_2278 : vector<16xi32>
      %add3A_2280 = arith.addi %add3A_2276, %shift_right_logical3A_2279 : vector<16xi32>
      tpu.vector_store_idx %arg7[%add3A_2280], %broadcast_in_dim3A_10 {add = true} : memref<6144xf32, #tpu.memory_space<vmem>>[vector<16xi32>], vector<16xf32>,
      %sub3A_2281 = arith.subf %broadcast_in_dim3A_2169, %sub3A_104 : vector<16xf32>
      %sub3A_2282 = arith.subf %broadcast_in_dim3A_2172, %sub3A_109 : vector<16xf32>
      %max3A_2283 = arith.constant 8.000000e+00 : f32
      %max3A_2284 = vector.broadcast %max3A_2283 : f32 to vector<16xf32>
      %max3A_2285 = arith.maximumf %sub3A_2281, %max3A_2284 : vector<16xf32>
      %min3A_2286 = arith.constant 15.999999 : f32
      %min3A_2287 = vector.broadcast %min3A_2286 : f32 to vector<16xf32>
      %min3A_2288 = arith.minimumf %max3A_2285, %min3A_2287 : vector<16xf32>
      %max3A_2289 = arith.constant 8.000000e+00 : f32
      %max3A_2290 = vector.broadcast %max3A_2289 : f32 to vector<16xf32>
      %max3A_2291 = arith.maximumf %sub3A_2282, %max3A_2290 : vector<16xf32>
      %min3A_2292 = arith.constant 15.999999 : f32
      %min3A_2293 = vector.broadcast %min3A_2292 : f32 to vector<16xf32>
      %min3A_2294 = arith.minimumf %max3A_2291, %min3A_2293 : vector<16xf32>
      %bitcast3A_2295 = vector.bitcast %min3A_2288 : vector<16xf32> to vector<16xi32>
      %bitcast3A_2296 = vector.bitcast %min3A_2294 : vector<16xf32> to vector<16xi32>
      %shift_right_logical3A_2297 = arith.constant 17 : i32
      %shift_right_logical3A_2298 = vector.broadcast %shift_right_logical3A_2297 : i32 to vector<16xi32>
      %shift_right_logical3A_2299 = arith.shrui %bitcast3A_2295, %shift_right_logical3A_2298 : vector<16xi32>
      %and3A_2300 = arith.constant 56 : i32
      %and3A_2301 = vector.broadcast %and3A_2300 : i32 to vector<16xi32>
      %and3A_2302 = arith.andi %shift_right_logical3A_2299, %and3A_2301 : vector<16xi32>
      %add3A_2303 = arith.addi %sub3A_118, %and3A_2302 : vector<16xi32>
      %shift_right_logical3A_2304 = arith.constant 20 : i32
      %shift_right_logical3A_2305 = vector.broadcast %shift_right_logical3A_2304 : i32 to vector<16xi32>
      %shift_right_logical3A_2306 = arith.shrui %bitcast3A_2296, %shift_right_logical3A_2305 : vector<16xi32>
      %add3A_2307 = arith.addi %add3A_2303, %shift_right_logical3A_2306 : vector<16xi32>
      tpu.vector_store_idx %arg7[%add3A_2307], %broadcast_in_dim3A_10 {add = true} : memref<6144xf32, #tpu.memory_space<vmem>>[vector<16xi32>], vector<16xf32>,
      %sub3A_2308 = arith.subf %broadcast_in_dim3A_2169, %sub3A_126 : vector<16xf32>
      %sub3A_2309 = arith.subf %broadcast_in_dim3A_2172, %sub3A_131 : vector<16xf32>
      %max3A_2310 = arith.constant 8.000000e+00 : f32
      %max3A_2311 = vector.broadcast %max3A_2310 : f32 to vector<16xf32>
      %max3A_2312 = arith.maximumf %sub3A_2308, %max3A_2311 : vector<16xf32>
      %min3A_2313 = arith.constant 15.999999 : f32
      %min3A_2314 = vector.broadcast %min3A_2313 : f32 to vector<16xf32>
      %min3A_2315 = arith.minimumf %max3A_2312, %min3A_2314 : vector<16xf32>
      %max3A_2316 = arith.constant 8.000000e+00 : f32
      %max3A_2317 = vector.broadcast %max3A_2316 : f32 to vector<16xf32>
      %max3A_2318 = arith.maximumf %sub3A_2309, %max3A_2317 : vector<16xf32>
      %min3A_2319 = arith.constant 15.999999 : f32
      %min3A_2320 = vector.broadcast %min3A_2319 : f32 to vector<16xf32>
      %min3A_2321 = arith.minimumf %max3A_2318, %min3A_2320 : vector<16xf32>
      %bitcast3A_2322 = vector.bitcast %min3A_2315 : vector<16xf32> to vector<16xi32>
      %bitcast3A_2323 = vector.bitcast %min3A_2321 : vector<16xf32> to vector<16xi32>
      %shift_right_logical3A_2324 = arith.constant 17 : i32
      %shift_right_logical3A_2325 = vector.broadcast %shift_right_logical3A_2324 : i32 to vector<16xi32>
      %shift_right_logical3A_2326 = arith.shrui %bitcast3A_2322, %shift_right_logical3A_2325 : vector<16xi32>
      %and3A_2327 = arith.constant 56 : i32
      %and3A_2328 = vector.broadcast %and3A_2327 : i32 to vector<16xi32>
      %and3A_2329 = arith.andi %shift_right_logical3A_2326, %and3A_2328 : vector<16xi32>
      %add3A_2330 = arith.addi %sub3A_140, %and3A_2329 : vector<16xi32>
      %shift_right_logical3A_2331 = arith.constant 20 : i32
      %shift_right_logical3A_2332 = vector.broadcast %shift_right_logical3A_2331 : i32 to vector<16xi32>
      %shift_right_logical3A_2333 = arith.shrui %bitcast3A_2323, %shift_right_logical3A_2332 : vector<16xi32>
      %add3A_2334 = arith.addi %add3A_2330, %shift_right_logical3A_2333 : vector<16xi32>
      tpu.vector_store_idx %arg7[%add3A_2334], %broadcast_in_dim3A_10 {add = true} : memref<6144xf32, #tpu.memory_space<vmem>>[vector<16xi32>], vector<16xf32>,
      %slice3A_2335 = vector.extract_strided_slice %get3A_155 {offsets = [13], sizes = [1], strides = [1]} : vector<16xf32> to vector<1xf32>
      %squeeze3A_2336 = vector.extract %slice3A_2335[0] : f32 from vector<1xf32>
      %broadcast_in_dim3A_2337 = vector.broadcast %squeeze3A_2336 : f32 to vector<16xf32>
      %slice3A_2338 = vector.extract_strided_slice %get3A_157 {offsets = [13], sizes = [1], strides = [1]} : vector<16xf32> to vector<1xf32>
      %squeeze3A_2339 = vector.extract %slice3A_2338[0] : f32 from vector<1xf32>
      %broadcast_in_dim3A_2340 = vector.broadcast %squeeze3A_2339 : f32 to vector<16xf32>
      %sub3A_2341 = arith.subf %broadcast_in_dim3A_2337, %sub3A_16 : vector<16xf32>
      %sub3A_2342 = arith.subf %broadcast_in_dim3A_2340, %sub3A_21 : vector<16xf32>
      %max3A_2343 = arith.constant 8.000000e+00 : f32
      %max3A_2344 = vector.broadcast %max3A_2343 : f32 to vector<16xf32>
      %max3A_2345 = arith.maximumf %sub3A_2341, %max3A_2344 : vector<16xf32>
      %min3A_2346 = arith.constant 15.999999 : f32
      %min3A_2347 = vector.broadcast %min3A_2346 : f32 to vector<16xf32>
      %min3A_2348 = arith.minimumf %max3A_2345, %min3A_2347 : vector<16xf32>
      %max3A_2349 = arith.constant 8.000000e+00 : f32
      %max3A_2350 = vector.broadcast %max3A_2349 : f32 to vector<16xf32>
      %max3A_2351 = arith.maximumf %sub3A_2342, %max3A_2350 : vector<16xf32>
      %min3A_2352 = arith.constant 15.999999 : f32
      %min3A_2353 = vector.broadcast %min3A_2352 : f32 to vector<16xf32>
      %min3A_2354 = arith.minimumf %max3A_2351, %min3A_2353 : vector<16xf32>
      %bitcast3A_2355 = vector.bitcast %min3A_2348 : vector<16xf32> to vector<16xi32>
      %bitcast3A_2356 = vector.bitcast %min3A_2354 : vector<16xf32> to vector<16xi32>
      %shift_right_logical3A_2357 = arith.constant 17 : i32
      %shift_right_logical3A_2358 = vector.broadcast %shift_right_logical3A_2357 : i32 to vector<16xi32>
      %shift_right_logical3A_2359 = arith.shrui %bitcast3A_2355, %shift_right_logical3A_2358 : vector<16xi32>
      %and3A_2360 = arith.constant 56 : i32
      %and3A_2361 = vector.broadcast %and3A_2360 : i32 to vector<16xi32>
      %and3A_2362 = arith.andi %shift_right_logical3A_2359, %and3A_2361 : vector<16xi32>
      %add3A_2363 = arith.addi %sub3A_30, %and3A_2362 : vector<16xi32>
      %shift_right_logical3A_2364 = arith.constant 20 : i32
      %shift_right_logical3A_2365 = vector.broadcast %shift_right_logical3A_2364 : i32 to vector<16xi32>
      %shift_right_logical3A_2366 = arith.shrui %bitcast3A_2356, %shift_right_logical3A_2365 : vector<16xi32>
      %add3A_2367 = arith.addi %add3A_2363, %shift_right_logical3A_2366 : vector<16xi32>
      tpu.vector_store_idx %arg7[%add3A_2367], %broadcast_in_dim3A_10 {add = true} : memref<6144xf32, #tpu.memory_space<vmem>>[vector<16xi32>], vector<16xf32>,
      %sub3A_2368 = arith.subf %broadcast_in_dim3A_2337, %sub3A_38 : vector<16xf32>
      %sub3A_2369 = arith.subf %broadcast_in_dim3A_2340, %sub3A_43 : vector<16xf32>
      %max3A_2370 = arith.constant 8.000000e+00 : f32
      %max3A_2371 = vector.broadcast %max3A_2370 : f32 to vector<16xf32>
      %max3A_2372 = arith.maximumf %sub3A_2368, %max3A_2371 : vector<16xf32>
      %min3A_2373 = arith.constant 15.999999 : f32
      %min3A_2374 = vector.broadcast %min3A_2373 : f32 to vector<16xf32>
      %min3A_2375 = arith.minimumf %max3A_2372, %min3A_2374 : vector<16xf32>
      %max3A_2376 = arith.constant 8.000000e+00 : f32
      %max3A_2377 = vector.broadcast %max3A_2376 : f32 to vector<16xf32>
      %max3A_2378 = arith.maximumf %sub3A_2369, %max3A_2377 : vector<16xf32>
      %min3A_2379 = arith.constant 15.999999 : f32
      %min3A_2380 = vector.broadcast %min3A_2379 : f32 to vector<16xf32>
      %min3A_2381 = arith.minimumf %max3A_2378, %min3A_2380 : vector<16xf32>
      %bitcast3A_2382 = vector.bitcast %min3A_2375 : vector<16xf32> to vector<16xi32>
      %bitcast3A_2383 = vector.bitcast %min3A_2381 : vector<16xf32> to vector<16xi32>
      %shift_right_logical3A_2384 = arith.constant 17 : i32
      %shift_right_logical3A_2385 = vector.broadcast %shift_right_logical3A_2384 : i32 to vector<16xi32>
      %shift_right_logical3A_2386 = arith.shrui %bitcast3A_2382, %shift_right_logical3A_2385 : vector<16xi32>
      %and3A_2387 = arith.constant 56 : i32
      %and3A_2388 = vector.broadcast %and3A_2387 : i32 to vector<16xi32>
      %and3A_2389 = arith.andi %shift_right_logical3A_2386, %and3A_2388 : vector<16xi32>
      %add3A_2390 = arith.addi %sub3A_52, %and3A_2389 : vector<16xi32>
      %shift_right_logical3A_2391 = arith.constant 20 : i32
      %shift_right_logical3A_2392 = vector.broadcast %shift_right_logical3A_2391 : i32 to vector<16xi32>
      %shift_right_logical3A_2393 = arith.shrui %bitcast3A_2383, %shift_right_logical3A_2392 : vector<16xi32>
      %add3A_2394 = arith.addi %add3A_2390, %shift_right_logical3A_2393 : vector<16xi32>
      tpu.vector_store_idx %arg7[%add3A_2394], %broadcast_in_dim3A_10 {add = true} : memref<6144xf32, #tpu.memory_space<vmem>>[vector<16xi32>], vector<16xf32>,
      %sub3A_2395 = arith.subf %broadcast_in_dim3A_2337, %sub3A_60 : vector<16xf32>
      %sub3A_2396 = arith.subf %broadcast_in_dim3A_2340, %sub3A_65 : vector<16xf32>
      %max3A_2397 = arith.constant 8.000000e+00 : f32
      %max3A_2398 = vector.broadcast %max3A_2397 : f32 to vector<16xf32>
      %max3A_2399 = arith.maximumf %sub3A_2395, %max3A_2398 : vector<16xf32>
      %min3A_2400 = arith.constant 15.999999 : f32
      %min3A_2401 = vector.broadcast %min3A_2400 : f32 to vector<16xf32>
      %min3A_2402 = arith.minimumf %max3A_2399, %min3A_2401 : vector<16xf32>
      %max3A_2403 = arith.constant 8.000000e+00 : f32
      %max3A_2404 = vector.broadcast %max3A_2403 : f32 to vector<16xf32>
      %max3A_2405 = arith.maximumf %sub3A_2396, %max3A_2404 : vector<16xf32>
      %min3A_2406 = arith.constant 15.999999 : f32
      %min3A_2407 = vector.broadcast %min3A_2406 : f32 to vector<16xf32>
      %min3A_2408 = arith.minimumf %max3A_2405, %min3A_2407 : vector<16xf32>
      %bitcast3A_2409 = vector.bitcast %min3A_2402 : vector<16xf32> to vector<16xi32>
      %bitcast3A_2410 = vector.bitcast %min3A_2408 : vector<16xf32> to vector<16xi32>
      %shift_right_logical3A_2411 = arith.constant 17 : i32
      %shift_right_logical3A_2412 = vector.broadcast %shift_right_logical3A_2411 : i32 to vector<16xi32>
      %shift_right_logical3A_2413 = arith.shrui %bitcast3A_2409, %shift_right_logical3A_2412 : vector<16xi32>
      %and3A_2414 = arith.constant 56 : i32
      %and3A_2415 = vector.broadcast %and3A_2414 : i32 to vector<16xi32>
      %and3A_2416 = arith.andi %shift_right_logical3A_2413, %and3A_2415 : vector<16xi32>
      %add3A_2417 = arith.addi %sub3A_74, %and3A_2416 : vector<16xi32>
      %shift_right_logical3A_2418 = arith.constant 20 : i32
      %shift_right_logical3A_2419 = vector.broadcast %shift_right_logical3A_2418 : i32 to vector<16xi32>
      %shift_right_logical3A_2420 = arith.shrui %bitcast3A_2410, %shift_right_logical3A_2419 : vector<16xi32>
      %add3A_2421 = arith.addi %add3A_2417, %shift_right_logical3A_2420 : vector<16xi32>
      tpu.vector_store_idx %arg7[%add3A_2421], %broadcast_in_dim3A_10 {add = true} : memref<6144xf32, #tpu.memory_space<vmem>>[vector<16xi32>], vector<16xf32>,
      %sub3A_2422 = arith.subf %broadcast_in_dim3A_2337, %sub3A_82 : vector<16xf32>
      %sub3A_2423 = arith.subf %broadcast_in_dim3A_2340, %sub3A_87 : vector<16xf32>
      %max3A_2424 = arith.constant 8.000000e+00 : f32
      %max3A_2425 = vector.broadcast %max3A_2424 : f32 to vector<16xf32>
      %max3A_2426 = arith.maximumf %sub3A_2422, %max3A_2425 : vector<16xf32>
      %min3A_2427 = arith.constant 15.999999 : f32
      %min3A_2428 = vector.broadcast %min3A_2427 : f32 to vector<16xf32>
      %min3A_2429 = arith.minimumf %max3A_2426, %min3A_2428 : vector<16xf32>
      %max3A_2430 = arith.constant 8.000000e+00 : f32
      %max3A_2431 = vector.broadcast %max3A_2430 : f32 to vector<16xf32>
      %max3A_2432 = arith.maximumf %sub3A_2423, %max3A_2431 : vector<16xf32>
      %min3A_2433 = arith.constant 15.999999 : f32
      %min3A_2434 = vector.broadcast %min3A_2433 : f32 to vector<16xf32>
      %min3A_2435 = arith.minimumf %max3A_2432, %min3A_2434 : vector<16xf32>
      %bitcast3A_2436 = vector.bitcast %min3A_2429 : vector<16xf32> to vector<16xi32>
      %bitcast3A_2437 = vector.bitcast %min3A_2435 : vector<16xf32> to vector<16xi32>
      %shift_right_logical3A_2438 = arith.constant 17 : i32
      %shift_right_logical3A_2439 = vector.broadcast %shift_right_logical3A_2438 : i32 to vector<16xi32>
      %shift_right_logical3A_2440 = arith.shrui %bitcast3A_2436, %shift_right_logical3A_2439 : vector<16xi32>
      %and3A_2441 = arith.constant 56 : i32
      %and3A_2442 = vector.broadcast %and3A_2441 : i32 to vector<16xi32>
      %and3A_2443 = arith.andi %shift_right_logical3A_2440, %and3A_2442 : vector<16xi32>
      %add3A_2444 = arith.addi %sub3A_96, %and3A_2443 : vector<16xi32>
      %shift_right_logical3A_2445 = arith.constant 20 : i32
      %shift_right_logical3A_2446 = vector.broadcast %shift_right_logical3A_2445 : i32 to vector<16xi32>
      %shift_right_logical3A_2447 = arith.shrui %bitcast3A_2437, %shift_right_logical3A_2446 : vector<16xi32>
      %add3A_2448 = arith.addi %add3A_2444, %shift_right_logical3A_2447 : vector<16xi32>
      tpu.vector_store_idx %arg7[%add3A_2448], %broadcast_in_dim3A_10 {add = true} : memref<6144xf32, #tpu.memory_space<vmem>>[vector<16xi32>], vector<16xf32>,
      %sub3A_2449 = arith.subf %broadcast_in_dim3A_2337, %sub3A_104 : vector<16xf32>
      %sub3A_2450 = arith.subf %broadcast_in_dim3A_2340, %sub3A_109 : vector<16xf32>
      %max3A_2451 = arith.constant 8.000000e+00 : f32
      %max3A_2452 = vector.broadcast %max3A_2451 : f32 to vector<16xf32>
      %max3A_2453 = arith.maximumf %sub3A_2449, %max3A_2452 : vector<16xf32>
      %min3A_2454 = arith.constant 15.999999 : f32
      %min3A_2455 = vector.broadcast %min3A_2454 : f32 to vector<16xf32>
      %min3A_2456 = arith.minimumf %max3A_2453, %min3A_2455 : vector<16xf32>
      %max3A_2457 = arith.constant 8.000000e+00 : f32
      %max3A_2458 = vector.broadcast %max3A_2457 : f32 to vector<16xf32>
      %max3A_2459 = arith.maximumf %sub3A_2450, %max3A_2458 : vector<16xf32>
      %min3A_2460 = arith.constant 15.999999 : f32
      %min3A_2461 = vector.broadcast %min3A_2460 : f32 to vector<16xf32>
      %min3A_2462 = arith.minimumf %max3A_2459, %min3A_2461 : vector<16xf32>
      %bitcast3A_2463 = vector.bitcast %min3A_2456 : vector<16xf32> to vector<16xi32>
      %bitcast3A_2464 = vector.bitcast %min3A_2462 : vector<16xf32> to vector<16xi32>
      %shift_right_logical3A_2465 = arith.constant 17 : i32
      %shift_right_logical3A_2466 = vector.broadcast %shift_right_logical3A_2465 : i32 to vector<16xi32>
      %shift_right_logical3A_2467 = arith.shrui %bitcast3A_2463, %shift_right_logical3A_2466 : vector<16xi32>
      %and3A_2468 = arith.constant 56 : i32
      %and3A_2469 = vector.broadcast %and3A_2468 : i32 to vector<16xi32>
      %and3A_2470 = arith.andi %shift_right_logical3A_2467, %and3A_2469 : vector<16xi32>
      %add3A_2471 = arith.addi %sub3A_118, %and3A_2470 : vector<16xi32>
      %shift_right_logical3A_2472 = arith.constant 20 : i32
      %shift_right_logical3A_2473 = vector.broadcast %shift_right_logical3A_2472 : i32 to vector<16xi32>
      %shift_right_logical3A_2474 = arith.shrui %bitcast3A_2464, %shift_right_logical3A_2473 : vector<16xi32>
      %add3A_2475 = arith.addi %add3A_2471, %shift_right_logical3A_2474 : vector<16xi32>
      tpu.vector_store_idx %arg7[%add3A_2475], %broadcast_in_dim3A_10 {add = true} : memref<6144xf32, #tpu.memory_space<vmem>>[vector<16xi32>], vector<16xf32>,
      %sub3A_2476 = arith.subf %broadcast_in_dim3A_2337, %sub3A_126 : vector<16xf32>
      %sub3A_2477 = arith.subf %broadcast_in_dim3A_2340, %sub3A_131 : vector<16xf32>
      %max3A_2478 = arith.constant 8.000000e+00 : f32
      %max3A_2479 = vector.broadcast %max3A_2478 : f32 to vector<16xf32>
      %max3A_2480 = arith.maximumf %sub3A_2476, %max3A_2479 : vector<16xf32>
      %min3A_2481 = arith.constant 15.999999 : f32
      %min3A_2482 = vector.broadcast %min3A_2481 : f32 to vector<16xf32>
      %min3A_2483 = arith.minimumf %max3A_2480, %min3A_2482 : vector<16xf32>
      %max3A_2484 = arith.constant 8.000000e+00 : f32
      %max3A_2485 = vector.broadcast %max3A_2484 : f32 to vector<16xf32>
      %max3A_2486 = arith.maximumf %sub3A_2477, %max3A_2485 : vector<16xf32>
      %min3A_2487 = arith.constant 15.999999 : f32
      %min3A_2488 = vector.broadcast %min3A_2487 : f32 to vector<16xf32>
      %min3A_2489 = arith.minimumf %max3A_2486, %min3A_2488 : vector<16xf32>
      %bitcast3A_2490 = vector.bitcast %min3A_2483 : vector<16xf32> to vector<16xi32>
      %bitcast3A_2491 = vector.bitcast %min3A_2489 : vector<16xf32> to vector<16xi32>
      %shift_right_logical3A_2492 = arith.constant 17 : i32
      %shift_right_logical3A_2493 = vector.broadcast %shift_right_logical3A_2492 : i32 to vector<16xi32>
      %shift_right_logical3A_2494 = arith.shrui %bitcast3A_2490, %shift_right_logical3A_2493 : vector<16xi32>
      %and3A_2495 = arith.constant 56 : i32
      %and3A_2496 = vector.broadcast %and3A_2495 : i32 to vector<16xi32>
      %and3A_2497 = arith.andi %shift_right_logical3A_2494, %and3A_2496 : vector<16xi32>
      %add3A_2498 = arith.addi %sub3A_140, %and3A_2497 : vector<16xi32>
      %shift_right_logical3A_2499 = arith.constant 20 : i32
      %shift_right_logical3A_2500 = vector.broadcast %shift_right_logical3A_2499 : i32 to vector<16xi32>
      %shift_right_logical3A_2501 = arith.shrui %bitcast3A_2491, %shift_right_logical3A_2500 : vector<16xi32>
      %add3A_2502 = arith.addi %add3A_2498, %shift_right_logical3A_2501 : vector<16xi32>
      tpu.vector_store_idx %arg7[%add3A_2502], %broadcast_in_dim3A_10 {add = true} : memref<6144xf32, #tpu.memory_space<vmem>>[vector<16xi32>], vector<16xf32>,
      %slice3A_2503 = vector.extract_strided_slice %get3A_155 {offsets = [14], sizes = [1], strides = [1]} : vector<16xf32> to vector<1xf32>
      %squeeze3A_2504 = vector.extract %slice3A_2503[0] : f32 from vector<1xf32>
      %broadcast_in_dim3A_2505 = vector.broadcast %squeeze3A_2504 : f32 to vector<16xf32>
      %slice3A_2506 = vector.extract_strided_slice %get3A_157 {offsets = [14], sizes = [1], strides = [1]} : vector<16xf32> to vector<1xf32>
      %squeeze3A_2507 = vector.extract %slice3A_2506[0] : f32 from vector<1xf32>
      %broadcast_in_dim3A_2508 = vector.broadcast %squeeze3A_2507 : f32 to vector<16xf32>
      %sub3A_2509 = arith.subf %broadcast_in_dim3A_2505, %sub3A_16 : vector<16xf32>
      %sub3A_2510 = arith.subf %broadcast_in_dim3A_2508, %sub3A_21 : vector<16xf32>
      %max3A_2511 = arith.constant 8.000000e+00 : f32
      %max3A_2512 = vector.broadcast %max3A_2511 : f32 to vector<16xf32>
      %max3A_2513 = arith.maximumf %sub3A_2509, %max3A_2512 : vector<16xf32>
      %min3A_2514 = arith.constant 15.999999 : f32
      %min3A_2515 = vector.broadcast %min3A_2514 : f32 to vector<16xf32>
      %min3A_2516 = arith.minimumf %max3A_2513, %min3A_2515 : vector<16xf32>
      %max3A_2517 = arith.constant 8.000000e+00 : f32
      %max3A_2518 = vector.broadcast %max3A_2517 : f32 to vector<16xf32>
      %max3A_2519 = arith.maximumf %sub3A_2510, %max3A_2518 : vector<16xf32>
      %min3A_2520 = arith.constant 15.999999 : f32
      %min3A_2521 = vector.broadcast %min3A_2520 : f32 to vector<16xf32>
      %min3A_2522 = arith.minimumf %max3A_2519, %min3A_2521 : vector<16xf32>
      %bitcast3A_2523 = vector.bitcast %min3A_2516 : vector<16xf32> to vector<16xi32>
      %bitcast3A_2524 = vector.bitcast %min3A_2522 : vector<16xf32> to vector<16xi32>
      %shift_right_logical3A_2525 = arith.constant 17 : i32
      %shift_right_logical3A_2526 = vector.broadcast %shift_right_logical3A_2525 : i32 to vector<16xi32>
      %shift_right_logical3A_2527 = arith.shrui %bitcast3A_2523, %shift_right_logical3A_2526 : vector<16xi32>
      %and3A_2528 = arith.constant 56 : i32
      %and3A_2529 = vector.broadcast %and3A_2528 : i32 to vector<16xi32>
      %and3A_2530 = arith.andi %shift_right_logical3A_2527, %and3A_2529 : vector<16xi32>
      %add3A_2531 = arith.addi %sub3A_30, %and3A_2530 : vector<16xi32>
      %shift_right_logical3A_2532 = arith.constant 20 : i32
      %shift_right_logical3A_2533 = vector.broadcast %shift_right_logical3A_2532 : i32 to vector<16xi32>
      %shift_right_logical3A_2534 = arith.shrui %bitcast3A_2524, %shift_right_logical3A_2533 : vector<16xi32>
      %add3A_2535 = arith.addi %add3A_2531, %shift_right_logical3A_2534 : vector<16xi32>
      tpu.vector_store_idx %arg7[%add3A_2535], %broadcast_in_dim3A_10 {add = true} : memref<6144xf32, #tpu.memory_space<vmem>>[vector<16xi32>], vector<16xf32>,
      %sub3A_2536 = arith.subf %broadcast_in_dim3A_2505, %sub3A_38 : vector<16xf32>
      %sub3A_2537 = arith.subf %broadcast_in_dim3A_2508, %sub3A_43 : vector<16xf32>
      %max3A_2538 = arith.constant 8.000000e+00 : f32
      %max3A_2539 = vector.broadcast %max3A_2538 : f32 to vector<16xf32>
      %max3A_2540 = arith.maximumf %sub3A_2536, %max3A_2539 : vector<16xf32>
      %min3A_2541 = arith.constant 15.999999 : f32
      %min3A_2542 = vector.broadcast %min3A_2541 : f32 to vector<16xf32>
      %min3A_2543 = arith.minimumf %max3A_2540, %min3A_2542 : vector<16xf32>
      %max3A_2544 = arith.constant 8.000000e+00 : f32
      %max3A_2545 = vector.broadcast %max3A_2544 : f32 to vector<16xf32>
      %max3A_2546 = arith.maximumf %sub3A_2537, %max3A_2545 : vector<16xf32>
      %min3A_2547 = arith.constant 15.999999 : f32
      %min3A_2548 = vector.broadcast %min3A_2547 : f32 to vector<16xf32>
      %min3A_2549 = arith.minimumf %max3A_2546, %min3A_2548 : vector<16xf32>
      %bitcast3A_2550 = vector.bitcast %min3A_2543 : vector<16xf32> to vector<16xi32>
      %bitcast3A_2551 = vector.bitcast %min3A_2549 : vector<16xf32> to vector<16xi32>
      %shift_right_logical3A_2552 = arith.constant 17 : i32
      %shift_right_logical3A_2553 = vector.broadcast %shift_right_logical3A_2552 : i32 to vector<16xi32>
      %shift_right_logical3A_2554 = arith.shrui %bitcast3A_2550, %shift_right_logical3A_2553 : vector<16xi32>
      %and3A_2555 = arith.constant 56 : i32
      %and3A_2556 = vector.broadcast %and3A_2555 : i32 to vector<16xi32>
      %and3A_2557 = arith.andi %shift_right_logical3A_2554, %and3A_2556 : vector<16xi32>
      %add3A_2558 = arith.addi %sub3A_52, %and3A_2557 : vector<16xi32>
      %shift_right_logical3A_2559 = arith.constant 20 : i32
      %shift_right_logical3A_2560 = vector.broadcast %shift_right_logical3A_2559 : i32 to vector<16xi32>
      %shift_right_logical3A_2561 = arith.shrui %bitcast3A_2551, %shift_right_logical3A_2560 : vector<16xi32>
      %add3A_2562 = arith.addi %add3A_2558, %shift_right_logical3A_2561 : vector<16xi32>
      tpu.vector_store_idx %arg7[%add3A_2562], %broadcast_in_dim3A_10 {add = true} : memref<6144xf32, #tpu.memory_space<vmem>>[vector<16xi32>], vector<16xf32>,
      %sub3A_2563 = arith.subf %broadcast_in_dim3A_2505, %sub3A_60 : vector<16xf32>
      %sub3A_2564 = arith.subf %broadcast_in_dim3A_2508, %sub3A_65 : vector<16xf32>
      %max3A_2565 = arith.constant 8.000000e+00 : f32
      %max3A_2566 = vector.broadcast %max3A_2565 : f32 to vector<16xf32>
      %max3A_2567 = arith.maximumf %sub3A_2563, %max3A_2566 : vector<16xf32>
      %min3A_2568 = arith.constant 15.999999 : f32
      %min3A_2569 = vector.broadcast %min3A_2568 : f32 to vector<16xf32>
      %min3A_2570 = arith.minimumf %max3A_2567, %min3A_2569 : vector<16xf32>
      %max3A_2571 = arith.constant 8.000000e+00 : f32
      %max3A_2572 = vector.broadcast %max3A_2571 : f32 to vector<16xf32>
      %max3A_2573 = arith.maximumf %sub3A_2564, %max3A_2572 : vector<16xf32>
      %min3A_2574 = arith.constant 15.999999 : f32
      %min3A_2575 = vector.broadcast %min3A_2574 : f32 to vector<16xf32>
      %min3A_2576 = arith.minimumf %max3A_2573, %min3A_2575 : vector<16xf32>
      %bitcast3A_2577 = vector.bitcast %min3A_2570 : vector<16xf32> to vector<16xi32>
      %bitcast3A_2578 = vector.bitcast %min3A_2576 : vector<16xf32> to vector<16xi32>
      %shift_right_logical3A_2579 = arith.constant 17 : i32
      %shift_right_logical3A_2580 = vector.broadcast %shift_right_logical3A_2579 : i32 to vector<16xi32>
      %shift_right_logical3A_2581 = arith.shrui %bitcast3A_2577, %shift_right_logical3A_2580 : vector<16xi32>
      %and3A_2582 = arith.constant 56 : i32
      %and3A_2583 = vector.broadcast %and3A_2582 : i32 to vector<16xi32>
      %and3A_2584 = arith.andi %shift_right_logical3A_2581, %and3A_2583 : vector<16xi32>
      %add3A_2585 = arith.addi %sub3A_74, %and3A_2584 : vector<16xi32>
      %shift_right_logical3A_2586 = arith.constant 20 : i32
      %shift_right_logical3A_2587 = vector.broadcast %shift_right_logical3A_2586 : i32 to vector<16xi32>
      %shift_right_logical3A_2588 = arith.shrui %bitcast3A_2578, %shift_right_logical3A_2587 : vector<16xi32>
      %add3A_2589 = arith.addi %add3A_2585, %shift_right_logical3A_2588 : vector<16xi32>
      tpu.vector_store_idx %arg7[%add3A_2589], %broadcast_in_dim3A_10 {add = true} : memref<6144xf32, #tpu.memory_space<vmem>>[vector<16xi32>], vector<16xf32>,
      %sub3A_2590 = arith.subf %broadcast_in_dim3A_2505, %sub3A_82 : vector<16xf32>
      %sub3A_2591 = arith.subf %broadcast_in_dim3A_2508, %sub3A_87 : vector<16xf32>
      %max3A_2592 = arith.constant 8.000000e+00 : f32
      %max3A_2593 = vector.broadcast %max3A_2592 : f32 to vector<16xf32>
      %max3A_2594 = arith.maximumf %sub3A_2590, %max3A_2593 : vector<16xf32>
      %min3A_2595 = arith.constant 15.999999 : f32
      %min3A_2596 = vector.broadcast %min3A_2595 : f32 to vector<16xf32>
      %min3A_2597 = arith.minimumf %max3A_2594, %min3A_2596 : vector<16xf32>
      %max3A_2598 = arith.constant 8.000000e+00 : f32
      %max3A_2599 = vector.broadcast %max3A_2598 : f32 to vector<16xf32>
      %max3A_2600 = arith.maximumf %sub3A_2591, %max3A_2599 : vector<16xf32>
      %min3A_2601 = arith.constant 15.999999 : f32
      %min3A_2602 = vector.broadcast %min3A_2601 : f32 to vector<16xf32>
      %min3A_2603 = arith.minimumf %max3A_2600, %min3A_2602 : vector<16xf32>
      %bitcast3A_2604 = vector.bitcast %min3A_2597 : vector<16xf32> to vector<16xi32>
      %bitcast3A_2605 = vector.bitcast %min3A_2603 : vector<16xf32> to vector<16xi32>
      %shift_right_logical3A_2606 = arith.constant 17 : i32
      %shift_right_logical3A_2607 = vector.broadcast %shift_right_logical3A_2606 : i32 to vector<16xi32>
      %shift_right_logical3A_2608 = arith.shrui %bitcast3A_2604, %shift_right_logical3A_2607 : vector<16xi32>
      %and3A_2609 = arith.constant 56 : i32
      %and3A_2610 = vector.broadcast %and3A_2609 : i32 to vector<16xi32>
      %and3A_2611 = arith.andi %shift_right_logical3A_2608, %and3A_2610 : vector<16xi32>
      %add3A_2612 = arith.addi %sub3A_96, %and3A_2611 : vector<16xi32>
      %shift_right_logical3A_2613 = arith.constant 20 : i32
      %shift_right_logical3A_2614 = vector.broadcast %shift_right_logical3A_2613 : i32 to vector<16xi32>
      %shift_right_logical3A_2615 = arith.shrui %bitcast3A_2605, %shift_right_logical3A_2614 : vector<16xi32>
      %add3A_2616 = arith.addi %add3A_2612, %shift_right_logical3A_2615 : vector<16xi32>
      tpu.vector_store_idx %arg7[%add3A_2616], %broadcast_in_dim3A_10 {add = true} : memref<6144xf32, #tpu.memory_space<vmem>>[vector<16xi32>], vector<16xf32>,
      %sub3A_2617 = arith.subf %broadcast_in_dim3A_2505, %sub3A_104 : vector<16xf32>
      %sub3A_2618 = arith.subf %broadcast_in_dim3A_2508, %sub3A_109 : vector<16xf32>
      %max3A_2619 = arith.constant 8.000000e+00 : f32
      %max3A_2620 = vector.broadcast %max3A_2619 : f32 to vector<16xf32>
      %max3A_2621 = arith.maximumf %sub3A_2617, %max3A_2620 : vector<16xf32>
      %min3A_2622 = arith.constant 15.999999 : f32
      %min3A_2623 = vector.broadcast %min3A_2622 : f32 to vector<16xf32>
      %min3A_2624 = arith.minimumf %max3A_2621, %min3A_2623 : vector<16xf32>
      %max3A_2625 = arith.constant 8.000000e+00 : f32
      %max3A_2626 = vector.broadcast %max3A_2625 : f32 to vector<16xf32>
      %max3A_2627 = arith.maximumf %sub3A_2618, %max3A_2626 : vector<16xf32>
      %min3A_2628 = arith.constant 15.999999 : f32
      %min3A_2629 = vector.broadcast %min3A_2628 : f32 to vector<16xf32>
      %min3A_2630 = arith.minimumf %max3A_2627, %min3A_2629 : vector<16xf32>
      %bitcast3A_2631 = vector.bitcast %min3A_2624 : vector<16xf32> to vector<16xi32>
      %bitcast3A_2632 = vector.bitcast %min3A_2630 : vector<16xf32> to vector<16xi32>
      %shift_right_logical3A_2633 = arith.constant 17 : i32
      %shift_right_logical3A_2634 = vector.broadcast %shift_right_logical3A_2633 : i32 to vector<16xi32>
      %shift_right_logical3A_2635 = arith.shrui %bitcast3A_2631, %shift_right_logical3A_2634 : vector<16xi32>
      %and3A_2636 = arith.constant 56 : i32
      %and3A_2637 = vector.broadcast %and3A_2636 : i32 to vector<16xi32>
      %and3A_2638 = arith.andi %shift_right_logical3A_2635, %and3A_2637 : vector<16xi32>
      %add3A_2639 = arith.addi %sub3A_118, %and3A_2638 : vector<16xi32>
      %shift_right_logical3A_2640 = arith.constant 20 : i32
      %shift_right_logical3A_2641 = vector.broadcast %shift_right_logical3A_2640 : i32 to vector<16xi32>
      %shift_right_logical3A_2642 = arith.shrui %bitcast3A_2632, %shift_right_logical3A_2641 : vector<16xi32>
      %add3A_2643 = arith.addi %add3A_2639, %shift_right_logical3A_2642 : vector<16xi32>
      tpu.vector_store_idx %arg7[%add3A_2643], %broadcast_in_dim3A_10 {add = true} : memref<6144xf32, #tpu.memory_space<vmem>>[vector<16xi32>], vector<16xf32>,
      %sub3A_2644 = arith.subf %broadcast_in_dim3A_2505, %sub3A_126 : vector<16xf32>
      %sub3A_2645 = arith.subf %broadcast_in_dim3A_2508, %sub3A_131 : vector<16xf32>
      %max3A_2646 = arith.constant 8.000000e+00 : f32
      %max3A_2647 = vector.broadcast %max3A_2646 : f32 to vector<16xf32>
      %max3A_2648 = arith.maximumf %sub3A_2644, %max3A_2647 : vector<16xf32>
      %min3A_2649 = arith.constant 15.999999 : f32
      %min3A_2650 = vector.broadcast %min3A_2649 : f32 to vector<16xf32>
      %min3A_2651 = arith.minimumf %max3A_2648, %min3A_2650 : vector<16xf32>
      %max3A_2652 = arith.constant 8.000000e+00 : f32
      %max3A_2653 = vector.broadcast %max3A_2652 : f32 to vector<16xf32>
      %max3A_2654 = arith.maximumf %sub3A_2645, %max3A_2653 : vector<16xf32>
      %min3A_2655 = arith.constant 15.999999 : f32
      %min3A_2656 = vector.broadcast %min3A_2655 : f32 to vector<16xf32>
      %min3A_2657 = arith.minimumf %max3A_2654, %min3A_2656 : vector<16xf32>
      %bitcast3A_2658 = vector.bitcast %min3A_2651 : vector<16xf32> to vector<16xi32>
      %bitcast3A_2659 = vector.bitcast %min3A_2657 : vector<16xf32> to vector<16xi32>
      %shift_right_logical3A_2660 = arith.constant 17 : i32
      %shift_right_logical3A_2661 = vector.broadcast %shift_right_logical3A_2660 : i32 to vector<16xi32>
      %shift_right_logical3A_2662 = arith.shrui %bitcast3A_2658, %shift_right_logical3A_2661 : vector<16xi32>
      %and3A_2663 = arith.constant 56 : i32
      %and3A_2664 = vector.broadcast %and3A_2663 : i32 to vector<16xi32>
      %and3A_2665 = arith.andi %shift_right_logical3A_2662, %and3A_2664 : vector<16xi32>
      %add3A_2666 = arith.addi %sub3A_140, %and3A_2665 : vector<16xi32>
      %shift_right_logical3A_2667 = arith.constant 20 : i32
      %shift_right_logical3A_2668 = vector.broadcast %shift_right_logical3A_2667 : i32 to vector<16xi32>
      %shift_right_logical3A_2669 = arith.shrui %bitcast3A_2659, %shift_right_logical3A_2668 : vector<16xi32>
      %add3A_2670 = arith.addi %add3A_2666, %shift_right_logical3A_2669 : vector<16xi32>
      tpu.vector_store_idx %arg7[%add3A_2670], %broadcast_in_dim3A_10 {add = true} : memref<6144xf32, #tpu.memory_space<vmem>>[vector<16xi32>], vector<16xf32>,
      %slice3A_2671 = vector.extract_strided_slice %get3A_155 {offsets = [15], sizes = [1], strides = [1]} : vector<16xf32> to vector<1xf32>
      %squeeze3A_2672 = vector.extract %slice3A_2671[0] : f32 from vector<1xf32>
      %broadcast_in_dim3A_2673 = vector.broadcast %squeeze3A_2672 : f32 to vector<16xf32>
      %slice3A_2674 = vector.extract_strided_slice %get3A_157 {offsets = [15], sizes = [1], strides = [1]} : vector<16xf32> to vector<1xf32>
      %squeeze3A_2675 = vector.extract %slice3A_2674[0] : f32 from vector<1xf32>
      %broadcast_in_dim3A_2676 = vector.broadcast %squeeze3A_2675 : f32 to vector<16xf32>
      %sub3A_2677 = arith.subf %broadcast_in_dim3A_2673, %sub3A_16 : vector<16xf32>
      %sub3A_2678 = arith.subf %broadcast_in_dim3A_2676, %sub3A_21 : vector<16xf32>
      %max3A_2679 = arith.constant 8.000000e+00 : f32
      %max3A_2680 = vector.broadcast %max3A_2679 : f32 to vector<16xf32>
      %max3A_2681 = arith.maximumf %sub3A_2677, %max3A_2680 : vector<16xf32>
      %min3A_2682 = arith.constant 15.999999 : f32
      %min3A_2683 = vector.broadcast %min3A_2682 : f32 to vector<16xf32>
      %min3A_2684 = arith.minimumf %max3A_2681, %min3A_2683 : vector<16xf32>
      %max3A_2685 = arith.constant 8.000000e+00 : f32
      %max3A_2686 = vector.broadcast %max3A_2685 : f32 to vector<16xf32>
      %max3A_2687 = arith.maximumf %sub3A_2678, %max3A_2686 : vector<16xf32>
      %min3A_2688 = arith.constant 15.999999 : f32
      %min3A_2689 = vector.broadcast %min3A_2688 : f32 to vector<16xf32>
      %min3A_2690 = arith.minimumf %max3A_2687, %min3A_2689 : vector<16xf32>
      %bitcast3A_2691 = vector.bitcast %min3A_2684 : vector<16xf32> to vector<16xi32>
      %bitcast3A_2692 = vector.bitcast %min3A_2690 : vector<16xf32> to vector<16xi32>
      %shift_right_logical3A_2693 = arith.constant 17 : i32
      %shift_right_logical3A_2694 = vector.broadcast %shift_right_logical3A_2693 : i32 to vector<16xi32>
      %shift_right_logical3A_2695 = arith.shrui %bitcast3A_2691, %shift_right_logical3A_2694 : vector<16xi32>
      %and3A_2696 = arith.constant 56 : i32
      %and3A_2697 = vector.broadcast %and3A_2696 : i32 to vector<16xi32>
      %and3A_2698 = arith.andi %shift_right_logical3A_2695, %and3A_2697 : vector<16xi32>
      %add3A_2699 = arith.addi %sub3A_30, %and3A_2698 : vector<16xi32>
      %shift_right_logical3A_2700 = arith.constant 20 : i32
      %shift_right_logical3A_2701 = vector.broadcast %shift_right_logical3A_2700 : i32 to vector<16xi32>
      %shift_right_logical3A_2702 = arith.shrui %bitcast3A_2692, %shift_right_logical3A_2701 : vector<16xi32>
      %add3A_2703 = arith.addi %add3A_2699, %shift_right_logical3A_2702 : vector<16xi32>
      tpu.vector_store_idx %arg7[%add3A_2703], %broadcast_in_dim3A_10 {add = true} : memref<6144xf32, #tpu.memory_space<vmem>>[vector<16xi32>], vector<16xf32>,
      %sub3A_2704 = arith.subf %broadcast_in_dim3A_2673, %sub3A_38 : vector<16xf32>
      %sub3A_2705 = arith.subf %broadcast_in_dim3A_2676, %sub3A_43 : vector<16xf32>
      %max3A_2706 = arith.constant 8.000000e+00 : f32
      %max3A_2707 = vector.broadcast %max3A_2706 : f32 to vector<16xf32>
      %max3A_2708 = arith.maximumf %sub3A_2704, %max3A_2707 : vector<16xf32>
      %min3A_2709 = arith.constant 15.999999 : f32
      %min3A_2710 = vector.broadcast %min3A_2709 : f32 to vector<16xf32>
      %min3A_2711 = arith.minimumf %max3A_2708, %min3A_2710 : vector<16xf32>
      %max3A_2712 = arith.constant 8.000000e+00 : f32
      %max3A_2713 = vector.broadcast %max3A_2712 : f32 to vector<16xf32>
      %max3A_2714 = arith.maximumf %sub3A_2705, %max3A_2713 : vector<16xf32>
      %min3A_2715 = arith.constant 15.999999 : f32
      %min3A_2716 = vector.broadcast %min3A_2715 : f32 to vector<16xf32>
      %min3A_2717 = arith.minimumf %max3A_2714, %min3A_2716 : vector<16xf32>
      %bitcast3A_2718 = vector.bitcast %min3A_2711 : vector<16xf32> to vector<16xi32>
      %bitcast3A_2719 = vector.bitcast %min3A_2717 : vector<16xf32> to vector<16xi32>
      %shift_right_logical3A_2720 = arith.constant 17 : i32
      %shift_right_logical3A_2721 = vector.broadcast %shift_right_logical3A_2720 : i32 to vector<16xi32>
      %shift_right_logical3A_2722 = arith.shrui %bitcast3A_2718, %shift_right_logical3A_2721 : vector<16xi32>
      %and3A_2723 = arith.constant 56 : i32
      %and3A_2724 = vector.broadcast %and3A_2723 : i32 to vector<16xi32>
      %and3A_2725 = arith.andi %shift_right_logical3A_2722, %and3A_2724 : vector<16xi32>
      %add3A_2726 = arith.addi %sub3A_52, %and3A_2725 : vector<16xi32>
      %shift_right_logical3A_2727 = arith.constant 20 : i32
      %shift_right_logical3A_2728 = vector.broadcast %shift_right_logical3A_2727 : i32 to vector<16xi32>
      %shift_right_logical3A_2729 = arith.shrui %bitcast3A_2719, %shift_right_logical3A_2728 : vector<16xi32>
      %add3A_2730 = arith.addi %add3A_2726, %shift_right_logical3A_2729 : vector<16xi32>
      tpu.vector_store_idx %arg7[%add3A_2730], %broadcast_in_dim3A_10 {add = true} : memref<6144xf32, #tpu.memory_space<vmem>>[vector<16xi32>], vector<16xf32>,
      %sub3A_2731 = arith.subf %broadcast_in_dim3A_2673, %sub3A_60 : vector<16xf32>
      %sub3A_2732 = arith.subf %broadcast_in_dim3A_2676, %sub3A_65 : vector<16xf32>
      %max3A_2733 = arith.constant 8.000000e+00 : f32
      %max3A_2734 = vector.broadcast %max3A_2733 : f32 to vector<16xf32>
      %max3A_2735 = arith.maximumf %sub3A_2731, %max3A_2734 : vector<16xf32>
      %min3A_2736 = arith.constant 15.999999 : f32
      %min3A_2737 = vector.broadcast %min3A_2736 : f32 to vector<16xf32>
      %min3A_2738 = arith.minimumf %max3A_2735, %min3A_2737 : vector<16xf32>
      %max3A_2739 = arith.constant 8.000000e+00 : f32
      %max3A_2740 = vector.broadcast %max3A_2739 : f32 to vector<16xf32>
      %max3A_2741 = arith.maximumf %sub3A_2732, %max3A_2740 : vector<16xf32>
      %min3A_2742 = arith.constant 15.999999 : f32
      %min3A_2743 = vector.broadcast %min3A_2742 : f32 to vector<16xf32>
      %min3A_2744 = arith.minimumf %max3A_2741, %min3A_2743 : vector<16xf32>
      %bitcast3A_2745 = vector.bitcast %min3A_2738 : vector<16xf32> to vector<16xi32>
      %bitcast3A_2746 = vector.bitcast %min3A_2744 : vector<16xf32> to vector<16xi32>
      %shift_right_logical3A_2747 = arith.constant 17 : i32
      %shift_right_logical3A_2748 = vector.broadcast %shift_right_logical3A_2747 : i32 to vector<16xi32>
      %shift_right_logical3A_2749 = arith.shrui %bitcast3A_2745, %shift_right_logical3A_2748 : vector<16xi32>
      %and3A_2750 = arith.constant 56 : i32
      %and3A_2751 = vector.broadcast %and3A_2750 : i32 to vector<16xi32>
      %and3A_2752 = arith.andi %shift_right_logical3A_2749, %and3A_2751 : vector<16xi32>
      %add3A_2753 = arith.addi %sub3A_74, %and3A_2752 : vector<16xi32>
      %shift_right_logical3A_2754 = arith.constant 20 : i32
      %shift_right_logical3A_2755 = vector.broadcast %shift_right_logical3A_2754 : i32 to vector<16xi32>
      %shift_right_logical3A_2756 = arith.shrui %bitcast3A_2746, %shift_right_logical3A_2755 : vector<16xi32>
      %add3A_2757 = arith.addi %add3A_2753, %shift_right_logical3A_2756 : vector<16xi32>
      tpu.vector_store_idx %arg7[%add3A_2757], %broadcast_in_dim3A_10 {add = true} : memref<6144xf32, #tpu.memory_space<vmem>>[vector<16xi32>], vector<16xf32>,
      %sub3A_2758 = arith.subf %broadcast_in_dim3A_2673, %sub3A_82 : vector<16xf32>
      %sub3A_2759 = arith.subf %broadcast_in_dim3A_2676, %sub3A_87 : vector<16xf32>
      %max3A_2760 = arith.constant 8.000000e+00 : f32
      %max3A_2761 = vector.broadcast %max3A_2760 : f32 to vector<16xf32>
      %max3A_2762 = arith.maximumf %sub3A_2758, %max3A_2761 : vector<16xf32>
      %min3A_2763 = arith.constant 15.999999 : f32
      %min3A_2764 = vector.broadcast %min3A_2763 : f32 to vector<16xf32>
      %min3A_2765 = arith.minimumf %max3A_2762, %min3A_2764 : vector<16xf32>
      %max3A_2766 = arith.constant 8.000000e+00 : f32
      %max3A_2767 = vector.broadcast %max3A_2766 : f32 to vector<16xf32>
      %max3A_2768 = arith.maximumf %sub3A_2759, %max3A_2767 : vector<16xf32>
      %min3A_2769 = arith.constant 15.999999 : f32
      %min3A_2770 = vector.broadcast %min3A_2769 : f32 to vector<16xf32>
      %min3A_2771 = arith.minimumf %max3A_2768, %min3A_2770 : vector<16xf32>
      %bitcast3A_2772 = vector.bitcast %min3A_2765 : vector<16xf32> to vector<16xi32>
      %bitcast3A_2773 = vector.bitcast %min3A_2771 : vector<16xf32> to vector<16xi32>
      %shift_right_logical3A_2774 = arith.constant 17 : i32
      %shift_right_logical3A_2775 = vector.broadcast %shift_right_logical3A_2774 : i32 to vector<16xi32>
      %shift_right_logical3A_2776 = arith.shrui %bitcast3A_2772, %shift_right_logical3A_2775 : vector<16xi32>
      %and3A_2777 = arith.constant 56 : i32
      %and3A_2778 = vector.broadcast %and3A_2777 : i32 to vector<16xi32>
      %and3A_2779 = arith.andi %shift_right_logical3A_2776, %and3A_2778 : vector<16xi32>
      %add3A_2780 = arith.addi %sub3A_96, %and3A_2779 : vector<16xi32>
      %shift_right_logical3A_2781 = arith.constant 20 : i32
      %shift_right_logical3A_2782 = vector.broadcast %shift_right_logical3A_2781 : i32 to vector<16xi32>
      %shift_right_logical3A_2783 = arith.shrui %bitcast3A_2773, %shift_right_logical3A_2782 : vector<16xi32>
      %add3A_2784 = arith.addi %add3A_2780, %shift_right_logical3A_2783 : vector<16xi32>
      tpu.vector_store_idx %arg7[%add3A_2784], %broadcast_in_dim3A_10 {add = true} : memref<6144xf32, #tpu.memory_space<vmem>>[vector<16xi32>], vector<16xf32>,
      %sub3A_2785 = arith.subf %broadcast_in_dim3A_2673, %sub3A_104 : vector<16xf32>
      %sub3A_2786 = arith.subf %broadcast_in_dim3A_2676, %sub3A_109 : vector<16xf32>
      %max3A_2787 = arith.constant 8.000000e+00 : f32
      %max3A_2788 = vector.broadcast %max3A_2787 : f32 to vector<16xf32>
      %max3A_2789 = arith.maximumf %sub3A_2785, %max3A_2788 : vector<16xf32>
      %min3A_2790 = arith.constant 15.999999 : f32
      %min3A_2791 = vector.broadcast %min3A_2790 : f32 to vector<16xf32>
      %min3A_2792 = arith.minimumf %max3A_2789, %min3A_2791 : vector<16xf32>
      %max3A_2793 = arith.constant 8.000000e+00 : f32
      %max3A_2794 = vector.broadcast %max3A_2793 : f32 to vector<16xf32>
      %max3A_2795 = arith.maximumf %sub3A_2786, %max3A_2794 : vector<16xf32>
      %min3A_2796 = arith.constant 15.999999 : f32
      %min3A_2797 = vector.broadcast %min3A_2796 : f32 to vector<16xf32>
      %min3A_2798 = arith.minimumf %max3A_2795, %min3A_2797 : vector<16xf32>
      %bitcast3A_2799 = vector.bitcast %min3A_2792 : vector<16xf32> to vector<16xi32>
      %bitcast3A_2800 = vector.bitcast %min3A_2798 : vector<16xf32> to vector<16xi32>
      %shift_right_logical3A_2801 = arith.constant 17 : i32
      %shift_right_logical3A_2802 = vector.broadcast %shift_right_logical3A_2801 : i32 to vector<16xi32>
      %shift_right_logical3A_2803 = arith.shrui %bitcast3A_2799, %shift_right_logical3A_2802 : vector<16xi32>
      %and3A_2804 = arith.constant 56 : i32
      %and3A_2805 = vector.broadcast %and3A_2804 : i32 to vector<16xi32>
      %and3A_2806 = arith.andi %shift_right_logical3A_2803, %and3A_2805 : vector<16xi32>
      %add3A_2807 = arith.addi %sub3A_118, %and3A_2806 : vector<16xi32>
      %shift_right_logical3A_2808 = arith.constant 20 : i32
      %shift_right_logical3A_2809 = vector.broadcast %shift_right_logical3A_2808 : i32 to vector<16xi32>
      %shift_right_logical3A_2810 = arith.shrui %bitcast3A_2800, %shift_right_logical3A_2809 : vector<16xi32>
      %add3A_2811 = arith.addi %add3A_2807, %shift_right_logical3A_2810 : vector<16xi32>
      tpu.vector_store_idx %arg7[%add3A_2811], %broadcast_in_dim3A_10 {add = true} : memref<6144xf32, #tpu.memory_space<vmem>>[vector<16xi32>], vector<16xf32>,
      %sub3A_2812 = arith.subf %broadcast_in_dim3A_2673, %sub3A_126 : vector<16xf32>
      %sub3A_2813 = arith.subf %broadcast_in_dim3A_2676, %sub3A_131 : vector<16xf32>
      %max3A_2814 = arith.constant 8.000000e+00 : f32
      %max3A_2815 = vector.broadcast %max3A_2814 : f32 to vector<16xf32>
      %max3A_2816 = arith.maximumf %sub3A_2812, %max3A_2815 : vector<16xf32>
      %min3A_2817 = arith.constant 15.999999 : f32
      %min3A_2818 = vector.broadcast %min3A_2817 : f32 to vector<16xf32>
      %min3A_2819 = arith.minimumf %max3A_2816, %min3A_2818 : vector<16xf32>
      %max3A_2820 = arith.constant 8.000000e+00 : f32
      %max3A_2821 = vector.broadcast %max3A_2820 : f32 to vector<16xf32>
      %max3A_2822 = arith.maximumf %sub3A_2813, %max3A_2821 : vector<16xf32>
      %min3A_2823 = arith.constant 15.999999 : f32
      %min3A_2824 = vector.broadcast %min3A_2823 : f32 to vector<16xf32>
      %min3A_2825 = arith.minimumf %max3A_2822, %min3A_2824 : vector<16xf32>
      %bitcast3A_2826 = vector.bitcast %min3A_2819 : vector<16xf32> to vector<16xi32>
      %bitcast3A_2827 = vector.bitcast %min3A_2825 : vector<16xf32> to vector<16xi32>
      %shift_right_logical3A_2828 = arith.constant 17 : i32
      %shift_right_logical3A_2829 = vector.broadcast %shift_right_logical3A_2828 : i32 to vector<16xi32>
      %shift_right_logical3A_2830 = arith.shrui %bitcast3A_2826, %shift_right_logical3A_2829 : vector<16xi32>
      %and3A_2831 = arith.constant 56 : i32
      %and3A_2832 = vector.broadcast %and3A_2831 : i32 to vector<16xi32>
      %and3A_2833 = arith.andi %shift_right_logical3A_2830, %and3A_2832 : vector<16xi32>
      %add3A_2834 = arith.addi %sub3A_140, %and3A_2833 : vector<16xi32>
      %shift_right_logical3A_2835 = arith.constant 20 : i32
      %shift_right_logical3A_2836 = vector.broadcast %shift_right_logical3A_2835 : i32 to vector<16xi32>
      %shift_right_logical3A_2837 = arith.shrui %bitcast3A_2827, %shift_right_logical3A_2836 : vector<16xi32>
      %add3A_2838 = arith.addi %add3A_2834, %shift_right_logical3A_2837 : vector<16xi32>
      tpu.vector_store_idx %arg7[%add3A_2838], %broadcast_in_dim3A_10 {add = true} : memref<6144xf32, #tpu.memory_space<vmem>>[vector<16xi32>], vector<16xf32>,
    }
    %scan3A_146 = arith.constant 256 : i32
    %mul3A_147 = arith.constant 64 : i32
    %mul3A_148 = arith.muli %multiple_of3A, %mul3A_147 : i32
    %multiple_of3A_149 = tpu.assume_multiple %mul3A_148, 8 : i32
    "tpu.region"() ({
      %run_scoped3A = tpu.sem_alloc : memref<!tpu.dma_semaphore, #tpu.memory_space<semaphore_mem>>
      %dma_start3A = tpu.memref_slice %arg4[%multiple_of3A_149] : memref<196608xf32, #tpu.memory_space<hbm>> -> memref<6144xf32, #tpu.memory_space<hbm>>
      %dma_start3A_150 = tpu.memref_slice %arg4[%multiple_of3A_149] : memref<196608xf32, #tpu.memory_space<hbm>> -> memref<6144xf32, #tpu.memory_space<hbm>>
      tpu.enqueue_dma source(%arg7 : memref<6144xf32, #tpu.memory_space<vmem>>) target(%dma_start3A_150 : memref<6144xf32, #tpu.memory_space<hbm>>) target_semaphore(%run_scoped3A : memref<!tpu.dma_semaphore, #tpu.memory_space<semaphore_mem>>)
      %dma_wait3A = tpu.memref_slice %arg4[%multiple_of3A_149] : memref<196608xf32, #tpu.memory_space<hbm>> -> memref<6144xf32, #tpu.memory_space<hbm>>
      %dma_wait3A_151 = tpu.memref_slice %arg4[%multiple_of3A_149] : memref<196608xf32, #tpu.memory_space<hbm>> -> memref<6144xf32, #tpu.memory_space<hbm>>
      tpu.wait_dma2 semaphore(%run_scoped3A : memref<!tpu.dma_semaphore, #tpu.memory_space<semaphore_mem>>) src(%arg7 : memref<6144xf32, #tpu.memory_space<vmem>>) dst(%dma_wait3A_151 : memref<6144xf32, #tpu.memory_space<hbm>>)
      tpu.yield
    }) : () -> ()
    return
  }
}

module attributes {stable_mosaic.version = 14 : i64} {
  func.func @hk(%arg0: i32, %arg1: memref<4096x1xf32, #tpu.memory_space<vmem>>, %arg2: memref<4096x1xf32, #tpu.memory_space<vmem>>, %arg3: memref<1x1x128xf32, #tpu.memory_space<vmem>>, %arg4: memref<1x1x128xf32, #tpu.memory_space<vmem>>, %arg5: memref<36x128xf32, #tpu.memory_space<vmem>>, %arg6: memref<1x128xf32, #tpu.memory_space<vmem>>, %arg7: memref<128x128xf32, #tpu.memory_space<vmem>>) attributes {dimension_semantics = [#tpu.dimension_semantics<arbitrary>], iteration_bounds = array<i64: 8>, scalar_prefetch = 0 : i64, scratch_operands = 0 : i64, tpu.core_type = #tpu.core_type<tc>, window_params = [{pipeline_mode = #tpu.pipeline_mode<synchronous>, transform_indices = @transform_0, window_bounds = array<i64: 4096, 1>}, {pipeline_mode = #tpu.pipeline_mode<synchronous>, transform_indices = @transform_1, window_bounds = array<i64: 4096, 1>}, {transform_indices = @transform_2, window_bounds = array<i64: 1, 1, 128>}, {transform_indices = @transform_3, window_bounds = array<i64: 1, 1, 128>}, {pipeline_mode = #tpu.pipeline_mode<synchronous>, transform_indices = @transform_4, window_bounds = array<i64: 36, 128>}, {pipeline_mode = #tpu.pipeline_mode<synchronous>, transform_indices = @transform_5, window_bounds = array<i64: 1, 128>}, {transform_indices = @transform_6, window_bounds = array<i64: 128, 128>}]} {
    %get3A = arith.constant 0 : index
    %get3A_0 = arith.constant 0 : index
    %get3A_1 = arith.constant 0 : index
    %get3A_2 = vector.load %arg3[%get3A, %get3A_0, %get3A_1] : memref<1x1x128xf32, #tpu.memory_space<vmem>>, vector<1x1x128xf32>
    %get3A_3 = vector.shape_cast %get3A_2 : vector<1x1x128xf32> to vector<1x128xf32>
    %sub3A = arith.constant 1.200000e+01 : f32
    %sub3A_4 = vector.broadcast %sub3A : f32 to vector<1x128xf32>
    %sub3A_5 = arith.subf %get3A_3, %sub3A_4 : vector<1x128xf32>
    %get3A_6 = arith.constant 0 : index
    %get3A_7 = arith.constant 0 : index
    %get3A_8 = arith.constant 0 : index
    %get3A_9 = vector.load %arg4[%get3A_6, %get3A_7, %get3A_8] : memref<1x1x128xf32, #tpu.memory_space<vmem>>, vector<1x1x128xf32>
    %get3A_10 = vector.shape_cast %get3A_9 : vector<1x1x128xf32> to vector<1x128xf32>
    %sub3A_11 = arith.constant 1.200000e+01 : f32
    %sub3A_12 = vector.broadcast %sub3A_11 : f32 to vector<1x128xf32>
    %sub3A_13 = arith.subf %get3A_10, %sub3A_12 : vector<1x128xf32>
    %broadcast_in_dim3A = arith.constant 0.000000e+00 : f32
    %broadcast_in_dim3A_14 = vector.broadcast %broadcast_in_dim3A : f32 to vector<8x128xf32>
    %broadcast_in_dim3A_15 = arith.constant 0.000000e+00 : f32
    %broadcast_in_dim3A_16 = vector.broadcast %broadcast_in_dim3A_15 : f32 to vector<8x128xf32>
    %broadcast_in_dim3A_17 = arith.constant 0.000000e+00 : f32
    %broadcast_in_dim3A_18 = vector.broadcast %broadcast_in_dim3A_17 : f32 to vector<8x128xf32>
    %broadcast_in_dim3A_19 = arith.constant 0.000000e+00 : f32
    %broadcast_in_dim3A_20 = vector.broadcast %broadcast_in_dim3A_19 : f32 to vector<8x128xf32>
    %broadcast_in_dim3A_21 = arith.constant 0.000000e+00 : f32
    %broadcast_in_dim3A_22 = vector.broadcast %broadcast_in_dim3A_21 : f32 to vector<8x128xf32>
    %broadcast_in_dim3A_23 = arith.constant 0.000000e+00 : f32
    %broadcast_in_dim3A_24 = vector.broadcast %broadcast_in_dim3A_23 : f32 to vector<8x128xf32>
    %broadcast_in_dim3A_25 = arith.constant 0.000000e+00 : f32
    %broadcast_in_dim3A_26 = vector.broadcast %broadcast_in_dim3A_25 : f32 to vector<8x128xf32>
    %broadcast_in_dim3A_27 = arith.constant 0.000000e+00 : f32
    %broadcast_in_dim3A_28 = vector.broadcast %broadcast_in_dim3A_27 : f32 to vector<8x128xf32>
    %broadcast_in_dim3A_29 = arith.constant 0.000000e+00 : f32
    %broadcast_in_dim3A_30 = vector.broadcast %broadcast_in_dim3A_29 : f32 to vector<8x128xf32>
    %broadcast_in_dim3A_31 = arith.constant 0.000000e+00 : f32
    %broadcast_in_dim3A_32 = vector.broadcast %broadcast_in_dim3A_31 : f32 to vector<8x128xf32>
    %broadcast_in_dim3A_33 = arith.constant 0.000000e+00 : f32
    %broadcast_in_dim3A_34 = vector.broadcast %broadcast_in_dim3A_33 : f32 to vector<8x128xf32>
    %broadcast_in_dim3A_35 = arith.constant 0.000000e+00 : f32
    %broadcast_in_dim3A_36 = vector.broadcast %broadcast_in_dim3A_35 : f32 to vector<8x128xf32>
    %broadcast_in_dim3A_37 = arith.constant 0.000000e+00 : f32
    %broadcast_in_dim3A_38 = vector.broadcast %broadcast_in_dim3A_37 : f32 to vector<8x128xf32>
    %broadcast_in_dim3A_39 = arith.constant 0.000000e+00 : f32
    %broadcast_in_dim3A_40 = vector.broadcast %broadcast_in_dim3A_39 : f32 to vector<8x128xf32>
    %broadcast_in_dim3A_41 = arith.constant 0.000000e+00 : f32
    %broadcast_in_dim3A_42 = vector.broadcast %broadcast_in_dim3A_41 : f32 to vector<8x128xf32>
    %broadcast_in_dim3A_43 = arith.constant 0.000000e+00 : f32
    %broadcast_in_dim3A_44 = vector.broadcast %broadcast_in_dim3A_43 : f32 to vector<8x128xf32>
    %broadcast_in_dim3A_45 = arith.constant 0.000000e+00 : f32
    %broadcast_in_dim3A_46 = vector.broadcast %broadcast_in_dim3A_45 : f32 to vector<8x128xf32>
    %broadcast_in_dim3A_47 = arith.constant 0.000000e+00 : f32
    %broadcast_in_dim3A_48 = vector.broadcast %broadcast_in_dim3A_47 : f32 to vector<8x128xf32>
    %broadcast_in_dim3A_49 = arith.constant 0.000000e+00 : f32
    %broadcast_in_dim3A_50 = vector.broadcast %broadcast_in_dim3A_49 : f32 to vector<8x128xf32>
    %broadcast_in_dim3A_51 = arith.constant 0.000000e+00 : f32
    %broadcast_in_dim3A_52 = vector.broadcast %broadcast_in_dim3A_51 : f32 to vector<8x128xf32>
    %broadcast_in_dim3A_53 = arith.constant 0.000000e+00 : f32
    %broadcast_in_dim3A_54 = vector.broadcast %broadcast_in_dim3A_53 : f32 to vector<8x128xf32>
    %broadcast_in_dim3A_55 = arith.constant 0.000000e+00 : f32
    %broadcast_in_dim3A_56 = vector.broadcast %broadcast_in_dim3A_55 : f32 to vector<8x128xf32>
    %broadcast_in_dim3A_57 = arith.constant 0.000000e+00 : f32
    %broadcast_in_dim3A_58 = vector.broadcast %broadcast_in_dim3A_57 : f32 to vector<8x128xf32>
    %broadcast_in_dim3A_59 = arith.constant 0.000000e+00 : f32
    %broadcast_in_dim3A_60 = vector.broadcast %broadcast_in_dim3A_59 : f32 to vector<8x128xf32>
    %broadcast_in_dim3A_61 = arith.constant 0.000000e+00 : f32
    %broadcast_in_dim3A_62 = vector.broadcast %broadcast_in_dim3A_61 : f32 to vector<8x128xf32>
    %broadcast_in_dim3A_63 = arith.constant 0.000000e+00 : f32
    %broadcast_in_dim3A_64 = vector.broadcast %broadcast_in_dim3A_63 : f32 to vector<8x128xf32>
    %broadcast_in_dim3A_65 = arith.constant 0.000000e+00 : f32
    %broadcast_in_dim3A_66 = vector.broadcast %broadcast_in_dim3A_65 : f32 to vector<8x128xf32>
    %broadcast_in_dim3A_67 = arith.constant 0.000000e+00 : f32
    %broadcast_in_dim3A_68 = vector.broadcast %broadcast_in_dim3A_67 : f32 to vector<8x128xf32>
    %broadcast_in_dim3A_69 = arith.constant 0.000000e+00 : f32
    %broadcast_in_dim3A_70 = vector.broadcast %broadcast_in_dim3A_69 : f32 to vector<8x128xf32>
    %broadcast_in_dim3A_71 = arith.constant 0.000000e+00 : f32
    %broadcast_in_dim3A_72 = vector.broadcast %broadcast_in_dim3A_71 : f32 to vector<8x128xf32>
    %broadcast_in_dim3A_73 = arith.constant 0.000000e+00 : f32
    %broadcast_in_dim3A_74 = vector.broadcast %broadcast_in_dim3A_73 : f32 to vector<8x128xf32>
    %broadcast_in_dim3A_75 = arith.constant 0.000000e+00 : f32
    %broadcast_in_dim3A_76 = vector.broadcast %broadcast_in_dim3A_75 : f32 to vector<8x128xf32>
    %broadcast_in_dim3A_77 = arith.constant 0.000000e+00 : f32
    %broadcast_in_dim3A_78 = vector.broadcast %broadcast_in_dim3A_77 : f32 to vector<8x128xf32>
    %broadcast_in_dim3A_79 = arith.constant 0.000000e+00 : f32
    %broadcast_in_dim3A_80 = vector.broadcast %broadcast_in_dim3A_79 : f32 to vector<8x128xf32>
    %broadcast_in_dim3A_81 = arith.constant 0.000000e+00 : f32
    %broadcast_in_dim3A_82 = vector.broadcast %broadcast_in_dim3A_81 : f32 to vector<8x128xf32>
    %broadcast_in_dim3A_83 = arith.constant 0.000000e+00 : f32
    %broadcast_in_dim3A_84 = vector.broadcast %broadcast_in_dim3A_83 : f32 to vector<8x128xf32>
    %scan3A = arith.constant 0 : i32
    %scan3A_85 = arith.constant 512 : i32
    %scan3A_86 = arith.addi %scan3A, %scan3A_85 : i32
    %scan3A_87 = arith.constant 1 : i32
    %scan3A_88:36 = scf.for %scan3A_207 = %scan3A to %scan3A_86 step %scan3A_87 iter_args(%scan3A_208 = %broadcast_in_dim3A_14, %scan3A_209 = %broadcast_in_dim3A_16, %scan3A_210 = %broadcast_in_dim3A_18, %scan3A_211 = %broadcast_in_dim3A_20, %scan3A_212 = %broadcast_in_dim3A_22, %scan3A_213 = %broadcast_in_dim3A_24, %scan3A_214 = %broadcast_in_dim3A_26, %scan3A_215 = %broadcast_in_dim3A_28, %scan3A_216 = %broadcast_in_dim3A_30, %scan3A_217 = %broadcast_in_dim3A_32, %scan3A_218 = %broadcast_in_dim3A_34, %scan3A_219 = %broadcast_in_dim3A_36, %scan3A_220 = %broadcast_in_dim3A_38, %scan3A_221 = %broadcast_in_dim3A_40, %scan3A_222 = %broadcast_in_dim3A_42, %scan3A_223 = %broadcast_in_dim3A_44, %scan3A_224 = %broadcast_in_dim3A_46, %scan3A_225 = %broadcast_in_dim3A_48, %scan3A_226 = %broadcast_in_dim3A_50, %scan3A_227 = %broadcast_in_dim3A_52, %scan3A_228 = %broadcast_in_dim3A_54, %scan3A_229 = %broadcast_in_dim3A_56, %scan3A_230 = %broadcast_in_dim3A_58, %scan3A_231 = %broadcast_in_dim3A_60, %scan3A_232 = %broadcast_in_dim3A_62, %scan3A_233 = %broadcast_in_dim3A_64, %scan3A_234 = %broadcast_in_dim3A_66, %scan3A_235 = %broadcast_in_dim3A_68, %scan3A_236 = %broadcast_in_dim3A_70, %scan3A_237 = %broadcast_in_dim3A_72, %scan3A_238 = %broadcast_in_dim3A_74, %scan3A_239 = %broadcast_in_dim3A_76, %scan3A_240 = %broadcast_in_dim3A_78, %scan3A_241 = %broadcast_in_dim3A_80, %scan3A_242 = %broadcast_in_dim3A_82, %scan3A_243 = %broadcast_in_dim3A_84) -> (vector<8x128xf32>, vector<8x128xf32>, vector<8x128xf32>, vector<8x128xf32>, vector<8x128xf32>, vector<8x128xf32>, vector<8x128xf32>, vector<8x128xf32>, vector<8x128xf32>, vector<8x128xf32>, vector<8x128xf32>, vector<8x128xf32>, vector<8x128xf32>, vector<8x128xf32>, vector<8x128xf32>, vector<8x128xf32>, vector<8x128xf32>, vector<8x128xf32>, vector<8x128xf32>, vector<8x128xf32>, vector<8x128xf32>, vector<8x128xf32>, vector<8x128xf32>, vector<8x128xf32>, vector<8x128xf32>, vector<8x128xf32>, vector<8x128xf32>, vector<8x128xf32>, vector<8x128xf32>, vector<8x128xf32>, vector<8x128xf32>, vector<8x128xf32>, vector<8x128xf32>, vector<8x128xf32>, vector<8x128xf32>, vector<8x128xf32>)  : i32 {
      %mul3A = arith.constant 8 : i32
      %mul3A_244 = arith.muli %scan3A_207, %mul3A : i32
      %get3A_245 = arith.index_cast %mul3A_244 : i32 to index
      %get3A_246 = arith.constant 0 : index
      %get3A_247 = vector.load %arg1[%get3A_245, %get3A_246] : memref<4096x1xf32, #tpu.memory_space<vmem>>, vector<8x1xf32>
      %mul3A_248 = arith.constant 8 : i32
      %mul3A_249 = arith.muli %scan3A_207, %mul3A_248 : i32
      %get3A_250 = arith.index_cast %mul3A_249 : i32 to index
      %get3A_251 = arith.constant 0 : index
      %get3A_252 = vector.load %arg2[%get3A_250, %get3A_251] : memref<4096x1xf32, #tpu.memory_space<vmem>>, vector<8x1xf32>
      %sub3A_253 = vector.broadcast %get3A_247 : vector<8x1xf32> to vector<8x128xf32>
      %sub3A_254 = vector.broadcast %sub3A_5 : vector<1x128xf32> to vector<8x128xf32>
      %sub3A_255 = arith.subf %sub3A_253, %sub3A_254 : vector<8x128xf32>
      %max3A = arith.constant 8.000000e+00 : f32
      %max3A_256 = vector.broadcast %max3A : f32 to vector<8x128xf32>
      %max3A_257 = arith.maximumf %sub3A_255, %max3A_256 : vector<8x128xf32>
      %min3A = arith.constant 15.999999 : f32
      %min3A_258 = vector.broadcast %min3A : f32 to vector<8x128xf32>
      %min3A_259 = arith.minimumf %max3A_257, %min3A_258 : vector<8x128xf32>
      %sub3A_260 = vector.broadcast %get3A_252 : vector<8x1xf32> to vector<8x128xf32>
      %sub3A_261 = vector.broadcast %sub3A_13 : vector<1x128xf32> to vector<8x128xf32>
      %sub3A_262 = arith.subf %sub3A_260, %sub3A_261 : vector<8x128xf32>
      %max3A_263 = arith.constant 8.000000e+00 : f32
      %max3A_264 = vector.broadcast %max3A_263 : f32 to vector<8x128xf32>
      %max3A_265 = arith.maximumf %sub3A_262, %max3A_264 : vector<8x128xf32>
      %min3A_266 = arith.constant 15.999999 : f32
      %min3A_267 = vector.broadcast %min3A_266 : f32 to vector<8x128xf32>
      %min3A_268 = arith.minimumf %max3A_265, %min3A_267 : vector<8x128xf32>
      %bitcast_convert_type3A = tpu.bitcast %min3A_259 : vector<8x128xf32> -> vector<8x128xi32>
      %shift_right_logical3A = arith.constant 17 : i32
      %shift_right_logical3A_269 = vector.broadcast %shift_right_logical3A : i32 to vector<8x128xi32>
      %shift_right_logical3A_270 = arith.shrui %bitcast_convert_type3A, %shift_right_logical3A_269 : vector<8x128xi32>
      %and3A = arith.constant 56 : i32
      %and3A_271 = vector.broadcast %and3A : i32 to vector<8x128xi32>
      %and3A_272 = arith.andi %shift_right_logical3A_270, %and3A_271 : vector<8x128xi32>
      %bitcast_convert_type3A_273 = tpu.bitcast %min3A_268 : vector<8x128xf32> -> vector<8x128xi32>
      %shift_right_logical3A_274 = arith.constant 20 : i32
      %shift_right_logical3A_275 = vector.broadcast %shift_right_logical3A_274 : i32 to vector<8x128xi32>
      %shift_right_logical3A_276 = arith.shrui %bitcast_convert_type3A_273, %shift_right_logical3A_275 : vector<8x128xi32>
      %add3A_277 = arith.addi %and3A_272, %shift_right_logical3A_276 : vector<8x128xi32>
      %eq3A = arith.constant 1049 : i32
      %eq3A_278 = vector.broadcast %eq3A : i32 to vector<8x128xi32>
      %eq3A_279 = arith.cmpi eq, %add3A_277, %eq3A_278 : vector<8x128xi32>
      %jit3A = arith.constant 1.000000e+00 : f32
      %jit3A_280 = arith.constant 0.000000e+00 : f32
      %broadcast_in_dim3A_281 = vector.broadcast %jit3A : f32 to vector<8x128xf32>
      %broadcast_in_dim3A_282 = vector.broadcast %jit3A_280 : f32 to vector<8x128xf32>
      %select_n3A = arith.select %eq3A_279, %broadcast_in_dim3A_281, %broadcast_in_dim3A_282 : vector<8x128xi1>, vector<8x128xf32>
      %add3A_283 = arith.addf %scan3A_208, %select_n3A : vector<8x128xf32>
      %eq3A_284 = arith.constant 1050 : i32
      %eq3A_285 = vector.broadcast %eq3A_284 : i32 to vector<8x128xi32>
      %eq3A_286 = arith.cmpi eq, %add3A_277, %eq3A_285 : vector<8x128xi32>
      %jit3A_287 = arith.constant 1.000000e+00 : f32
      %jit3A_288 = arith.constant 0.000000e+00 : f32
      %broadcast_in_dim3A_289 = vector.broadcast %jit3A_287 : f32 to vector<8x128xf32>
      %broadcast_in_dim3A_290 = vector.broadcast %jit3A_288 : f32 to vector<8x128xf32>
      %select_n3A_291 = arith.select %eq3A_286, %broadcast_in_dim3A_289, %broadcast_in_dim3A_290 : vector<8x128xi1>, vector<8x128xf32>
      %add3A_292 = arith.addf %scan3A_209, %select_n3A_291 : vector<8x128xf32>
      %eq3A_293 = arith.constant 1051 : i32
      %eq3A_294 = vector.broadcast %eq3A_293 : i32 to vector<8x128xi32>
      %eq3A_295 = arith.cmpi eq, %add3A_277, %eq3A_294 : vector<8x128xi32>
      %jit3A_296 = arith.constant 1.000000e+00 : f32
      %jit3A_297 = arith.constant 0.000000e+00 : f32
      %broadcast_in_dim3A_298 = vector.broadcast %jit3A_296 : f32 to vector<8x128xf32>
      %broadcast_in_dim3A_299 = vector.broadcast %jit3A_297 : f32 to vector<8x128xf32>
      %select_n3A_300 = arith.select %eq3A_295, %broadcast_in_dim3A_298, %broadcast_in_dim3A_299 : vector<8x128xi1>, vector<8x128xf32>
      %add3A_301 = arith.addf %scan3A_210, %select_n3A_300 : vector<8x128xf32>
      %eq3A_302 = arith.constant 1052 : i32
      %eq3A_303 = vector.broadcast %eq3A_302 : i32 to vector<8x128xi32>
      %eq3A_304 = arith.cmpi eq, %add3A_277, %eq3A_303 : vector<8x128xi32>
      %jit3A_305 = arith.constant 1.000000e+00 : f32
      %jit3A_306 = arith.constant 0.000000e+00 : f32
      %broadcast_in_dim3A_307 = vector.broadcast %jit3A_305 : f32 to vector<8x128xf32>
      %broadcast_in_dim3A_308 = vector.broadcast %jit3A_306 : f32 to vector<8x128xf32>
      %select_n3A_309 = arith.select %eq3A_304, %broadcast_in_dim3A_307, %broadcast_in_dim3A_308 : vector<8x128xi1>, vector<8x128xf32>
      %add3A_310 = arith.addf %scan3A_211, %select_n3A_309 : vector<8x128xf32>
      %eq3A_311 = arith.constant 1053 : i32
      %eq3A_312 = vector.broadcast %eq3A_311 : i32 to vector<8x128xi32>
      %eq3A_313 = arith.cmpi eq, %add3A_277, %eq3A_312 : vector<8x128xi32>
      %jit3A_314 = arith.constant 1.000000e+00 : f32
      %jit3A_315 = arith.constant 0.000000e+00 : f32
      %broadcast_in_dim3A_316 = vector.broadcast %jit3A_314 : f32 to vector<8x128xf32>
      %broadcast_in_dim3A_317 = vector.broadcast %jit3A_315 : f32 to vector<8x128xf32>
      %select_n3A_318 = arith.select %eq3A_313, %broadcast_in_dim3A_316, %broadcast_in_dim3A_317 : vector<8x128xi1>, vector<8x128xf32>
      %add3A_319 = arith.addf %scan3A_212, %select_n3A_318 : vector<8x128xf32>
      %eq3A_320 = arith.constant 1054 : i32
      %eq3A_321 = vector.broadcast %eq3A_320 : i32 to vector<8x128xi32>
      %eq3A_322 = arith.cmpi eq, %add3A_277, %eq3A_321 : vector<8x128xi32>
      %jit3A_323 = arith.constant 1.000000e+00 : f32
      %jit3A_324 = arith.constant 0.000000e+00 : f32
      %broadcast_in_dim3A_325 = vector.broadcast %jit3A_323 : f32 to vector<8x128xf32>
      %broadcast_in_dim3A_326 = vector.broadcast %jit3A_324 : f32 to vector<8x128xf32>
      %select_n3A_327 = arith.select %eq3A_322, %broadcast_in_dim3A_325, %broadcast_in_dim3A_326 : vector<8x128xi1>, vector<8x128xf32>
      %add3A_328 = arith.addf %scan3A_213, %select_n3A_327 : vector<8x128xf32>
      %eq3A_329 = arith.constant 1057 : i32
      %eq3A_330 = vector.broadcast %eq3A_329 : i32 to vector<8x128xi32>
      %eq3A_331 = arith.cmpi eq, %add3A_277, %eq3A_330 : vector<8x128xi32>
      %jit3A_332 = arith.constant 1.000000e+00 : f32
      %jit3A_333 = arith.constant 0.000000e+00 : f32
      %broadcast_in_dim3A_334 = vector.broadcast %jit3A_332 : f32 to vector<8x128xf32>
      %broadcast_in_dim3A_335 = vector.broadcast %jit3A_333 : f32 to vector<8x128xf32>
      %select_n3A_336 = arith.select %eq3A_331, %broadcast_in_dim3A_334, %broadcast_in_dim3A_335 : vector<8x128xi1>, vector<8x128xf32>
      %add3A_337 = arith.addf %scan3A_214, %select_n3A_336 : vector<8x128xf32>
      %eq3A_338 = arith.constant 1058 : i32
      %eq3A_339 = vector.broadcast %eq3A_338 : i32 to vector<8x128xi32>
      %eq3A_340 = arith.cmpi eq, %add3A_277, %eq3A_339 : vector<8x128xi32>
      %jit3A_341 = arith.constant 1.000000e+00 : f32
      %jit3A_342 = arith.constant 0.000000e+00 : f32
      %broadcast_in_dim3A_343 = vector.broadcast %jit3A_341 : f32 to vector<8x128xf32>
      %broadcast_in_dim3A_344 = vector.broadcast %jit3A_342 : f32 to vector<8x128xf32>
      %select_n3A_345 = arith.select %eq3A_340, %broadcast_in_dim3A_343, %broadcast_in_dim3A_344 : vector<8x128xi1>, vector<8x128xf32>
      %add3A_346 = arith.addf %scan3A_215, %select_n3A_345 : vector<8x128xf32>
      %eq3A_347 = arith.constant 1059 : i32
      %eq3A_348 = vector.broadcast %eq3A_347 : i32 to vector<8x128xi32>
      %eq3A_349 = arith.cmpi eq, %add3A_277, %eq3A_348 : vector<8x128xi32>
      %jit3A_350 = arith.constant 1.000000e+00 : f32
      %jit3A_351 = arith.constant 0.000000e+00 : f32
      %broadcast_in_dim3A_352 = vector.broadcast %jit3A_350 : f32 to vector<8x128xf32>
      %broadcast_in_dim3A_353 = vector.broadcast %jit3A_351 : f32 to vector<8x128xf32>
      %select_n3A_354 = arith.select %eq3A_349, %broadcast_in_dim3A_352, %broadcast_in_dim3A_353 : vector<8x128xi1>, vector<8x128xf32>
      %add3A_355 = arith.addf %scan3A_216, %select_n3A_354 : vector<8x128xf32>
      %eq3A_356 = arith.constant 1060 : i32
      %eq3A_357 = vector.broadcast %eq3A_356 : i32 to vector<8x128xi32>
      %eq3A_358 = arith.cmpi eq, %add3A_277, %eq3A_357 : vector<8x128xi32>
      %jit3A_359 = arith.constant 1.000000e+00 : f32
      %jit3A_360 = arith.constant 0.000000e+00 : f32
      %broadcast_in_dim3A_361 = vector.broadcast %jit3A_359 : f32 to vector<8x128xf32>
      %broadcast_in_dim3A_362 = vector.broadcast %jit3A_360 : f32 to vector<8x128xf32>
      %select_n3A_363 = arith.select %eq3A_358, %broadcast_in_dim3A_361, %broadcast_in_dim3A_362 : vector<8x128xi1>, vector<8x128xf32>
      %add3A_364 = arith.addf %scan3A_217, %select_n3A_363 : vector<8x128xf32>
      %eq3A_365 = arith.constant 1061 : i32
      %eq3A_366 = vector.broadcast %eq3A_365 : i32 to vector<8x128xi32>
      %eq3A_367 = arith.cmpi eq, %add3A_277, %eq3A_366 : vector<8x128xi32>
      %jit3A_368 = arith.constant 1.000000e+00 : f32
      %jit3A_369 = arith.constant 0.000000e+00 : f32
      %broadcast_in_dim3A_370 = vector.broadcast %jit3A_368 : f32 to vector<8x128xf32>
      %broadcast_in_dim3A_371 = vector.broadcast %jit3A_369 : f32 to vector<8x128xf32>
      %select_n3A_372 = arith.select %eq3A_367, %broadcast_in_dim3A_370, %broadcast_in_dim3A_371 : vector<8x128xi1>, vector<8x128xf32>
      %add3A_373 = arith.addf %scan3A_218, %select_n3A_372 : vector<8x128xf32>
      %eq3A_374 = arith.constant 1062 : i32
      %eq3A_375 = vector.broadcast %eq3A_374 : i32 to vector<8x128xi32>
      %eq3A_376 = arith.cmpi eq, %add3A_277, %eq3A_375 : vector<8x128xi32>
      %jit3A_377 = arith.constant 1.000000e+00 : f32
      %jit3A_378 = arith.constant 0.000000e+00 : f32
      %broadcast_in_dim3A_379 = vector.broadcast %jit3A_377 : f32 to vector<8x128xf32>
      %broadcast_in_dim3A_380 = vector.broadcast %jit3A_378 : f32 to vector<8x128xf32>
      %select_n3A_381 = arith.select %eq3A_376, %broadcast_in_dim3A_379, %broadcast_in_dim3A_380 : vector<8x128xi1>, vector<8x128xf32>
      %add3A_382 = arith.addf %scan3A_219, %select_n3A_381 : vector<8x128xf32>
      %eq3A_383 = arith.constant 1065 : i32
      %eq3A_384 = vector.broadcast %eq3A_383 : i32 to vector<8x128xi32>
      %eq3A_385 = arith.cmpi eq, %add3A_277, %eq3A_384 : vector<8x128xi32>
      %jit3A_386 = arith.constant 1.000000e+00 : f32
      %jit3A_387 = arith.constant 0.000000e+00 : f32
      %broadcast_in_dim3A_388 = vector.broadcast %jit3A_386 : f32 to vector<8x128xf32>
      %broadcast_in_dim3A_389 = vector.broadcast %jit3A_387 : f32 to vector<8x128xf32>
      %select_n3A_390 = arith.select %eq3A_385, %broadcast_in_dim3A_388, %broadcast_in_dim3A_389 : vector<8x128xi1>, vector<8x128xf32>
      %add3A_391 = arith.addf %scan3A_220, %select_n3A_390 : vector<8x128xf32>
      %eq3A_392 = arith.constant 1066 : i32
      %eq3A_393 = vector.broadcast %eq3A_392 : i32 to vector<8x128xi32>
      %eq3A_394 = arith.cmpi eq, %add3A_277, %eq3A_393 : vector<8x128xi32>
      %jit3A_395 = arith.constant 1.000000e+00 : f32
      %jit3A_396 = arith.constant 0.000000e+00 : f32
      %broadcast_in_dim3A_397 = vector.broadcast %jit3A_395 : f32 to vector<8x128xf32>
      %broadcast_in_dim3A_398 = vector.broadcast %jit3A_396 : f32 to vector<8x128xf32>
      %select_n3A_399 = arith.select %eq3A_394, %broadcast_in_dim3A_397, %broadcast_in_dim3A_398 : vector<8x128xi1>, vector<8x128xf32>
      %add3A_400 = arith.addf %scan3A_221, %select_n3A_399 : vector<8x128xf32>
      %eq3A_401 = arith.constant 1067 : i32
      %eq3A_402 = vector.broadcast %eq3A_401 : i32 to vector<8x128xi32>
      %eq3A_403 = arith.cmpi eq, %add3A_277, %eq3A_402 : vector<8x128xi32>
      %jit3A_404 = arith.constant 1.000000e+00 : f32
      %jit3A_405 = arith.constant 0.000000e+00 : f32
      %broadcast_in_dim3A_406 = vector.broadcast %jit3A_404 : f32 to vector<8x128xf32>
      %broadcast_in_dim3A_407 = vector.broadcast %jit3A_405 : f32 to vector<8x128xf32>
      %select_n3A_408 = arith.select %eq3A_403, %broadcast_in_dim3A_406, %broadcast_in_dim3A_407 : vector<8x128xi1>, vector<8x128xf32>
      %add3A_409 = arith.addf %scan3A_222, %select_n3A_408 : vector<8x128xf32>
      %eq3A_410 = arith.constant 1068 : i32
      %eq3A_411 = vector.broadcast %eq3A_410 : i32 to vector<8x128xi32>
      %eq3A_412 = arith.cmpi eq, %add3A_277, %eq3A_411 : vector<8x128xi32>
      %jit3A_413 = arith.constant 1.000000e+00 : f32
      %jit3A_414 = arith.constant 0.000000e+00 : f32
      %broadcast_in_dim3A_415 = vector.broadcast %jit3A_413 : f32 to vector<8x128xf32>
      %broadcast_in_dim3A_416 = vector.broadcast %jit3A_414 : f32 to vector<8x128xf32>
      %select_n3A_417 = arith.select %eq3A_412, %broadcast_in_dim3A_415, %broadcast_in_dim3A_416 : vector<8x128xi1>, vector<8x128xf32>
      %add3A_418 = arith.addf %scan3A_223, %select_n3A_417 : vector<8x128xf32>
      %eq3A_419 = arith.constant 1069 : i32
      %eq3A_420 = vector.broadcast %eq3A_419 : i32 to vector<8x128xi32>
      %eq3A_421 = arith.cmpi eq, %add3A_277, %eq3A_420 : vector<8x128xi32>
      %jit3A_422 = arith.constant 1.000000e+00 : f32
      %jit3A_423 = arith.constant 0.000000e+00 : f32
      %broadcast_in_dim3A_424 = vector.broadcast %jit3A_422 : f32 to vector<8x128xf32>
      %broadcast_in_dim3A_425 = vector.broadcast %jit3A_423 : f32 to vector<8x128xf32>
      %select_n3A_426 = arith.select %eq3A_421, %broadcast_in_dim3A_424, %broadcast_in_dim3A_425 : vector<8x128xi1>, vector<8x128xf32>
      %add3A_427 = arith.addf %scan3A_224, %select_n3A_426 : vector<8x128xf32>
      %eq3A_428 = arith.constant 1070 : i32
      %eq3A_429 = vector.broadcast %eq3A_428 : i32 to vector<8x128xi32>
      %eq3A_430 = arith.cmpi eq, %add3A_277, %eq3A_429 : vector<8x128xi32>
      %jit3A_431 = arith.constant 1.000000e+00 : f32
      %jit3A_432 = arith.constant 0.000000e+00 : f32
      %broadcast_in_dim3A_433 = vector.broadcast %jit3A_431 : f32 to vector<8x128xf32>
      %broadcast_in_dim3A_434 = vector.broadcast %jit3A_432 : f32 to vector<8x128xf32>
      %select_n3A_435 = arith.select %eq3A_430, %broadcast_in_dim3A_433, %broadcast_in_dim3A_434 : vector<8x128xi1>, vector<8x128xf32>
      %add3A_436 = arith.addf %scan3A_225, %select_n3A_435 : vector<8x128xf32>
      %eq3A_437 = arith.constant 1073 : i32
      %eq3A_438 = vector.broadcast %eq3A_437 : i32 to vector<8x128xi32>
      %eq3A_439 = arith.cmpi eq, %add3A_277, %eq3A_438 : vector<8x128xi32>
      %jit3A_440 = arith.constant 1.000000e+00 : f32
      %jit3A_441 = arith.constant 0.000000e+00 : f32
      %broadcast_in_dim3A_442 = vector.broadcast %jit3A_440 : f32 to vector<8x128xf32>
      %broadcast_in_dim3A_443 = vector.broadcast %jit3A_441 : f32 to vector<8x128xf32>
      %select_n3A_444 = arith.select %eq3A_439, %broadcast_in_dim3A_442, %broadcast_in_dim3A_443 : vector<8x128xi1>, vector<8x128xf32>
      %add3A_445 = arith.addf %scan3A_226, %select_n3A_444 : vector<8x128xf32>
      %eq3A_446 = arith.constant 1074 : i32
      %eq3A_447 = vector.broadcast %eq3A_446 : i32 to vector<8x128xi32>
      %eq3A_448 = arith.cmpi eq, %add3A_277, %eq3A_447 : vector<8x128xi32>
      %jit3A_449 = arith.constant 1.000000e+00 : f32
      %jit3A_450 = arith.constant 0.000000e+00 : f32
      %broadcast_in_dim3A_451 = vector.broadcast %jit3A_449 : f32 to vector<8x128xf32>
      %broadcast_in_dim3A_452 = vector.broadcast %jit3A_450 : f32 to vector<8x128xf32>
      %select_n3A_453 = arith.select %eq3A_448, %broadcast_in_dim3A_451, %broadcast_in_dim3A_452 : vector<8x128xi1>, vector<8x128xf32>
      %add3A_454 = arith.addf %scan3A_227, %select_n3A_453 : vector<8x128xf32>
      %eq3A_455 = arith.constant 1075 : i32
      %eq3A_456 = vector.broadcast %eq3A_455 : i32 to vector<8x128xi32>
      %eq3A_457 = arith.cmpi eq, %add3A_277, %eq3A_456 : vector<8x128xi32>
      %jit3A_458 = arith.constant 1.000000e+00 : f32
      %jit3A_459 = arith.constant 0.000000e+00 : f32
      %broadcast_in_dim3A_460 = vector.broadcast %jit3A_458 : f32 to vector<8x128xf32>
      %broadcast_in_dim3A_461 = vector.broadcast %jit3A_459 : f32 to vector<8x128xf32>
      %select_n3A_462 = arith.select %eq3A_457, %broadcast_in_dim3A_460, %broadcast_in_dim3A_461 : vector<8x128xi1>, vector<8x128xf32>
      %add3A_463 = arith.addf %scan3A_228, %select_n3A_462 : vector<8x128xf32>
      %eq3A_464 = arith.constant 1076 : i32
      %eq3A_465 = vector.broadcast %eq3A_464 : i32 to vector<8x128xi32>
      %eq3A_466 = arith.cmpi eq, %add3A_277, %eq3A_465 : vector<8x128xi32>
      %jit3A_467 = arith.constant 1.000000e+00 : f32
      %jit3A_468 = arith.constant 0.000000e+00 : f32
      %broadcast_in_dim3A_469 = vector.broadcast %jit3A_467 : f32 to vector<8x128xf32>
      %broadcast_in_dim3A_470 = vector.broadcast %jit3A_468 : f32 to vector<8x128xf32>
      %select_n3A_471 = arith.select %eq3A_466, %broadcast_in_dim3A_469, %broadcast_in_dim3A_470 : vector<8x128xi1>, vector<8x128xf32>
      %add3A_472 = arith.addf %scan3A_229, %select_n3A_471 : vector<8x128xf32>
      %eq3A_473 = arith.constant 1077 : i32
      %eq3A_474 = vector.broadcast %eq3A_473 : i32 to vector<8x128xi32>
      %eq3A_475 = arith.cmpi eq, %add3A_277, %eq3A_474 : vector<8x128xi32>
      %jit3A_476 = arith.constant 1.000000e+00 : f32
      %jit3A_477 = arith.constant 0.000000e+00 : f32
      %broadcast_in_dim3A_478 = vector.broadcast %jit3A_476 : f32 to vector<8x128xf32>
      %broadcast_in_dim3A_479 = vector.broadcast %jit3A_477 : f32 to vector<8x128xf32>
      %select_n3A_480 = arith.select %eq3A_475, %broadcast_in_dim3A_478, %broadcast_in_dim3A_479 : vector<8x128xi1>, vector<8x128xf32>
      %add3A_481 = arith.addf %scan3A_230, %select_n3A_480 : vector<8x128xf32>
      %eq3A_482 = arith.constant 1078 : i32
      %eq3A_483 = vector.broadcast %eq3A_482 : i32 to vector<8x128xi32>
      %eq3A_484 = arith.cmpi eq, %add3A_277, %eq3A_483 : vector<8x128xi32>
      %jit3A_485 = arith.constant 1.000000e+00 : f32
      %jit3A_486 = arith.constant 0.000000e+00 : f32
      %broadcast_in_dim3A_487 = vector.broadcast %jit3A_485 : f32 to vector<8x128xf32>
      %broadcast_in_dim3A_488 = vector.broadcast %jit3A_486 : f32 to vector<8x128xf32>
      %select_n3A_489 = arith.select %eq3A_484, %broadcast_in_dim3A_487, %broadcast_in_dim3A_488 : vector<8x128xi1>, vector<8x128xf32>
      %add3A_490 = arith.addf %scan3A_231, %select_n3A_489 : vector<8x128xf32>
      %eq3A_491 = arith.constant 1081 : i32
      %eq3A_492 = vector.broadcast %eq3A_491 : i32 to vector<8x128xi32>
      %eq3A_493 = arith.cmpi eq, %add3A_277, %eq3A_492 : vector<8x128xi32>
      %jit3A_494 = arith.constant 1.000000e+00 : f32
      %jit3A_495 = arith.constant 0.000000e+00 : f32
      %broadcast_in_dim3A_496 = vector.broadcast %jit3A_494 : f32 to vector<8x128xf32>
      %broadcast_in_dim3A_497 = vector.broadcast %jit3A_495 : f32 to vector<8x128xf32>
      %select_n3A_498 = arith.select %eq3A_493, %broadcast_in_dim3A_496, %broadcast_in_dim3A_497 : vector<8x128xi1>, vector<8x128xf32>
      %add3A_499 = arith.addf %scan3A_232, %select_n3A_498 : vector<8x128xf32>
      %eq3A_500 = arith.constant 1082 : i32
      %eq3A_501 = vector.broadcast %eq3A_500 : i32 to vector<8x128xi32>
      %eq3A_502 = arith.cmpi eq, %add3A_277, %eq3A_501 : vector<8x128xi32>
      %jit3A_503 = arith.constant 1.000000e+00 : f32
      %jit3A_504 = arith.constant 0.000000e+00 : f32
      %broadcast_in_dim3A_505 = vector.broadcast %jit3A_503 : f32 to vector<8x128xf32>
      %broadcast_in_dim3A_506 = vector.broadcast %jit3A_504 : f32 to vector<8x128xf32>
      %select_n3A_507 = arith.select %eq3A_502, %broadcast_in_dim3A_505, %broadcast_in_dim3A_506 : vector<8x128xi1>, vector<8x128xf32>
      %add3A_508 = arith.addf %scan3A_233, %select_n3A_507 : vector<8x128xf32>
      %eq3A_509 = arith.constant 1083 : i32
      %eq3A_510 = vector.broadcast %eq3A_509 : i32 to vector<8x128xi32>
      %eq3A_511 = arith.cmpi eq, %add3A_277, %eq3A_510 : vector<8x128xi32>
      %jit3A_512 = arith.constant 1.000000e+00 : f32
      %jit3A_513 = arith.constant 0.000000e+00 : f32
      %broadcast_in_dim3A_514 = vector.broadcast %jit3A_512 : f32 to vector<8x128xf32>
      %broadcast_in_dim3A_515 = vector.broadcast %jit3A_513 : f32 to vector<8x128xf32>
      %select_n3A_516 = arith.select %eq3A_511, %broadcast_in_dim3A_514, %broadcast_in_dim3A_515 : vector<8x128xi1>, vector<8x128xf32>
      %add3A_517 = arith.addf %scan3A_234, %select_n3A_516 : vector<8x128xf32>
      %eq3A_518 = arith.constant 1084 : i32
      %eq3A_519 = vector.broadcast %eq3A_518 : i32 to vector<8x128xi32>
      %eq3A_520 = arith.cmpi eq, %add3A_277, %eq3A_519 : vector<8x128xi32>
      %jit3A_521 = arith.constant 1.000000e+00 : f32
      %jit3A_522 = arith.constant 0.000000e+00 : f32
      %broadcast_in_dim3A_523 = vector.broadcast %jit3A_521 : f32 to vector<8x128xf32>
      %broadcast_in_dim3A_524 = vector.broadcast %jit3A_522 : f32 to vector<8x128xf32>
      %select_n3A_525 = arith.select %eq3A_520, %broadcast_in_dim3A_523, %broadcast_in_dim3A_524 : vector<8x128xi1>, vector<8x128xf32>
      %add3A_526 = arith.addf %scan3A_235, %select_n3A_525 : vector<8x128xf32>
      %eq3A_527 = arith.constant 1085 : i32
      %eq3A_528 = vector.broadcast %eq3A_527 : i32 to vector<8x128xi32>
      %eq3A_529 = arith.cmpi eq, %add3A_277, %eq3A_528 : vector<8x128xi32>
      %jit3A_530 = arith.constant 1.000000e+00 : f32
      %jit3A_531 = arith.constant 0.000000e+00 : f32
      %broadcast_in_dim3A_532 = vector.broadcast %jit3A_530 : f32 to vector<8x128xf32>
      %broadcast_in_dim3A_533 = vector.broadcast %jit3A_531 : f32 to vector<8x128xf32>
      %select_n3A_534 = arith.select %eq3A_529, %broadcast_in_dim3A_532, %broadcast_in_dim3A_533 : vector<8x128xi1>, vector<8x128xf32>
      %add3A_535 = arith.addf %scan3A_236, %select_n3A_534 : vector<8x128xf32>
      %eq3A_536 = arith.constant 1086 : i32
      %eq3A_537 = vector.broadcast %eq3A_536 : i32 to vector<8x128xi32>
      %eq3A_538 = arith.cmpi eq, %add3A_277, %eq3A_537 : vector<8x128xi32>
      %jit3A_539 = arith.constant 1.000000e+00 : f32
      %jit3A_540 = arith.constant 0.000000e+00 : f32
      %broadcast_in_dim3A_541 = vector.broadcast %jit3A_539 : f32 to vector<8x128xf32>
      %broadcast_in_dim3A_542 = vector.broadcast %jit3A_540 : f32 to vector<8x128xf32>
      %select_n3A_543 = arith.select %eq3A_538, %broadcast_in_dim3A_541, %broadcast_in_dim3A_542 : vector<8x128xi1>, vector<8x128xf32>
      %add3A_544 = arith.addf %scan3A_237, %select_n3A_543 : vector<8x128xf32>
      %eq3A_545 = arith.constant 1089 : i32
      %eq3A_546 = vector.broadcast %eq3A_545 : i32 to vector<8x128xi32>
      %eq3A_547 = arith.cmpi eq, %add3A_277, %eq3A_546 : vector<8x128xi32>
      %jit3A_548 = arith.constant 1.000000e+00 : f32
      %jit3A_549 = arith.constant 0.000000e+00 : f32
      %broadcast_in_dim3A_550 = vector.broadcast %jit3A_548 : f32 to vector<8x128xf32>
      %broadcast_in_dim3A_551 = vector.broadcast %jit3A_549 : f32 to vector<8x128xf32>
      %select_n3A_552 = arith.select %eq3A_547, %broadcast_in_dim3A_550, %broadcast_in_dim3A_551 : vector<8x128xi1>, vector<8x128xf32>
      %add3A_553 = arith.addf %scan3A_238, %select_n3A_552 : vector<8x128xf32>
      %eq3A_554 = arith.constant 1090 : i32
      %eq3A_555 = vector.broadcast %eq3A_554 : i32 to vector<8x128xi32>
      %eq3A_556 = arith.cmpi eq, %add3A_277, %eq3A_555 : vector<8x128xi32>
      %jit3A_557 = arith.constant 1.000000e+00 : f32
      %jit3A_558 = arith.constant 0.000000e+00 : f32
      %broadcast_in_dim3A_559 = vector.broadcast %jit3A_557 : f32 to vector<8x128xf32>
      %broadcast_in_dim3A_560 = vector.broadcast %jit3A_558 : f32 to vector<8x128xf32>
      %select_n3A_561 = arith.select %eq3A_556, %broadcast_in_dim3A_559, %broadcast_in_dim3A_560 : vector<8x128xi1>, vector<8x128xf32>
      %add3A_562 = arith.addf %scan3A_239, %select_n3A_561 : vector<8x128xf32>
      %eq3A_563 = arith.constant 1091 : i32
      %eq3A_564 = vector.broadcast %eq3A_563 : i32 to vector<8x128xi32>
      %eq3A_565 = arith.cmpi eq, %add3A_277, %eq3A_564 : vector<8x128xi32>
      %jit3A_566 = arith.constant 1.000000e+00 : f32
      %jit3A_567 = arith.constant 0.000000e+00 : f32
      %broadcast_in_dim3A_568 = vector.broadcast %jit3A_566 : f32 to vector<8x128xf32>
      %broadcast_in_dim3A_569 = vector.broadcast %jit3A_567 : f32 to vector<8x128xf32>
      %select_n3A_570 = arith.select %eq3A_565, %broadcast_in_dim3A_568, %broadcast_in_dim3A_569 : vector<8x128xi1>, vector<8x128xf32>
      %add3A_571 = arith.addf %scan3A_240, %select_n3A_570 : vector<8x128xf32>
      %eq3A_572 = arith.constant 1092 : i32
      %eq3A_573 = vector.broadcast %eq3A_572 : i32 to vector<8x128xi32>
      %eq3A_574 = arith.cmpi eq, %add3A_277, %eq3A_573 : vector<8x128xi32>
      %jit3A_575 = arith.constant 1.000000e+00 : f32
      %jit3A_576 = arith.constant 0.000000e+00 : f32
      %broadcast_in_dim3A_577 = vector.broadcast %jit3A_575 : f32 to vector<8x128xf32>
      %broadcast_in_dim3A_578 = vector.broadcast %jit3A_576 : f32 to vector<8x128xf32>
      %select_n3A_579 = arith.select %eq3A_574, %broadcast_in_dim3A_577, %broadcast_in_dim3A_578 : vector<8x128xi1>, vector<8x128xf32>
      %add3A_580 = arith.addf %scan3A_241, %select_n3A_579 : vector<8x128xf32>
      %eq3A_581 = arith.constant 1093 : i32
      %eq3A_582 = vector.broadcast %eq3A_581 : i32 to vector<8x128xi32>
      %eq3A_583 = arith.cmpi eq, %add3A_277, %eq3A_582 : vector<8x128xi32>
      %jit3A_584 = arith.constant 1.000000e+00 : f32
      %jit3A_585 = arith.constant 0.000000e+00 : f32
      %broadcast_in_dim3A_586 = vector.broadcast %jit3A_584 : f32 to vector<8x128xf32>
      %broadcast_in_dim3A_587 = vector.broadcast %jit3A_585 : f32 to vector<8x128xf32>
      %select_n3A_588 = arith.select %eq3A_583, %broadcast_in_dim3A_586, %broadcast_in_dim3A_587 : vector<8x128xi1>, vector<8x128xf32>
      %add3A_589 = arith.addf %scan3A_242, %select_n3A_588 : vector<8x128xf32>
      %eq3A_590 = arith.constant 1094 : i32
      %eq3A_591 = vector.broadcast %eq3A_590 : i32 to vector<8x128xi32>
      %eq3A_592 = arith.cmpi eq, %add3A_277, %eq3A_591 : vector<8x128xi32>
      %jit3A_593 = arith.constant 1.000000e+00 : f32
      %jit3A_594 = arith.constant 0.000000e+00 : f32
      %broadcast_in_dim3A_595 = vector.broadcast %jit3A_593 : f32 to vector<8x128xf32>
      %broadcast_in_dim3A_596 = vector.broadcast %jit3A_594 : f32 to vector<8x128xf32>
      %select_n3A_597 = arith.select %eq3A_592, %broadcast_in_dim3A_595, %broadcast_in_dim3A_596 : vector<8x128xi1>, vector<8x128xf32>
      %add3A_598 = arith.addf %scan3A_243, %select_n3A_597 : vector<8x128xf32>
      scf.yield %add3A_283, %add3A_292, %add3A_301, %add3A_310, %add3A_319, %add3A_328, %add3A_337, %add3A_346, %add3A_355, %add3A_364, %add3A_373, %add3A_382, %add3A_391, %add3A_400, %add3A_409, %add3A_418, %add3A_427, %add3A_436, %add3A_445, %add3A_454, %add3A_463, %add3A_472, %add3A_481, %add3A_490, %add3A_499, %add3A_508, %add3A_517, %add3A_526, %add3A_535, %add3A_544, %add3A_553, %add3A_562, %add3A_571, %add3A_580, %add3A_589, %add3A_598 : vector<8x128xf32>, vector<8x128xf32>, vector<8x128xf32>, vector<8x128xf32>, vector<8x128xf32>, vector<8x128xf32>, vector<8x128xf32>, vector<8x128xf32>, vector<8x128xf32>, vector<8x128xf32>, vector<8x128xf32>, vector<8x128xf32>, vector<8x128xf32>, vector<8x128xf32>, vector<8x128xf32>, vector<8x128xf32>, vector<8x128xf32>, vector<8x128xf32>, vector<8x128xf32>, vector<8x128xf32>, vector<8x128xf32>, vector<8x128xf32>, vector<8x128xf32>, vector<8x128xf32>, vector<8x128xf32>, vector<8x128xf32>, vector<8x128xf32>, vector<8x128xf32>, vector<8x128xf32>, vector<8x128xf32>, vector<8x128xf32>, vector<8x128xf32>, vector<8x128xf32>, vector<8x128xf32>, vector<8x128xf32>, vector<8x128xf32>
    }
    %scan3A_89 = arith.constant 512 : i32
    %reduce_sum3A = arith.constant dense<0.000000e+00> : vector<128xf32>
    %reduce_sum3A_90 = vector.multi_reduction <add>, %scan3A_88#0, %reduce_sum3A [0] : vector<8x128xf32> to vector<128xf32>
    %broadcast_in_dim3A_91 = vector.shape_cast %reduce_sum3A_90 : vector<128xf32> to vector<1x128xf32>
    %reduce_sum3A_92 = arith.constant dense<0.000000e+00> : vector<128xf32>
    %reduce_sum3A_93 = vector.multi_reduction <add>, %scan3A_88#1, %reduce_sum3A_92 [0] : vector<8x128xf32> to vector<128xf32>
    %broadcast_in_dim3A_94 = vector.shape_cast %reduce_sum3A_93 : vector<128xf32> to vector<1x128xf32>
    %reduce_sum3A_95 = arith.constant dense<0.000000e+00> : vector<128xf32>
    %reduce_sum3A_96 = vector.multi_reduction <add>, %scan3A_88#2, %reduce_sum3A_95 [0] : vector<8x128xf32> to vector<128xf32>
    %broadcast_in_dim3A_97 = vector.shape_cast %reduce_sum3A_96 : vector<128xf32> to vector<1x128xf32>
    %reduce_sum3A_98 = arith.constant dense<0.000000e+00> : vector<128xf32>
    %reduce_sum3A_99 = vector.multi_reduction <add>, %scan3A_88#3, %reduce_sum3A_98 [0] : vector<8x128xf32> to vector<128xf32>
    %broadcast_in_dim3A_100 = vector.shape_cast %reduce_sum3A_99 : vector<128xf32> to vector<1x128xf32>
    %reduce_sum3A_101 = arith.constant dense<0.000000e+00> : vector<128xf32>
    %reduce_sum3A_102 = vector.multi_reduction <add>, %scan3A_88#4, %reduce_sum3A_101 [0] : vector<8x128xf32> to vector<128xf32>
    %broadcast_in_dim3A_103 = vector.shape_cast %reduce_sum3A_102 : vector<128xf32> to vector<1x128xf32>
    %reduce_sum3A_104 = arith.constant dense<0.000000e+00> : vector<128xf32>
    %reduce_sum3A_105 = vector.multi_reduction <add>, %scan3A_88#5, %reduce_sum3A_104 [0] : vector<8x128xf32> to vector<128xf32>
    %broadcast_in_dim3A_106 = vector.shape_cast %reduce_sum3A_105 : vector<128xf32> to vector<1x128xf32>
    %reduce_sum3A_107 = arith.constant dense<0.000000e+00> : vector<128xf32>
    %reduce_sum3A_108 = vector.multi_reduction <add>, %scan3A_88#6, %reduce_sum3A_107 [0] : vector<8x128xf32> to vector<128xf32>
    %broadcast_in_dim3A_109 = vector.shape_cast %reduce_sum3A_108 : vector<128xf32> to vector<1x128xf32>
    %reduce_sum3A_110 = arith.constant dense<0.000000e+00> : vector<128xf32>
    %reduce_sum3A_111 = vector.multi_reduction <add>, %scan3A_88#7, %reduce_sum3A_110 [0] : vector<8x128xf32> to vector<128xf32>
    %broadcast_in_dim3A_112 = vector.shape_cast %reduce_sum3A_111 : vector<128xf32> to vector<1x128xf32>
    %reduce_sum3A_113 = arith.constant dense<0.000000e+00> : vector<128xf32>
    %reduce_sum3A_114 = vector.multi_reduction <add>, %scan3A_88#8, %reduce_sum3A_113 [0] : vector<8x128xf32> to vector<128xf32>
    %broadcast_in_dim3A_115 = vector.shape_cast %reduce_sum3A_114 : vector<128xf32> to vector<1x128xf32>
    %reduce_sum3A_116 = arith.constant dense<0.000000e+00> : vector<128xf32>
    %reduce_sum3A_117 = vector.multi_reduction <add>, %scan3A_88#9, %reduce_sum3A_116 [0] : vector<8x128xf32> to vector<128xf32>
    %broadcast_in_dim3A_118 = vector.shape_cast %reduce_sum3A_117 : vector<128xf32> to vector<1x128xf32>
    %reduce_sum3A_119 = arith.constant dense<0.000000e+00> : vector<128xf32>
    %reduce_sum3A_120 = vector.multi_reduction <add>, %scan3A_88#10, %reduce_sum3A_119 [0] : vector<8x128xf32> to vector<128xf32>
    %broadcast_in_dim3A_121 = vector.shape_cast %reduce_sum3A_120 : vector<128xf32> to vector<1x128xf32>
    %reduce_sum3A_122 = arith.constant dense<0.000000e+00> : vector<128xf32>
    %reduce_sum3A_123 = vector.multi_reduction <add>, %scan3A_88#11, %reduce_sum3A_122 [0] : vector<8x128xf32> to vector<128xf32>
    %broadcast_in_dim3A_124 = vector.shape_cast %reduce_sum3A_123 : vector<128xf32> to vector<1x128xf32>
    %reduce_sum3A_125 = arith.constant dense<0.000000e+00> : vector<128xf32>
    %reduce_sum3A_126 = vector.multi_reduction <add>, %scan3A_88#12, %reduce_sum3A_125 [0] : vector<8x128xf32> to vector<128xf32>
    %broadcast_in_dim3A_127 = vector.shape_cast %reduce_sum3A_126 : vector<128xf32> to vector<1x128xf32>
    %reduce_sum3A_128 = arith.constant dense<0.000000e+00> : vector<128xf32>
    %reduce_sum3A_129 = vector.multi_reduction <add>, %scan3A_88#13, %reduce_sum3A_128 [0] : vector<8x128xf32> to vector<128xf32>
    %broadcast_in_dim3A_130 = vector.shape_cast %reduce_sum3A_129 : vector<128xf32> to vector<1x128xf32>
    %reduce_sum3A_131 = arith.constant dense<0.000000e+00> : vector<128xf32>
    %reduce_sum3A_132 = vector.multi_reduction <add>, %scan3A_88#14, %reduce_sum3A_131 [0] : vector<8x128xf32> to vector<128xf32>
    %broadcast_in_dim3A_133 = vector.shape_cast %reduce_sum3A_132 : vector<128xf32> to vector<1x128xf32>
    %reduce_sum3A_134 = arith.constant dense<0.000000e+00> : vector<128xf32>
    %reduce_sum3A_135 = vector.multi_reduction <add>, %scan3A_88#15, %reduce_sum3A_134 [0] : vector<8x128xf32> to vector<128xf32>
    %broadcast_in_dim3A_136 = vector.shape_cast %reduce_sum3A_135 : vector<128xf32> to vector<1x128xf32>
    %reduce_sum3A_137 = arith.constant dense<0.000000e+00> : vector<128xf32>
    %reduce_sum3A_138 = vector.multi_reduction <add>, %scan3A_88#16, %reduce_sum3A_137 [0] : vector<8x128xf32> to vector<128xf32>
    %broadcast_in_dim3A_139 = vector.shape_cast %reduce_sum3A_138 : vector<128xf32> to vector<1x128xf32>
    %reduce_sum3A_140 = arith.constant dense<0.000000e+00> : vector<128xf32>
    %reduce_sum3A_141 = vector.multi_reduction <add>, %scan3A_88#17, %reduce_sum3A_140 [0] : vector<8x128xf32> to vector<128xf32>
    %broadcast_in_dim3A_142 = vector.shape_cast %reduce_sum3A_141 : vector<128xf32> to vector<1x128xf32>
    %reduce_sum3A_143 = arith.constant dense<0.000000e+00> : vector<128xf32>
    %reduce_sum3A_144 = vector.multi_reduction <add>, %scan3A_88#18, %reduce_sum3A_143 [0] : vector<8x128xf32> to vector<128xf32>
    %broadcast_in_dim3A_145 = vector.shape_cast %reduce_sum3A_144 : vector<128xf32> to vector<1x128xf32>
    %reduce_sum3A_146 = arith.constant dense<0.000000e+00> : vector<128xf32>
    %reduce_sum3A_147 = vector.multi_reduction <add>, %scan3A_88#19, %reduce_sum3A_146 [0] : vector<8x128xf32> to vector<128xf32>
    %broadcast_in_dim3A_148 = vector.shape_cast %reduce_sum3A_147 : vector<128xf32> to vector<1x128xf32>
    %reduce_sum3A_149 = arith.constant dense<0.000000e+00> : vector<128xf32>
    %reduce_sum3A_150 = vector.multi_reduction <add>, %scan3A_88#20, %reduce_sum3A_149 [0] : vector<8x128xf32> to vector<128xf32>
    %broadcast_in_dim3A_151 = vector.shape_cast %reduce_sum3A_150 : vector<128xf32> to vector<1x128xf32>
    %reduce_sum3A_152 = arith.constant dense<0.000000e+00> : vector<128xf32>
    %reduce_sum3A_153 = vector.multi_reduction <add>, %scan3A_88#21, %reduce_sum3A_152 [0] : vector<8x128xf32> to vector<128xf32>
    %broadcast_in_dim3A_154 = vector.shape_cast %reduce_sum3A_153 : vector<128xf32> to vector<1x128xf32>
    %reduce_sum3A_155 = arith.constant dense<0.000000e+00> : vector<128xf32>
    %reduce_sum3A_156 = vector.multi_reduction <add>, %scan3A_88#22, %reduce_sum3A_155 [0] : vector<8x128xf32> to vector<128xf32>
    %broadcast_in_dim3A_157 = vector.shape_cast %reduce_sum3A_156 : vector<128xf32> to vector<1x128xf32>
    %reduce_sum3A_158 = arith.constant dense<0.000000e+00> : vector<128xf32>
    %reduce_sum3A_159 = vector.multi_reduction <add>, %scan3A_88#23, %reduce_sum3A_158 [0] : vector<8x128xf32> to vector<128xf32>
    %broadcast_in_dim3A_160 = vector.shape_cast %reduce_sum3A_159 : vector<128xf32> to vector<1x128xf32>
    %reduce_sum3A_161 = arith.constant dense<0.000000e+00> : vector<128xf32>
    %reduce_sum3A_162 = vector.multi_reduction <add>, %scan3A_88#24, %reduce_sum3A_161 [0] : vector<8x128xf32> to vector<128xf32>
    %broadcast_in_dim3A_163 = vector.shape_cast %reduce_sum3A_162 : vector<128xf32> to vector<1x128xf32>
    %reduce_sum3A_164 = arith.constant dense<0.000000e+00> : vector<128xf32>
    %reduce_sum3A_165 = vector.multi_reduction <add>, %scan3A_88#25, %reduce_sum3A_164 [0] : vector<8x128xf32> to vector<128xf32>
    %broadcast_in_dim3A_166 = vector.shape_cast %reduce_sum3A_165 : vector<128xf32> to vector<1x128xf32>
    %reduce_sum3A_167 = arith.constant dense<0.000000e+00> : vector<128xf32>
    %reduce_sum3A_168 = vector.multi_reduction <add>, %scan3A_88#26, %reduce_sum3A_167 [0] : vector<8x128xf32> to vector<128xf32>
    %broadcast_in_dim3A_169 = vector.shape_cast %reduce_sum3A_168 : vector<128xf32> to vector<1x128xf32>
    %reduce_sum3A_170 = arith.constant dense<0.000000e+00> : vector<128xf32>
    %reduce_sum3A_171 = vector.multi_reduction <add>, %scan3A_88#27, %reduce_sum3A_170 [0] : vector<8x128xf32> to vector<128xf32>
    %broadcast_in_dim3A_172 = vector.shape_cast %reduce_sum3A_171 : vector<128xf32> to vector<1x128xf32>
    %reduce_sum3A_173 = arith.constant dense<0.000000e+00> : vector<128xf32>
    %reduce_sum3A_174 = vector.multi_reduction <add>, %scan3A_88#28, %reduce_sum3A_173 [0] : vector<8x128xf32> to vector<128xf32>
    %broadcast_in_dim3A_175 = vector.shape_cast %reduce_sum3A_174 : vector<128xf32> to vector<1x128xf32>
    %reduce_sum3A_176 = arith.constant dense<0.000000e+00> : vector<128xf32>
    %reduce_sum3A_177 = vector.multi_reduction <add>, %scan3A_88#29, %reduce_sum3A_176 [0] : vector<8x128xf32> to vector<128xf32>
    %broadcast_in_dim3A_178 = vector.shape_cast %reduce_sum3A_177 : vector<128xf32> to vector<1x128xf32>
    %reduce_sum3A_179 = arith.constant dense<0.000000e+00> : vector<128xf32>
    %reduce_sum3A_180 = vector.multi_reduction <add>, %scan3A_88#30, %reduce_sum3A_179 [0] : vector<8x128xf32> to vector<128xf32>
    %broadcast_in_dim3A_181 = vector.shape_cast %reduce_sum3A_180 : vector<128xf32> to vector<1x128xf32>
    %reduce_sum3A_182 = arith.constant dense<0.000000e+00> : vector<128xf32>
    %reduce_sum3A_183 = vector.multi_reduction <add>, %scan3A_88#31, %reduce_sum3A_182 [0] : vector<8x128xf32> to vector<128xf32>
    %broadcast_in_dim3A_184 = vector.shape_cast %reduce_sum3A_183 : vector<128xf32> to vector<1x128xf32>
    %reduce_sum3A_185 = arith.constant dense<0.000000e+00> : vector<128xf32>
    %reduce_sum3A_186 = vector.multi_reduction <add>, %scan3A_88#32, %reduce_sum3A_185 [0] : vector<8x128xf32> to vector<128xf32>
    %broadcast_in_dim3A_187 = vector.shape_cast %reduce_sum3A_186 : vector<128xf32> to vector<1x128xf32>
    %reduce_sum3A_188 = arith.constant dense<0.000000e+00> : vector<128xf32>
    %reduce_sum3A_189 = vector.multi_reduction <add>, %scan3A_88#33, %reduce_sum3A_188 [0] : vector<8x128xf32> to vector<128xf32>
    %broadcast_in_dim3A_190 = vector.shape_cast %reduce_sum3A_189 : vector<128xf32> to vector<1x128xf32>
    %reduce_sum3A_191 = arith.constant dense<0.000000e+00> : vector<128xf32>
    %reduce_sum3A_192 = vector.multi_reduction <add>, %scan3A_88#34, %reduce_sum3A_191 [0] : vector<8x128xf32> to vector<128xf32>
    %broadcast_in_dim3A_193 = vector.shape_cast %reduce_sum3A_192 : vector<128xf32> to vector<1x128xf32>
    %reduce_sum3A_194 = arith.constant dense<0.000000e+00> : vector<128xf32>
    %reduce_sum3A_195 = vector.multi_reduction <add>, %scan3A_88#35, %reduce_sum3A_194 [0] : vector<8x128xf32> to vector<128xf32>
    %broadcast_in_dim3A_196 = vector.shape_cast %reduce_sum3A_195 : vector<128xf32> to vector<1x128xf32>
    %concatenate3A = tpu.concatenate %broadcast_in_dim3A_91, %broadcast_in_dim3A_94, %broadcast_in_dim3A_97, %broadcast_in_dim3A_100, %broadcast_in_dim3A_103, %broadcast_in_dim3A_106, %broadcast_in_dim3A_109, %broadcast_in_dim3A_112, %broadcast_in_dim3A_115, %broadcast_in_dim3A_118, %broadcast_in_dim3A_121, %broadcast_in_dim3A_124, %broadcast_in_dim3A_127, %broadcast_in_dim3A_130, %broadcast_in_dim3A_133, %broadcast_in_dim3A_136, %broadcast_in_dim3A_139, %broadcast_in_dim3A_142, %broadcast_in_dim3A_145, %broadcast_in_dim3A_148, %broadcast_in_dim3A_151, %broadcast_in_dim3A_154, %broadcast_in_dim3A_157, %broadcast_in_dim3A_160, %broadcast_in_dim3A_163, %broadcast_in_dim3A_166, %broadcast_in_dim3A_169, %broadcast_in_dim3A_172, %broadcast_in_dim3A_175, %broadcast_in_dim3A_178, %broadcast_in_dim3A_181, %broadcast_in_dim3A_184, %broadcast_in_dim3A_187, %broadcast_in_dim3A_190, %broadcast_in_dim3A_193, %broadcast_in_dim3A_196 in 0 : vector<1x128xf32>, vector<1x128xf32>, vector<1x128xf32>, vector<1x128xf32>, vector<1x128xf32>, vector<1x128xf32>, vector<1x128xf32>, vector<1x128xf32>, vector<1x128xf32>, vector<1x128xf32>, vector<1x128xf32>, vector<1x128xf32>, vector<1x128xf32>, vector<1x128xf32>, vector<1x128xf32>, vector<1x128xf32>, vector<1x128xf32>, vector<1x128xf32>, vector<1x128xf32>, vector<1x128xf32>, vector<1x128xf32>, vector<1x128xf32>, vector<1x128xf32>, vector<1x128xf32>, vector<1x128xf32>, vector<1x128xf32>, vector<1x128xf32>, vector<1x128xf32>, vector<1x128xf32>, vector<1x128xf32>, vector<1x128xf32>, vector<1x128xf32>, vector<1x128xf32>, vector<1x128xf32>, vector<1x128xf32>, vector<1x128xf32> -> vector<36x128xf32>
    %get3A_197 = arith.constant 0 : index
    %get3A_198 = arith.constant 0 : index
    %get3A_199 = vector.load %arg5[%get3A_197, %get3A_198] : memref<36x128xf32, #tpu.memory_space<vmem>>, vector<36x128xf32>
    %dot_general3A = arith.constant dense<0.000000e+00> : vector<128x128xf32>
    %dot_general3A_200 = tpu.matmul %concatenate3A, %get3A_199, %dot_general3A {dimension_numbers = #tpu.dot_dimension_numbers<[0], [0], [1], [1], [0, 1, 1, 1], [], []>, transpose_lhs_hint = false} : vector<36x128xf32>, vector<36x128xf32>, vector<128x128xf32> -> vector<128x128xf32>
    %get3A_201 = arith.constant 0 : index
    %get3A_202 = arith.constant 0 : index
    %get3A_203 = vector.load %arg6[%get3A_201, %get3A_202] : memref<1x128xf32, #tpu.memory_space<vmem>>, vector<1x128xf32>
    %add3A = vector.broadcast %get3A_203 : vector<1x128xf32> to vector<128x128xf32>
    %add3A_204 = arith.addf %dot_general3A_200, %add3A : vector<128x128xf32>
    %swap3A = arith.constant 0 : index
    %swap3A_205 = arith.constant 0 : index
    %swap3A_206 = vector.load %arg7[%swap3A, %swap3A_205] : memref<128x128xf32, #tpu.memory_space<vmem>>, vector<128x128xf32>
    tpu.vector_store %arg7[%swap3A, %swap3A_205], %add3A_204 {strides = array<i32>} : memref<128x128xf32, #tpu.memory_space<vmem>>, vector<128x128xf32>,
    return
  }
  func.func @transform_0(%arg0: i32) -> (i32, i32) {
    %c0_i32 = arith.constant 0 : i32
    %c0_i32_0 = arith.constant 0 : i32
    %c0_i32_1 = arith.constant 0 : i32
    return %c0_i32, %c0_i32_0 : i32, i32
  }
  func.func @transform_1(%arg0: i32) -> (i32, i32) {
    %c0_i32 = arith.constant 0 : i32
    %c0_i32_0 = arith.constant 0 : i32
    %c0_i32_1 = arith.constant 0 : i32
    return %c0_i32, %c0_i32_0 : i32, i32
  }
  func.func @transform_2(%arg0: i32) -> (i32, i32, i32) {
    %add3A = arith.constant 24 : i32
    %add3A_0 = arith.addi %add3A, %arg0 : i32
    %c0_i32 = arith.constant 0 : i32
    %c0_i32_1 = arith.constant 0 : i32
    %c0_i32_2 = arith.constant 0 : i32
    return %add3A_0, %c0_i32, %c0_i32_1 : i32, i32, i32
  }
  func.func @transform_3(%arg0: i32) -> (i32, i32, i32) {
    %add3A = arith.constant 24 : i32
    %add3A_0 = arith.addi %add3A, %arg0 : i32
    %c0_i32 = arith.constant 0 : i32
    %c0_i32_1 = arith.constant 0 : i32
    %c0_i32_2 = arith.constant 0 : i32
    return %add3A_0, %c0_i32, %c0_i32_1 : i32, i32, i32
  }
  func.func @transform_4(%arg0: i32) -> (i32, i32) {
    %c0_i32 = arith.constant 0 : i32
    %c0_i32_0 = arith.constant 0 : i32
    %c0_i32_1 = arith.constant 0 : i32
    return %c0_i32, %c0_i32_0 : i32, i32
  }
  func.func @transform_5(%arg0: i32) -> (i32, i32) {
    %c0_i32 = arith.constant 0 : i32
    %c0_i32_0 = arith.constant 0 : i32
    %c0_i32_1 = arith.constant 0 : i32
    return %c0_i32, %c0_i32_0 : i32, i32
  }
  func.func @transform_6(%arg0: i32) -> (i32, i32) {
    %c0_i32 = arith.constant 0 : i32
    %c0_i32_0 = arith.constant 0 : i32
    return %arg0, %c0_i32 : i32, i32
  }
}

module attributes {stable_mosaic.version = 14 : i64} {
  func.func @mm_kernel(%arg0: i32, %arg1: memref<512x64xf32, #tpu.memory_space<vmem>>, %arg2: memref<64x128xf32, #tpu.memory_space<vmem>>, %arg3: memref<1x128xf32, #tpu.memory_space<vmem>>, %arg4: memref<512x128xf32, #tpu.memory_space<vmem>>) attributes {dimension_semantics = [#tpu.dimension_semantics<arbitrary>], iteration_bounds = array<i64: 6>, scalar_prefetch = 0 : i64, scratch_operands = 0 : i64, tpu.core_type = #tpu.core_type<tc>, window_params = [{transform_indices = @transform_0, window_bounds = array<i64: 512, 64>}, {pipeline_mode = #tpu.pipeline_mode<synchronous>, transform_indices = @transform_1, window_bounds = array<i64: 64, 128>}, {pipeline_mode = #tpu.pipeline_mode<synchronous>, transform_indices = @transform_2, window_bounds = array<i64: 1, 128>}, {transform_indices = @transform_3, window_bounds = array<i64: 512, 128>}]} {
    %get3A = arith.constant 0 : index
    %get3A_0 = arith.constant 0 : index
    %get3A_1 = vector.load %arg1[%get3A, %get3A_0] : memref<512x64xf32, #tpu.memory_space<vmem>>, vector<512x64xf32>
    %get3A_2 = arith.constant 0 : index
    %get3A_3 = arith.constant 0 : index
    %get3A_4 = vector.load %arg2[%get3A_2, %get3A_3] : memref<64x128xf32, #tpu.memory_space<vmem>>, vector<64x128xf32>
    %dot_general3A = arith.constant dense<0.000000e+00> : vector<512x128xf32>
    %dot_general3A_5 = tpu.matmul %get3A_1, %get3A_4, %dot_general3A {dimension_numbers = #tpu.dot_dimension_numbers<[1], [0], [0], [1], [0, 0, 1, 1], [], []>, transpose_lhs_hint = false} : vector<512x64xf32>, vector<64x128xf32>, vector<512x128xf32> -> vector<512x128xf32>
    %get3A_6 = arith.constant 0 : index
    %get3A_7 = arith.constant 0 : index
    %get3A_8 = vector.load %arg3[%get3A_6, %get3A_7] : memref<1x128xf32, #tpu.memory_space<vmem>>, vector<1x128xf32>
    %add3A = vector.broadcast %get3A_8 : vector<1x128xf32> to vector<512x128xf32>
    %add3A_9 = arith.addf %dot_general3A_5, %add3A : vector<512x128xf32>
    %swap3A = arith.constant 0 : index
    %swap3A_10 = arith.constant 0 : index
    %swap3A_11 = vector.load %arg4[%swap3A, %swap3A_10] : memref<512x128xf32, #tpu.memory_space<vmem>>, vector<512x128xf32>
    tpu.vector_store %arg4[%swap3A, %swap3A_10], %add3A_9 {strides = array<i32>} : memref<512x128xf32, #tpu.memory_space<vmem>>, vector<512x128xf32>,
    return
  }
  func.func @transform_0(%arg0: i32) -> (i32, i32) {
    %c0_i32 = arith.constant 0 : i32
    %c0_i32_0 = arith.constant 0 : i32
    return %arg0, %c0_i32 : i32, i32
  }
  func.func @transform_1(%arg0: i32) -> (i32, i32) {
    %c0_i32 = arith.constant 0 : i32
    %c0_i32_0 = arith.constant 0 : i32
    %c0_i32_1 = arith.constant 0 : i32
    return %c0_i32, %c0_i32_0 : i32, i32
  }
  func.func @transform_2(%arg0: i32) -> (i32, i32) {
    %c0_i32 = arith.constant 0 : i32
    %c0_i32_0 = arith.constant 0 : i32
    %c0_i32_1 = arith.constant 0 : i32
    return %c0_i32, %c0_i32_0 : i32, i32
  }
  func.func @transform_3(%arg0: i32) -> (i32, i32) {
    %c0_i32 = arith.constant 0 : i32
    %c0_i32_0 = arith.constant 0 : i32
    return %arg0, %c0_i32 : i32, i32
  }
}

</mosaic_0001>

<sc_bundles>
// kernel: kernel.5.cloned.1.call-start
scs
__scs_entry_jumppad:
0x0: {  	(pc) =	sbr.rel $0x88, $3  }
0x1: {  	(tag) =	ssettag $0x0;
	lr =	simm.s32 $0x1  }
0x2: {  	[smem:$0x3F9E] =	sst lr;
	_ =	strace $0xD0000000  }
0x3: {  	_ = 	snop  }
0x4: {  	_ = 	snop  }
0x5: {  	_ = 	snop  }
0x6: {  	_ = 	snop  }
0x7: {  	_ = 	snop  }
__scs_overlays_trampoline_lowered:
0x8: {  	[smem:$0x3FAD] =	sst s0  }
0x9: {  	[smem:$0x3FAE] =	sst s1  }
0xa: {  	[smem:$0x3FAF] =	sst s2  }
0xb: {  	[smem:$0x3FB0] =	sst s3  }
0xc: {  	[smem:$0x3FB1] =	sst s4  }
0xd: {  	[smem:$0x3FB2] =	sst s5  }
0xe: {  	[smem:$0x3FB3] =	sst s6  }
0xf: {  	[smem:$0x3FB4] =	sst s7  }
0x10: {  	[smem:$0x3FB5] =	sst s8  }
0x11: {  	[smem:$0x3FB6] =	sst s9;
	s0 =	simm.s32 @!p0 $0x0  }
0x12: {  	s1 =	sld [smem:$0x3F9C];
	s0 =	simm.s32 @p0 $0x1  }
0x13: {  	[smem:$0x3FB7] =	sst s0;
	s0 =	simm.s32 @!p1 $0x0  }
0x14: {  	s2 =	sld [smem:$0x3F9B];
	s0 =	simm.s32 @p1 $0x1  }
0x15: {  	[smem:$0x3FB8] =	sst s0;
	s0 =	simm.s32 @!p2 $0x0  }
0x16: {  	s3 =	sld [smem:$0x3FDB];
	s0 =	simm.s32 @p2 $0x1  }
0x17: {  	s4 =	simm.s32 $0x1BF5;
	[smem:$0x3FBA] =	sst s0  }
0x18: {  	s0 =	sld [smem:$0x3F9D];
	_ =	swait.ge [sflag:s4], $0x0  }
0x19: {  	s7 =	sld [smem:$0x3F9E]  }
0x1a: {  	s8 =	sadd.s32 $0xFFFFE003, lr  }
0x1b: {  	s9 =	sadd.s32 $0xFFFFFEF7, lr;
	s5 =	simm.s32 $0xFFFFFFFF;
	p2 =	slt.u32 s8, $0xFFFFF086  }
0x1c: {  	p1 =	slt.u32 s9, $0xF7A;
	s5 =	simm.s32 @!p2 $0x0  }
0x1d: {  	s5 =	simm.s32 @p1 $0x1;
	p0 =	seq.s32 s7, s2  }
0x1e: {  	s7 =	smul.u32 @!p0 $0xF7A, s2;
	p2 =	seq.s32 @!p0 s5, $0x0  }
0x1f: {  	s9 =	smul.u32 $0xF7A, s1;
	s8 =	simm.s32 @!p0 $0x1BF5;
	p2 =	por !p2, p0  }
0x20: {  	[sflag:s8] =	ssyncset.s32 @!p0 $0xFFFFF086;
	s6 =	sadd.s32 @!p0 s3, s7;
	s7 =	simm.s32 @!p0 $0x108  }
0x21: {  	s3 =	sadd.s32 s3, s9;
	s6 =	sadd.s32 @!p0 $0x88, s6;
	s7 =	simm.s32 @p2 $0x1082  }
0x22: {  	[simem:s7], [sflag:s8] =	dma.local @!p0 [hbm:s6], $0xF7A  }
0x23: {  	s9 =	sor.u32 $0xD0000000, s2;
	s6 =	simm.s32 $0x108;
	_ =	swait.ge @!p0 [sflag:s8], $0x0  }
0x24: {  	s3 =	sadd.s32 $0x88, s3;
	s6 =	simm.s32 @!p1 $0x1082;
	[sflag:s4] =	ssyncset.s32 $0xFFFFF086  }
0x25: {  	[simem:s6], [sflag:s4] =	dma.local [hbm:s3], $0xF7A  }
0x26: {  	[smem:$0x3F9E] =	sst s1;
	(tag) =	ssettag s2;
	_ =	strace s9  }
0x27: {  	s1 =	sld [smem:$0x3FAE]  }
0x28: {  	s2 =	sld [smem:$0x3FAF]  }
0x29: {  	s4 =	sld [smem:$0x3FB1]  }
0x2a: {  	p0 =	seq.s32 s5, $0x0;
	s5 =	sld [smem:$0x3FB2]  }
0x2b: {  	s6 =	sld [smem:$0x3FB3]  }
0x2c: {  	s7 =	sld [smem:$0x3FB4]  }
0x2d: {  	s3 =	simm.s32 $0x108;
	s8 =	sld [smem:$0x3FB5]  }
0x2e: {  	s3 =	simm.s32 @!p0 $0x1082;
	s9 =	sld [smem:$0x3FB6]  }
0x2f: {  	lr =	sadd.s32 s0, s3;
	s0 =	sld [smem:$0x3FAD]  }
0x30: {  	s3 =	sld [smem:$0x3FB0]  }
0x31: {  	[smem:$0x3FB9] =	sst s10  }
0x32: {  	s10 =	sld [smem:$0x3FB7];
	_ =	sdelay $0x3  }
0x33: {  	p0 =	seq.s32 s10, $0x1;
	s10 =	sld [smem:$0x3FB9];
	_ =	sdelay $0x3  }
0x34: {  	[smem:$0x3FB9] =	sst s10  }
0x35: {  	s10 =	sld [smem:$0x3FB8];
	_ =	sdelay $0x3  }
0x36: {  	p1 =	seq.s32 s10, $0x1;
	s10 =	sld [smem:$0x3FB9];
	_ =	sdelay $0x3  }
0x37: {  	[smem:$0x3FB9] =	sst s10  }
0x38: {  	s10 =	sld [smem:$0x3FBA]  }
0x39: {  	_ = 	snop;
	(pc) =	sbr.ind lr, $3  }
0x3a: {  	_ = 	snop  }
0x3b: {  	_ = 	snop  }
0x3c: {  	p2 =	seq.s32 s10, $0x1;
	s10 =	sld [smem:$0x3FB9]  }
0x3d: {  	_ =	shalt  }
0x3e: {  	_ =	shalt  }
0x3f: {  	_ =	shalt  }
0x40: {  	_ =	shalt  }
0x41: {  	_ =	shalt  }
0x42: {  	_ =	shalt  }
0x43: {  	_ =	shalt  }
0x44: {  	_ =	shalt  }
0x45: {  	_ =	shalt  }
0x46: {  	_ =	shalt  }
0x47: {  	_ =	shalt  }
0x48: {  	_ =	shalt  }
0x49: {  	_ =	shalt  }
0x4a: {  	_ =	shalt  }
0x4b: {  	_ =	shalt  }
0x4c: {  	_ =	shalt  }
0x4d: {  	_ =	shalt  }
0x4e: {  	_ =	shalt  }
0x4f: {  	_ =	shalt  }
0x50: {  	_ =	shalt  }
0x51: {  	_ =	shalt  }
0x52: {  	_ =	shalt  }
0x53: {  	_ =	shalt  }
0x54: {  	_ =	shalt  }
0x55: {  	_ =	shalt  }
0x56: {  	_ =	shalt  }
0x57: {  	_ =	shalt  }
0x58: {  	_ =	shalt  }
0x59: {  	_ =	shalt  }
0x5a: {  	_ =	shalt  }
0x5b: {  	_ =	shalt  }
0x5c: {  	_ =	shalt  }
0x5d: {  	_ =	shalt  }
0x5e: {  	_ =	shalt  }
0x5f: {  	_ =	shalt  }
0x60: {  	_ =	shalt  }
0x61: {  	_ =	shalt  }
0x62: {  	_ =	shalt  }
0x63: {  	_ =	shalt  }
0x64: {  	_ =	shalt  }
0x65: {  	_ =	shalt  }
0x66: {  	_ =	shalt  }
0x67: {  	_ =	shalt  }
0x68: {  	_ =	shalt  }
0x69: {  	_ =	shalt  }
0x6a: {  	_ =	shalt  }
0x6b: {  	_ =	shalt  }
0x6c: {  	_ =	shalt  }
0x6d: {  	_ =	shalt  }
0x6e: {  	_ =	shalt  }
0x6f: {  	_ =	shalt  }
0x70: {  	_ =	shalt  }
0x71: {  	_ =	shalt  }
0x72: {  	_ =	shalt  }
0x73: {  	_ =	shalt  }
0x74: {  	_ =	shalt  }
0x75: {  	_ =	shalt  }
0x76: {  	_ =	shalt  }
0x77: {  	_ =	shalt  }
0x78: {  	_ =	shalt  }
0x79: {  	_ =	shalt  }
0x7a: {  	_ =	shalt  }
0x7b: {  	_ =	shalt  }
0x7c: {  	_ =	shalt  }
0x7d: {  	_ =	shalt  }
0x7e: {  	_ =	shalt  }
0x7f: {  	_ =	shalt  }
0x80: {  	_ =	shalt  }
0x81: {  	_ =	shalt  }
0x82: {  	_ =	shalt  }
0x83: {  	_ =	shalt  }
0x84: {  	_ =	shalt  }
0x85: {  	_ =	shalt  }
0x86: {  	_ =	shalt  }
0x87: {  	_ =	shalt  }
.Lfunc_end0:
.L_simem_size_0:
called_computation_lowered:
.L_overlay_start_0:
0x88: {  	s2 =	sld [smem:$0x3FD9]  }
0x89: {  	s3 =	sld [smem:$0x3FFE];
	_ =	sdelay $0x1  }
0x8a: {  	s1 =	srdreg.scid  }
0x8b: {  	s0 =	sand.u32 $0x1, s1  }
0x8c: {  	s17 =	sshll.u32 s0, $0xA;
	s2 =	sadd.s32 s3, s2  }
0x8d: {  	s2 =	sadd.s32 s2, s17  }
0x8e: {  	[smem:$0x3FC5] =	sst s2  }
0x8f: {  	_ = 	snop  }
0x90: {  	s2 =	sld [smem:$0x3FD0];
	(tm) =	ssettm $0x1  }
0x91: {  	s18 =	sld [smem:$0x3FFB];
	_ =	sdelay $0x3  }
0x92: {  	_ =	strace s18  }
0x93: {  	s3 =	sld [smem:$0x3FFC];
	_ =	sdelay $0x3  }
0x94: {  	_ =	strace s3  }
0x95: {  	s3 =	sld [smem:$0x3FFD];
	_ =	sdelay $0x3  }
0x96: {  	_ =	strace s3  }
0x97: {  	_ =	strace $0x8FFFFFFF  }
0x98: {  	s19 =	sld [smem:$0x3FDB];
	_ =	sdelay $0x1  }
0x99: {  	s4 =	simm.s32 $_scs_section_size  }
0x9a: {  	s5 =	simm.s32 $_size__tile_overlayer_lowered;
	s6 =	simm.s32 $_tile_overlayer_lowered  }
0x9b: {  	s22 =	simm.s32 $0x1BFF;
	s21 =	sshll.u32 s6, $0x1;
	s3 =	sadd.s32 s4, s19  }
0x9c: {  	s7 =	simm.s32 $0x0;
	s20 =	sshll.u32 s5, $0x1;
	s5 =	sadd.s32 s21, s3  }
0x9d: {  	[timem:s7], [sflag:s22] =	dma.local [hbm:s5], s20  }
0x9e: {  	_ =	swait.ge [sflag:s22], s20  }
0x9f: {  	s4 =	ssub.s32 $0x0, s20;
	[sflag:s22] =	ssyncset.done $0x0  }
0xa0: {  	[sflag:s22] =	ssyncadd.s32 s4;
	_ =	sdelay $0x1  }
0xa1: {  	s23 =	simm.s32 $0x1B8B  }
0xa2: {  	_ =	swait.ge [sflag:s23], $0x1  }
0xa3: {  	[sflag:s23] =	ssyncset.done $0x0  }
0xa4: {  	s25 =	simm.s32 $0x1B8E;
	s24 =	sld [smem:$0x3FFE];
	[sflag:s23] =	ssyncadd.s32 $0xFFFFFFFF  }
0xa5: {  	s26 =	simm.s32 $execute0_lowered;
	[smem:$0x3FD2] =	sst s25  }
0xa6: {  	s5 =	sshll.u32 s26, $0x1;
	_ =	strace $0x80000046;
	[dreg:$0x1] =	wrdreg $0xFFFFFFFF  }
0xa7: {  	s28 =	simm.s32 $_size_execute0_lowered;
	s3 =	sadd.s32 s3, s5;
	[dreg:$0x0] =	wrdreg $0x0  }
0xa8: {  	s5 =	sshll.u32 s28, $0x1;
	[dreg:$0x2] =	wrdreg s3  }
0xa9: {  	[dreg:$0x3] =	wrdreg s5  }
0xaa: {  	[dreg:$0x4] =	wrdreg $0xC0  }
0xab: {  	_ =	task [dreg:s7], $0x5FFFF  }
0xac: {  	[dreg:$0x1] =	wrdreg $0xFFFFFFFF  }
0xad: {  	[dreg:$0x0] =	wrdreg $0x60  }
0xae: {  	[dreg:$0x2] =	wrdreg s24  }
0xaf: {  	[dreg:$0x3] =	wrdreg s2  }
0xb0: {  	[dreg:$0x4] =	wrdreg $0x9  }
0xb1: {  	_ =	task.clear_ibuf [dreg:s7], $0x5FFFF;
	_ =	strace $0x90000046  }
0xb2: {  	s29 =	simm.s32 $0x9;
	_ =	strace $0x80000048  }
0xb3: {  	_ =	swait.ge [sflag:s29], $0x1  }
0xb4: {  	[sflag:s29] =	ssyncadd.s32 $0xFFFFFFFF  }
0xb5: {  	_ =	strace $0x90000048  }
0xb6: {  	_ =	sfence  }
0xb7: {  	s30 =	sld [smem:$0x0];
	_ =	sdelay $0x2  }
0xb8: {  	s31 =	sshll.u32 s1, $0xD;
	s1 =	sshrl.u32 s1, $0x2  }
0xb9: {  	s3 =	sand.u32 $0x4000, s31;
	s1 =	sadd.s32 s1, s30  }
0xba: {  	s0 =	sor.u32 s3, s0;
	s1 =	sshll.u32 s1, $0x11  }
0xbb: {  	s0 =	sor.u32 s1, s0  }
0xbc: {  	s0 =	sadd.s32 $0x8F2B, s0  }
0xbd: {  	[sflag:s0] =	ssyncadd.remote.s32 $0x1  }
0xbe: {  	_ =	sfence.sel $0xFFFF  }
0xbf: {  	[dreg:$0x0] =	wrdreg $0xFFFFFFFF;
	(pc) =	sbr.abs _section_cstart, $3  }
0xc0: {  	[dreg:$0x1] =	wrdreg $0xFFFFFFFF  }
0xc1: {  	_ =	task.clear_ibuf [dreg:s7], $0x2FFFF;
	_ =	strace $0x9FFFFFFF  }
0xc2: {  	(tm) =	ssettm $0x7FFFFFFF  }
0xc3: {  	_ =	shalt  }
tec
execute0_lowered:
.L_overlay_start_1:
0x0: {  	(tag) =	ssettag $0x1  }
0x1: {  	s5 =	rddreg [dreg:$0x0]  }
0x2: {  	s11 =	rddreg [dreg:$0x1]  }
0x3: {  	s0 =	rddreg [dreg:$0x2]  }
0x4: {  	s3 =	srdreg.scid;
	s1 =	stileid.u32  }
0x5: {  	s2 =	simm.s32 $0x0;
	s14 =	simm.s32 $0x1000;
	s15 =	simm.s32 $0x2000  }
0x6: {  	s16 =	simm.s32 $0x0;
	s3 =	sand.u32 $0x1, s3;
	s4 =	sshll.u32 s1, $0x1  }
0x7: {  	[smem:$0x7FF] =	sst s2;
	s6 =	ssub.s32 $0x2, s3;
	s8 =	sor.u32 s3, s4  }
0x8: {  	v0 =	vlaneseq.u32;
	_ =	strace $0x80000047;
	s4 =	sadd.s32 $0x200, s5;
	s3 =	smul.u32 $0x60, s8  }
0x9: {  	v7 =	vmul.u32 $0x40, v0;
	s5 =	sadd.s32 $0x400, s5;
	s7 =	sshrl.u32 s6, $0x1;
	s13 =	smul.u32 $0x300, s8  }
0xa: {  	v44 =	vimm.f32 $0.0e+00;
	v2 =	vimm.f32 $1.000000000e+00;
	s12 =	ssub.s32 s6, s7;
	s6 =	sor.u32 $0x10, s3;
	s7 =	sadd.s32 $0x20, s3  }
0xb: {  	v1 =	vadd.s32 $0xFFFFFBF0, v7;
	v3 =	vadd.s32 $0xFFFFFFF0, v7;
	v4 =	vadd.s32 $0x3F0, v7;
	s8 =	sadd.s32 $0x30, s3;
	s9 =	sadd.s32 $0x40, s3;
	s10 =	sadd.s32 $0x50, s3  }
0xc: {  	v5 =	vadd.s32 $0x7F0, v7;
	v6 =	vadd.s32 $0xBF0, v7;
	v7 =	vadd.s32 $0xFF0, v7;
	s11 =	sadd.s32 s11, s13;
	s12 =	smax.u32 s12, $0x1;
	s13 =	simm.s32 $0x1  }
.LBB2_1:
0xd: {  	[tilespmem:s2], [sflag:$0x1] =	stream.linear.gather [hbm4b:s4+s2], $0x1000, $0x38;
	[tilespmem:$0x3800] =	vst v63  }
0xe: {  	_ =	swait.ge [sflag:s13], $0x1000  }
0xf: {  	[sflag:s13] =	ssyncset.done $0x0  }
0x10: {  	[sflag:s13] =	ssyncadd.s32 $0xFFFFF000  }
0x11: {  	[tilespmem:s14], [sflag:$0x1] =	stream.linear.gather [hbm4b:s5+s2], $0x1000, $0x38;
	[tilespmem:$0x3800] =	vst v63  }
0x12: {  	_ =	swait.ge [sflag:s13], $0x1000  }
0x13: {  	[sflag:s13] =	ssyncset.done $0x0  }
0x14: {  	s17 =	simm.s32 $0x40;
	s18 =	simm.s32 $0x0;
	[sflag:s13] =	ssyncadd.s32 $0xFFFFF000  }
.LBB2_2:
0x15: {  	p0 =	sne.s32 s17, $0x5FC0;
	[tilespmem:s18+$0x2000] =	vst v44;
	s18 =	smov.u32 s17;
	s17 =	sadd.s32 $0x40, s17  }
.Ltmp0:
0x16: {  	(pc) =	sbr.rel @p0 .LBB2_2-.Ltmp0, $2  }
0x17: {  	_ =	sdelay $0x2  }
0x18: {  	s18 =	sshra.s32 s18, $0x2  }
0x19: {  	[tilespmem:s18+$0x2000] =	vst v44  }
0x1a: {  	v8 =	vld [tilespmem:s3+$0x0]  }
0x1b: {  	v9 =	vld [tilespmem:s3+$0x1000]  }
0x1c: {  	v10 =	vld [tilespmem:s6+$0x0]  }
0x1d: {  	v11 =	vld [tilespmem:s6+$0x1000]  }
0x1e: {  	v12 =	vld [tilespmem:s3+$0x20]  }
0x1f: {  	v13 =	vld [tilespmem:s7+$0x1000]  }
0x20: {  	v14 =	vld [tilespmem:s3+$0x30]  }
0x21: {  	v15 =	vld [tilespmem:s8+$0x1000]  }
0x22: {  	v16 =	vld [tilespmem:s3+$0x40]  }
0x23: {  	v17 =	vld [tilespmem:s9+$0x1000]  }
0x24: {  	v18 =	vld [tilespmem:s3+$0x50]  }
0x25: {  	v19 =	vld [tilespmem:s10+$0x1000];
	v8 =	vadd.f32 $-1.200000000e+01, v8;
	v9 =	vadd.f32 $-1.200000000e+01, v9  }
0x26: {  	v10 =	vadd.f32 $-1.200000000e+01, v10;
	v11 =	vadd.f32 $-1.200000000e+01, v11  }
0x27: {  	v12 =	vadd.f32 $-1.200000000e+01, v12;
	v13 =	vadd.f32 $-1.200000000e+01, v13  }
0x28: {  	v14 =	vadd.f32 $-1.200000000e+01, v14;
	v15 =	vadd.f32 $-1.200000000e+01, v15  }
0x29: {  	v16 =	vadd.f32 $-1.200000000e+01, v16;
	v17 =	vadd.f32 $-1.200000000e+01, v17  }
0x2a: {  	s17 =	simm.s32 $0x0;
	v18 =	vadd.f32 $-1.200000000e+01, v18;
	v19 =	vadd.f32 $-1.200000000e+01, v19  }
.LBB2_4:
0x2b: {  	s18 =	sshra.s32 s17, $0x2  }
0x2c: {  	v21 =	vld [tilespmem:s18+$0x0]  }
0x2d: {  	v20 =	vld [tilespmem:s18+$0x1000];
	_ =	sdelay $0x3  }
0x2e: {  	v22 =	vbroadcast v21, $0x0  }
0x2f: {  	v23 =	vbroadcast v20, $0x0  }
0x30: {  	v24 =	vsub.f32 v22, v8  }
0x31: {  	v25 =	vsub.f32 v23, v9;
	v26 =	vsub.f32 v22, v10  }
0x32: {  	v27 =	vsub.f32 v23, v11;
	v28 =	vsub.f32 v22, v12  }
0x33: {  	v29 =	vsub.f32 v23, v13;
	v47 =	vsub.f32 v22, v14  }
0x34: {  	v59 =	vbroadcast v21, $0x1;
	v50 =	vsub.f32 v23, v15;
	v52 =	vsub.f32 v22, v16  }
0x35: {  	v55 =	vsub.f32 v23, v17;
	v22 =	vsub.f32 v22, v18  }
0x36: {  	v23 =	vsub.f32 v23, v19;
	v32 =	vsub.f32 v59, v8  }
0x37: {  	v36 =	vsub.f32 v59, v10;
	v41 =	vsub.f32 v59, v12  }
0x38: {  	v24 =	vmax.f32 v24, $8.000000000e+00;
	v25 =	vmax.f32 v25, $8.000000000e+00;
	v26 =	vmax.f32 v26, $8.000000000e+00  }
0x39: {  	v27 =	vmax.f32 v27, $8.000000000e+00;
	v45 =	vmax.f32 v28, $8.000000000e+00;
	v46 =	vmax.f32 v29, $8.000000000e+00  }
0x3a: {  	v51 =	vmax.f32 v47, $8.000000000e+00;
	v56 =	vmax.f32 v52, $8.000000000e+00;
	v58 =	vmax.f32 v55, $8.000000000e+00  }
0x3b: {  	v22 =	vmax.f32 v22, $8.000000000e+00;
	v23 =	vmax.f32 v23, $8.000000000e+00;
	v34 =	vmax.f32 v32, $8.000000000e+00  }
0x3c: {  	v40 =	vmax.f32 v36, $8.000000000e+00;
	v55 =	vsub.f32 v59, v16;
	v24 =	vmin.f32 v24, $1.599999900e+01  }
0x3d: {  	v25 =	vmin.f32 v25, $1.599999900e+01;
	v26 =	vmin.f32 v26, $1.599999900e+01;
	v27 =	vmin.f32 v27, $1.599999900e+01  }
0x3e: {  	v48 =	vmin.f32 v45, $1.599999900e+01;
	v49 =	vmin.f32 v46, $1.599999900e+01;
	v57 =	vmin.f32 v56, $1.599999900e+01  }
0x3f: {  	v22 =	vmin.f32 v22, $1.599999900e+01;
	v23 =	vmin.f32 v23, $1.599999900e+01;
	v37 =	vmin.f32 v34, $1.599999900e+01  }
0x40: {  	v24 =	vshrl.u32 v24, $0x11;
	v25 =	vshrl.u32 v25, $0x14;
	v26 =	vshrl.u32 v26, $0x11  }
0x41: {  	v43 =	vshrl.u32 v27, $0x14;
	v27 =	vmin.f32 v51, $1.599999900e+01;
	v22 =	vshrl.u32 v22, $0x11  }
0x42: {  	v23 =	vshrl.u32 v23, $0x14;
	v24 =	vand.u32 $0x38, v24;
	v42 =	vand.u32 $0x38, v26  }
0x43: {  	v26 =	vmax.f32 v50, $8.000000000e+00;
	v27 =	vshrl.u32 v27, $0x11;
	v22 =	vand.u32 $0x38, v22  }
0x44: {  	v50 =	vmax.f32 v41, $8.000000000e+00;
	v0 =	vadd.s32 v25, v24;
	v31 =	vadd.s32 v43, v42  }
0x45: {  	v24 =	vshrl.u32 v48, $0x11;
	v25 =	vshrl.u32 v49, $0x14;
	v53 =	vmin.f32 v26, $1.599999900e+01  }
0x46: {  	v54 =	vand.u32 $0x38, v27;
	v27 =	vbroadcast v20, $0x1;
	v48 =	vadd.s32 v23, v22  }
0x47: {  	v22 =	vshrl.u32 v37, $0x11;
	v52 =	vmin.f32 v50, $1.599999900e+01;
	v26 =	vbroadcast v21, $0x2  }
0x48: {  	v24 =	vand.u32 $0x38, v24;
	v22 =	vand.u32 $0x38, v22;
	v33 =	vsub.f32 v27, v9  }
0x49: {  	v45 =	vadd.s32 v25, v24;
	v39 =	vsub.f32 v27, v11;
	v49 =	vsub.f32 v27, v13  }
0x4a: {  	v24 =	vshrl.u32 v53, $0x14;
	v53 =	vsub.f32 v59, v14;
	v56 =	vsub.f32 v27, v17  }
0x4b: {  	v25 =	vmin.f32 v58, $1.599999900e+01;
	v59 =	vsub.f32 v59, v18;
	v60 =	vsub.f32 v27, v19  }
0x4c: {  	v61 =	vsub.f32 v26, v8;
	v41 =	vsub.f32 v26, v12;
	v46 =	vadd.s32 v24, v54  }
0x4d: {  	v24 =	vshrl.u32 v57, $0x11;
	v25 =	vshrl.u32 v25, $0x14;
	v54 =	vsub.f32 v27, v15  }
0x4e: {  	v57 =	vmax.f32 v55, $8.000000000e+00;
	v27 =	vbroadcast v20, $0x2;
	v55 =	vsub.f32 v26, v14  }
0x4f: {  	v45 =	vadd.s32 v4, v45;
	v24 =	vand.u32 $0x38, v24;
	v35 =	vmax.f32 v33, $8.000000000e+00  }
0x50: {  	v58 =	vmax.f32 v56, $8.000000000e+00;
	v33 =	vmax.f32 v61, $8.000000000e+00;
	v61 =	vsub.f32 v26, v16  }
0x51: {  	v47 =	vadd.s32 v25, v24;
	v38 =	vmin.f32 v35, $1.599999900e+01;
	v25 =	vmin.f32 v40, $1.599999900e+01  }
0x52: {  	v24 =	vmax.f32 v39, $8.000000000e+00;
	v63 =	vsub.f32 v27, v9;
	v35 =	vsub.f32 v26, v10  }
0x53: {  	v36 =	vsub.f32 v27, v11;
	v56 =	vsub.f32 v27, v15;
	v23 =	vshrl.u32 v38, $0x14  }
0x54: {  	v25 =	vshrl.u32 v25, $0x11;
	v42 =	vmin.f32 v24, $1.599999900e+01;
	v24 =	vmax.f32 v49, $8.000000000e+00  }
0x55: {  	v47 =	vadd.s32 v6, v47;
	v51 =	vadd.s32 v23, v22;
	v43 =	vand.u32 $0x38, v25  }
0x56: {  	v22 =	vshrl.u32 v42, $0x14;
	v24 =	vmin.f32 v24, $1.599999900e+01;
	v23 =	vmax.f32 v53, $8.000000000e+00  }
0x57: {  	v25 =	vmax.f32 v54, $8.000000000e+00;
	v34 =	vmax.f32 v63, $8.000000000e+00;
	v39 =	vmax.f32 v35, $8.000000000e+00  }
0x58: {  	v40 =	vmax.f32 v36, $8.000000000e+00;
	v54 =	vmax.f32 v41, $8.000000000e+00;
	v63 =	vsub.f32 v27, v17  }
0x59: {  	v35 =	vsub.f32 v27, v19;
	v62 =	vadd.s32 v22, v43;
	v22 =	vshrl.u32 v52, $0x11  }
0x5a: {  	v24 =	vshrl.u32 v24, $0x14;
	v23 =	vmin.f32 v23, $1.599999900e+01;
	v25 =	vmin.f32 v25, $1.599999900e+01  }
0x5b: {  	v42 =	vmin.f32 v39, $1.599999900e+01;
	v43 =	vmin.f32 v40, $1.599999900e+01;
	v52 =	vsub.f32 v27, v13  }
0x5c: {  	v27 =	vbroadcast v20, $0x3;
	v22 =	vand.u32 $0x38, v22;
	v23 =	vshrl.u32 v23, $0x11  }
0x5d: {  	v25 =	vshrl.u32 v25, $0x14;
	v62 =	vadd.s32 v3, v62;
	v23 =	vand.u32 $0x38, v23  }
0x5e: {  	v50 =	vadd.s32 v24, v22;
	v22 =	vmin.f32 v57, $1.599999900e+01;
	v24 =	vmax.f32 v59, $8.000000000e+00  }
0x5f: {  	v59 =	vmax.f32 v55, $8.000000000e+00;
	v39 =	vsub.f32 v27, v9;
	v49 =	vadd.s32 v25, v23  }
0x60: {  	v23 =	vmin.f32 v58, $1.599999900e+01;
	v22 =	vshrl.u32 v22, $0x11;
	v24 =	vmin.f32 v24, $1.599999900e+01  }
0x61: {  	v25 =	vmax.f32 v60, $8.000000000e+00;
	v60 =	vmax.f32 v56, $8.000000000e+00;
	v22 =	vand.u32 $0x38, v22  }
0x62: {  	v23 =	vshrl.u32 v23, $0x14;
	v30 =	vmin.f32 v25, $1.599999900e+01;
	v32 =	vshrl.u32 v24, $0x11  }
0x63: {  	v24 =	vmin.f32 v33, $1.599999900e+01;
	v25 =	vmin.f32 v34, $1.599999900e+01;
	v33 =	vmax.f32 v63, $8.000000000e+00  }
0x64: {  	v34 =	vsub.f32 v26, v18;
	v26 =	vbroadcast v21, $0x3;
	v53 =	vadd.s32 v23, v22  }
0x65: {  	v23 =	vand.u32 $0x38, v32;
	v22 =	vshrl.u32 v30, $0x14;
	v24 =	vshrl.u32 v24, $0x11  }
0x66: {  	v38 =	vshrl.u32 v25, $0x14;
	v25 =	vmin.f32 v54, $1.599999900e+01;
	v32 =	vmax.f32 v61, $8.000000000e+00  }
0x67: {  	v22 =	vadd.s32 v22, v23;
	v37 =	vand.u32 $0x38, v24;
	v23 =	vshrl.u32 v43, $0x14  }
0x68: {  	v24 =	vmax.f32 v52, $8.000000000e+00;
	v58 =	vshrl.u32 v25, $0x11;
	v36 =	vsub.f32 v26, v8  }
0x69: {  	v25 =	vmin.f32 v60, $1.599999900e+01;
	v41 =	vsub.f32 v26, v10;
	v56 =	vsub.f32 v26, v12  }
0x6a: {  	v63 =	vsub.f32 v26, v14;
	[tilespmem:$0x1FD90] =	vst v22;
	v22 =	vadd.s32 v38, v37;
	v57 =	vmin.f32 v24, $1.599999900e+01  }
0x6b: {  	v24 =	vmin.f32 v59, $1.599999900e+01;
	v30 =	vshrl.u32 v25, $0x14;
	v25 =	vmax.f32 v35, $8.000000000e+00  }
0x6c: {  	[tilespmem:$0x1FDA0] =	vst v22;
	v22 =	vshrl.u32 v42, $0x11;
	v24 =	vshrl.u32 v24, $0x11;
	v38 =	vmin.f32 v25, $1.599999900e+01  }
0x6d: {  	v40 =	vmax.f32 v36, $8.000000000e+00;
	v42 =	vsub.f32 v27, v11;
	v54 =	vmax.f32 v41, $8.000000000e+00  }
0x6e: {  	v60 =	vmax.f32 v56, $8.000000000e+00;
	v41 =	vsub.f32 v27, v19;
	v22 =	vand.u32 $0x38, v22  }
0x6f: {  	v24 =	vand.u32 $0x38, v24;
	v25 =	vmin.f32 v40, $1.599999900e+01;
	v29 =	vmin.f32 v60, $1.599999900e+01  }
0x70: {  	v40 =	vsub.f32 v26, v18;
	v22 =	vadd.s32 v23, v22;
	v23 =	vand.u32 $0x38, v58  }
0x71: {  	v52 =	vshrl.u32 v25, $0x11;
	v55 =	vmax.f32 v42, $8.000000000e+00;
	[tilespmem:$0x1FDB0] =	vst v22;
	v22 =	vshrl.u32 v57, $0x14  }
0x72: {  	v25 =	vmin.f32 v55, $1.599999900e+01;
	v57 =	vsub.f32 v27, v13;
	v22 =	vadd.s32 v22, v23  }
0x73: {  	v23 =	vmin.f32 v33, $1.599999900e+01;
	v59 =	vshrl.u32 v25, $0x14;
	v33 =	vmax.f32 v63, $8.000000000e+00  }
0x74: {  	[tilespmem:$0x1FDC0] =	vst v22;
	v22 =	vadd.s32 v30, v24;
	v23 =	vshrl.u32 v23, $0x14;
	v24 =	vmax.f32 v34, $8.000000000e+00  }
0x75: {  	v61 =	vmax.f32 v57, $8.000000000e+00;
	v25 =	vmin.f32 v33, $1.599999900e+01;
	v34 =	vsub.f32 v26, v16  }
0x76: {  	v26 =	vbroadcast v21, $0x4;
	[tilespmem:$0x1FDD0] =	vst v22;
	v22 =	vmin.f32 v32, $1.599999900e+01;
	v37 =	vmin.f32 v24, $1.599999900e+01  }
0x77: {  	v24 =	vmax.f32 v39, $8.000000000e+00;
	v30 =	vmin.f32 v61, $1.599999900e+01;
	v32 =	vsub.f32 v27, v15  }
0x78: {  	v25 =	vshrl.u32 v25, $0x11;
	v22 =	vshrl.u32 v22, $0x11;
	v43 =	vmin.f32 v24, $1.599999900e+01  }
0x79: {  	v24 =	vmin.f32 v54, $1.599999900e+01;
	v36 =	vand.u32 $0x38, v25;
	v42 =	vsub.f32 v26, v8  }
0x7a: {  	v25 =	vmax.f32 v41, $8.000000000e+00;
	v57 =	vsub.f32 v26, v10;
	v63 =	vsub.f32 v26, v12  }
0x7b: {  	v22 =	vand.u32 $0x38, v22;
	v24 =	vshrl.u32 v24, $0x11;
	v25 =	vmin.f32 v25, $1.599999900e+01  }
0x7c: {  	v22 =	vadd.s32 v23, v22;
	v23 =	vshrl.u32 v38, $0x14;
	v58 =	vand.u32 $0x38, v24  }
0x7d: {  	v24 =	vmax.f32 v32, $8.000000000e+00;
	v38 =	vmax.f32 v34, $8.000000000e+00;
	v54 =	vshrl.u32 v25, $0x14  }
0x7e: {  	v55 =	vmax.f32 v42, $8.000000000e+00;
	v61 =	vmax.f32 v57, $8.000000000e+00;
	v33 =	vmax.f32 v63, $8.000000000e+00  }
0x7f: {  	v42 =	vsub.f32 v26, v18;
	[tilespmem:$0x1FDE0] =	vst v22;
	v22 =	vshrl.u32 v37, $0x11;
	v35 =	vmin.f32 v24, $1.599999900e+01  }
0x80: {  	v37 =	vsub.f32 v27, v17;
	v39 =	vmin.f32 v38, $1.599999900e+01;
	v27 =	vbroadcast v20, $0x4  }
0x81: {  	v25 =	vmin.f32 v61, $1.599999900e+01;
	v34 =	vmin.f32 v33, $1.599999900e+01;
	v22 =	vand.u32 $0x38, v22  }
0x82: {  	v25 =	vshrl.u32 v25, $0x11;
	v22 =	vadd.s32 v23, v22;
	v23 =	vand.u32 $0x38, v52  }
0x83: {  	v24 =	vmax.f32 v37, $8.000000000e+00;
	v60 =	vsub.f32 v27, v11;
	v32 =	vsub.f32 v27, v13  }
0x84: {  	v37 =	vsub.f32 v26, v16;
	v38 =	vsub.f32 v27, v17;
	[tilespmem:$0x1FDF0] =	vst v22;
	v22 =	vshrl.u32 v43, $0x14  }
0x85: {  	v24 =	vmin.f32 v24, $1.599999900e+01;
	v43 =	vsub.f32 v27, v9;
	v22 =	vadd.s32 v22, v23  }
0x86: {  	v23 =	vshrl.u32 v30, $0x14;
	v24 =	vshrl.u32 v24, $0x14;
	[tilespmem:$0x1FE00] =	vst v22;
	v22 =	vadd.s32 v59, v58  }
0x87: {  	v30 =	vand.u32 $0x38, v25;
	v41 =	vmax.f32 v38, $8.000000000e+00;
	[tilespmem:$0x1FE10] =	vst v22;
	v22 =	vshrl.u32 v29, $0x11  }
0x88: {  	v56 =	vmax.f32 v43, $8.000000000e+00;
	v58 =	vmin.f32 v55, $1.599999900e+01;
	v22 =	vand.u32 $0x38, v22  }
0x89: {  	v43 =	vsub.f32 v27, v19;
	v59 =	vmin.f32 v56, $1.599999900e+01;
	v22 =	vadd.s32 v23, v22  }
0x8a: {  	v23 =	vmax.f32 v40, $8.000000000e+00;
	v40 =	vmax.f32 v37, $8.000000000e+00;
	[tilespmem:$0x1FE20] =	vst v22;
	v22 =	vshrl.u32 v35, $0x14  }
0x8b: {  	v23 =	vmin.f32 v23, $1.599999900e+01;
	v35 =	vsub.f32 v26, v14;
	v26 =	vbroadcast v21, $0x5  }
0x8c: {  	v22 =	vadd.s32 v22, v36;
	v23 =	vshrl.u32 v23, $0x11;
	v36 =	vsub.f32 v27, v15  }
0x8d: {  	v27 =	vbroadcast v20, $0x5;
	[tilespmem:$0x1FE30] =	vst v22;
	v22 =	vshrl.u32 v39, $0x11;
	v52 =	vand.u32 $0x38, v23  }
0x8e: {  	v23 =	vshrl.u32 v59, $0x14;
	v59 =	vsub.f32 v26, v10;
	v22 =	vand.u32 $0x38, v22  }
0x8f: {  	v25 =	vmax.f32 v36, $8.000000000e+00;
	v37 =	vsub.f32 v27, v13;
	v22 =	vadd.s32 v24, v22  }
0x90: {  	v24 =	vmax.f32 v60, $8.000000000e+00;
	v25 =	vmin.f32 v25, $1.599999900e+01;
	v60 =	vsub.f32 v27, v11  }
0x91: {  	[tilespmem:$0x1FE40] =	vst v22;
	v22 =	vadd.s32 v54, v52;
	v29 =	vmin.f32 v24, $1.599999900e+01;
	v24 =	vmax.f32 v32, $8.000000000e+00  }
0x92: {  	v25 =	vshrl.u32 v25, $0x14;
	v52 =	vsub.f32 v26, v8;
	v54 =	vsub.f32 v27, v9  }
0x93: {  	v32 =	vmax.f32 v59, $8.000000000e+00;
	[tilespmem:$0x1FE50] =	vst v22;
	v22 =	vshrl.u32 v58, $0x11;
	v24 =	vmin.f32 v24, $1.599999900e+01  }
0x94: {  	v33 =	vmax.f32 v60, $8.000000000e+00;
	v60 =	vsub.f32 v26, v18;
	v22 =	vand.u32 $0x38, v22  }
0x95: {  	v24 =	vshrl.u32 v24, $0x14;
	v57 =	vmax.f32 v52, $8.000000000e+00;
	v58 =	vmax.f32 v54, $8.000000000e+00  }
0x96: {  	v36 =	vmin.f32 v33, $1.599999900e+01;
	v22 =	vadd.s32 v23, v22;
	v23 =	vmax.f32 v35, $8.000000000e+00  }
0x97: {  	v54 =	vsub.f32 v26, v16;
	[tilespmem:$0x1FE60] =	vst v22;
	v22 =	vshrl.u32 v29, $0x14;
	v23 =	vmin.f32 v23, $1.599999900e+01  }
0x98: {  	v35 =	vmin.f32 v32, $1.599999900e+01;
	v22 =	vadd.s32 v22, v30;
	v23 =	vshrl.u32 v23, $0x11  }
0x99: {  	[tilespmem:$0x1FE70] =	vst v22;
	v22 =	vshrl.u32 v34, $0x11;
	v23 =	vand.u32 $0x38, v23;
	v34 =	vsub.f32 v26, v12  }
0x9a: {  	v22 =	vand.u32 $0x38, v22;
	v39 =	vadd.s32 v25, v23;
	v23 =	vmin.f32 v41, $1.599999900e+01  }
0x9b: {  	v25 =	vmax.f32 v43, $8.000000000e+00;
	v22 =	vadd.s32 v24, v22;
	v24 =	vmax.f32 v42, $8.000000000e+00  }
0x9c: {  	v23 =	vshrl.u32 v23, $0x14;
	v55 =	vmin.f32 v25, $1.599999900e+01;
	v25 =	vmin.f32 v58, $1.599999900e+01  }
0x9d: {  	[tilespmem:$0x1FE90] =	vst v39;
	v38 =	vmax.f32 v34, $8.000000000e+00;
	v39 =	vsub.f32 v26, v14;
	v58 =	vmax.f32 v54, $8.000000000e+00  }
0x9e: {  	v26 =	vbroadcast v21, $0x6;
	[tilespmem:$0x1FE80] =	vst v22;
	v22 =	vmin.f32 v40, $1.599999900e+01;
	v24 =	vmin.f32 v24, $1.599999900e+01  }
0x9f: {  	v63 =	vshrl.u32 v25, $0x14;
	v25 =	vmin.f32 v38, $1.599999900e+01;
	v40 =	vsub.f32 v27, v15  }
0xa0: {  	v22 =	vshrl.u32 v22, $0x11;
	v56 =	vshrl.u32 v24, $0x11;
	v24 =	vmin.f32 v57, $1.599999900e+01  }
0xa1: {  	v42 =	vshrl.u32 v25, $0x11;
	v43 =	vmax.f32 v39, $8.000000000e+00;
	v22 =	vand.u32 $0x38, v22  }
0xa2: {  	v24 =	vshrl.u32 v24, $0x11;
	v52 =	vmax.f32 v40, $8.000000000e+00;
	v22 =	vadd.s32 v23, v22  }
0xa3: {  	v23 =	vand.u32 $0x38, v56;
	v61 =	vand.u32 $0x38, v24;
	v24 =	vmax.f32 v37, $8.000000000e+00  }
0xa4: {  	v25 =	vmin.f32 v52, $1.599999900e+01;
	[tilespmem:$0x1FEA0] =	vst v22;
	v22 =	vshrl.u32 v55, $0x14;
	v41 =	vmin.f32 v24, $1.599999900e+01  }
0xa5: {  	v24 =	vmin.f32 v43, $1.599999900e+01;
	v55 =	vsub.f32 v27, v17;
	v57 =	vshrl.u32 v25, $0x14  }
0xa6: {  	v22 =	vadd.s32 v22, v23;
	v23 =	vshrl.u32 v36, $0x14;
	v24 =	vshrl.u32 v24, $0x11  }
0xa7: {  	[tilespmem:$0x1FEB0] =	vst v22;
	v22 =	vadd.s32 v63, v61;
	v56 =	vand.u32 $0x38, v24;
	v59 =	vmax.f32 v55, $8.000000000e+00  }
0xa8: {  	v61 =	vsub.f32 v27, v19;
	v24 =	vmax.f32 v60, $8.000000000e+00;
	v27 =	vbroadcast v20, $0x6  }
0xa9: {  	v63 =	vsub.f32 v26, v8;
	[tilespmem:$0x1FEC0] =	vst v22;
	v22 =	vshrl.u32 v35, $0x11;
	v30 =	vmin.f32 v24, $1.599999900e+01  }
0xaa: {  	v35 =	vsub.f32 v26, v10;
	v22 =	vand.u32 $0x38, v22;
	v25 =	vmax.f32 v61, $8.000000000e+00  }
0xab: {  	v33 =	vsub.f32 v27, v9;
	v34 =	vmax.f32 v63, $8.000000000e+00;
	v36 =	vsub.f32 v27, v11  }
0xac: {  	v60 =	vsub.f32 v27, v15;
	v63 =	vsub.f32 v26, v16;
	v22 =	vadd.s32 v23, v22  }
0xad: {  	v23 =	vand.u32 $0x38, v42;
	v32 =	vmin.f32 v25, $1.599999900e+01;
	v25 =	vmin.f32 v34, $1.599999900e+01  }
0xae: {  	v39 =	vmax.f32 v35, $8.000000000e+00;
	v42 =	vsub.f32 v27, v13;
	v35 =	vsub.f32 v26, v18  }
0xaf: {  	[tilespmem:$0x1FED0] =	vst v22;
	v22 =	vshrl.u32 v41, $0x14;
	v24 =	vmax.f32 v33, $8.000000000e+00;
	v38 =	vshrl.u32 v25, $0x11  }
0xb0: {  	v40 =	vmax.f32 v36, $8.000000000e+00;
	v41 =	vsub.f32 v26, v12;
	v33 =	vmax.f32 v63, $8.000000000e+00  }
0xb1: {  	v36 =	vsub.f32 v27, v19;
	v22 =	vadd.s32 v22, v23;
	v23 =	vmin.f32 v59, $1.599999900e+01  }
0xb2: {  	v37 =	vmin.f32 v24, $1.599999900e+01;
	v24 =	vmin.f32 v39, $1.599999900e+01;
	v25 =	vmin.f32 v40, $1.599999900e+01  }
0xb3: {  	v34 =	vmin.f32 v33, $1.599999900e+01;
	[tilespmem:$0x1FEE0] =	vst v22;
	v22 =	vadd.s32 v57, v56;
	v23 =	vshrl.u32 v23, $0x14  }
0xb4: {  	v24 =	vshrl.u32 v24, $0x11;
	v52 =	vshrl.u32 v25, $0x14;
	v54 =	vmax.f32 v41, $8.000000000e+00  }
0xb5: {  	v56 =	vmax.f32 v42, $8.000000000e+00;
	v57 =	vsub.f32 v26, v14;
	v26 =	vbroadcast v21, $0x7  }
0xb6: {  	[tilespmem:$0x1FEF0] =	vst v22;
	v22 =	vmin.f32 v58, $1.599999900e+01;
	v43 =	vand.u32 $0x38, v24;
	v58 =	vmin.f32 v54, $1.599999900e+01  }
0xb7: {  	v59 =	vmin.f32 v56, $1.599999900e+01;
	v24 =	vmax.f32 v60, $8.000000000e+00;
	v22 =	vshrl.u32 v22, $0x11  }
0xb8: {  	v61 =	vmax.f32 v57, $8.000000000e+00;
	v29 =	vmin.f32 v24, $1.599999900e+01;
	v22 =	vand.u32 $0x38, v22  }
0xb9: {  	v63 =	vsub.f32 v26, v12;
	v25 =	vmin.f32 v61, $1.599999900e+01;
	v22 =	vadd.s32 v23, v22  }
0xba: {  	v23 =	vshrl.u32 v32, $0x14;
	v25 =	vshrl.u32 v25, $0x11;
	v32 =	vsub.f32 v27, v17  }
0xbb: {  	v27 =	vbroadcast v20, $0x7;
	[tilespmem:$0x1FF00] =	vst v22;
	v22 =	vshrl.u32 v30, $0x11;
	v30 =	vand.u32 $0x38, v25  }
0xbc: {  	v25 =	vmax.f32 v36, $8.000000000e+00;
	v36 =	vsub.f32 v26, v14;
	v22 =	vand.u32 $0x38, v22  }
0xbd: {  	v24 =	vmax.f32 v32, $8.000000000e+00;
	v25 =	vmin.f32 v25, $1.599999900e+01;
	v60 =	vsub.f32 v27, v11  }
0xbe: {  	v33 =	vsub.f32 v27, v13;
	v22 =	vadd.s32 v23, v22;
	v23 =	vand.u32 $0x38, v38  }
0xbf: {  	v24 =	vmin.f32 v24, $1.599999900e+01;
	v38 =	vsub.f32 v27, v9;
	v40 =	vshrl.u32 v25, $0x14  }
0xc0: {  	[tilespmem:$0x1FF10] =	vst v22;
	v22 =	vshrl.u32 v37, $0x14;
	v24 =	vshrl.u32 v24, $0x14;
	v37 =	vsub.f32 v26, v8  }
0xc1: {  	v55 =	vadd.s32 v22, v23;
	v22 =	vadd.s32 v52, v43;
	v23 =	vshrl.u32 v59, $0x14  }
0xc2: {  	v42 =	vmax.f32 v38, $8.000000000e+00;
	v43 =	vsub.f32 v26, v10;
	v38 =	vsub.f32 v26, v16  }
0xc3: {  	[tilespmem:$0x1FF20] =	vst v22;
	v22 =	vshrl.u32 v58, $0x11;
	v41 =	vmax.f32 v37, $8.000000000e+00;
	v59 =	vmin.f32 v42, $1.599999900e+01  }
0xc4: {  	v37 =	vsub.f32 v27, v15;
	v22 =	vand.u32 $0x38, v22;
	v58 =	vmin.f32 v41, $1.599999900e+01  }
0xc5: {  	v61 =	vmax.f32 v43, $8.000000000e+00;
	v41 =	vmax.f32 v38, $8.000000000e+00;
	v43 =	vsub.f32 v26, v18  }
0xc6: {  	v26 =	vbroadcast v21, $0x8;
	v57 =	vadd.s32 v23, v22;
	v22 =	vshrl.u32 v29, $0x14  }
0xc7: {  	v23 =	vmax.f32 v35, $8.000000000e+00;
	v25 =	vmin.f32 v61, $1.599999900e+01;
	v56 =	vadd.s32 v22, v30  }
0xc8: {  	v22 =	vshrl.u32 v34, $0x11;
	v23 =	vmin.f32 v23, $1.599999900e+01;
	v25 =	vshrl.u32 v25, $0x11  }
0xc9: {  	v34 =	vmax.f32 v63, $8.000000000e+00;
	v22 =	vand.u32 $0x38, v22;
	v23 =	vshrl.u32 v23, $0x11  }
0xca: {  	v32 =	vand.u32 $0x38, v25;
	v35 =	vmin.f32 v34, $1.599999900e+01;
	v25 =	vmax.f32 v37, $8.000000000e+00  }
0xcb: {  	v34 =	vsub.f32 v26, v10;
	v52 =	vadd.s32 v24, v22;
	v39 =	vand.u32 $0x38, v23  }
0xcc: {  	v22 =	vshrl.u32 v58, $0x11;
	v23 =	vshrl.u32 v59, $0x14;
	v24 =	vmax.f32 v60, $8.000000000e+00  }
0xcd: {  	v25 =	vmin.f32 v25, $1.599999900e+01;
	v59 =	vsub.f32 v27, v19;
	v60 =	vsub.f32 v26, v8  }
0xce: {  	v54 =	vadd.s32 v40, v39;
	v22 =	vand.u32 $0x38, v22;
	v30 =	vmin.f32 v24, $1.599999900e+01  }
0xcf: {  	v24 =	vmax.f32 v33, $8.000000000e+00;
	v25 =	vshrl.u32 v25, $0x14;
	v39 =	vsub.f32 v27, v17  }
0xd0: {  	v27 =	vbroadcast v20, $0x8;
	v38 =	vmax.f32 v34, $8.000000000e+00;
	v58 =	vadd.s32 v23, v22  }
0xd1: {  	v22 =	vshrl.u32 v30, $0x14;
	v24 =	vmin.f32 v24, $1.599999900e+01;
	v23 =	vmax.f32 v36, $8.000000000e+00  }
0xd2: {  	v22 =	vadd.s32 v22, v32;
	v24 =	vshrl.u32 v24, $0x14;
	v23 =	vmin.f32 v23, $1.599999900e+01  }
0xd3: {  	v42 =	vmax.f32 v39, $8.000000000e+00;
	v61 =	vsub.f32 v27, v9;
	v32 =	vmax.f32 v60, $8.000000000e+00  }
0xd4: {  	v60 =	vsub.f32 v26, v14;
	[tilespmem:$0x1FF30] =	vst v22;
	v22 =	vshrl.u32 v35, $0x11;
	v23 =	vshrl.u32 v23, $0x11  }
0xd5: {  	v35 =	vsub.f32 v27, v11;
	v22 =	vand.u32 $0x38, v22;
	v23 =	vand.u32 $0x38, v23  }
0xd6: {  	v33 =	vmax.f32 v61, $8.000000000e+00;
	v61 =	vsub.f32 v27, v15;
	v28 =	vmax.f32 v60, $8.000000000e+00  }
0xd7: {  	v22 =	vadd.s32 v24, v22;
	v40 =	vadd.s32 v25, v23;
	v23 =	vmin.f32 v42, $1.599999900e+01  }
0xd8: {  	v24 =	vmax.f32 v43, $8.000000000e+00;
	v25 =	vmax.f32 v59, $8.000000000e+00;
	v39 =	vmax.f32 v35, $8.000000000e+00  }
0xd9: {  	v43 =	vsub.f32 v27, v13;
	[tilespmem:$0x1FF40] =	vst v22;
	v22 =	vmin.f32 v41, $1.599999900e+01;
	v23 =	vshrl.u32 v23, $0x14  }
0xda: {  	v24 =	vmin.f32 v24, $1.599999900e+01;
	v63 =	vmin.f32 v25, $1.599999900e+01;
	v25 =	vmin.f32 v33, $1.599999900e+01  }
0xdb: {  	[tilespmem:$0x1FF50] =	vst v40;
	v40 =	vsub.f32 v26, v12;
	v41 =	vmin.f32 v38, $1.599999900e+01;
	v33 =	vsub.f32 v27, v17  }
0xdc: {  	v42 =	vmin.f32 v39, $1.599999900e+01;
	v38 =	vsub.f32 v26, v18;
	v39 =	vsub.f32 v27, v19  }
0xdd: {  	v27 =	vbroadcast v20, $0x9;
	v22 =	vshrl.u32 v22, $0x11;
	v30 =	vshrl.u32 v24, $0x11  }
0xde: {  	v24 =	vmin.f32 v32, $1.599999900e+01;
	v37 =	vshrl.u32 v25, $0x14;
	v32 =	vsub.f32 v26, v16  }
0xdf: {  	v26 =	vbroadcast v21, $0x9;
	v22 =	vand.u32 $0x38, v22;
	v24 =	vshrl.u32 v24, $0x11  }
0xe0: {  	v59 =	vmax.f32 v40, $8.000000000e+00;
	v22 =	vadd.s32 v23, v22;
	v23 =	vand.u32 $0x38, v30  }
0xe1: {  	v36 =	vand.u32 $0x38, v24;
	v25 =	vmin.f32 v59, $1.599999900e+01;
	v24 =	vmax.f32 v43, $8.000000000e+00  }
0xe2: {  	v30 =	vmax.f32 v61, $8.000000000e+00;
	v40 =	vsub.f32 v26, v8;
	v43 =	vsub.f32 v27, v9  }
0xe3: {  	v60 =	vsub.f32 v26, v10;
	v61 =	vsub.f32 v27, v11;
	[tilespmem:$0x1FF60] =	vst v22;
	v22 =	vshrl.u32 v63, $0x14  }
0xe4: {  	v63 =	vmin.f32 v24, $1.599999900e+01;
	v25 =	vshrl.u32 v25, $0x11;
	v24 =	vmin.f32 v28, $1.599999900e+01  }
0xe5: {  	v22 =	vadd.s32 v22, v23;
	v23 =	vshrl.u32 v42, $0x14;
	v24 =	vshrl.u32 v24, $0x11  }
0xe6: {  	v59 =	vmax.f32 v40, $8.000000000e+00;
	[tilespmem:$0x1FF70] =	vst v22;
	v22 =	vadd.s32 v37, v36;
	v34 =	vand.u32 $0x38, v24  }
0xe7: {  	v36 =	vmax.f32 v32, $8.000000000e+00;
	v37 =	vmax.f32 v33, $8.000000000e+00;
	v24 =	vmax.f32 v38, $8.000000000e+00  }
0xe8: {  	v32 =	vmax.f32 v61, $8.000000000e+00;
	v33 =	vsub.f32 v26, v12;
	[tilespmem:$0x1FF80] =	vst v22;
	v22 =	vshrl.u32 v41, $0x11  }
0xe9: {  	v41 =	vmin.f32 v24, $1.599999900e+01;
	v24 =	vmax.f32 v43, $8.000000000e+00;
	v22 =	vand.u32 $0x38, v22  }
0xea: {  	v22 =	vadd.s32 v23, v22;
	v23 =	vand.u32 $0x38, v25;
	v25 =	vmin.f32 v30, $1.599999900e+01  }
0xeb: {  	v30 =	vmax.f32 v60, $8.000000000e+00;
	v60 =	vsub.f32 v27, v15;
	[tilespmem:$0x1FF90] =	vst v22;
	v22 =	vshrl.u32 v63, $0x14  }
0xec: {  	v35 =	vshrl.u32 v25, $0x14;
	v25 =	vmax.f32 v39, $8.000000000e+00;
	v63 =	vmin.f32 v24, $1.599999900e+01  }
0xed: {  	v24 =	vmin.f32 v30, $1.599999900e+01;
	v39 =	vsub.f32 v26, v14;
	v22 =	vadd.s32 v22, v23  }
0xee: {  	v23 =	vmin.f32 v37, $1.599999900e+01;
	v42 =	vmin.f32 v25, $1.599999900e+01;
	v25 =	vmin.f32 v59, $1.599999900e+01  }
0xef: {  	v24 =	vshrl.u32 v24, $0x11;
	v37 =	vmax.f32 v33, $8.000000000e+00;
	v33 =	vsub.f32 v27, v17  }
0xf0: {  	[tilespmem:$0x1FFA0] =	vst v22;
	v22 =	vadd.s32 v35, v34;
	v23 =	vshrl.u32 v23, $0x14;
	v25 =	vshrl.u32 v25, $0x11  }
0xf1: {  	v34 =	vsub.f32 v27, v13;
	v35 =	vand.u32 $0x38, v24;
	[tilespmem:$0x1FFB0] =	vst v22;
	v22 =	vmin.f32 v36, $1.599999900e+01  }
0xf2: {  	v43 =	vmin.f32 v37, $1.599999900e+01;
	v24 =	vmax.f32 v60, $8.000000000e+00;
	v22 =	vshrl.u32 v22, $0x11  }
0xf3: {  	v37 =	vsub.f32 v27, v19;
	v27 =	vbroadcast v20, $0xA;
	v22 =	vand.u32 $0x38, v22  }
0xf4: {  	v61 =	vmax.f32 v39, $8.000000000e+00;
	v29 =	vmin.f32 v24, $1.599999900e+01;
	v22 =	vadd.s32 v23, v22  }
0xf5: {  	v38 =	vmax.f32 v34, $8.000000000e+00;
	v28 =	vsub.f32 v27, v17;
	[tilespmem:$0x1FFC0] =	vst v22;
	v22 =	vshrl.u32 v41, $0x11  }
0xf6: {  	v23 =	vshrl.u32 v42, $0x14;
	v41 =	vsub.f32 v27, v9;
	v22 =	vand.u32 $0x38, v22  }
0xf7: {  	v22 =	vadd.s32 v23, v22;
	v23 =	vand.u32 $0x38, v25;
	v25 =	vmin.f32 v32, $1.599999900e+01  }
0xf8: {  	v59 =	vmin.f32 v38, $1.599999900e+01;
	[tilespmem:$0x1FFD0] =	vst v22;
	v22 =	vshrl.u32 v63, $0x14;
	v36 =	vshrl.u32 v25, $0x14  }
0xf9: {  	v25 =	vmin.f32 v61, $1.599999900e+01;
	v63 =	vsub.f32 v26, v16;
	v61 =	vmax.f32 v41, $8.000000000e+00  }
0xfa: {  	v41 =	vsub.f32 v27, v13;
	v22 =	vadd.s32 v22, v23;
	v42 =	vadd.s32 v36, v35  }
0xfb: {  	v23 =	vshrl.u32 v59, $0x14;
	v25 =	vshrl.u32 v25, $0x11;
	v35 =	vsub.f32 v26, v18  }
0xfc: {  	v36 =	vmax.f32 v33, $8.000000000e+00;
	v26 =	vbroadcast v21, $0xA;
	v33 =	vmin.f32 v61, $1.599999900e+01  }
0xfd: {  	[tilespmem:$0x1FFE0] =	vst v22;
	v22 =	vshrl.u32 v43, $0x11;
	v30 =	vand.u32 $0x38, v25;
	v32 =	vmax.f32 v63, $8.000000000e+00  }
0xfe: {  	v24 =	vmin.f32 v36, $1.599999900e+01;
	v25 =	vmax.f32 v37, $8.000000000e+00;
	v36 =	vsub.f32 v27, v11  }
0xff: {  	v61 =	vmax.f32 v41, $8.000000000e+00;
	v22 =	vand.u32 $0x38, v22;
	v34 =	vmin.f32 v32, $1.599999900e+01  }
0x100: {  	v24 =	vshrl.u32 v24, $0x14;
	v25 =	vmin.f32 v25, $1.599999900e+01;
	v38 =	vsub.f32 v26, v8  }
0x101: {  	v63 =	vsub.f32 v26, v10;
	v40 =	vadd.s32 v23, v22;
	v22 =	vshrl.u32 v29, $0x14  }
0x102: {  	v23 =	vmax.f32 v35, $8.000000000e+00;
	v59 =	vshrl.u32 v25, $0x14;
	v25 =	vmax.f32 v36, $8.000000000e+00  }
0x103: {  	v29 =	vmax.f32 v28, $8.000000000e+00;
	v39 =	vadd.s32 v22, v30;
	v22 =	vshrl.u32 v34, $0x11  }
0x104: {  	v23 =	vmin.f32 v23, $1.599999900e+01;
	v60 =	vmax.f32 v38, $8.000000000e+00;
	v35 =	vmax.f32 v63, $8.000000000e+00  }
0x105: {  	v38 =	vsub.f32 v26, v12;
	v63 =	vsub.f32 v26, v14;
	v22 =	vand.u32 $0x38, v22  }
0x106: {  	v23 =	vshrl.u32 v23, $0x11;
	v32 =	vmin.f32 v60, $1.599999900e+01;
	v34 =	vadd.s32 v24, v22  }
0x107: {  	v43 =	vand.u32 $0x38, v23;
	v22 =	vshrl.u32 v32, $0x11;
	v23 =	vshrl.u32 v33, $0x14  }
0x108: {  	v24 =	vmin.f32 v35, $1.599999900e+01;
	v60 =	vmax.f32 v38, $8.000000000e+00;
	v33 =	vsub.f32 v27, v15  }
0x109: {  	v41 =	vmax.f32 v63, $8.000000000e+00;
	v37 =	vadd.s32 v59, v43;
	v22 =	vand.u32 $0x38, v22  }
0x10a: {  	v43 =	vmin.f32 v25, $1.599999900e+01;
	v59 =	vshrl.u32 v24, $0x11;
	v24 =	vmin.f32 v60, $1.599999900e+01  }
0x10b: {  	v25 =	vmin.f32 v61, $1.599999900e+01;
	v60 =	vmin.f32 v41, $1.599999900e+01;
	v35 =	vadd.s32 v23, v22  }
0x10c: {  	v23 =	vand.u32 $0x38, v59;
	v22 =	vshrl.u32 v43, $0x14;
	v24 =	vshrl.u32 v24, $0x11  }
0x10d: {  	v38 =	vshrl.u32 v25, $0x14;
	v43 =	vmax.f32 v33, $8.000000000e+00;
	v59 =	vsub.f32 v26, v16  }
0x10e: {  	v33 =	vsub.f32 v26, v18;
	v26 =	vbroadcast v21, $0xB;
	v30 =	vadd.s32 v22, v23  }
0x10f: {  	v36 =	vand.u32 $0x38, v24;
	v61 =	vmin.f32 v43, $1.599999900e+01;
	v22 =	vshrl.u32 v60, $0x11  }
0x110: {  	v36 =	vadd.s32 v38, v36;
	v63 =	vmax.f32 v59, $8.000000000e+00;
	v22 =	vand.u32 $0x38, v22  }
0x111: {  	v23 =	vshrl.u32 v61, $0x14;
	v38 =	vsub.f32 v27, v19;
	v59 =	vmax.f32 v33, $8.000000000e+00  }
0x112: {  	v61 =	vsub.f32 v26, v8;
	v24 =	vmin.f32 v63, $1.599999900e+01;
	v22 =	vadd.s32 v23, v22  }
0x113: {  	[tilespmem:$0x1FFF0] =	vst v22;
	v32 =	vshrl.u32 v24, $0x11;
	v22 =	vmin.f32 v29, $1.599999900e+01;
	v60 =	vmax.f32 v38, $8.000000000e+00  }
0x114: {  	v25 =	vmax.f32 v61, $8.000000000e+00;
	v23 =	vand.u32 $0x38, v32;
	v22 =	vshrl.u32 v22, $0x14  }
0x115: {  	v24 =	vmin.f32 v60, $1.599999900e+01;
	v43 =	vadd.s32 v22, v23;
	v23 =	vbroadcast v20, $0xB  }
0x116: {  	v28 =	vmin.f32 v25, $1.599999900e+01;
	v32 =	vsub.f32 v26, v10;
	v22 =	vmin.f32 v59, $1.599999900e+01  }
0x117: {  	v60 =	vsub.f32 v26, v12;
	v22 =	vshrl.u32 v22, $0x11;
	v63 =	vsub.f32 v23, v9  }
0x118: {  	v24 =	vshrl.u32 v24, $0x14;
	v22 =	vand.u32 $0x38, v22;
	v33 =	vsub.f32 v23, v11  }
0x119: {  	v41 =	vadd.s32 v24, v22;
	v22 =	vshrl.u32 v28, $0x11;
	v29 =	vmax.f32 v63, $8.000000000e+00  }
0x11a: {  	v59 =	vmax.f32 v32, $8.000000000e+00;
	v22 =	vand.u32 $0x38, v22;
	v24 =	vmin.f32 v29, $1.599999900e+01  }
0x11b: {  	v61 =	vmax.f32 v33, $8.000000000e+00;
	v63 =	vsub.f32 v23, v13;
	v24 =	vshrl.u32 v24, $0x14  }
0x11c: {  	v25 =	vmin.f32 v61, $1.599999900e+01;
	v38 =	vadd.s32 v24, v22;
	v22 =	vmin.f32 v59, $1.599999900e+01  }
0x11d: {  	v61 =	vsub.f32 v26, v16;
	v24 =	vmax.f32 v60, $8.000000000e+00;
	v22 =	vshrl.u32 v22, $0x11  }
0x11e: {  	v25 =	vshrl.u32 v25, $0x14;
	v24 =	vmin.f32 v24, $1.599999900e+01;
	v22 =	vand.u32 $0x38, v22  }
0x11f: {  	v24 =	vshrl.u32 v24, $0x11;
	v33 =	vadd.s32 v25, v22;
	v22 =	vadd.s32 v1, v0  }
0x120: {  	v27 =	vmax.f32 v63, $8.000000000e+00;
	v29 =	vand.u32 $0x38, v24;
	v24 =	vadd.s32 v3, v31  }
0x121: {  	v63 =	vsub.f32 v23, v17;
	v27 =	vmin.f32 v27, $1.599999900e+01;
	v59 =	vsub.f32 v23, v15  }
0x122: {  	v60 =	vadd.s32 v1, v51;
	v32 =	vshrl.u32 v27, $0x14;
	v27 =	vadd.s32 v5, v46  }
0x123: {  	v61 =	vmax.f32 v61, $8.000000000e+00;
	v23 =	vsub.f32 v23, v19;
	v31 =	vmax.f32 v63, $8.000000000e+00;
	v63 =	vld [tilespmem:$0x1FDB0]  }
0x124: {  	v46 =	vsub.f32 v26, v14;
	v61 =	vmin.f32 v61, $1.599999900e+01;
	v26 =	vsub.f32 v26, v18;
	[tilespmem:v22+s15+$0x0] =	vst.idx.add.f32.msk $0xffff, v2  }
0x125: {  	v59 =	vmax.f32 v59, $8.000000000e+00;
	v23 =	vmax.f32 v23, $8.000000000e+00;
	v0 =	vadd.s32 v7, v48;
	[tilespmem:v24+s15+$0x0] =	vst.idx.add.f32.msk $0xffff, v2  }
0x126: {  	v51 =	vmin.f32 v59, $1.599999900e+01;
	v59 =	vshrl.u32 v61, $0x11;
	v24 =	vmin.f32 v31, $1.599999900e+01;
	[tilespmem:v45+s15+$0x0] =	vst.idx.add.f32.msk $0xffff, v2  }
0x127: {  	v28 =	vmax.f32 v46, $8.000000000e+00;
	v45 =	vand.u32 $0x38, v59;
	v24 =	vshrl.u32 v24, $0x14;
	[tilespmem:v27+s15+$0x0] =	vst.idx.add.f32.msk $0xffff, v2  }
0x128: {  	v26 =	vmax.f32 v26, $8.000000000e+00;
	v32 =	vadd.s32 v32, v29;
	v29 =	vadd.s32 v24, v45;
	v45 =	vld [tilespmem:$0x1FDC0]  }
0x129: {  	v23 =	vmin.f32 v23, $1.599999900e+01;
	v28 =	vmin.f32 v28, $1.599999900e+01;
	v46 =	vmin.f32 v26, $1.599999900e+01;
	[tilespmem:v47+s15+$0x0] =	vst.idx.add.f32.msk $0xffff, v2  }
0x12a: {  	v23 =	vshrl.u32 v23, $0x14;
	v28 =	vshrl.u32 v28, $0x11;
	[tilespmem:v0+s15+$0x0] =	vst.idx.add.f32.msk $0xffff, v2;
	v0 =	vadd.s32 v4, v50  }
0x12b: {  	v28 =	vand.u32 $0x38, v28;
	v22 =	vshrl.u32 v51, $0x14;
	v59 =	vbroadcast v21, $0xC;
	v47 =	vld [tilespmem:$0x1FD90]  }
0x12c: {  	v31 =	vadd.s32 v22, v28;
	v22 =	vshrl.u32 v46, $0x11;
	[tilespmem:v60+s15+$0x0] =	vst.idx.add.f32.msk $0xffff, v2;
	v60 =	vbroadcast v20, $0xC  }
0x12d: {  	v48 =	vld [tilespmem:$0x1FDA0];
	v22 =	vand.u32 $0x38, v22;
	v24 =	vadd.s32 v5, v49;
	v49 =	vsub.f32 v59, v8  }
0x12e: {  	v28 =	vadd.s32 v23, v22;
	[tilespmem:v62+s15+$0x0] =	vst.idx.add.f32.msk $0xffff, v2;
	v50 =	vsub.f32 v60, v9  }
0x12f: {  	v22 =	vadd.s32 v6, v53;
	v62 =	vadd.s32 v3, v63;
	[tilespmem:v0+s15+$0x0] =	vst.idx.add.f32.msk $0xffff, v2;
	v0 =	vmax.f32 v49, $8.000000000e+00  }
0x130: {  	v23 =	vadd.s32 v7, v47;
	v47 =	vmax.f32 v50, $8.000000000e+00;
	v0 =	vmin.f32 v0, $1.599999900e+01  }
0x131: {  	v63 =	vadd.s32 v4, v45;
	v45 =	vld [tilespmem:$0x1FE00];
	v49 =	vmin.f32 v47, $1.599999900e+01;
	v0 =	vshrl.u32 v0, $0x11  }
0x132: {  	[tilespmem:v24+s15+$0x0] =	vst.idx.add.f32.msk $0xffff, v2;
	v24 =	vshrl.u32 v49, $0x14;
	v0 =	vand.u32 $0x38, v0  }
0x133: {  	v25 =	vadd.s32 v1, v48;
	v46 =	vsub.f32 v59, v10;
	v26 =	vadd.s32 v24, v0;
	v0 =	vld [tilespmem:$0x1FDD0]  }
0x134: {  	v48 =	vsub.f32 v60, v11;
	v24 =	vld [tilespmem:$0x1FDE0]  }
0x135: {  	v50 =	vmax.f32 v46, $8.000000000e+00;
	v46 =	vld [tilespmem:$0x1FE10]  }
0x136: {  	v53 =	vmax.f32 v48, $8.000000000e+00;
	v51 =	vmin.f32 v50, $1.599999900e+01;
	[tilespmem:v22+s15+$0x0] =	vst.idx.add.f32.msk $0xffff, v2  }
0x137: {  	v61 =	vmin.f32 v53, $1.599999900e+01;
	v22 =	vshrl.u32 v51, $0x11;
	[tilespmem:v23+s15+$0x0] =	vst.idx.add.f32.msk $0xffff, v2  }
0x138: {  	v22 =	vand.u32 $0x38, v22;
	v23 =	vshrl.u32 v61, $0x14;
	[tilespmem:v25+s15+$0x0] =	vst.idx.add.f32.msk $0xffff, v2;
	v0 =	vadd.s32 v5, v0  }
0x139: {  	v27 =	vadd.s32 v23, v22;
	v25 =	vld [tilespmem:$0x1FDF0];
	v22 =	vadd.s32 v6, v24;
	v24 =	vsub.f32 v59, v12  }
0x13a: {  	v47 =	vsub.f32 v60, v13;
	[tilespmem:v62+s15+$0x0] =	vst.idx.add.f32.msk $0xffff, v2  }
0x13b: {  	v62 =	vld [tilespmem:$0x1FE20];
	v24 =	vmax.f32 v24, $8.000000000e+00  }
0x13c: {  	v53 =	vadd.s32 v1, v45;
	v51 =	vmax.f32 v47, $8.000000000e+00;
	[tilespmem:v63+s15+$0x0] =	vst.idx.add.f32.msk $0xffff, v2;
	v24 =	vmin.f32 v24, $1.599999900e+01  }
0x13d: {  	v47 =	vsub.f32 v59, v14;
	v24 =	vshrl.u32 v24, $0x11;
	[tilespmem:v0+s15+$0x0] =	vst.idx.add.f32.msk $0xffff, v2;
	v0 =	vmin.f32 v51, $1.599999900e+01  }
0x13e: {  	v45 =	vld [tilespmem:$0x1FE30];
	v23 =	vadd.s32 v7, v25;
	v48 =	vand.u32 $0x38, v24;
	v0 =	vshrl.u32 v0, $0x14  }
0x13f: {  	v49 =	vsub.f32 v60, v15;
	v25 =	vadd.s32 v0, v48;
	v0 =	vld [tilespmem:$0x1FE50]  }
0x140: {  	v51 =	vmax.f32 v47, $8.000000000e+00  }
0x141: {  	v61 =	vadd.s32 v3, v46;
	v24 =	vmax.f32 v49, $8.000000000e+00;
	[tilespmem:v22+s15+$0x0] =	vst.idx.add.f32.msk $0xffff, v2;
	v22 =	vmin.f32 v51, $1.599999900e+01  }
0x142: {  	v46 =	vld [tilespmem:$0x1FE40];
	v62 =	vadd.s32 v4, v62;
	v24 =	vmin.f32 v24, $1.599999900e+01;
	v22 =	vshrl.u32 v22, $0x11  }
0x143: {  	v50 =	vadd.s32 v5, v45;
	[tilespmem:v23+s15+$0x0] =	vst.idx.add.f32.msk $0xffff, v2;
	v24 =	vshrl.u32 v24, $0x14;
	v22 =	vand.u32 $0x38, v22  }
0x144: {  	v22 =	vadd.s32 v24, v22;
	v24 =	vadd.s32 v7, v0;
	v0 =	vld [tilespmem:$0x1FE60]  }
0x145: {  	[tilespmem:v53+s15+$0x0] =	vst.idx.add.f32.msk $0xffff, v2  }
0x146: {  	[tilespmem:v61+s15+$0x0] =	vst.idx.add.f32.msk $0xffff, v2  }
0x147: {  	[tilespmem:v62+s15+$0x0] =	vst.idx.add.f32.msk $0xffff, v2  }
0x148: {  	[tilespmem:v50+s15+$0x0] =	vst.idx.add.f32.msk $0xffff, v2  }
0x149: {  	v50 =	vadd.s32 v1, v0;
	v0 =	vld [tilespmem:$0x1FE70];
	_ =	sdelay $0x1  }
0x14a: {  	v63 =	vadd.s32 v6, v46;
	v46 =	vsub.f32 v60, v17;
	_ =	sdelay $0x1  }
0x14b: {  	v51 =	vmax.f32 v46, $8.000000000e+00  }
0x14c: {  	v47 =	vmin.f32 v51, $1.599999900e+01;
	v51 =	vadd.s32 v3, v0;
	v0 =	vld [tilespmem:$0x1FE80];
	_ =	sdelay $0x4  }
0x14d: {  	v45 =	vsub.f32 v59, v16;
	v53 =	vadd.s32 v4, v0;
	v0 =	vld [tilespmem:$0x1FE90];
	_ =	sdelay $0x1  }
0x14e: {  	v23 =	vmax.f32 v45, $8.000000000e+00;
	v45 =	vld [tilespmem:$0x1FEF0];
	_ =	sdelay $0x2  }
0x14f: {  	v61 =	vadd.s32 v5, v0;
	v0 =	vld [tilespmem:$0x1FEA0];
	_ =	sdelay $0x1  }
0x150: {  	v48 =	vshrl.u32 v47, $0x14;
	v47 =	vadd.s32 v5, v45;
	v45 =	vld [tilespmem:$0x1FF00];
	_ =	sdelay $0x2  }
0x151: {  	v23 =	vmin.f32 v23, $1.599999900e+01;
	v62 =	vadd.s32 v6, v0;
	v0 =	vld [tilespmem:$0x1FEB0]  }
0x152: {  	v49 =	vld [tilespmem:$0x1FED0];
	v23 =	vshrl.u32 v23, $0x11  }
0x153: {  	v23 =	vand.u32 $0x38, v23;
	v46 =	vadd.s32 v6, v45;
	v45 =	vld [tilespmem:$0x1FF10]  }
0x154: {  	v23 =	vadd.s32 v48, v23;
	v48 =	vld [tilespmem:$0x1FEE0]  }
0x155: {  	v59 =	vsub.f32 v59, v18;
	[tilespmem:v63+s15+$0x0] =	vst.idx.add.f32.msk $0xffff, v2  }
0x156: {  	v60 =	vsub.f32 v60, v19;
	v63 =	vadd.s32 v7, v0;
	v0 =	vld [tilespmem:$0x1FEC0]  }
0x157: {  	v59 =	vmax.f32 v59, $8.000000000e+00;
	[tilespmem:v24+s15+$0x0] =	vst.idx.add.f32.msk $0xffff, v2  }
0x158: {  	v24 =	vadd.s32 v7, v45;
	[tilespmem:v50+s15+$0x0] =	vst.idx.add.f32.msk $0xffff, v2;
	v50 =	vmin.f32 v59, $1.599999900e+01;
	v45 =	vmax.f32 v60, $8.000000000e+00  }
0x159: {  	v59 =	vbroadcast v20, $0xD;
	v45 =	vmin.f32 v45, $1.599999900e+01;
	v50 =	vshrl.u32 v50, $0x11;
	[tilespmem:v51+s15+$0x0] =	vst.idx.add.f32.msk $0xffff, v2  }
0x15a: {  	v60 =	vbroadcast v21, $0xD;
	v50 =	vand.u32 $0x38, v50;
	v51 =	vshrl.u32 v45, $0x14;
	v45 =	vld [tilespmem:$0x1FF20]  }
0x15b: {  	v50 =	vadd.s32 v51, v50;
	v51 =	vsub.f32 v59, v9;
	v0 =	vadd.s32 v1, v0  }
0x15c: {  	v49 =	vadd.s32 v3, v49;
	[tilespmem:v53+s15+$0x0] =	vst.idx.add.f32.msk $0xffff, v2;
	v53 =	vsub.f32 v60, v8  }
0x15d: {  	v55 =	vadd.s32 v1, v55;
	v48 =	vadd.s32 v4, v48;
	v51 =	vmax.f32 v51, $8.000000000e+00;
	[tilespmem:v61+s15+$0x0] =	vst.idx.add.f32.msk $0xffff, v2  }
0x15e: {  	v57 =	vadd.s32 v4, v57;
	v51 =	vmin.f32 v51, $1.599999900e+01;
	v53 =	vmax.f32 v53, $8.000000000e+00;
	[tilespmem:v62+s15+$0x0] =	vst.idx.add.f32.msk $0xffff, v2  }
0x15f: {  	v45 =	vadd.s32 v3, v45;
	v61 =	vadd.s32 v5, v56;
	v56 =	vmin.f32 v53, $1.599999900e+01;
	[tilespmem:v63+s15+$0x0] =	vst.idx.add.f32.msk $0xffff, v2  }
0x160: {  	v62 =	vadd.s32 v6, v52;
	v52 =	vshrl.u32 v56, $0x11;
	v63 =	vsub.f32 v59, v11;
	[tilespmem:v0+s15+$0x0] =	vst.idx.add.f32.msk $0xffff, v2  }
0x161: {  	v51 =	vshrl.u32 v51, $0x14;
	v53 =	vsub.f32 v60, v10;
	v0 =	vand.u32 $0x38, v52;
	[tilespmem:v49+s15+$0x0] =	vst.idx.add.f32.msk $0xffff, v2  }
0x162: {  	v63 =	vmax.f32 v63, $8.000000000e+00;
	v52 =	vadd.s32 v51, v0;
	v49 =	vsub.f32 v60, v12;
	[tilespmem:v48+s15+$0x0] =	vst.idx.add.f32.msk $0xffff, v2  }
0x163: {  	v0 =	vmax.f32 v53, $8.000000000e+00;
	v53 =	vsub.f32 v59, v13;
	v48 =	vadd.s32 v7, v54;
	[tilespmem:v47+s15+$0x0] =	vst.idx.add.f32.msk $0xffff, v2  }
0x164: {  	v0 =	vmin.f32 v0, $1.599999900e+01;
	v54 =	vmin.f32 v63, $1.599999900e+01;
	v49 =	vmax.f32 v49, $8.000000000e+00;
	[tilespmem:v46+s15+$0x0] =	vst.idx.add.f32.msk $0xffff, v2  }
0x165: {  	v0 =	vshrl.u32 v0, $0x11;
	v56 =	vshrl.u32 v54, $0x14;
	v49 =	vmin.f32 v49, $1.599999900e+01;
	[tilespmem:v24+s15+$0x0] =	vst.idx.add.f32.msk $0xffff, v2  }
0x166: {  	v63 =	vmax.f32 v53, $8.000000000e+00;
	v0 =	vand.u32 $0x38, v0;
	v51 =	vshrl.u32 v49, $0x11;
	[tilespmem:v55+s15+$0x0] =	vst.idx.add.f32.msk $0xffff, v2  }
0x167: {  	v54 =	vadd.s32 v56, v0;
	v0 =	vmin.f32 v63, $1.599999900e+01;
	v49 =	vsub.f32 v60, v14;
	v55 =	vld [tilespmem:$0x1FF50]  }
0x168: {  	v63 =	vand.u32 $0x38, v51;
	v0 =	vshrl.u32 v0, $0x14;
	[tilespmem:v45+s15+$0x0] =	vst.idx.add.f32.msk $0xffff, v2  }
0x169: {  	v56 =	vadd.s32 v0, v63;
	v63 =	vmax.f32 v49, $8.000000000e+00;
	[tilespmem:v57+s15+$0x0] =	vst.idx.add.f32.msk $0xffff, v2  }
0x16a: {  	v24 =	vmin.f32 v63, $1.599999900e+01;
	v63 =	vld [tilespmem:$0x1FF80]  }
0x16b: {  	v53 =	vadd.s32 v1, v58;
	v51 =	vsub.f32 v59, v15;
	[tilespmem:v61+s15+$0x0] =	vst.idx.add.f32.msk $0xffff, v2  }
0x16c: {  	v42 =	vadd.s32 v3, v42;
	v0 =	vsub.f32 v60, v16;
	v61 =	vld [tilespmem:$0x1FF60]  }
0x16d: {  	v40 =	vadd.s32 v4, v40;
	v49 =	vmax.f32 v51, $8.000000000e+00;
	v51 =	vsub.f32 v59, v17;
	[tilespmem:v62+s15+$0x0] =	vst.idx.add.f32.msk $0xffff, v2  }
0x16e: {  	v37 =	vadd.s32 v7, v37;
	v35 =	vadd.s32 v1, v35;
	v0 =	vmax.f32 v0, $8.000000000e+00;
	v62 =	vld [tilespmem:$0x1FF70]  }
0x16f: {  	v36 =	vadd.s32 v4, v36;
	v0 =	vmin.f32 v0, $1.599999900e+01;
	v46 =	vmax.f32 v51, $8.000000000e+00;
	[tilespmem:v48+s15+$0x0] =	vst.idx.add.f32.msk $0xffff, v2  }
0x170: {  	v45 =	vmin.f32 v49, $1.599999900e+01;
	v46 =	vmin.f32 v46, $1.599999900e+01;
	v0 =	vshrl.u32 v0, $0x11;
	[tilespmem:v53+s15+$0x0] =	vst.idx.add.f32.msk $0xffff, v2  }
0x171: {  	v24 =	vshrl.u32 v24, $0x11;
	v0 =	vand.u32 $0x38, v0;
	v46 =	vshrl.u32 v46, $0x14;
	v53 =	vld [tilespmem:$0x1FF40]  }
0x172: {  	v24 =	vand.u32 $0x38, v24;
	v45 =	vshrl.u32 v45, $0x14;
	v57 =	vadd.s32 v46, v0;
	v0 =	vld [tilespmem:$0x1FF30]  }
0x173: {  	v38 =	vadd.s32 v1, v38;
	v58 =	vadd.s32 v45, v24;
	v45 =	vadd.s32 v5, v55;
	v55 =	vld [tilespmem:$0x1FFA0]  }
0x174: {  	v33 =	vadd.s32 v3, v33;
	v32 =	vadd.s32 v4, v32;
	v47 =	vadd.s32 v7, v62;
	v62 =	vld [tilespmem:$0x1FFC0]  }
0x175: {  	v31 =	vadd.s32 v5, v31;
	v29 =	vadd.s32 v6, v29;
	v46 =	vadd.s32 v6, v61;
	v61 =	vld [tilespmem:$0x1FFB0]  }
0x176: {  	v28 =	vadd.s32 v7, v28;
	v26 =	vadd.s32 v1, v26;
	v24 =	vadd.s32 v4, v53;
	v53 =	vld [tilespmem:$0x1FF90]  }
0x177: {  	v27 =	vadd.s32 v3, v27;
	v60 =	vsub.f32 v60, v18;
	v0 =	vadd.s32 v3, v0  }
0x178: {  	v25 =	vadd.s32 v4, v25;
	v59 =	vsub.f32 v59, v19;
	v48 =	vadd.s32 v1, v63  }
0x179: {  	v63 =	vmax.f32 v60, $8.000000000e+00;
	v51 =	vadd.s32 v4, v55;
	v55 =	vadd.s32 v6, v62;
	v62 =	vld [tilespmem:$0x1FFE0]  }
0x17a: {  	v22 =	vadd.s32 v5, v22;
	v23 =	vadd.s32 v6, v23;
	v60 =	vmin.f32 v63, $1.599999900e+01  }
0x17b: {  	v63 =	vmax.f32 v59, $8.000000000e+00;
	v49 =	vadd.s32 v3, v53;
	v53 =	vadd.s32 v5, v61;
	v61 =	vld [tilespmem:$0x1FFD0]  }
0x17c: {  	v59 =	vbroadcast v21, $0xE;
	v21 =	vbroadcast v21, $0xF;
	[tilespmem:v0+s15+$0x0] =	vst.idx.add.f32.msk $0xffff, v2;
	v0 =	vadd.s32 v5, v39  }
0x17d: {  	v39 =	vadd.s32 v6, v34;
	v34 =	vmin.f32 v63, $1.599999900e+01;
	[tilespmem:v24+s15+$0x0] =	vst.idx.add.f32.msk $0xffff, v2;
	v24 =	vshrl.u32 v60, $0x11  }
0x17e: {  	v34 =	vshrl.u32 v34, $0x14;
	v60 =	vsub.f32 v59, v8;
	v62 =	vadd.s32 v1, v62;
	[tilespmem:v45+s15+$0x0] =	vst.idx.add.f32.msk $0xffff, v2  }
0x17f: {  	v45 =	vbroadcast v20, $0xE;
	v24 =	vand.u32 $0x38, v24;
	v20 =	vbroadcast v20, $0xF;
	[tilespmem:v46+s15+$0x0] =	vst.idx.add.f32.msk $0xffff, v2  }
0x180: {  	v34 =	vadd.s32 v34, v24;
	v46 =	vmax.f32 v60, $8.000000000e+00;
	v60 =	vsub.f32 v59, v10;
	[tilespmem:v47+s15+$0x0] =	vst.idx.add.f32.msk $0xffff, v2  }
0x181: {  	v63 =	vsub.f32 v45, v9;
	v47 =	vadd.s32 v3, v30;
	v30 =	vmin.f32 v46, $1.599999900e+01;
	[tilespmem:v48+s15+$0x0] =	vst.idx.add.f32.msk $0xffff, v2  }
0x182: {  	v61 =	vadd.s32 v7, v61;
	v34 =	vadd.s32 v7, v34;
	v30 =	vshrl.u32 v30, $0x11;
	[tilespmem:v49+s15+$0x0] =	vst.idx.add.f32.msk $0xffff, v2  }
0x183: {  	v46 =	vmax.f32 v60, $8.000000000e+00;
	v60 =	vsub.f32 v45, v13;
	v24 =	vmax.f32 v63, $8.000000000e+00;
	[tilespmem:v51+s15+$0x0] =	vst.idx.add.f32.msk $0xffff, v2  }
0x184: {  	v63 =	vsub.f32 v45, v11;
	v30 =	vand.u32 $0x38, v30;
	v24 =	vmin.f32 v24, $1.599999900e+01;
	[tilespmem:v53+s15+$0x0] =	vst.idx.add.f32.msk $0xffff, v2  }
0x185: {  	v51 =	vmin.f32 v46, $1.599999900e+01;
	v49 =	vmax.f32 v60, $8.000000000e+00;
	v24 =	vshrl.u32 v24, $0x14;
	[tilespmem:v55+s15+$0x0] =	vst.idx.add.f32.msk $0xffff, v2  }
0x186: {  	v30 =	vadd.s32 v24, v30;
	v24 =	vshrl.u32 v51, $0x11;
	v55 =	vsub.f32 v59, v12;
	v51 =	vld [tilespmem:$0x1FFF0]  }
0x187: {  	v60 =	vsub.f32 v45, v15;
	v53 =	vmax.f32 v63, $8.000000000e+00;
	v63 =	vmin.f32 v49, $1.599999900e+01;
	[tilespmem:v61+s15+$0x0] =	vst.idx.add.f32.msk $0xffff, v2  }
0x188: {  	v46 =	vmin.f32 v53, $1.599999900e+01;
	v24 =	vand.u32 $0x38, v24;
	[tilespmem:v62+s15+$0x0] =	vst.idx.add.f32.msk $0xffff, v2;
	v48 =	vmax.f32 v55, $8.000000000e+00  }
0x189: {  	v46 =	vshrl.u32 v46, $0x14;
	v61 =	vsub.f32 v59, v16;
	[tilespmem:v42+s15+$0x0] =	vst.idx.add.f32.msk $0xffff, v2;
	v62 =	vmin.f32 v48, $1.599999900e+01  }
0x18a: {  	v30 =	vadd.s32 v1, v30;
	v24 =	vadd.s32 v46, v24;
	[tilespmem:v40+s15+$0x0] =	vst.idx.add.f32.msk $0xffff, v2;
	v53 =	vshrl.u32 v62, $0x11  }
0x18b: {  	v55 =	vsub.f32 v59, v14;
	[tilespmem:v0+s15+$0x0] =	vst.idx.add.f32.msk $0xffff, v2;
	v0 =	vand.u32 $0x38, v53;
	v53 =	vsub.f32 v45, v17  }
0x18c: {  	v61 =	vmax.f32 v61, $8.000000000e+00;
	v40 =	vshrl.u32 v63, $0x14;
	v63 =	vmax.f32 v60, $8.000000000e+00;
	[tilespmem:v39+s15+$0x0] =	vst.idx.add.f32.msk $0xffff, v2  }
0x18d: {  	v60 =	vmin.f32 v63, $1.599999900e+01;
	v63 =	vmin.f32 v61, $1.599999900e+01;
	[tilespmem:v37+s15+$0x0] =	vst.idx.add.f32.msk $0xffff, v2;
	v46 =	vmax.f32 v53, $8.000000000e+00  }
0x18e: {  	v59 =	vsub.f32 v59, v18;
	v37 =	vshrl.u32 v63, $0x11;
	[tilespmem:v35+s15+$0x0] =	vst.idx.add.f32.msk $0xffff, v2;
	v42 =	vmin.f32 v46, $1.599999900e+01  }
0x18f: {  	v24 =	vadd.s32 v3, v24;
	v37 =	vand.u32 $0x38, v37;
	[tilespmem:v47+s15+$0x0] =	vst.idx.add.f32.msk $0xffff, v2;
	v49 =	vshrl.u32 v42, $0x14  }
0x190: {  	v62 =	vmax.f32 v55, $8.000000000e+00;
	[tilespmem:v36+s15+$0x0] =	vst.idx.add.f32.msk $0xffff, v2;
	v36 =	vadd.s32 v49, v37;
	v37 =	vadd.s32 v5, v51  }
0x191: {  	v55 =	vmin.f32 v62, $1.599999900e+01;
	v61 =	vmax.f32 v59, $8.000000000e+00;
	v53 =	vadd.s32 v6, v43  }
0x192: {  	v62 =	vshrl.u32 v55, $0x11;
	v48 =	vshrl.u32 v60, $0x14;
	v55 =	vadd.s32 v7, v41  }
0x193: {  	v0 =	vadd.s32 v40, v0;
	v60 =	vsub.f32 v45, v19;
	v40 =	vsub.f32 v21, v12  }
0x194: {  	v41 =	vsub.f32 v20, v13;
	v63 =	vsub.f32 v21, v8;
	v43 =	vadd.s32 v1, v52  }
0x195: {  	v0 =	vadd.s32 v4, v0;
	v35 =	vand.u32 $0x38, v62;
	v46 =	vsub.f32 v20, v9;
	[tilespmem:v37+s15+$0x0] =	vst.idx.add.f32.msk $0xffff, v2  }
0x196: {  	v62 =	vmax.f32 v60, $8.000000000e+00;
	v35 =	vadd.s32 v48, v35;
	v48 =	vsub.f32 v21, v10;
	[tilespmem:v53+s15+$0x0] =	vst.idx.add.f32.msk $0xffff, v2  }
0x197: {  	v51 =	vmax.f32 v46, $8.000000000e+00;
	v46 =	vadd.s32 v4, v56;
	v56 =	vsub.f32 v21, v16;
	[tilespmem:v55+s15+$0x0] =	vst.idx.add.f32.msk $0xffff, v2  }
0x198: {  	v59 =	vmax.f32 v48, $8.000000000e+00;
	v48 =	vsub.f32 v21, v14;
	v21 =	vsub.f32 v21, v18;
	[tilespmem:v38+s15+$0x0] =	vst.idx.add.f32.msk $0xffff, v2  }
0x199: {  	v39 =	vmin.f32 v62, $1.599999900e+01;
	v47 =	vmax.f32 v63, $8.000000000e+00;
	v42 =	vadd.s32 v7, v50;
	[tilespmem:v33+s15+$0x0] =	vst.idx.add.f32.msk $0xffff, v2  }
0x19a: {  	v50 =	vsub.f32 v20, v15;
	v45 =	vshrl.u32 v39, $0x14;
	v21 =	vmax.f32 v21, $8.000000000e+00;
	[tilespmem:v32+s15+$0x0] =	vst.idx.add.f32.msk $0xffff, v2  }
0x19b: {  	v49 =	vmin.f32 v47, $1.599999900e+01;
	v21 =	vmin.f32 v21, $1.599999900e+01;
	v37 =	vmin.f32 v61, $1.599999900e+01;
	[tilespmem:v31+s15+$0x0] =	vst.idx.add.f32.msk $0xffff, v2  }
0x19c: {  	v61 =	vmin.f32 v59, $1.599999900e+01;
	v59 =	vadd.s32 v6, v36;
	v21 =	vshrl.u32 v21, $0x11;
	[tilespmem:v29+s15+$0x0] =	vst.idx.add.f32.msk $0xffff, v2  }
0x19d: {  	v37 =	vshrl.u32 v37, $0x11;
	v53 =	vsub.f32 v20, v11;
	v21 =	vand.u32 $0x38, v21;
	[tilespmem:v28+s15+$0x0] =	vst.idx.add.f32.msk $0xffff, v2  }
0x19e: {  	v37 =	vand.u32 $0x38, v37;
	v55 =	vmin.f32 v51, $1.599999900e+01;
	v51 =	vadd.s32 v6, v57;
	[tilespmem:v26+s15+$0x0] =	vst.idx.add.f32.msk $0xffff, v2  }
0x19f: {  	v57 =	vsub.f32 v20, v17;
	v20 =	vsub.f32 v20, v19;
	v62 =	vmax.f32 v53, $8.000000000e+00;
	[tilespmem:v27+s15+$0x0] =	vst.idx.add.f32.msk $0xffff, v2  }
0x1a0: {  	v63 =	vshrl.u32 v55, $0x14;
	v33 =	vadd.s32 v45, v37;
	v45 =	vadd.s32 v3, v54;
	[tilespmem:v25+s15+$0x0] =	vst.idx.add.f32.msk $0xffff, v2  }
0x1a1: {  	v38 =	vmin.f32 v62, $1.599999900e+01;
	v20 =	vmax.f32 v20, $8.000000000e+00;
	v32 =	vshrl.u32 v49, $0x11;
	[tilespmem:v22+s15+$0x0] =	vst.idx.add.f32.msk $0xffff, v2  }
0x1a2: {  	v49 =	vadd.s32 v5, v58;
	v58 =	vadd.s32 v5, v35;
	v20 =	vmin.f32 v20, $1.599999900e+01;
	[tilespmem:v23+s15+$0x0] =	vst.idx.add.f32.msk $0xffff, v2  }
0x1a3: {  	v60 =	vand.u32 $0x38, v32;
	v32 =	vshrl.u32 v61, $0x11;
	v31 =	vshrl.u32 v38, $0x14;
	[tilespmem:v42+s15+$0x0] =	vst.idx.add.f32.msk $0xffff, v2  }
0x1a4: {  	v39 =	vand.u32 $0x38, v32;
	v32 =	vmax.f32 v40, $8.000000000e+00;
	v29 =	vmax.f32 v41, $8.000000000e+00;
	[tilespmem:v43+s15+$0x0] =	vst.idx.add.f32.msk $0xffff, v2  }
0x1a5: {  	v28 =	vadd.s32 v63, v60;
	v32 =	vmin.f32 v32, $1.599999900e+01;
	v29 =	vmin.f32 v29, $1.599999900e+01;
	[tilespmem:v45+s15+$0x0] =	vst.idx.add.f32.msk $0xffff, v2  }
0x1a6: {  	v60 =	vadd.s32 v7, v33;
	v26 =	vadd.s32 v31, v39;
	v32 =	vshrl.u32 v32, $0x11;
	[tilespmem:v46+s15+$0x0] =	vst.idx.add.f32.msk $0xffff, v2  }
0x1a7: {  	v29 =	vshrl.u32 v29, $0x14;
	v47 =	vand.u32 $0x38, v32;
	v32 =	vmax.f32 v48, $8.000000000e+00;
	[tilespmem:v49+s15+$0x0] =	vst.idx.add.f32.msk $0xffff, v2  }
0x1a8: {  	v52 =	vmin.f32 v32, $1.599999900e+01;
	v23 =	vadd.s32 v29, v47;
	v29 =	vmax.f32 v50, $8.000000000e+00;
	[tilespmem:v51+s15+$0x0] =	vst.idx.add.f32.msk $0xffff, v2  }
0x1a9: {  	v62 =	vadd.s32 v1, v28;
	v54 =	vshrl.u32 v52, $0x11;
	v53 =	vmin.f32 v29, $1.599999900e+01;
	[tilespmem:v34+s15+$0x0] =	vst.idx.add.f32.msk $0xffff, v2  }
0x1aa: {  	v55 =	vand.u32 $0x38, v54;
	v29 =	vmax.f32 v56, $8.000000000e+00;
	v25 =	vshrl.u32 v53, $0x14;
	[tilespmem:v30+s15+$0x0] =	vst.idx.add.f32.msk $0xffff, v2  }
0x1ab: {  	v29 =	vmin.f32 v29, $1.599999900e+01;
	v22 =	vadd.s32 v25, v55;
	v25 =	vmax.f32 v57, $8.000000000e+00;
	[tilespmem:v24+s15+$0x0] =	vst.idx.add.f32.msk $0xffff, v2  }
0x1ac: {  	v29 =	vshrl.u32 v29, $0x11;
	v25 =	vmin.f32 v25, $1.599999900e+01;
	[tilespmem:v0+s15+$0x0] =	vst.idx.add.f32.msk $0xffff, v2;
	v0 =	vadd.s32 v3, v26  }
0x1ad: {  	v23 =	vadd.s32 v4, v23;
	v29 =	vand.u32 $0x38, v29;
	v25 =	vshrl.u32 v25, $0x14;
	[tilespmem:v58+s15+$0x0] =	vst.idx.add.f32.msk $0xffff, v2  }
0x1ae: {  	v20 =	vshrl.u32 v20, $0x14;
	v22 =	vadd.s32 v5, v22;
	v61 =	vadd.s32 v25, v29;
	[tilespmem:v59+s15+$0x0] =	vst.idx.add.f32.msk $0xffff, v2  }
0x1af: {  	v20 =	vadd.s32 v20, v21;
	v63 =	vadd.s32 v6, v61;
	[tilespmem:v60+s15+$0x0] =	vst.idx.add.f32.msk $0xffff, v2  }
0x1b0: {  	p0 =	sne.s32 s17, $0x3FC0;
	v20 =	vadd.s32 v7, v20;
	[tilespmem:v62+s15+$0x0] =	vst.idx.add.f32.msk $0xffff, v2  }
.Ltmp1:
0x1b1: {  	[tilespmem:v0+s15+$0x0] =	vst.idx.add.f32.msk $0xffff, v2;
	(pc) =	sbr.rel @p0 .LBB2_4-.Ltmp1, $4  }
0x1b2: {  	[tilespmem:v23+s15+$0x0] =	vst.idx.add.f32.msk $0xffff, v2  }
0x1b3: {  	[tilespmem:v22+s15+$0x0] =	vst.idx.add.f32.msk $0xffff, v2  }
0x1b4: {  	[tilespmem:v63+s15+$0x0] =	vst.idx.add.f32.msk $0xffff, v2  }
0x1b5: {  	s17 =	sadd.s32 $0x40, s17;
	[tilespmem:v20+s15+$0x0] =	vst.idx.add.f32.msk $0xffff, v2  }
0x1b6: {  	s16 =	sadd.s32 $0x1, s16  }
0x1b7: {  	p0 =	sne.s32 s16, s12  }
.Ltmp2:
0x1b8: {  	_ = 	snop;
	(pc) =	sbr.rel @p0 .LBB2_1-.Ltmp2, $4  }
0x1b9: {  	[hbm4b:s11+s2] =	stream.linear.scatter [tilespmem:s15], [sflag:$0x1], $0x1800, $0x38;
	[tilespmem:$0x3800] =	vst v63  }
0x1ba: {  	_ =	swait.ge [sflag:s13], $0x1800  }
0x1bb: {  	[sflag:s13] =	ssyncset.done $0x0  }
0x1bc: {  	[sflag:s13] =	ssyncadd.s32 $0xFFFFE800  }
0x1bd: {  	_ =	sfence.sel $0x180000  }
0x1be: {  	[bflag:$0x0] =	sbarrier.arrive $0xFFFF  }
0x1bf: {  	p0 =	sne.s32 s1, $0x0;
	_ =	strace $0x90000047  }
0x1c0: {  	s0 =	sadd.s32 @!p0 $0x100000, s0;
	[bflag:$0x2] =	sbarrier.arrive $0xFFFF  }
0x1c1: {  	[sflag:s0] =	ssyncadd.tile.s32 @!p0 $0x1;
	_ =	shalt  }
.Lfunc_end2:
_tile_overlayer_lowered:
.L_overlay_start_2:
0x1c2: {  	(tag) =	ssettag $0x2  }
0x1c3: {  	s0 =	rddreg [dreg:$0x0];
	s2 =	stileid.u32  }
0x1c4: {  	s1 =	rddreg [dreg:$0x1];
	p0 =	sne.s32 s2, $0x0  }
0x1c5: {  	s3 =	rddreg [dreg:$0x2];
	[bflag:$0x3] =	sbarrier.arrive $0xFFFF;
	s2 =	simm.s32 @!p0 $0x1C01  }
0x1c6: {  	[timem:s3], [sflag:s2] =	dma.local @!p0 [hbm:s0], s1  }
0x1c7: {  	s0 =	simm.s32 @!p0 $0x1  }
0x1c8: {  	_ =	swait.ge @!p0 [sflag:s0], s1  }
0x1c9: {  	s1 =	ssub.s32 @!p0 $0x0, s1;
	[sflag:s0] =	ssyncset.done @!p0 $0x0  }
0x1ca: {  	[sflag:s0] =	ssyncadd.s32 @!p0 s1  }
0x1cb: {  	[bflag:$0x3] =	sbarrier.arrive $0xFFFF  }
0x1cc: {  	_ =	shalt  }

</sc_bundles>
